<compile_context>
chip_gen: v7x
topology: tpu7x:2x2x1
jax: 0.10.2.dev20260603
libtpu: 0.0.44.dev20260713+nightly
codegen_flags: <defaults>
</compile_context>

<pallas_src>
import functools

import jax
import jax.numpy as jnp
from jax import lax
from jax.experimental import pallas as pl
from jax.experimental.pallas import tpu as pltpu
from jax.experimental.pallas import tpu_sc as plsc

_NUM_CLASSES = 100000
_EMB_DIM = 32
_BATCH = 16384

_NC = 2
_NS = 16
_LANES = 16
_NW = _NC * _NS
_ROWS_PER_W = _BATCH // _NW
_IDX_MINOR = 128
_IDX_CHUNKS = _ROWS_PER_W // _IDX_MINOR
_CHUNKS = _ROWS_PER_W // _LANES
_CHUNKS_PER_PHASE = _CHUNKS // _IDX_CHUNKS
_EPS = 1e-12

def _rsqrt_nr(x):
    i = lax.bitcast_convert_type(x, jnp.int32)
    i = jnp.int32(0x5F3759DF) - lax.shift_right_logical(i, 1)
    y = lax.bitcast_convert_type(i, jnp.float32)
    for _ in range(3):
        y = y * (jnp.float32(1.5) - jnp.float32(0.5) * x * y * y)
    return y


def _body(g_hbm, lab_hbm, tab_hbm, out_hbm,
          lab_v, g_v, rows_v, acc_v, sem_g, sem0, sem1, sem2, sem3):
    wid = lax.axis_index("s") * _NC + lax.axis_index("c")
    base = wid * _ROWS_PER_W

    g_cp = pltpu.make_async_copy(
        g_hbm.at[:, pl.ds(base, _ROWS_PER_W)], g_v, sem_g
    )
    g_cp.start()
    pltpu.sync_copy(lab_hbm.at[pl.ds(base, _ROWS_PER_W)], lab_v)
    sems = [sem0, sem1, sem2, sem3]
    gathers = []
    for j in range(_IDX_CHUNKS):
        cp = pltpu.make_async_copy(
            tab_hbm.at[lab_v.at[pl.ds(j * _IDX_MINOR, _IDX_MINOR)]],
            rows_v.at[pl.ds(j * _IDX_MINOR, _IDX_MINOR), :],
            sems[j],
        )
        cp.start()
        gathers.append(cp)
    g_cp.wait()

    iota = lax.iota(jnp.int32, _LANES)

    def chunk(c, acc):
        r_vec = c * _LANES + iota
        d_vec = iota
        dot = jnp.zeros((_LANES,), jnp.float32)
        gg = jnp.zeros((_LANES,), jnp.float32)
        tt = jnp.zeros((_LANES,), jnp.float32)
        for s in range(_EMB_DIM):
            t = plsc.load_gather(rows_v, [r_vec, d_vec])
            g = plsc.load_gather(g_v, [d_vec, r_vec])
            dot = dot + g * t
            gg = gg + g * g
            tt = tt + t * t
            if s < _EMB_DIM - 1:
                d_vec = (d_vec + 1) & (_EMB_DIM - 1)
        norm_g = gg * _rsqrt_nr(gg)
        norm_t = tt * _rsqrt_nr(tt)
        inv = jnp.float32(1.0) / jnp.maximum(norm_g, jnp.float32(_EPS))
        inv = inv / jnp.maximum(norm_t, jnp.float32(_EPS))
        return acc + dot * inv

    acc = jnp.zeros((_LANES,), jnp.float32)
    for j in range(_IDX_CHUNKS):
        gathers[j].wait()
        acc = lax.fori_loop(
            j * _CHUNKS_PER_PHASE, (j + 1) * _CHUNKS_PER_PHASE, chunk, acc
        )
    acc_v[...] = acc
    pltpu.sync_copy(acc_v, out_hbm.at[wid])


_sc_call = functools.partial(
    pl.kernel,
    out_type=jax.ShapeDtypeStruct((_NW, _LANES), jnp.float32),
    mesh=plsc.VectorSubcoreMesh(core_axis_name="c", subcore_axis_name="s"),
    compiler_params=pltpu.CompilerParams(
        needs_layout_passes=False, use_tc_tiling_on_sc=False
    ),
    scratch_types=[
        pltpu.VMEM((_ROWS_PER_W,), jnp.int32),
        pltpu.VMEM((_EMB_DIM, _ROWS_PER_W), jnp.float32),
        pltpu.VMEM((_ROWS_PER_W, _EMB_DIM), jnp.float32),
        pltpu.VMEM((_LANES,), jnp.float32),
        pltpu.SemaphoreType.DMA,
        pltpu.SemaphoreType.DMA,
        pltpu.SemaphoreType.DMA,
        pltpu.SemaphoreType.DMA,
        pltpu.SemaphoreType.DMA,
    ],
)(_body)


def kernel(graph_emb, labels, text_table):
    lab = labels.astype(jnp.int32)
    partials = _sc_call(graph_emb.T, lab, text_table)
    return (jnp.float32(1.0) - jnp.sum(partials) / jnp.float32(_BATCH)).astype(
        jnp.float32
    )

# --- scband reference (transcript-rebuilt; emitter-appended) ---
"""Pipeline reference for scband-label-text-aligner-25271587569851 (READ-ONLY COPY).

The authoritative reference and input builder live on the scoring server;
editing this copy changes nothing except your own understanding.
"""

import jax, jax.numpy as jnp
import numpy as np

NUM_CLASSES = 100000
EMB_DIM = 32
BATCH = 16384


def _normalize(x, eps=1e-12):
    # mirrors torch F.normalize(p=2): x / max(||x||, eps)
    norm = jnp.sqrt(jnp.sum(x * x, axis=-1, keepdims=True))
    return x / jnp.maximum(norm, eps)


def setup_inputs(seed: int = 0) -> dict:
    key = jax.random.key(seed)
    k1, k2, k3 = jax.random.split(key, 3)
    graph_emb = jax.random.normal(k1, (BATCH, EMB_DIM), dtype=jnp.float32)
    labels = jax.random.randint(k2, (BATCH,), 0, NUM_CLASSES, dtype=jnp.int64)
    # learned parameter: embedding table, init normal std=0.02
    text_table = jax.random.normal(k3, (NUM_CLASSES, EMB_DIM), dtype=jnp.float32) * 0.02
    return {"graph_emb": graph_emb, "labels": labels, "text_table": text_table}


def reference(graph_emb, labels, text_table):
    text_emb = jnp.take(text_table, labels, axis=0)
    g = _normalize(graph_emb)
    t = _normalize(text_emb)
    sim = jnp.sum(g * t, axis=-1)
    return jnp.mean(1.0 - sim)

if __name__ == "__main__":
    import jax
    _d = setup_inputs()
    print(jax.jit(kernel)(*tuple(_d.values())))

</pallas_src>

<mosaic_0001>
#map = affine_map<(d0, d1) -> (0, 0)>
#map1 = affine_map<(d0, d1) -> (0)>
module attributes {stable_mosaic.version = 14 : i64} {
  func.func @_body(%arg0: i32, %arg1: i32, %arg2: memref<32x16384xf32, #tpu.memory_space<hbm>>, %arg3: memref<16384xi32, #tpu.memory_space<hbm>>, %arg4: memref<100000x32xf32, #tpu.memory_space<hbm>>, %arg5: memref<32x16xf32, #tpu.memory_space<hbm>>, %arg6: memref<512xi32, #tpu.memory_space<vmem>>, %arg7: memref<32x512xf32, #tpu.memory_space<vmem>>, %arg8: memref<512x32xf32, #tpu.memory_space<vmem>>, %arg9: memref<16xf32, #tpu.memory_space<vmem>>, %arg10: memref<!tpu.dma_semaphore, #tpu.memory_space<semaphore_mem>>, %arg11: memref<!tpu.dma_semaphore, #tpu.memory_space<semaphore_mem>>, %arg12: memref<!tpu.dma_semaphore, #tpu.memory_space<semaphore_mem>>, %arg13: memref<!tpu.dma_semaphore, #tpu.memory_space<semaphore_mem>>, %arg14: memref<!tpu.dma_semaphore, #tpu.memory_space<semaphore_mem>>) attributes {dimension_semantics = [#tpu.dimension_semantics<core_parallel>, #tpu.dimension_semantics<subcore_parallel>], iteration_bounds = array<i64: 2, 16>, scalar_prefetch = 0 : i64, scratch_operands = 9 : i64, tpu.core_type = #tpu.core_type<sc_vector_subcore>, window_params = [{transform_indices = #map}, {transform_indices = #map1}, {transform_indices = #map}, {transform_indices = #map}]} {
    %mul3A = arith.constant 2 : i32
    %mul3A_0 = arith.muli %arg1, %mul3A : i32
    %add3A = arith.addi %mul3A_0, %arg0 : i32
    %mul3A_1 = arith.constant 512 : i32
    %mul3A_2 = arith.muli %add3A, %mul3A_1 : i32
    %dma_start3A = arith.constant 0 : i32
    %dma_start3A_3 = tpu.memref_slice %arg2[%dma_start3A, %mul3A_2] : memref<32x16384xf32, #tpu.memory_space<hbm>> -> memref<32x512xf32, #tpu.memory_space<hbm>>
    %dma_start3A_4 = arith.constant 0 : i32
    %dma_start3A_5 = tpu.memref_slice %arg2[%dma_start3A_4, %mul3A_2] : memref<32x16384xf32, #tpu.memory_space<hbm>> -> memref<32x512xf32, #tpu.memory_space<hbm>>
    tpu.enqueue_dma source(%dma_start3A_5 : memref<32x512xf32, #tpu.memory_space<hbm>>) target(%arg7 : memref<32x512xf32, #tpu.memory_space<vmem>>) target_semaphore(%arg10 : memref<!tpu.dma_semaphore, #tpu.memory_space<semaphore_mem>>)
    "tpu.region"() ({
      %run_scoped3A = tpu.sem_alloc : memref<!tpu.dma_semaphore, #tpu.memory_space<semaphore_mem>>
      %dma_start3A_98 = tpu.memref_slice %arg3[%mul3A_2] : memref<16384xi32, #tpu.memory_space<hbm>> -> memref<512xi32, #tpu.memory_space<hbm>>
      %dma_start3A_99 = tpu.memref_slice %arg3[%mul3A_2] : memref<16384xi32, #tpu.memory_space<hbm>> -> memref<512xi32, #tpu.memory_space<hbm>>
      tpu.enqueue_dma source(%dma_start3A_99 : memref<512xi32, #tpu.memory_space<hbm>>) target(%arg6 : memref<512xi32, #tpu.memory_space<vmem>>) target_semaphore(%run_scoped3A : memref<!tpu.dma_semaphore, #tpu.memory_space<semaphore_mem>>)
      %dma_wait3A_100 = tpu.memref_slice %arg3[%mul3A_2] : memref<16384xi32, #tpu.memory_space<hbm>> -> memref<512xi32, #tpu.memory_space<hbm>>
      %dma_wait3A_101 = tpu.memref_slice %arg3[%mul3A_2] : memref<16384xi32, #tpu.memory_space<hbm>> -> memref<512xi32, #tpu.memory_space<hbm>>
      tpu.wait_dma2 semaphore(%run_scoped3A : memref<!tpu.dma_semaphore, #tpu.memory_space<semaphore_mem>>) src(%dma_wait3A_101 : memref<512xi32, #tpu.memory_space<hbm>>) dst(%arg6 : memref<512xi32, #tpu.memory_space<vmem>>)
      tpu.yield
    }) : () -> ()
    %dma_start3A_6 = arith.constant 0 : i32
    %dma_start3A_7 = arith.constant 0 : i32
    %dma_start3A_8 = tpu.memref_slice %arg8[%dma_start3A_6, %dma_start3A_7] : memref<512x32xf32, #tpu.memory_space<vmem>> -> memref<128x32xf32, #tpu.memory_space<vmem>>
    %dma_start3A_9 = arith.constant 0 : i32
    %dma_start3A_10 = tpu.memref_slice %arg6[%dma_start3A_9] : memref<512xi32, #tpu.memory_space<vmem>> -> memref<128xi32, #tpu.memory_space<vmem>>
    %dma_start3A_11 = arith.constant 0 : i32
    %dma_start3A_12 = arith.constant 0 : i32
    %dma_start3A_13 = tpu.memref_slice %arg4[%dma_start3A_11, %dma_start3A_12] : memref<100000x32xf32, #tpu.memory_space<hbm>> -> memref<100000x32xf32, #tpu.memory_space<hbm>>
    tpu.enqueue_indirect_dma source(%dma_start3A_13 : memref<100000x32xf32, #tpu.memory_space<hbm>>) target(%dma_start3A_8 : memref<128x32xf32, #tpu.memory_space<vmem>>) offsets(%dma_start3A_10 : memref<128xi32, #tpu.memory_space<vmem>>) semaphore(%arg11 : memref<!tpu.dma_semaphore, #tpu.memory_space<semaphore_mem>>)
    %dma_start3A_14 = arith.constant 128 : i32
    %dma_start3A_15 = arith.constant 0 : i32
    %dma_start3A_16 = tpu.memref_slice %arg8[%dma_start3A_14, %dma_start3A_15] : memref<512x32xf32, #tpu.memory_space<vmem>> -> memref<128x32xf32, #tpu.memory_space<vmem>>
    %dma_start3A_17 = arith.constant 128 : i32
    %dma_start3A_18 = tpu.memref_slice %arg6[%dma_start3A_17] : memref<512xi32, #tpu.memory_space<vmem>> -> memref<128xi32, #tpu.memory_space<vmem>>
    %dma_start3A_19 = arith.constant 0 : i32
    %dma_start3A_20 = arith.constant 0 : i32
    %dma_start3A_21 = tpu.memref_slice %arg4[%dma_start3A_19, %dma_start3A_20] : memref<100000x32xf32, #tpu.memory_space<hbm>> -> memref<100000x32xf32, #tpu.memory_space<hbm>>
    tpu.enqueue_indirect_dma source(%dma_start3A_21 : memref<100000x32xf32, #tpu.memory_space<hbm>>) target(%dma_start3A_16 : memref<128x32xf32, #tpu.memory_space<vmem>>) offsets(%dma_start3A_18 : memref<128xi32, #tpu.memory_space<vmem>>) semaphore(%arg12 : memref<!tpu.dma_semaphore, #tpu.memory_space<semaphore_mem>>)
    %dma_start3A_22 = arith.constant 256 : i32
    %dma_start3A_23 = arith.constant 0 : i32
    %dma_start3A_24 = tpu.memref_slice %arg8[%dma_start3A_22, %dma_start3A_23] : memref<512x32xf32, #tpu.memory_space<vmem>> -> memref<128x32xf32, #tpu.memory_space<vmem>>
    %dma_start3A_25 = arith.constant 256 : i32
    %dma_start3A_26 = tpu.memref_slice %arg6[%dma_start3A_25] : memref<512xi32, #tpu.memory_space<vmem>> -> memref<128xi32, #tpu.memory_space<vmem>>
    %dma_start3A_27 = arith.constant 0 : i32
    %dma_start3A_28 = arith.constant 0 : i32
    %dma_start3A_29 = tpu.memref_slice %arg4[%dma_start3A_27, %dma_start3A_28] : memref<100000x32xf32, #tpu.memory_space<hbm>> -> memref<100000x32xf32, #tpu.memory_space<hbm>>
    tpu.enqueue_indirect_dma source(%dma_start3A_29 : memref<100000x32xf32, #tpu.memory_space<hbm>>) target(%dma_start3A_24 : memref<128x32xf32, #tpu.memory_space<vmem>>) offsets(%dma_start3A_26 : memref<128xi32, #tpu.memory_space<vmem>>) semaphore(%arg13 : memref<!tpu.dma_semaphore, #tpu.memory_space<semaphore_mem>>)
    %dma_start3A_30 = arith.constant 384 : i32
    %dma_start3A_31 = arith.constant 0 : i32
    %dma_start3A_32 = tpu.memref_slice %arg8[%dma_start3A_30, %dma_start3A_31] : memref<512x32xf32, #tpu.memory_space<vmem>> -> memref<128x32xf32, #tpu.memory_space<vmem>>
    %dma_start3A_33 = arith.constant 384 : i32
    %dma_start3A_34 = tpu.memref_slice %arg6[%dma_start3A_33] : memref<512xi32, #tpu.memory_space<vmem>> -> memref<128xi32, #tpu.memory_space<vmem>>
    %dma_start3A_35 = arith.constant 0 : i32
    %dma_start3A_36 = arith.constant 0 : i32
    %dma_start3A_37 = tpu.memref_slice %arg4[%dma_start3A_35, %dma_start3A_36] : memref<100000x32xf32, #tpu.memory_space<hbm>> -> memref<100000x32xf32, #tpu.memory_space<hbm>>
    tpu.enqueue_indirect_dma source(%dma_start3A_37 : memref<100000x32xf32, #tpu.memory_space<hbm>>) target(%dma_start3A_32 : memref<128x32xf32, #tpu.memory_space<vmem>>) offsets(%dma_start3A_34 : memref<128xi32, #tpu.memory_space<vmem>>) semaphore(%arg14 : memref<!tpu.dma_semaphore, #tpu.memory_space<semaphore_mem>>)
    %dma_wait3A = arith.constant 0 : i32
    %dma_wait3A_38 = tpu.memref_slice %arg2[%dma_wait3A, %mul3A_2] : memref<32x16384xf32, #tpu.memory_space<hbm>> -> memref<32x512xf32, #tpu.memory_space<hbm>>
    %dma_wait3A_39 = arith.constant 0 : i32
    %dma_wait3A_40 = tpu.memref_slice %arg2[%dma_wait3A_39, %mul3A_2] : memref<32x16384xf32, #tpu.memory_space<hbm>> -> memref<32x512xf32, #tpu.memory_space<hbm>>
    tpu.wait_dma2 semaphore(%arg10 : memref<!tpu.dma_semaphore, #tpu.memory_space<semaphore_mem>>) src(%dma_wait3A_40 : memref<32x512xf32, #tpu.memory_space<hbm>>) dst(%arg7 : memref<32x512xf32, #tpu.memory_space<vmem>>)
    %iota3A = tpu.iota {dimensions = array<i32: 0>} : vector<16xi32>
    %broadcast_in_dim3A = arith.constant 0.000000e+00 : f32
    %broadcast_in_dim3A_41 = vector.broadcast %broadcast_in_dim3A : f32 to vector<16xf32>
    %dma_wait3A_42 = arith.constant 0 : i32
    %dma_wait3A_43 = arith.constant 0 : i32
    %dma_wait3A_44 = tpu.memref_slice %arg8[%dma_wait3A_42, %dma_wait3A_43] : memref<512x32xf32, #tpu.memory_space<vmem>> -> memref<128x32xf32, #tpu.memory_space<vmem>>
    %dma_wait3A_45 = arith.constant 0 : i32
    %dma_wait3A_46 = tpu.memref_slice %arg6[%dma_wait3A_45] : memref<512xi32, #tpu.memory_space<vmem>> -> memref<128xi32, #tpu.memory_space<vmem>>
    %dma_wait3A_47 = arith.constant 0 : i32
    %dma_wait3A_48 = arith.constant 0 : i32
    %dma_wait3A_49 = tpu.memref_slice %arg4[%dma_wait3A_47, %dma_wait3A_48] : memref<100000x32xf32, #tpu.memory_space<hbm>> -> memref<100000x32xf32, #tpu.memory_space<hbm>>
    tpu.wait_indirect_dma semaphore(%arg11 : memref<!tpu.dma_semaphore, #tpu.memory_space<semaphore_mem>>) src(%dma_wait3A_49 : memref<100000x32xf32, #tpu.memory_space<hbm>>) dst(%dma_wait3A_44 : memref<128x32xf32, #tpu.memory_space<vmem>>)
    %scan3A = arith.constant 0 : i32
    %scan3A_50 = arith.constant 8 : i32
    %scan3A_51 = arith.addi %scan3A, %scan3A_50 : i32
    %scan3A_52 = arith.constant 1 : i32
    %scan3A_53 = scf.for %scan3A_98 = %scan3A to %scan3A_51 step %scan3A_52 iter_args(%scan3A_99 = %broadcast_in_dim3A_41) -> (vector<16xf32>)  : i32 {
      %mul3A_100 = arith.constant 16 : i32
      %mul3A_101 = arith.muli %scan3A_98, %mul3A_100 : i32
      %add3A_102 = vector.broadcast %mul3A_101 : i32 to vector<16xi32>
      %add3A_103 = arith.addi %add3A_102, %iota3A : vector<16xi32>
      %broadcast_in_dim3A_104 = arith.constant 0.000000e+00 : f32
      %broadcast_in_dim3A_105 = vector.broadcast %broadcast_in_dim3A_104 : f32 to vector<16xf32>
      %broadcast_in_dim3A_106 = arith.constant 0.000000e+00 : f32
      %broadcast_in_dim3A_107 = vector.broadcast %broadcast_in_dim3A_106 : f32 to vector<16xf32>
      %broadcast_in_dim3A_108 = arith.constant 0.000000e+00 : f32
      %broadcast_in_dim3A_109 = vector.broadcast %broadcast_in_dim3A_108 : f32 to vector<16xf32>
      %gather3A = tpu.vector_load_idx %arg8[%add3A_103, %iota3A] : memref<512x32xf32, #tpu.memory_space<vmem>>[vector<16xi32>, vector<16xi32>], vector<16xf32>,
      %gather3A_110 = tpu.vector_load_idx %arg7[%iota3A, %add3A_103] : memref<32x512xf32, #tpu.memory_space<vmem>>[vector<16xi32>, vector<16xi32>], vector<16xf32>,
      %mul3A_111 = arith.mulf %gather3A_110, %gather3A : vector<16xf32>
      %add3A_112 = arith.addf %broadcast_in_dim3A_105, %mul3A_111 : vector<16xf32>
      %mul3A_113 = arith.mulf %gather3A_110, %gather3A_110 : vector<16xf32>
      %add3A_114 = arith.addf %broadcast_in_dim3A_107, %mul3A_113 : vector<16xf32>
      %mul3A_115 = arith.mulf %gather3A, %gather3A : vector<16xf32>
      %add3A_116 = arith.addf %broadcast_in_dim3A_109, %mul3A_115 : vector<16xf32>
      %add3A_117 = arith.constant 1 : i32
      %add3A_118 = vector.broadcast %add3A_117 : i32 to vector<16xi32>
      %add3A_119 = arith.addi %iota3A, %add3A_118 : vector<16xi32>
      %and3A = arith.constant 31 : i32
      %and3A_120 = vector.broadcast %and3A : i32 to vector<16xi32>
      %and3A_121 = arith.andi %add3A_119, %and3A_120 : vector<16xi32>
      %gather3A_122 = tpu.vector_load_idx %arg8[%add3A_103, %and3A_121] : memref<512x32xf32, #tpu.memory_space<vmem>>[vector<16xi32>, vector<16xi32>], vector<16xf32>,
      %gather3A_123 = tpu.vector_load_idx %arg7[%and3A_121, %add3A_103] : memref<32x512xf32, #tpu.memory_space<vmem>>[vector<16xi32>, vector<16xi32>], vector<16xf32>,
      %mul3A_124 = arith.mulf %gather3A_123, %gather3A_122 : vector<16xf32>
      %add3A_125 = arith.addf %add3A_112, %mul3A_124 : vector<16xf32>
      %mul3A_126 = arith.mulf %gather3A_123, %gather3A_123 : vector<16xf32>
      %add3A_127 = arith.addf %add3A_114, %mul3A_126 : vector<16xf32>
      %mul3A_128 = arith.mulf %gather3A_122, %gather3A_122 : vector<16xf32>
      %add3A_129 = arith.addf %add3A_116, %mul3A_128 : vector<16xf32>
      %add3A_130 = arith.constant 1 : i32
      %add3A_131 = vector.broadcast %add3A_130 : i32 to vector<16xi32>
      %add3A_132 = arith.addi %and3A_121, %add3A_131 : vector<16xi32>
      %and3A_133 = arith.constant 31 : i32
      %and3A_134 = vector.broadcast %and3A_133 : i32 to vector<16xi32>
      %and3A_135 = arith.andi %add3A_132, %and3A_134 : vector<16xi32>
      %gather3A_136 = tpu.vector_load_idx %arg8[%add3A_103, %and3A_135] : memref<512x32xf32, #tpu.memory_space<vmem>>[vector<16xi32>, vector<16xi32>], vector<16xf32>,
      %gather3A_137 = tpu.vector_load_idx %arg7[%and3A_135, %add3A_103] : memref<32x512xf32, #tpu.memory_space<vmem>>[vector<16xi32>, vector<16xi32>], vector<16xf32>,
      %mul3A_138 = arith.mulf %gather3A_137, %gather3A_136 : vector<16xf32>
      %add3A_139 = arith.addf %add3A_125, %mul3A_138 : vector<16xf32>
      %mul3A_140 = arith.mulf %gather3A_137, %gather3A_137 : vector<16xf32>
      %add3A_141 = arith.addf %add3A_127, %mul3A_140 : vector<16xf32>
      %mul3A_142 = arith.mulf %gather3A_136, %gather3A_136 : vector<16xf32>
      %add3A_143 = arith.addf %add3A_129, %mul3A_142 : vector<16xf32>
      %add3A_144 = arith.constant 1 : i32
      %add3A_145 = vector.broadcast %add3A_144 : i32 to vector<16xi32>
      %add3A_146 = arith.addi %and3A_135, %add3A_145 : vector<16xi32>
      %and3A_147 = arith.constant 31 : i32
      %and3A_148 = vector.broadcast %and3A_147 : i32 to vector<16xi32>
      %and3A_149 = arith.andi %add3A_146, %and3A_148 : vector<16xi32>
      %gather3A_150 = tpu.vector_load_idx %arg8[%add3A_103, %and3A_149] : memref<512x32xf32, #tpu.memory_space<vmem>>[vector<16xi32>, vector<16xi32>], vector<16xf32>,
      %gather3A_151 = tpu.vector_load_idx %arg7[%and3A_149, %add3A_103] : memref<32x512xf32, #tpu.memory_space<vmem>>[vector<16xi32>, vector<16xi32>], vector<16xf32>,
      %mul3A_152 = arith.mulf %gather3A_151, %gather3A_150 : vector<16xf32>
      %add3A_153 = arith.addf %add3A_139, %mul3A_152 : vector<16xf32>
      %mul3A_154 = arith.mulf %gather3A_151, %gather3A_151 : vector<16xf32>
      %add3A_155 = arith.addf %add3A_141, %mul3A_154 : vector<16xf32>
      %mul3A_156 = arith.mulf %gather3A_150, %gather3A_150 : vector<16xf32>
      %add3A_157 = arith.addf %add3A_143, %mul3A_156 : vector<16xf32>
      %add3A_158 = arith.constant 1 : i32
      %add3A_159 = vector.broadcast %add3A_158 : i32 to vector<16xi32>
      %add3A_160 = arith.addi %and3A_149, %add3A_159 : vector<16xi32>
      %and3A_161 = arith.constant 31 : i32
      %and3A_162 = vector.broadcast %and3A_161 : i32 to vector<16xi32>
      %and3A_163 = arith.andi %add3A_160, %and3A_162 : vector<16xi32>
      %gather3A_164 = tpu.vector_load_idx %arg8[%add3A_103, %and3A_163] : memref<512x32xf32, #tpu.memory_space<vmem>>[vector<16xi32>, vector<16xi32>], vector<16xf32>,
      %gather3A_165 = tpu.vector_load_idx %arg7[%and3A_163, %add3A_103] : memref<32x512xf32, #tpu.memory_space<vmem>>[vector<16xi32>, vector<16xi32>], vector<16xf32>,
      %mul3A_166 = arith.mulf %gather3A_165, %gather3A_164 : vector<16xf32>
      %add3A_167 = arith.addf %add3A_153, %mul3A_166 : vector<16xf32>
      %mul3A_168 = arith.mulf %gather3A_165, %gather3A_165 : vector<16xf32>
      %add3A_169 = arith.addf %add3A_155, %mul3A_168 : vector<16xf32>
      %mul3A_170 = arith.mulf %gather3A_164, %gather3A_164 : vector<16xf32>
      %add3A_171 = arith.addf %add3A_157, %mul3A_170 : vector<16xf32>
      %add3A_172 = arith.constant 1 : i32
      %add3A_173 = vector.broadcast %add3A_172 : i32 to vector<16xi32>
      %add3A_174 = arith.addi %and3A_163, %add3A_173 : vector<16xi32>
      %and3A_175 = arith.constant 31 : i32
      %and3A_176 = vector.broadcast %and3A_175 : i32 to vector<16xi32>
      %and3A_177 = arith.andi %add3A_174, %and3A_176 : vector<16xi32>
      %gather3A_178 = tpu.vector_load_idx %arg8[%add3A_103, %and3A_177] : memref<512x32xf32, #tpu.memory_space<vmem>>[vector<16xi32>, vector<16xi32>], vector<16xf32>,
      %gather3A_179 = tpu.vector_load_idx %arg7[%and3A_177, %add3A_103] : memref<32x512xf32, #tpu.memory_space<vmem>>[vector<16xi32>, vector<16xi32>], vector<16xf32>,
      %mul3A_180 = arith.mulf %gather3A_179, %gather3A_178 : vector<16xf32>
      %add3A_181 = arith.addf %add3A_167, %mul3A_180 : vector<16xf32>
      %mul3A_182 = arith.mulf %gather3A_179, %gather3A_179 : vector<16xf32>
      %add3A_183 = arith.addf %add3A_169, %mul3A_182 : vector<16xf32>
      %mul3A_184 = arith.mulf %gather3A_178, %gather3A_178 : vector<16xf32>
      %add3A_185 = arith.addf %add3A_171, %mul3A_184 : vector<16xf32>
      %add3A_186 = arith.constant 1 : i32
      %add3A_187 = vector.broadcast %add3A_186 : i32 to vector<16xi32>
      %add3A_188 = arith.addi %and3A_177, %add3A_187 : vector<16xi32>
      %and3A_189 = arith.constant 31 : i32
      %and3A_190 = vector.broadcast %and3A_189 : i32 to vector<16xi32>
      %and3A_191 = arith.andi %add3A_188, %and3A_190 : vector<16xi32>
      %gather3A_192 = tpu.vector_load_idx %arg8[%add3A_103, %and3A_191] : memref<512x32xf32, #tpu.memory_space<vmem>>[vector<16xi32>, vector<16xi32>], vector<16xf32>,
      %gather3A_193 = tpu.vector_load_idx %arg7[%and3A_191, %add3A_103] : memref<32x512xf32, #tpu.memory_space<vmem>>[vector<16xi32>, vector<16xi32>], vector<16xf32>,
      %mul3A_194 = arith.mulf %gather3A_193, %gather3A_192 : vector<16xf32>
      %add3A_195 = arith.addf %add3A_181, %mul3A_194 : vector<16xf32>
      %mul3A_196 = arith.mulf %gather3A_193, %gather3A_193 : vector<16xf32>
      %add3A_197 = arith.addf %add3A_183, %mul3A_196 : vector<16xf32>
      %mul3A_198 = arith.mulf %gather3A_192, %gather3A_192 : vector<16xf32>
      %add3A_199 = arith.addf %add3A_185, %mul3A_198 : vector<16xf32>
      %add3A_200 = arith.constant 1 : i32
      %add3A_201 = vector.broadcast %add3A_200 : i32 to vector<16xi32>
      %add3A_202 = arith.addi %and3A_191, %add3A_201 : vector<16xi32>
      %and3A_203 = arith.constant 31 : i32
      %and3A_204 = vector.broadcast %and3A_203 : i32 to vector<16xi32>
      %and3A_205 = arith.andi %add3A_202, %and3A_204 : vector<16xi32>
      %gather3A_206 = tpu.vector_load_idx %arg8[%add3A_103, %and3A_205] : memref<512x32xf32, #tpu.memory_space<vmem>>[vector<16xi32>, vector<16xi32>], vector<16xf32>,
      %gather3A_207 = tpu.vector_load_idx %arg7[%and3A_205, %add3A_103] : memref<32x512xf32, #tpu.memory_space<vmem>>[vector<16xi32>, vector<16xi32>], vector<16xf32>,
      %mul3A_208 = arith.mulf %gather3A_207, %gather3A_206 : vector<16xf32>
      %add3A_209 = arith.addf %add3A_195, %mul3A_208 : vector<16xf32>
      %mul3A_210 = arith.mulf %gather3A_207, %gather3A_207 : vector<16xf32>
      %add3A_211 = arith.addf %add3A_197, %mul3A_210 : vector<16xf32>
      %mul3A_212 = arith.mulf %gather3A_206, %gather3A_206 : vector<16xf32>
      %add3A_213 = arith.addf %add3A_199, %mul3A_212 : vector<16xf32>
      %add3A_214 = arith.constant 1 : i32
      %add3A_215 = vector.broadcast %add3A_214 : i32 to vector<16xi32>
      %add3A_216 = arith.addi %and3A_205, %add3A_215 : vector<16xi32>
      %and3A_217 = arith.constant 31 : i32
      %and3A_218 = vector.broadcast %and3A_217 : i32 to vector<16xi32>
      %and3A_219 = arith.andi %add3A_216, %and3A_218 : vector<16xi32>
      %gather3A_220 = tpu.vector_load_idx %arg8[%add3A_103, %and3A_219] : memref<512x32xf32, #tpu.memory_space<vmem>>[vector<16xi32>, vector<16xi32>], vector<16xf32>,
      %gather3A_221 = tpu.vector_load_idx %arg7[%and3A_219, %add3A_103] : memref<32x512xf32, #tpu.memory_space<vmem>>[vector<16xi32>, vector<16xi32>], vector<16xf32>,
      %mul3A_222 = arith.mulf %gather3A_221, %gather3A_220 : vector<16xf32>
      %add3A_223 = arith.addf %add3A_209, %mul3A_222 : vector<16xf32>
      %mul3A_224 = arith.mulf %gather3A_221, %gather3A_221 : vector<16xf32>
      %add3A_225 = arith.addf %add3A_211, %mul3A_224 : vector<16xf32>
      %mul3A_226 = arith.mulf %gather3A_220, %gather3A_220 : vector<16xf32>
      %add3A_227 = arith.addf %add3A_213, %mul3A_226 : vector<16xf32>
      %add3A_228 = arith.constant 1 : i32
      %add3A_229 = vector.broadcast %add3A_228 : i32 to vector<16xi32>
      %add3A_230 = arith.addi %and3A_219, %add3A_229 : vector<16xi32>
      %and3A_231 = arith.constant 31 : i32
      %and3A_232 = vector.broadcast %and3A_231 : i32 to vector<16xi32>
      %and3A_233 = arith.andi %add3A_230, %and3A_232 : vector<16xi32>
      %gather3A_234 = tpu.vector_load_idx %arg8[%add3A_103, %and3A_233] : memref<512x32xf32, #tpu.memory_space<vmem>>[vector<16xi32>, vector<16xi32>], vector<16xf32>,
      %gather3A_235 = tpu.vector_load_idx %arg7[%and3A_233, %add3A_103] : memref<32x512xf32, #tpu.memory_space<vmem>>[vector<16xi32>, vector<16xi32>], vector<16xf32>,
      %mul3A_236 = arith.mulf %gather3A_235, %gather3A_234 : vector<16xf32>
      %add3A_237 = arith.addf %add3A_223, %mul3A_236 : vector<16xf32>
      %mul3A_238 = arith.mulf %gather3A_235, %gather3A_235 : vector<16xf32>
      %add3A_239 = arith.addf %add3A_225, %mul3A_238 : vector<16xf32>
      %mul3A_240 = arith.mulf %gather3A_234, %gather3A_234 : vector<16xf32>
      %add3A_241 = arith.addf %add3A_227, %mul3A_240 : vector<16xf32>
      %add3A_242 = arith.constant 1 : i32
      %add3A_243 = vector.broadcast %add3A_242 : i32 to vector<16xi32>
      %add3A_244 = arith.addi %and3A_233, %add3A_243 : vector<16xi32>
      %and3A_245 = arith.constant 31 : i32
      %and3A_246 = vector.broadcast %and3A_245 : i32 to vector<16xi32>
      %and3A_247 = arith.andi %add3A_244, %and3A_246 : vector<16xi32>
      %gather3A_248 = tpu.vector_load_idx %arg8[%add3A_103, %and3A_247] : memref<512x32xf32, #tpu.memory_space<vmem>>[vector<16xi32>, vector<16xi32>], vector<16xf32>,
      %gather3A_249 = tpu.vector_load_idx %arg7[%and3A_247, %add3A_103] : memref<32x512xf32, #tpu.memory_space<vmem>>[vector<16xi32>, vector<16xi32>], vector<16xf32>,
      %mul3A_250 = arith.mulf %gather3A_249, %gather3A_248 : vector<16xf32>
      %add3A_251 = arith.addf %add3A_237, %mul3A_250 : vector<16xf32>
      %mul3A_252 = arith.mulf %gather3A_249, %gather3A_249 : vector<16xf32>
      %add3A_253 = arith.addf %add3A_239, %mul3A_252 : vector<16xf32>
      %mul3A_254 = arith.mulf %gather3A_248, %gather3A_248 : vector<16xf32>
      %add3A_255 = arith.addf %add3A_241, %mul3A_254 : vector<16xf32>
      %add3A_256 = arith.constant 1 : i32
      %add3A_257 = vector.broadcast %add3A_256 : i32 to vector<16xi32>
      %add3A_258 = arith.addi %and3A_247, %add3A_257 : vector<16xi32>
      %and3A_259 = arith.constant 31 : i32
      %and3A_260 = vector.broadcast %and3A_259 : i32 to vector<16xi32>
      %and3A_261 = arith.andi %add3A_258, %and3A_260 : vector<16xi32>
      %gather3A_262 = tpu.vector_load_idx %arg8[%add3A_103, %and3A_261] : memref<512x32xf32, #tpu.memory_space<vmem>>[vector<16xi32>, vector<16xi32>], vector<16xf32>,
      %gather3A_263 = tpu.vector_load_idx %arg7[%and3A_261, %add3A_103] : memref<32x512xf32, #tpu.memory_space<vmem>>[vector<16xi32>, vector<16xi32>], vector<16xf32>,
      %mul3A_264 = arith.mulf %gather3A_263, %gather3A_262 : vector<16xf32>
      %add3A_265 = arith.addf %add3A_251, %mul3A_264 : vector<16xf32>
      %mul3A_266 = arith.mulf %gather3A_263, %gather3A_263 : vector<16xf32>
      %add3A_267 = arith.addf %add3A_253, %mul3A_266 : vector<16xf32>
      %mul3A_268 = arith.mulf %gather3A_262, %gather3A_262 : vector<16xf32>
      %add3A_269 = arith.addf %add3A_255, %mul3A_268 : vector<16xf32>
      %add3A_270 = arith.constant 1 : i32
      %add3A_271 = vector.broadcast %add3A_270 : i32 to vector<16xi32>
      %add3A_272 = arith.addi %and3A_261, %add3A_271 : vector<16xi32>
      %and3A_273 = arith.constant 31 : i32
      %and3A_274 = vector.broadcast %and3A_273 : i32 to vector<16xi32>
      %and3A_275 = arith.andi %add3A_272, %and3A_274 : vector<16xi32>
      %gather3A_276 = tpu.vector_load_idx %arg8[%add3A_103, %and3A_275] : memref<512x32xf32, #tpu.memory_space<vmem>>[vector<16xi32>, vector<16xi32>], vector<16xf32>,
      %gather3A_277 = tpu.vector_load_idx %arg7[%and3A_275, %add3A_103] : memref<32x512xf32, #tpu.memory_space<vmem>>[vector<16xi32>, vector<16xi32>], vector<16xf32>,
      %mul3A_278 = arith.mulf %gather3A_277, %gather3A_276 : vector<16xf32>
      %add3A_279 = arith.addf %add3A_265, %mul3A_278 : vector<16xf32>
      %mul3A_280 = arith.mulf %gather3A_277, %gather3A_277 : vector<16xf32>
      %add3A_281 = arith.addf %add3A_267, %mul3A_280 : vector<16xf32>
      %mul3A_282 = arith.mulf %gather3A_276, %gather3A_276 : vector<16xf32>
      %add3A_283 = arith.addf %add3A_269, %mul3A_282 : vector<16xf32>
      %add3A_284 = arith.constant 1 : i32
      %add3A_285 = vector.broadcast %add3A_284 : i32 to vector<16xi32>
      %add3A_286 = arith.addi %and3A_275, %add3A_285 : vector<16xi32>
      %and3A_287 = arith.constant 31 : i32
      %and3A_288 = vector.broadcast %and3A_287 : i32 to vector<16xi32>
      %and3A_289 = arith.andi %add3A_286, %and3A_288 : vector<16xi32>
      %gather3A_290 = tpu.vector_load_idx %arg8[%add3A_103, %and3A_289] : memref<512x32xf32, #tpu.memory_space<vmem>>[vector<16xi32>, vector<16xi32>], vector<16xf32>,
      %gather3A_291 = tpu.vector_load_idx %arg7[%and3A_289, %add3A_103] : memref<32x512xf32, #tpu.memory_space<vmem>>[vector<16xi32>, vector<16xi32>], vector<16xf32>,
      %mul3A_292 = arith.mulf %gather3A_291, %gather3A_290 : vector<16xf32>
      %add3A_293 = arith.addf %add3A_279, %mul3A_292 : vector<16xf32>
      %mul3A_294 = arith.mulf %gather3A_291, %gather3A_291 : vector<16xf32>
      %add3A_295 = arith.addf %add3A_281, %mul3A_294 : vector<16xf32>
      %mul3A_296 = arith.mulf %gather3A_290, %gather3A_290 : vector<16xf32>
      %add3A_297 = arith.addf %add3A_283, %mul3A_296 : vector<16xf32>
      %add3A_298 = arith.constant 1 : i32
      %add3A_299 = vector.broadcast %add3A_298 : i32 to vector<16xi32>
      %add3A_300 = arith.addi %and3A_289, %add3A_299 : vector<16xi32>
      %and3A_301 = arith.constant 31 : i32
      %and3A_302 = vector.broadcast %and3A_301 : i32 to vector<16xi32>
      %and3A_303 = arith.andi %add3A_300, %and3A_302 : vector<16xi32>
      %gather3A_304 = tpu.vector_load_idx %arg8[%add3A_103, %and3A_303] : memref<512x32xf32, #tpu.memory_space<vmem>>[vector<16xi32>, vector<16xi32>], vector<16xf32>,
      %gather3A_305 = tpu.vector_load_idx %arg7[%and3A_303, %add3A_103] : memref<32x512xf32, #tpu.memory_space<vmem>>[vector<16xi32>, vector<16xi32>], vector<16xf32>,
      %mul3A_306 = arith.mulf %gather3A_305, %gather3A_304 : vector<16xf32>
      %add3A_307 = arith.addf %add3A_293, %mul3A_306 : vector<16xf32>
      %mul3A_308 = arith.mulf %gather3A_305, %gather3A_305 : vector<16xf32>
      %add3A_309 = arith.addf %add3A_295, %mul3A_308 : vector<16xf32>
      %mul3A_310 = arith.mulf %gather3A_304, %gather3A_304 : vector<16xf32>
      %add3A_311 = arith.addf %add3A_297, %mul3A_310 : vector<16xf32>
      %add3A_312 = arith.constant 1 : i32
      %add3A_313 = vector.broadcast %add3A_312 : i32 to vector<16xi32>
      %add3A_314 = arith.addi %and3A_303, %add3A_313 : vector<16xi32>
      %and3A_315 = arith.constant 31 : i32
      %and3A_316 = vector.broadcast %and3A_315 : i32 to vector<16xi32>
      %and3A_317 = arith.andi %add3A_314, %and3A_316 : vector<16xi32>
      %gather3A_318 = tpu.vector_load_idx %arg8[%add3A_103, %and3A_317] : memref<512x32xf32, #tpu.memory_space<vmem>>[vector<16xi32>, vector<16xi32>], vector<16xf32>,
      %gather3A_319 = tpu.vector_load_idx %arg7[%and3A_317, %add3A_103] : memref<32x512xf32, #tpu.memory_space<vmem>>[vector<16xi32>, vector<16xi32>], vector<16xf32>,
      %mul3A_320 = arith.mulf %gather3A_319, %gather3A_318 : vector<16xf32>
      %add3A_321 = arith.addf %add3A_307, %mul3A_320 : vector<16xf32>
      %mul3A_322 = arith.mulf %gather3A_319, %gather3A_319 : vector<16xf32>
      %add3A_323 = arith.addf %add3A_309, %mul3A_322 : vector<16xf32>
      %mul3A_324 = arith.mulf %gather3A_318, %gather3A_318 : vector<16xf32>
      %add3A_325 = arith.addf %add3A_311, %mul3A_324 : vector<16xf32>
      %add3A_326 = arith.constant 1 : i32
      %add3A_327 = vector.broadcast %add3A_326 : i32 to vector<16xi32>
      %add3A_328 = arith.addi %and3A_317, %add3A_327 : vector<16xi32>
      %and3A_329 = arith.constant 31 : i32
      %and3A_330 = vector.broadcast %and3A_329 : i32 to vector<16xi32>
      %and3A_331 = arith.andi %add3A_328, %and3A_330 : vector<16xi32>
      %gather3A_332 = tpu.vector_load_idx %arg8[%add3A_103, %and3A_331] : memref<512x32xf32, #tpu.memory_space<vmem>>[vector<16xi32>, vector<16xi32>], vector<16xf32>,
      %gather3A_333 = tpu.vector_load_idx %arg7[%and3A_331, %add3A_103] : memref<32x512xf32, #tpu.memory_space<vmem>>[vector<16xi32>, vector<16xi32>], vector<16xf32>,
      %mul3A_334 = arith.mulf %gather3A_333, %gather3A_332 : vector<16xf32>
      %add3A_335 = arith.addf %add3A_321, %mul3A_334 : vector<16xf32>
      %mul3A_336 = arith.mulf %gather3A_333, %gather3A_333 : vector<16xf32>
      %add3A_337 = arith.addf %add3A_323, %mul3A_336 : vector<16xf32>
      %mul3A_338 = arith.mulf %gather3A_332, %gather3A_332 : vector<16xf32>
      %add3A_339 = arith.addf %add3A_325, %mul3A_338 : vector<16xf32>
      %add3A_340 = arith.constant 1 : i32
      %add3A_341 = vector.broadcast %add3A_340 : i32 to vector<16xi32>
      %add3A_342 = arith.addi %and3A_331, %add3A_341 : vector<16xi32>
      %and3A_343 = arith.constant 31 : i32
      %and3A_344 = vector.broadcast %and3A_343 : i32 to vector<16xi32>
      %and3A_345 = arith.andi %add3A_342, %and3A_344 : vector<16xi32>
      %gather3A_346 = tpu.vector_load_idx %arg8[%add3A_103, %and3A_345] : memref<512x32xf32, #tpu.memory_space<vmem>>[vector<16xi32>, vector<16xi32>], vector<16xf32>,
      %gather3A_347 = tpu.vector_load_idx %arg7[%and3A_345, %add3A_103] : memref<32x512xf32, #tpu.memory_space<vmem>>[vector<16xi32>, vector<16xi32>], vector<16xf32>,
      %mul3A_348 = arith.mulf %gather3A_347, %gather3A_346 : vector<16xf32>
      %add3A_349 = arith.addf %add3A_335, %mul3A_348 : vector<16xf32>
      %mul3A_350 = arith.mulf %gather3A_347, %gather3A_347 : vector<16xf32>
      %add3A_351 = arith.addf %add3A_337, %mul3A_350 : vector<16xf32>
      %mul3A_352 = arith.mulf %gather3A_346, %gather3A_346 : vector<16xf32>
      %add3A_353 = arith.addf %add3A_339, %mul3A_352 : vector<16xf32>
      %add3A_354 = arith.constant 1 : i32
      %add3A_355 = vector.broadcast %add3A_354 : i32 to vector<16xi32>
      %add3A_356 = arith.addi %and3A_345, %add3A_355 : vector<16xi32>
      %and3A_357 = arith.constant 31 : i32
      %and3A_358 = vector.broadcast %and3A_357 : i32 to vector<16xi32>
      %and3A_359 = arith.andi %add3A_356, %and3A_358 : vector<16xi32>
      %gather3A_360 = tpu.vector_load_idx %arg8[%add3A_103, %and3A_359] : memref<512x32xf32, #tpu.memory_space<vmem>>[vector<16xi32>, vector<16xi32>], vector<16xf32>,
      %gather3A_361 = tpu.vector_load_idx %arg7[%and3A_359, %add3A_103] : memref<32x512xf32, #tpu.memory_space<vmem>>[vector<16xi32>, vector<16xi32>], vector<16xf32>,
      %mul3A_362 = arith.mulf %gather3A_361, %gather3A_360 : vector<16xf32>
      %add3A_363 = arith.addf %add3A_349, %mul3A_362 : vector<16xf32>
      %mul3A_364 = arith.mulf %gather3A_361, %gather3A_361 : vector<16xf32>
      %add3A_365 = arith.addf %add3A_351, %mul3A_364 : vector<16xf32>
      %mul3A_366 = arith.mulf %gather3A_360, %gather3A_360 : vector<16xf32>
      %add3A_367 = arith.addf %add3A_353, %mul3A_366 : vector<16xf32>
      %add3A_368 = arith.constant 1 : i32
      %add3A_369 = vector.broadcast %add3A_368 : i32 to vector<16xi32>
      %add3A_370 = arith.addi %and3A_359, %add3A_369 : vector<16xi32>
      %and3A_371 = arith.constant 31 : i32
      %and3A_372 = vector.broadcast %and3A_371 : i32 to vector<16xi32>
      %and3A_373 = arith.andi %add3A_370, %and3A_372 : vector<16xi32>
      %gather3A_374 = tpu.vector_load_idx %arg8[%add3A_103, %and3A_373] : memref<512x32xf32, #tpu.memory_space<vmem>>[vector<16xi32>, vector<16xi32>], vector<16xf32>,
      %gather3A_375 = tpu.vector_load_idx %arg7[%and3A_373, %add3A_103] : memref<32x512xf32, #tpu.memory_space<vmem>>[vector<16xi32>, vector<16xi32>], vector<16xf32>,
      %mul3A_376 = arith.mulf %gather3A_375, %gather3A_374 : vector<16xf32>
      %add3A_377 = arith.addf %add3A_363, %mul3A_376 : vector<16xf32>
      %mul3A_378 = arith.mulf %gather3A_375, %gather3A_375 : vector<16xf32>
      %add3A_379 = arith.addf %add3A_365, %mul3A_378 : vector<16xf32>
      %mul3A_380 = arith.mulf %gather3A_374, %gather3A_374 : vector<16xf32>
      %add3A_381 = arith.addf %add3A_367, %mul3A_380 : vector<16xf32>
      %add3A_382 = arith.constant 1 : i32
      %add3A_383 = vector.broadcast %add3A_382 : i32 to vector<16xi32>
      %add3A_384 = arith.addi %and3A_373, %add3A_383 : vector<16xi32>
      %and3A_385 = arith.constant 31 : i32
      %and3A_386 = vector.broadcast %and3A_385 : i32 to vector<16xi32>
      %and3A_387 = arith.andi %add3A_384, %and3A_386 : vector<16xi32>
      %gather3A_388 = tpu.vector_load_idx %arg8[%add3A_103, %and3A_387] : memref<512x32xf32, #tpu.memory_space<vmem>>[vector<16xi32>, vector<16xi32>], vector<16xf32>,
      %gather3A_389 = tpu.vector_load_idx %arg7[%and3A_387, %add3A_103] : memref<32x512xf32, #tpu.memory_space<vmem>>[vector<16xi32>, vector<16xi32>], vector<16xf32>,
      %mul3A_390 = arith.mulf %gather3A_389, %gather3A_388 : vector<16xf32>
      %add3A_391 = arith.addf %add3A_377, %mul3A_390 : vector<16xf32>
      %mul3A_392 = arith.mulf %gather3A_389, %gather3A_389 : vector<16xf32>
      %add3A_393 = arith.addf %add3A_379, %mul3A_392 : vector<16xf32>
      %mul3A_394 = arith.mulf %gather3A_388, %gather3A_388 : vector<16xf32>
      %add3A_395 = arith.addf %add3A_381, %mul3A_394 : vector<16xf32>
      %add3A_396 = arith.constant 1 : i32
      %add3A_397 = vector.broadcast %add3A_396 : i32 to vector<16xi32>
      %add3A_398 = arith.addi %and3A_387, %add3A_397 : vector<16xi32>
      %and3A_399 = arith.constant 31 : i32
      %and3A_400 = vector.broadcast %and3A_399 : i32 to vector<16xi32>
      %and3A_401 = arith.andi %add3A_398, %and3A_400 : vector<16xi32>
      %gather3A_402 = tpu.vector_load_idx %arg8[%add3A_103, %and3A_401] : memref<512x32xf32, #tpu.memory_space<vmem>>[vector<16xi32>, vector<16xi32>], vector<16xf32>,
      %gather3A_403 = tpu.vector_load_idx %arg7[%and3A_401, %add3A_103] : memref<32x512xf32, #tpu.memory_space<vmem>>[vector<16xi32>, vector<16xi32>], vector<16xf32>,
      %mul3A_404 = arith.mulf %gather3A_403, %gather3A_402 : vector<16xf32>
      %add3A_405 = arith.addf %add3A_391, %mul3A_404 : vector<16xf32>
      %mul3A_406 = arith.mulf %gather3A_403, %gather3A_403 : vector<16xf32>
      %add3A_407 = arith.addf %add3A_393, %mul3A_406 : vector<16xf32>
      %mul3A_408 = arith.mulf %gather3A_402, %gather3A_402 : vector<16xf32>
      %add3A_409 = arith.addf %add3A_395, %mul3A_408 : vector<16xf32>
      %add3A_410 = arith.constant 1 : i32
      %add3A_411 = vector.broadcast %add3A_410 : i32 to vector<16xi32>
      %add3A_412 = arith.addi %and3A_401, %add3A_411 : vector<16xi32>
      %and3A_413 = arith.constant 31 : i32
      %and3A_414 = vector.broadcast %and3A_413 : i32 to vector<16xi32>
      %and3A_415 = arith.andi %add3A_412, %and3A_414 : vector<16xi32>
      %gather3A_416 = tpu.vector_load_idx %arg8[%add3A_103, %and3A_415] : memref<512x32xf32, #tpu.memory_space<vmem>>[vector<16xi32>, vector<16xi32>], vector<16xf32>,
      %gather3A_417 = tpu.vector_load_idx %arg7[%and3A_415, %add3A_103] : memref<32x512xf32, #tpu.memory_space<vmem>>[vector<16xi32>, vector<16xi32>], vector<16xf32>,
      %mul3A_418 = arith.mulf %gather3A_417, %gather3A_416 : vector<16xf32>
      %add3A_419 = arith.addf %add3A_405, %mul3A_418 : vector<16xf32>
      %mul3A_420 = arith.mulf %gather3A_417, %gather3A_417 : vector<16xf32>
      %add3A_421 = arith.addf %add3A_407, %mul3A_420 : vector<16xf32>
      %mul3A_422 = arith.mulf %gather3A_416, %gather3A_416 : vector<16xf32>
      %add3A_423 = arith.addf %add3A_409, %mul3A_422 : vector<16xf32>
      %add3A_424 = arith.constant 1 : i32
      %add3A_425 = vector.broadcast %add3A_424 : i32 to vector<16xi32>
      %add3A_426 = arith.addi %and3A_415, %add3A_425 : vector<16xi32>
      %and3A_427 = arith.constant 31 : i32
      %and3A_428 = vector.broadcast %and3A_427 : i32 to vector<16xi32>
      %and3A_429 = arith.andi %add3A_426, %and3A_428 : vector<16xi32>
      %gather3A_430 = tpu.vector_load_idx %arg8[%add3A_103, %and3A_429] : memref<512x32xf32, #tpu.memory_space<vmem>>[vector<16xi32>, vector<16xi32>], vector<16xf32>,
      %gather3A_431 = tpu.vector_load_idx %arg7[%and3A_429, %add3A_103] : memref<32x512xf32, #tpu.memory_space<vmem>>[vector<16xi32>, vector<16xi32>], vector<16xf32>,
      %mul3A_432 = arith.mulf %gather3A_431, %gather3A_430 : vector<16xf32>
      %add3A_433 = arith.addf %add3A_419, %mul3A_432 : vector<16xf32>
      %mul3A_434 = arith.mulf %gather3A_431, %gather3A_431 : vector<16xf32>
      %add3A_435 = arith.addf %add3A_421, %mul3A_434 : vector<16xf32>
      %mul3A_436 = arith.mulf %gather3A_430, %gather3A_430 : vector<16xf32>
      %add3A_437 = arith.addf %add3A_423, %mul3A_436 : vector<16xf32>
      %add3A_438 = arith.constant 1 : i32
      %add3A_439 = vector.broadcast %add3A_438 : i32 to vector<16xi32>
      %add3A_440 = arith.addi %and3A_429, %add3A_439 : vector<16xi32>
      %and3A_441 = arith.constant 31 : i32
      %and3A_442 = vector.broadcast %and3A_441 : i32 to vector<16xi32>
      %and3A_443 = arith.andi %add3A_440, %and3A_442 : vector<16xi32>
      %gather3A_444 = tpu.vector_load_idx %arg8[%add3A_103, %and3A_443] : memref<512x32xf32, #tpu.memory_space<vmem>>[vector<16xi32>, vector<16xi32>], vector<16xf32>,
      %gather3A_445 = tpu.vector_load_idx %arg7[%and3A_443, %add3A_103] : memref<32x512xf32, #tpu.memory_space<vmem>>[vector<16xi32>, vector<16xi32>], vector<16xf32>,
      %mul3A_446 = arith.mulf %gather3A_445, %gather3A_444 : vector<16xf32>
      %add3A_447 = arith.addf %add3A_433, %mul3A_446 : vector<16xf32>
      %mul3A_448 = arith.mulf %gather3A_445, %gather3A_445 : vector<16xf32>
      %add3A_449 = arith.addf %add3A_435, %mul3A_448 : vector<16xf32>
      %mul3A_450 = arith.mulf %gather3A_444, %gather3A_444 : vector<16xf32>
      %add3A_451 = arith.addf %add3A_437, %mul3A_450 : vector<16xf32>
      %add3A_452 = arith.constant 1 : i32
      %add3A_453 = vector.broadcast %add3A_452 : i32 to vector<16xi32>
      %add3A_454 = arith.addi %and3A_443, %add3A_453 : vector<16xi32>
      %and3A_455 = arith.constant 31 : i32
      %and3A_456 = vector.broadcast %and3A_455 : i32 to vector<16xi32>
      %and3A_457 = arith.andi %add3A_454, %and3A_456 : vector<16xi32>
      %gather3A_458 = tpu.vector_load_idx %arg8[%add3A_103, %and3A_457] : memref<512x32xf32, #tpu.memory_space<vmem>>[vector<16xi32>, vector<16xi32>], vector<16xf32>,
      %gather3A_459 = tpu.vector_load_idx %arg7[%and3A_457, %add3A_103] : memref<32x512xf32, #tpu.memory_space<vmem>>[vector<16xi32>, vector<16xi32>], vector<16xf32>,
      %mul3A_460 = arith.mulf %gather3A_459, %gather3A_458 : vector<16xf32>
      %add3A_461 = arith.addf %add3A_447, %mul3A_460 : vector<16xf32>
      %mul3A_462 = arith.mulf %gather3A_459, %gather3A_459 : vector<16xf32>
      %add3A_463 = arith.addf %add3A_449, %mul3A_462 : vector<16xf32>
      %mul3A_464 = arith.mulf %gather3A_458, %gather3A_458 : vector<16xf32>
      %add3A_465 = arith.addf %add3A_451, %mul3A_464 : vector<16xf32>
      %add3A_466 = arith.constant 1 : i32
      %add3A_467 = vector.broadcast %add3A_466 : i32 to vector<16xi32>
      %add3A_468 = arith.addi %and3A_457, %add3A_467 : vector<16xi32>
      %and3A_469 = arith.constant 31 : i32
      %and3A_470 = vector.broadcast %and3A_469 : i32 to vector<16xi32>
      %and3A_471 = arith.andi %add3A_468, %and3A_470 : vector<16xi32>
      %gather3A_472 = tpu.vector_load_idx %arg8[%add3A_103, %and3A_471] : memref<512x32xf32, #tpu.memory_space<vmem>>[vector<16xi32>, vector<16xi32>], vector<16xf32>,
      %gather3A_473 = tpu.vector_load_idx %arg7[%and3A_471, %add3A_103] : memref<32x512xf32, #tpu.memory_space<vmem>>[vector<16xi32>, vector<16xi32>], vector<16xf32>,
      %mul3A_474 = arith.mulf %gather3A_473, %gather3A_472 : vector<16xf32>
      %add3A_475 = arith.addf %add3A_461, %mul3A_474 : vector<16xf32>
      %mul3A_476 = arith.mulf %gather3A_473, %gather3A_473 : vector<16xf32>
      %add3A_477 = arith.addf %add3A_463, %mul3A_476 : vector<16xf32>
      %mul3A_478 = arith.mulf %gather3A_472, %gather3A_472 : vector<16xf32>
      %add3A_479 = arith.addf %add3A_465, %mul3A_478 : vector<16xf32>
      %add3A_480 = arith.constant 1 : i32
      %add3A_481 = vector.broadcast %add3A_480 : i32 to vector<16xi32>
      %add3A_482 = arith.addi %and3A_471, %add3A_481 : vector<16xi32>
      %and3A_483 = arith.constant 31 : i32
      %and3A_484 = vector.broadcast %and3A_483 : i32 to vector<16xi32>
      %and3A_485 = arith.andi %add3A_482, %and3A_484 : vector<16xi32>
      %gather3A_486 = tpu.vector_load_idx %arg8[%add3A_103, %and3A_485] : memref<512x32xf32, #tpu.memory_space<vmem>>[vector<16xi32>, vector<16xi32>], vector<16xf32>,
      %gather3A_487 = tpu.vector_load_idx %arg7[%and3A_485, %add3A_103] : memref<32x512xf32, #tpu.memory_space<vmem>>[vector<16xi32>, vector<16xi32>], vector<16xf32>,
      %mul3A_488 = arith.mulf %gather3A_487, %gather3A_486 : vector<16xf32>
      %add3A_489 = arith.addf %add3A_475, %mul3A_488 : vector<16xf32>
      %mul3A_490 = arith.mulf %gather3A_487, %gather3A_487 : vector<16xf32>
      %add3A_491 = arith.addf %add3A_477, %mul3A_490 : vector<16xf32>
      %mul3A_492 = arith.mulf %gather3A_486, %gather3A_486 : vector<16xf32>
      %add3A_493 = arith.addf %add3A_479, %mul3A_492 : vector<16xf32>
      %add3A_494 = arith.constant 1 : i32
      %add3A_495 = vector.broadcast %add3A_494 : i32 to vector<16xi32>
      %add3A_496 = arith.addi %and3A_485, %add3A_495 : vector<16xi32>
      %and3A_497 = arith.constant 31 : i32
      %and3A_498 = vector.broadcast %and3A_497 : i32 to vector<16xi32>
      %and3A_499 = arith.andi %add3A_496, %and3A_498 : vector<16xi32>
      %gather3A_500 = tpu.vector_load_idx %arg8[%add3A_103, %and3A_499] : memref<512x32xf32, #tpu.memory_space<vmem>>[vector<16xi32>, vector<16xi32>], vector<16xf32>,
      %gather3A_501 = tpu.vector_load_idx %arg7[%and3A_499, %add3A_103] : memref<32x512xf32, #tpu.memory_space<vmem>>[vector<16xi32>, vector<16xi32>], vector<16xf32>,
      %mul3A_502 = arith.mulf %gather3A_501, %gather3A_500 : vector<16xf32>
      %add3A_503 = arith.addf %add3A_489, %mul3A_502 : vector<16xf32>
      %mul3A_504 = arith.mulf %gather3A_501, %gather3A_501 : vector<16xf32>
      %add3A_505 = arith.addf %add3A_491, %mul3A_504 : vector<16xf32>
      %mul3A_506 = arith.mulf %gather3A_500, %gather3A_500 : vector<16xf32>
      %add3A_507 = arith.addf %add3A_493, %mul3A_506 : vector<16xf32>
      %add3A_508 = arith.constant 1 : i32
      %add3A_509 = vector.broadcast %add3A_508 : i32 to vector<16xi32>
      %add3A_510 = arith.addi %and3A_499, %add3A_509 : vector<16xi32>
      %and3A_511 = arith.constant 31 : i32
      %and3A_512 = vector.broadcast %and3A_511 : i32 to vector<16xi32>
      %and3A_513 = arith.andi %add3A_510, %and3A_512 : vector<16xi32>
      %gather3A_514 = tpu.vector_load_idx %arg8[%add3A_103, %and3A_513] : memref<512x32xf32, #tpu.memory_space<vmem>>[vector<16xi32>, vector<16xi32>], vector<16xf32>,
      %gather3A_515 = tpu.vector_load_idx %arg7[%and3A_513, %add3A_103] : memref<32x512xf32, #tpu.memory_space<vmem>>[vector<16xi32>, vector<16xi32>], vector<16xf32>,
      %mul3A_516 = arith.mulf %gather3A_515, %gather3A_514 : vector<16xf32>
      %add3A_517 = arith.addf %add3A_503, %mul3A_516 : vector<16xf32>
      %mul3A_518 = arith.mulf %gather3A_515, %gather3A_515 : vector<16xf32>
      %add3A_519 = arith.addf %add3A_505, %mul3A_518 : vector<16xf32>
      %mul3A_520 = arith.mulf %gather3A_514, %gather3A_514 : vector<16xf32>
      %add3A_521 = arith.addf %add3A_507, %mul3A_520 : vector<16xf32>
      %add3A_522 = arith.constant 1 : i32
      %add3A_523 = vector.broadcast %add3A_522 : i32 to vector<16xi32>
      %add3A_524 = arith.addi %and3A_513, %add3A_523 : vector<16xi32>
      %and3A_525 = arith.constant 31 : i32
      %and3A_526 = vector.broadcast %and3A_525 : i32 to vector<16xi32>
      %and3A_527 = arith.andi %add3A_524, %and3A_526 : vector<16xi32>
      %gather3A_528 = tpu.vector_load_idx %arg8[%add3A_103, %and3A_527] : memref<512x32xf32, #tpu.memory_space<vmem>>[vector<16xi32>, vector<16xi32>], vector<16xf32>,
      %gather3A_529 = tpu.vector_load_idx %arg7[%and3A_527, %add3A_103] : memref<32x512xf32, #tpu.memory_space<vmem>>[vector<16xi32>, vector<16xi32>], vector<16xf32>,
      %mul3A_530 = arith.mulf %gather3A_529, %gather3A_528 : vector<16xf32>
      %add3A_531 = arith.addf %add3A_517, %mul3A_530 : vector<16xf32>
      %mul3A_532 = arith.mulf %gather3A_529, %gather3A_529 : vector<16xf32>
      %add3A_533 = arith.addf %add3A_519, %mul3A_532 : vector<16xf32>
      %mul3A_534 = arith.mulf %gather3A_528, %gather3A_528 : vector<16xf32>
      %add3A_535 = arith.addf %add3A_521, %mul3A_534 : vector<16xf32>
      %add3A_536 = arith.constant 1 : i32
      %add3A_537 = vector.broadcast %add3A_536 : i32 to vector<16xi32>
      %add3A_538 = arith.addi %and3A_527, %add3A_537 : vector<16xi32>
      %and3A_539 = arith.constant 31 : i32
      %and3A_540 = vector.broadcast %and3A_539 : i32 to vector<16xi32>
      %and3A_541 = arith.andi %add3A_538, %and3A_540 : vector<16xi32>
      %gather3A_542 = tpu.vector_load_idx %arg8[%add3A_103, %and3A_541] : memref<512x32xf32, #tpu.memory_space<vmem>>[vector<16xi32>, vector<16xi32>], vector<16xf32>,
      %gather3A_543 = tpu.vector_load_idx %arg7[%and3A_541, %add3A_103] : memref<32x512xf32, #tpu.memory_space<vmem>>[vector<16xi32>, vector<16xi32>], vector<16xf32>,
      %mul3A_544 = arith.mulf %gather3A_543, %gather3A_542 : vector<16xf32>
      %add3A_545 = arith.addf %add3A_531, %mul3A_544 : vector<16xf32>
      %mul3A_546 = arith.mulf %gather3A_543, %gather3A_543 : vector<16xf32>
      %add3A_547 = arith.addf %add3A_533, %mul3A_546 : vector<16xf32>
      %mul3A_548 = arith.mulf %gather3A_542, %gather3A_542 : vector<16xf32>
      %add3A_549 = arith.addf %add3A_535, %mul3A_548 : vector<16xf32>
      %bitcast_convert_type3A = tpu.bitcast %add3A_547 : vector<16xf32> -> vector<16xi32>
      %shift_right_logical3A = arith.constant 1 : i32
      %shift_right_logical3A_550 = vector.broadcast %shift_right_logical3A : i32 to vector<16xi32>
      %shift_right_logical3A_551 = arith.shrui %bitcast_convert_type3A, %shift_right_logical3A_550 : vector<16xi32>
      %sub3A = arith.constant 1597463007 : i32
      %sub3A_552 = vector.broadcast %sub3A : i32 to vector<16xi32>
      %sub3A_553 = arith.subi %sub3A_552, %shift_right_logical3A_551 : vector<16xi32>
      %bitcast_convert_type3A_554 = tpu.bitcast %sub3A_553 : vector<16xi32> -> vector<16xf32>
      %mul3A_555 = arith.constant 5.000000e-01 : f32
      %mul3A_556 = vector.broadcast %mul3A_555 : f32 to vector<16xf32>
      %mul3A_557 = arith.mulf %mul3A_556, %add3A_547 : vector<16xf32>
      %mul3A_558 = arith.mulf %mul3A_557, %bitcast_convert_type3A_554 : vector<16xf32>
      %mul3A_559 = arith.mulf %mul3A_558, %bitcast_convert_type3A_554 : vector<16xf32>
      %sub3A_560 = arith.constant 1.500000e+00 : f32
      %sub3A_561 = vector.broadcast %sub3A_560 : f32 to vector<16xf32>
      %sub3A_562 = arith.subf %sub3A_561, %mul3A_559 : vector<16xf32>
      %mul3A_563 = arith.mulf %bitcast_convert_type3A_554, %sub3A_562 : vector<16xf32>
      %mul3A_564 = arith.constant 5.000000e-01 : f32
      %mul3A_565 = vector.broadcast %mul3A_564 : f32 to vector<16xf32>
      %mul3A_566 = arith.mulf %mul3A_565, %add3A_547 : vector<16xf32>
      %mul3A_567 = arith.mulf %mul3A_566, %mul3A_563 : vector<16xf32>
      %mul3A_568 = arith.mulf %mul3A_567, %mul3A_563 : vector<16xf32>
      %sub3A_569 = arith.constant 1.500000e+00 : f32
      %sub3A_570 = vector.broadcast %sub3A_569 : f32 to vector<16xf32>
      %sub3A_571 = arith.subf %sub3A_570, %mul3A_568 : vector<16xf32>
      %mul3A_572 = arith.mulf %mul3A_563, %sub3A_571 : vector<16xf32>
      %mul3A_573 = arith.constant 5.000000e-01 : f32
      %mul3A_574 = vector.broadcast %mul3A_573 : f32 to vector<16xf32>
      %mul3A_575 = arith.mulf %mul3A_574, %add3A_547 : vector<16xf32>
      %mul3A_576 = arith.mulf %mul3A_575, %mul3A_572 : vector<16xf32>
      %mul3A_577 = arith.mulf %mul3A_576, %mul3A_572 : vector<16xf32>
      %sub3A_578 = arith.constant 1.500000e+00 : f32
      %sub3A_579 = vector.broadcast %sub3A_578 : f32 to vector<16xf32>
      %sub3A_580 = arith.subf %sub3A_579, %mul3A_577 : vector<16xf32>
      %mul3A_581 = arith.mulf %mul3A_572, %sub3A_580 : vector<16xf32>
      %mul3A_582 = arith.mulf %add3A_547, %mul3A_581 : vector<16xf32>
      %bitcast_convert_type3A_583 = tpu.bitcast %add3A_549 : vector<16xf32> -> vector<16xi32>
      %shift_right_logical3A_584 = arith.constant 1 : i32
      %shift_right_logical3A_585 = vector.broadcast %shift_right_logical3A_584 : i32 to vector<16xi32>
      %shift_right_logical3A_586 = arith.shrui %bitcast_convert_type3A_583, %shift_right_logical3A_585 : vector<16xi32>
      %sub3A_587 = arith.constant 1597463007 : i32
      %sub3A_588 = vector.broadcast %sub3A_587 : i32 to vector<16xi32>
      %sub3A_589 = arith.subi %sub3A_588, %shift_right_logical3A_586 : vector<16xi32>
      %bitcast_convert_type3A_590 = tpu.bitcast %sub3A_589 : vector<16xi32> -> vector<16xf32>
      %mul3A_591 = arith.constant 5.000000e-01 : f32
      %mul3A_592 = vector.broadcast %mul3A_591 : f32 to vector<16xf32>
      %mul3A_593 = arith.mulf %mul3A_592, %add3A_549 : vector<16xf32>
      %mul3A_594 = arith.mulf %mul3A_593, %bitcast_convert_type3A_590 : vector<16xf32>
      %mul3A_595 = arith.mulf %mul3A_594, %bitcast_convert_type3A_590 : vector<16xf32>
      %sub3A_596 = arith.constant 1.500000e+00 : f32
      %sub3A_597 = vector.broadcast %sub3A_596 : f32 to vector<16xf32>
      %sub3A_598 = arith.subf %sub3A_597, %mul3A_595 : vector<16xf32>
      %mul3A_599 = arith.mulf %bitcast_convert_type3A_590, %sub3A_598 : vector<16xf32>
      %mul3A_600 = arith.constant 5.000000e-01 : f32
      %mul3A_601 = vector.broadcast %mul3A_600 : f32 to vector<16xf32>
      %mul3A_602 = arith.mulf %mul3A_601, %add3A_549 : vector<16xf32>
      %mul3A_603 = arith.mulf %mul3A_602, %mul3A_599 : vector<16xf32>
      %mul3A_604 = arith.mulf %mul3A_603, %mul3A_599 : vector<16xf32>
      %sub3A_605 = arith.constant 1.500000e+00 : f32
      %sub3A_606 = vector.broadcast %sub3A_605 : f32 to vector<16xf32>
      %sub3A_607 = arith.subf %sub3A_606, %mul3A_604 : vector<16xf32>
      %mul3A_608 = arith.mulf %mul3A_599, %sub3A_607 : vector<16xf32>
      %mul3A_609 = arith.constant 5.000000e-01 : f32
      %mul3A_610 = vector.broadcast %mul3A_609 : f32 to vector<16xf32>
      %mul3A_611 = arith.mulf %mul3A_610, %add3A_549 : vector<16xf32>
      %mul3A_612 = arith.mulf %mul3A_611, %mul3A_608 : vector<16xf32>
      %mul3A_613 = arith.mulf %mul3A_612, %mul3A_608 : vector<16xf32>
      %sub3A_614 = arith.constant 1.500000e+00 : f32
      %sub3A_615 = vector.broadcast %sub3A_614 : f32 to vector<16xf32>
      %sub3A_616 = arith.subf %sub3A_615, %mul3A_613 : vector<16xf32>
      %mul3A_617 = arith.mulf %mul3A_608, %sub3A_616 : vector<16xf32>
      %mul3A_618 = arith.mulf %add3A_549, %mul3A_617 : vector<16xf32>
      %max3A = arith.constant 9.99999996E-13 : f32
      %max3A_619 = vector.broadcast %max3A : f32 to vector<16xf32>
      %max3A_620 = arith.maximumf %mul3A_582, %max3A_619 : vector<16xf32>
      %div3A = arith.constant 1.000000e+00 : f32
      %div3A_621 = vector.broadcast %div3A : f32 to vector<16xf32>
      %div3A_622 = arith.divf %div3A_621, %max3A_620 : vector<16xf32>
      %max3A_623 = arith.constant 9.99999996E-13 : f32
      %max3A_624 = vector.broadcast %max3A_623 : f32 to vector<16xf32>
      %max3A_625 = arith.maximumf %mul3A_618, %max3A_624 : vector<16xf32>
      %div3A_626 = arith.divf %div3A_622, %max3A_625 : vector<16xf32>
      %mul3A_627 = arith.mulf %add3A_545, %div3A_626 : vector<16xf32>
      %add3A_628 = arith.addf %scan3A_99, %mul3A_627 : vector<16xf32>
      scf.yield %add3A_628 : vector<16xf32>
    }
    %scan3A_54 = arith.constant 8 : i32
    %dma_wait3A_55 = arith.constant 128 : i32
    %dma_wait3A_56 = arith.constant 0 : i32
    %dma_wait3A_57 = tpu.memref_slice %arg8[%dma_wait3A_55, %dma_wait3A_56] : memref<512x32xf32, #tpu.memory_space<vmem>> -> memref<128x32xf32, #tpu.memory_space<vmem>>
    %dma_wait3A_58 = arith.constant 128 : i32
    %dma_wait3A_59 = tpu.memref_slice %arg6[%dma_wait3A_58] : memref<512xi32, #tpu.memory_space<vmem>> -> memref<128xi32, #tpu.memory_space<vmem>>
    %dma_wait3A_60 = arith.constant 0 : i32
    %dma_wait3A_61 = arith.constant 0 : i32
    %dma_wait3A_62 = tpu.memref_slice %arg4[%dma_wait3A_60, %dma_wait3A_61] : memref<100000x32xf32, #tpu.memory_space<hbm>> -> memref<100000x32xf32, #tpu.memory_space<hbm>>
    tpu.wait_indirect_dma semaphore(%arg12 : memref<!tpu.dma_semaphore, #tpu.memory_space<semaphore_mem>>) src(%dma_wait3A_62 : memref<100000x32xf32, #tpu.memory_space<hbm>>) dst(%dma_wait3A_57 : memref<128x32xf32, #tpu.memory_space<vmem>>)
    %scan3A_63 = arith.constant 8 : i32
    %scan3A_64 = arith.constant 8 : i32
    %scan3A_65 = arith.addi %scan3A_63, %scan3A_64 : i32
    %scan3A_66 = arith.constant 1 : i32
    %scan3A_67 = scf.for %scan3A_98 = %scan3A_63 to %scan3A_65 step %scan3A_66 iter_args(%scan3A_99 = %scan3A_53) -> (vector<16xf32>)  : i32 {
      %mul3A_100 = arith.constant 16 : i32
      %mul3A_101 = arith.muli %scan3A_98, %mul3A_100 : i32
      %add3A_102 = vector.broadcast %mul3A_101 : i32 to vector<16xi32>
      %add3A_103 = arith.addi %add3A_102, %iota3A : vector<16xi32>
      %broadcast_in_dim3A_104 = arith.constant 0.000000e+00 : f32
      %broadcast_in_dim3A_105 = vector.broadcast %broadcast_in_dim3A_104 : f32 to vector<16xf32>
      %broadcast_in_dim3A_106 = arith.constant 0.000000e+00 : f32
      %broadcast_in_dim3A_107 = vector.broadcast %broadcast_in_dim3A_106 : f32 to vector<16xf32>
      %broadcast_in_dim3A_108 = arith.constant 0.000000e+00 : f32
      %broadcast_in_dim3A_109 = vector.broadcast %broadcast_in_dim3A_108 : f32 to vector<16xf32>
      %gather3A = tpu.vector_load_idx %arg8[%add3A_103, %iota3A] : memref<512x32xf32, #tpu.memory_space<vmem>>[vector<16xi32>, vector<16xi32>], vector<16xf32>,
      %gather3A_110 = tpu.vector_load_idx %arg7[%iota3A, %add3A_103] : memref<32x512xf32, #tpu.memory_space<vmem>>[vector<16xi32>, vector<16xi32>], vector<16xf32>,
      %mul3A_111 = arith.mulf %gather3A_110, %gather3A : vector<16xf32>
      %add3A_112 = arith.addf %broadcast_in_dim3A_105, %mul3A_111 : vector<16xf32>
      %mul3A_113 = arith.mulf %gather3A_110, %gather3A_110 : vector<16xf32>
      %add3A_114 = arith.addf %broadcast_in_dim3A_107, %mul3A_113 : vector<16xf32>
      %mul3A_115 = arith.mulf %gather3A, %gather3A : vector<16xf32>
      %add3A_116 = arith.addf %broadcast_in_dim3A_109, %mul3A_115 : vector<16xf32>
      %add3A_117 = arith.constant 1 : i32
      %add3A_118 = vector.broadcast %add3A_117 : i32 to vector<16xi32>
      %add3A_119 = arith.addi %iota3A, %add3A_118 : vector<16xi32>
      %and3A = arith.constant 31 : i32
      %and3A_120 = vector.broadcast %and3A : i32 to vector<16xi32>
      %and3A_121 = arith.andi %add3A_119, %and3A_120 : vector<16xi32>
      %gather3A_122 = tpu.vector_load_idx %arg8[%add3A_103, %and3A_121] : memref<512x32xf32, #tpu.memory_space<vmem>>[vector<16xi32>, vector<16xi32>], vector<16xf32>,
      %gather3A_123 = tpu.vector_load_idx %arg7[%and3A_121, %add3A_103] : memref<32x512xf32, #tpu.memory_space<vmem>>[vector<16xi32>, vector<16xi32>], vector<16xf32>,
      %mul3A_124 = arith.mulf %gather3A_123, %gather3A_122 : vector<16xf32>
      %add3A_125 = arith.addf %add3A_112, %mul3A_124 : vector<16xf32>
      %mul3A_126 = arith.mulf %gather3A_123, %gather3A_123 : vector<16xf32>
      %add3A_127 = arith.addf %add3A_114, %mul3A_126 : vector<16xf32>
      %mul3A_128 = arith.mulf %gather3A_122, %gather3A_122 : vector<16xf32>
      %add3A_129 = arith.addf %add3A_116, %mul3A_128 : vector<16xf32>
      %add3A_130 = arith.constant 1 : i32
      %add3A_131 = vector.broadcast %add3A_130 : i32 to vector<16xi32>
      %add3A_132 = arith.addi %and3A_121, %add3A_131 : vector<16xi32>
      %and3A_133 = arith.constant 31 : i32
      %and3A_134 = vector.broadcast %and3A_133 : i32 to vector<16xi32>
      %and3A_135 = arith.andi %add3A_132, %and3A_134 : vector<16xi32>
      %gather3A_136 = tpu.vector_load_idx %arg8[%add3A_103, %and3A_135] : memref<512x32xf32, #tpu.memory_space<vmem>>[vector<16xi32>, vector<16xi32>], vector<16xf32>,
      %gather3A_137 = tpu.vector_load_idx %arg7[%and3A_135, %add3A_103] : memref<32x512xf32, #tpu.memory_space<vmem>>[vector<16xi32>, vector<16xi32>], vector<16xf32>,
      %mul3A_138 = arith.mulf %gather3A_137, %gather3A_136 : vector<16xf32>
      %add3A_139 = arith.addf %add3A_125, %mul3A_138 : vector<16xf32>
      %mul3A_140 = arith.mulf %gather3A_137, %gather3A_137 : vector<16xf32>
      %add3A_141 = arith.addf %add3A_127, %mul3A_140 : vector<16xf32>
      %mul3A_142 = arith.mulf %gather3A_136, %gather3A_136 : vector<16xf32>
      %add3A_143 = arith.addf %add3A_129, %mul3A_142 : vector<16xf32>
      %add3A_144 = arith.constant 1 : i32
      %add3A_145 = vector.broadcast %add3A_144 : i32 to vector<16xi32>
      %add3A_146 = arith.addi %and3A_135, %add3A_145 : vector<16xi32>
      %and3A_147 = arith.constant 31 : i32
      %and3A_148 = vector.broadcast %and3A_147 : i32 to vector<16xi32>
      %and3A_149 = arith.andi %add3A_146, %and3A_148 : vector<16xi32>
      %gather3A_150 = tpu.vector_load_idx %arg8[%add3A_103, %and3A_149] : memref<512x32xf32, #tpu.memory_space<vmem>>[vector<16xi32>, vector<16xi32>], vector<16xf32>,
      %gather3A_151 = tpu.vector_load_idx %arg7[%and3A_149, %add3A_103] : memref<32x512xf32, #tpu.memory_space<vmem>>[vector<16xi32>, vector<16xi32>], vector<16xf32>,
      %mul3A_152 = arith.mulf %gather3A_151, %gather3A_150 : vector<16xf32>
      %add3A_153 = arith.addf %add3A_139, %mul3A_152 : vector<16xf32>
      %mul3A_154 = arith.mulf %gather3A_151, %gather3A_151 : vector<16xf32>
      %add3A_155 = arith.addf %add3A_141, %mul3A_154 : vector<16xf32>
      %mul3A_156 = arith.mulf %gather3A_150, %gather3A_150 : vector<16xf32>
      %add3A_157 = arith.addf %add3A_143, %mul3A_156 : vector<16xf32>
      %add3A_158 = arith.constant 1 : i32
      %add3A_159 = vector.broadcast %add3A_158 : i32 to vector<16xi32>
      %add3A_160 = arith.addi %and3A_149, %add3A_159 : vector<16xi32>
      %and3A_161 = arith.constant 31 : i32
      %and3A_162 = vector.broadcast %and3A_161 : i32 to vector<16xi32>
      %and3A_163 = arith.andi %add3A_160, %and3A_162 : vector<16xi32>
      %gather3A_164 = tpu.vector_load_idx %arg8[%add3A_103, %and3A_163] : memref<512x32xf32, #tpu.memory_space<vmem>>[vector<16xi32>, vector<16xi32>], vector<16xf32>,
      %gather3A_165 = tpu.vector_load_idx %arg7[%and3A_163, %add3A_103] : memref<32x512xf32, #tpu.memory_space<vmem>>[vector<16xi32>, vector<16xi32>], vector<16xf32>,
      %mul3A_166 = arith.mulf %gather3A_165, %gather3A_164 : vector<16xf32>
      %add3A_167 = arith.addf %add3A_153, %mul3A_166 : vector<16xf32>
      %mul3A_168 = arith.mulf %gather3A_165, %gather3A_165 : vector<16xf32>
      %add3A_169 = arith.addf %add3A_155, %mul3A_168 : vector<16xf32>
      %mul3A_170 = arith.mulf %gather3A_164, %gather3A_164 : vector<16xf32>
      %add3A_171 = arith.addf %add3A_157, %mul3A_170 : vector<16xf32>
      %add3A_172 = arith.constant 1 : i32
      %add3A_173 = vector.broadcast %add3A_172 : i32 to vector<16xi32>
      %add3A_174 = arith.addi %and3A_163, %add3A_173 : vector<16xi32>
      %and3A_175 = arith.constant 31 : i32
      %and3A_176 = vector.broadcast %and3A_175 : i32 to vector<16xi32>
      %and3A_177 = arith.andi %add3A_174, %and3A_176 : vector<16xi32>
      %gather3A_178 = tpu.vector_load_idx %arg8[%add3A_103, %and3A_177] : memref<512x32xf32, #tpu.memory_space<vmem>>[vector<16xi32>, vector<16xi32>], vector<16xf32>,
      %gather3A_179 = tpu.vector_load_idx %arg7[%and3A_177, %add3A_103] : memref<32x512xf32, #tpu.memory_space<vmem>>[vector<16xi32>, vector<16xi32>], vector<16xf32>,
      %mul3A_180 = arith.mulf %gather3A_179, %gather3A_178 : vector<16xf32>
      %add3A_181 = arith.addf %add3A_167, %mul3A_180 : vector<16xf32>
      %mul3A_182 = arith.mulf %gather3A_179, %gather3A_179 : vector<16xf32>
      %add3A_183 = arith.addf %add3A_169, %mul3A_182 : vector<16xf32>
      %mul3A_184 = arith.mulf %gather3A_178, %gather3A_178 : vector<16xf32>
      %add3A_185 = arith.addf %add3A_171, %mul3A_184 : vector<16xf32>
      %add3A_186 = arith.constant 1 : i32
      %add3A_187 = vector.broadcast %add3A_186 : i32 to vector<16xi32>
      %add3A_188 = arith.addi %and3A_177, %add3A_187 : vector<16xi32>
      %and3A_189 = arith.constant 31 : i32
      %and3A_190 = vector.broadcast %and3A_189 : i32 to vector<16xi32>
      %and3A_191 = arith.andi %add3A_188, %and3A_190 : vector<16xi32>
      %gather3A_192 = tpu.vector_load_idx %arg8[%add3A_103, %and3A_191] : memref<512x32xf32, #tpu.memory_space<vmem>>[vector<16xi32>, vector<16xi32>], vector<16xf32>,
      %gather3A_193 = tpu.vector_load_idx %arg7[%and3A_191, %add3A_103] : memref<32x512xf32, #tpu.memory_space<vmem>>[vector<16xi32>, vector<16xi32>], vector<16xf32>,
      %mul3A_194 = arith.mulf %gather3A_193, %gather3A_192 : vector<16xf32>
      %add3A_195 = arith.addf %add3A_181, %mul3A_194 : vector<16xf32>
      %mul3A_196 = arith.mulf %gather3A_193, %gather3A_193 : vector<16xf32>
      %add3A_197 = arith.addf %add3A_183, %mul3A_196 : vector<16xf32>
      %mul3A_198 = arith.mulf %gather3A_192, %gather3A_192 : vector<16xf32>
      %add3A_199 = arith.addf %add3A_185, %mul3A_198 : vector<16xf32>
      %add3A_200 = arith.constant 1 : i32
      %add3A_201 = vector.broadcast %add3A_200 : i32 to vector<16xi32>
      %add3A_202 = arith.addi %and3A_191, %add3A_201 : vector<16xi32>
      %and3A_203 = arith.constant 31 : i32
      %and3A_204 = vector.broadcast %and3A_203 : i32 to vector<16xi32>
      %and3A_205 = arith.andi %add3A_202, %and3A_204 : vector<16xi32>
      %gather3A_206 = tpu.vector_load_idx %arg8[%add3A_103, %and3A_205] : memref<512x32xf32, #tpu.memory_space<vmem>>[vector<16xi32>, vector<16xi32>], vector<16xf32>,
      %gather3A_207 = tpu.vector_load_idx %arg7[%and3A_205, %add3A_103] : memref<32x512xf32, #tpu.memory_space<vmem>>[vector<16xi32>, vector<16xi32>], vector<16xf32>,
      %mul3A_208 = arith.mulf %gather3A_207, %gather3A_206 : vector<16xf32>
      %add3A_209 = arith.addf %add3A_195, %mul3A_208 : vector<16xf32>
      %mul3A_210 = arith.mulf %gather3A_207, %gather3A_207 : vector<16xf32>
      %add3A_211 = arith.addf %add3A_197, %mul3A_210 : vector<16xf32>
      %mul3A_212 = arith.mulf %gather3A_206, %gather3A_206 : vector<16xf32>
      %add3A_213 = arith.addf %add3A_199, %mul3A_212 : vector<16xf32>
      %add3A_214 = arith.constant 1 : i32
      %add3A_215 = vector.broadcast %add3A_214 : i32 to vector<16xi32>
      %add3A_216 = arith.addi %and3A_205, %add3A_215 : vector<16xi32>
      %and3A_217 = arith.constant 31 : i32
      %and3A_218 = vector.broadcast %and3A_217 : i32 to vector<16xi32>
      %and3A_219 = arith.andi %add3A_216, %and3A_218 : vector<16xi32>
      %gather3A_220 = tpu.vector_load_idx %arg8[%add3A_103, %and3A_219] : memref<512x32xf32, #tpu.memory_space<vmem>>[vector<16xi32>, vector<16xi32>], vector<16xf32>,
      %gather3A_221 = tpu.vector_load_idx %arg7[%and3A_219, %add3A_103] : memref<32x512xf32, #tpu.memory_space<vmem>>[vector<16xi32>, vector<16xi32>], vector<16xf32>,
      %mul3A_222 = arith.mulf %gather3A_221, %gather3A_220 : vector<16xf32>
      %add3A_223 = arith.addf %add3A_209, %mul3A_222 : vector<16xf32>
      %mul3A_224 = arith.mulf %gather3A_221, %gather3A_221 : vector<16xf32>
      %add3A_225 = arith.addf %add3A_211, %mul3A_224 : vector<16xf32>
      %mul3A_226 = arith.mulf %gather3A_220, %gather3A_220 : vector<16xf32>
      %add3A_227 = arith.addf %add3A_213, %mul3A_226 : vector<16xf32>
      %add3A_228 = arith.constant 1 : i32
      %add3A_229 = vector.broadcast %add3A_228 : i32 to vector<16xi32>
      %add3A_230 = arith.addi %and3A_219, %add3A_229 : vector<16xi32>
      %and3A_231 = arith.constant 31 : i32
      %and3A_232 = vector.broadcast %and3A_231 : i32 to vector<16xi32>
      %and3A_233 = arith.andi %add3A_230, %and3A_232 : vector<16xi32>
      %gather3A_234 = tpu.vector_load_idx %arg8[%add3A_103, %and3A_233] : memref<512x32xf32, #tpu.memory_space<vmem>>[vector<16xi32>, vector<16xi32>], vector<16xf32>,
      %gather3A_235 = tpu.vector_load_idx %arg7[%and3A_233, %add3A_103] : memref<32x512xf32, #tpu.memory_space<vmem>>[vector<16xi32>, vector<16xi32>], vector<16xf32>,
      %mul3A_236 = arith.mulf %gather3A_235, %gather3A_234 : vector<16xf32>
      %add3A_237 = arith.addf %add3A_223, %mul3A_236 : vector<16xf32>
      %mul3A_238 = arith.mulf %gather3A_235, %gather3A_235 : vector<16xf32>
      %add3A_239 = arith.addf %add3A_225, %mul3A_238 : vector<16xf32>
      %mul3A_240 = arith.mulf %gather3A_234, %gather3A_234 : vector<16xf32>
      %add3A_241 = arith.addf %add3A_227, %mul3A_240 : vector<16xf32>
      %add3A_242 = arith.constant 1 : i32
      %add3A_243 = vector.broadcast %add3A_242 : i32 to vector<16xi32>
      %add3A_244 = arith.addi %and3A_233, %add3A_243 : vector<16xi32>
      %and3A_245 = arith.constant 31 : i32
      %and3A_246 = vector.broadcast %and3A_245 : i32 to vector<16xi32>
      %and3A_247 = arith.andi %add3A_244, %and3A_246 : vector<16xi32>
      %gather3A_248 = tpu.vector_load_idx %arg8[%add3A_103, %and3A_247] : memref<512x32xf32, #tpu.memory_space<vmem>>[vector<16xi32>, vector<16xi32>], vector<16xf32>,
      %gather3A_249 = tpu.vector_load_idx %arg7[%and3A_247, %add3A_103] : memref<32x512xf32, #tpu.memory_space<vmem>>[vector<16xi32>, vector<16xi32>], vector<16xf32>,
      %mul3A_250 = arith.mulf %gather3A_249, %gather3A_248 : vector<16xf32>
      %add3A_251 = arith.addf %add3A_237, %mul3A_250 : vector<16xf32>
      %mul3A_252 = arith.mulf %gather3A_249, %gather3A_249 : vector<16xf32>
      %add3A_253 = arith.addf %add3A_239, %mul3A_252 : vector<16xf32>
      %mul3A_254 = arith.mulf %gather3A_248, %gather3A_248 : vector<16xf32>
      %add3A_255 = arith.addf %add3A_241, %mul3A_254 : vector<16xf32>
      %add3A_256 = arith.constant 1 : i32
      %add3A_257 = vector.broadcast %add3A_256 : i32 to vector<16xi32>
      %add3A_258 = arith.addi %and3A_247, %add3A_257 : vector<16xi32>
      %and3A_259 = arith.constant 31 : i32
      %and3A_260 = vector.broadcast %and3A_259 : i32 to vector<16xi32>
      %and3A_261 = arith.andi %add3A_258, %and3A_260 : vector<16xi32>
      %gather3A_262 = tpu.vector_load_idx %arg8[%add3A_103, %and3A_261] : memref<512x32xf32, #tpu.memory_space<vmem>>[vector<16xi32>, vector<16xi32>], vector<16xf32>,
      %gather3A_263 = tpu.vector_load_idx %arg7[%and3A_261, %add3A_103] : memref<32x512xf32, #tpu.memory_space<vmem>>[vector<16xi32>, vector<16xi32>], vector<16xf32>,
      %mul3A_264 = arith.mulf %gather3A_263, %gather3A_262 : vector<16xf32>
      %add3A_265 = arith.addf %add3A_251, %mul3A_264 : vector<16xf32>
      %mul3A_266 = arith.mulf %gather3A_263, %gather3A_263 : vector<16xf32>
      %add3A_267 = arith.addf %add3A_253, %mul3A_266 : vector<16xf32>
      %mul3A_268 = arith.mulf %gather3A_262, %gather3A_262 : vector<16xf32>
      %add3A_269 = arith.addf %add3A_255, %mul3A_268 : vector<16xf32>
      %add3A_270 = arith.constant 1 : i32
      %add3A_271 = vector.broadcast %add3A_270 : i32 to vector<16xi32>
      %add3A_272 = arith.addi %and3A_261, %add3A_271 : vector<16xi32>
      %and3A_273 = arith.constant 31 : i32
      %and3A_274 = vector.broadcast %and3A_273 : i32 to vector<16xi32>
      %and3A_275 = arith.andi %add3A_272, %and3A_274 : vector<16xi32>
      %gather3A_276 = tpu.vector_load_idx %arg8[%add3A_103, %and3A_275] : memref<512x32xf32, #tpu.memory_space<vmem>>[vector<16xi32>, vector<16xi32>], vector<16xf32>,
      %gather3A_277 = tpu.vector_load_idx %arg7[%and3A_275, %add3A_103] : memref<32x512xf32, #tpu.memory_space<vmem>>[vector<16xi32>, vector<16xi32>], vector<16xf32>,
      %mul3A_278 = arith.mulf %gather3A_277, %gather3A_276 : vector<16xf32>
      %add3A_279 = arith.addf %add3A_265, %mul3A_278 : vector<16xf32>
      %mul3A_280 = arith.mulf %gather3A_277, %gather3A_277 : vector<16xf32>
      %add3A_281 = arith.addf %add3A_267, %mul3A_280 : vector<16xf32>
      %mul3A_282 = arith.mulf %gather3A_276, %gather3A_276 : vector<16xf32>
      %add3A_283 = arith.addf %add3A_269, %mul3A_282 : vector<16xf32>
      %add3A_284 = arith.constant 1 : i32
      %add3A_285 = vector.broadcast %add3A_284 : i32 to vector<16xi32>
      %add3A_286 = arith.addi %and3A_275, %add3A_285 : vector<16xi32>
      %and3A_287 = arith.constant 31 : i32
      %and3A_288 = vector.broadcast %and3A_287 : i32 to vector<16xi32>
      %and3A_289 = arith.andi %add3A_286, %and3A_288 : vector<16xi32>
      %gather3A_290 = tpu.vector_load_idx %arg8[%add3A_103, %and3A_289] : memref<512x32xf32, #tpu.memory_space<vmem>>[vector<16xi32>, vector<16xi32>], vector<16xf32>,
      %gather3A_291 = tpu.vector_load_idx %arg7[%and3A_289, %add3A_103] : memref<32x512xf32, #tpu.memory_space<vmem>>[vector<16xi32>, vector<16xi32>], vector<16xf32>,
      %mul3A_292 = arith.mulf %gather3A_291, %gather3A_290 : vector<16xf32>
      %add3A_293 = arith.addf %add3A_279, %mul3A_292 : vector<16xf32>
      %mul3A_294 = arith.mulf %gather3A_291, %gather3A_291 : vector<16xf32>
      %add3A_295 = arith.addf %add3A_281, %mul3A_294 : vector<16xf32>
      %mul3A_296 = arith.mulf %gather3A_290, %gather3A_290 : vector<16xf32>
      %add3A_297 = arith.addf %add3A_283, %mul3A_296 : vector<16xf32>
      %add3A_298 = arith.constant 1 : i32
      %add3A_299 = vector.broadcast %add3A_298 : i32 to vector<16xi32>
      %add3A_300 = arith.addi %and3A_289, %add3A_299 : vector<16xi32>
      %and3A_301 = arith.constant 31 : i32
      %and3A_302 = vector.broadcast %and3A_301 : i32 to vector<16xi32>
      %and3A_303 = arith.andi %add3A_300, %and3A_302 : vector<16xi32>
      %gather3A_304 = tpu.vector_load_idx %arg8[%add3A_103, %and3A_303] : memref<512x32xf32, #tpu.memory_space<vmem>>[vector<16xi32>, vector<16xi32>], vector<16xf32>,
      %gather3A_305 = tpu.vector_load_idx %arg7[%and3A_303, %add3A_103] : memref<32x512xf32, #tpu.memory_space<vmem>>[vector<16xi32>, vector<16xi32>], vector<16xf32>,
      %mul3A_306 = arith.mulf %gather3A_305, %gather3A_304 : vector<16xf32>
      %add3A_307 = arith.addf %add3A_293, %mul3A_306 : vector<16xf32>
      %mul3A_308 = arith.mulf %gather3A_305, %gather3A_305 : vector<16xf32>
      %add3A_309 = arith.addf %add3A_295, %mul3A_308 : vector<16xf32>
      %mul3A_310 = arith.mulf %gather3A_304, %gather3A_304 : vector<16xf32>
      %add3A_311 = arith.addf %add3A_297, %mul3A_310 : vector<16xf32>
      %add3A_312 = arith.constant 1 : i32
      %add3A_313 = vector.broadcast %add3A_312 : i32 to vector<16xi32>
      %add3A_314 = arith.addi %and3A_303, %add3A_313 : vector<16xi32>
      %and3A_315 = arith.constant 31 : i32
      %and3A_316 = vector.broadcast %and3A_315 : i32 to vector<16xi32>
      %and3A_317 = arith.andi %add3A_314, %and3A_316 : vector<16xi32>
      %gather3A_318 = tpu.vector_load_idx %arg8[%add3A_103, %and3A_317] : memref<512x32xf32, #tpu.memory_space<vmem>>[vector<16xi32>, vector<16xi32>], vector<16xf32>,
      %gather3A_319 = tpu.vector_load_idx %arg7[%and3A_317, %add3A_103] : memref<32x512xf32, #tpu.memory_space<vmem>>[vector<16xi32>, vector<16xi32>], vector<16xf32>,
      %mul3A_320 = arith.mulf %gather3A_319, %gather3A_318 : vector<16xf32>
      %add3A_321 = arith.addf %add3A_307, %mul3A_320 : vector<16xf32>
      %mul3A_322 = arith.mulf %gather3A_319, %gather3A_319 : vector<16xf32>
      %add3A_323 = arith.addf %add3A_309, %mul3A_322 : vector<16xf32>
      %mul3A_324 = arith.mulf %gather3A_318, %gather3A_318 : vector<16xf32>
      %add3A_325 = arith.addf %add3A_311, %mul3A_324 : vector<16xf32>
      %add3A_326 = arith.constant 1 : i32
      %add3A_327 = vector.broadcast %add3A_326 : i32 to vector<16xi32>
      %add3A_328 = arith.addi %and3A_317, %add3A_327 : vector<16xi32>
      %and3A_329 = arith.constant 31 : i32
      %and3A_330 = vector.broadcast %and3A_329 : i32 to vector<16xi32>
      %and3A_331 = arith.andi %add3A_328, %and3A_330 : vector<16xi32>
      %gather3A_332 = tpu.vector_load_idx %arg8[%add3A_103, %and3A_331] : memref<512x32xf32, #tpu.memory_space<vmem>>[vector<16xi32>, vector<16xi32>], vector<16xf32>,
      %gather3A_333 = tpu.vector_load_idx %arg7[%and3A_331, %add3A_103] : memref<32x512xf32, #tpu.memory_space<vmem>>[vector<16xi32>, vector<16xi32>], vector<16xf32>,
      %mul3A_334 = arith.mulf %gather3A_333, %gather3A_332 : vector<16xf32>
      %add3A_335 = arith.addf %add3A_321, %mul3A_334 : vector<16xf32>
      %mul3A_336 = arith.mulf %gather3A_333, %gather3A_333 : vector<16xf32>
      %add3A_337 = arith.addf %add3A_323, %mul3A_336 : vector<16xf32>
      %mul3A_338 = arith.mulf %gather3A_332, %gather3A_332 : vector<16xf32>
      %add3A_339 = arith.addf %add3A_325, %mul3A_338 : vector<16xf32>
      %add3A_340 = arith.constant 1 : i32
      %add3A_341 = vector.broadcast %add3A_340 : i32 to vector<16xi32>
      %add3A_342 = arith.addi %and3A_331, %add3A_341 : vector<16xi32>
      %and3A_343 = arith.constant 31 : i32
      %and3A_344 = vector.broadcast %and3A_343 : i32 to vector<16xi32>
      %and3A_345 = arith.andi %add3A_342, %and3A_344 : vector<16xi32>
      %gather3A_346 = tpu.vector_load_idx %arg8[%add3A_103, %and3A_345] : memref<512x32xf32, #tpu.memory_space<vmem>>[vector<16xi32>, vector<16xi32>], vector<16xf32>,
      %gather3A_347 = tpu.vector_load_idx %arg7[%and3A_345, %add3A_103] : memref<32x512xf32, #tpu.memory_space<vmem>>[vector<16xi32>, vector<16xi32>], vector<16xf32>,
      %mul3A_348 = arith.mulf %gather3A_347, %gather3A_346 : vector<16xf32>
      %add3A_349 = arith.addf %add3A_335, %mul3A_348 : vector<16xf32>
      %mul3A_350 = arith.mulf %gather3A_347, %gather3A_347 : vector<16xf32>
      %add3A_351 = arith.addf %add3A_337, %mul3A_350 : vector<16xf32>
      %mul3A_352 = arith.mulf %gather3A_346, %gather3A_346 : vector<16xf32>
      %add3A_353 = arith.addf %add3A_339, %mul3A_352 : vector<16xf32>
      %add3A_354 = arith.constant 1 : i32
      %add3A_355 = vector.broadcast %add3A_354 : i32 to vector<16xi32>
      %add3A_356 = arith.addi %and3A_345, %add3A_355 : vector<16xi32>
      %and3A_357 = arith.constant 31 : i32
      %and3A_358 = vector.broadcast %and3A_357 : i32 to vector<16xi32>
      %and3A_359 = arith.andi %add3A_356, %and3A_358 : vector<16xi32>
      %gather3A_360 = tpu.vector_load_idx %arg8[%add3A_103, %and3A_359] : memref<512x32xf32, #tpu.memory_space<vmem>>[vector<16xi32>, vector<16xi32>], vector<16xf32>,
      %gather3A_361 = tpu.vector_load_idx %arg7[%and3A_359, %add3A_103] : memref<32x512xf32, #tpu.memory_space<vmem>>[vector<16xi32>, vector<16xi32>], vector<16xf32>,
      %mul3A_362 = arith.mulf %gather3A_361, %gather3A_360 : vector<16xf32>
      %add3A_363 = arith.addf %add3A_349, %mul3A_362 : vector<16xf32>
      %mul3A_364 = arith.mulf %gather3A_361, %gather3A_361 : vector<16xf32>
      %add3A_365 = arith.addf %add3A_351, %mul3A_364 : vector<16xf32>
      %mul3A_366 = arith.mulf %gather3A_360, %gather3A_360 : vector<16xf32>
      %add3A_367 = arith.addf %add3A_353, %mul3A_366 : vector<16xf32>
      %add3A_368 = arith.constant 1 : i32
      %add3A_369 = vector.broadcast %add3A_368 : i32 to vector<16xi32>
      %add3A_370 = arith.addi %and3A_359, %add3A_369 : vector<16xi32>
      %and3A_371 = arith.constant 31 : i32
      %and3A_372 = vector.broadcast %and3A_371 : i32 to vector<16xi32>
      %and3A_373 = arith.andi %add3A_370, %and3A_372 : vector<16xi32>
      %gather3A_374 = tpu.vector_load_idx %arg8[%add3A_103, %and3A_373] : memref<512x32xf32, #tpu.memory_space<vmem>>[vector<16xi32>, vector<16xi32>], vector<16xf32>,
      %gather3A_375 = tpu.vector_load_idx %arg7[%and3A_373, %add3A_103] : memref<32x512xf32, #tpu.memory_space<vmem>>[vector<16xi32>, vector<16xi32>], vector<16xf32>,
      %mul3A_376 = arith.mulf %gather3A_375, %gather3A_374 : vector<16xf32>
      %add3A_377 = arith.addf %add3A_363, %mul3A_376 : vector<16xf32>
      %mul3A_378 = arith.mulf %gather3A_375, %gather3A_375 : vector<16xf32>
      %add3A_379 = arith.addf %add3A_365, %mul3A_378 : vector<16xf32>
      %mul3A_380 = arith.mulf %gather3A_374, %gather3A_374 : vector<16xf32>
      %add3A_381 = arith.addf %add3A_367, %mul3A_380 : vector<16xf32>
      %add3A_382 = arith.constant 1 : i32
      %add3A_383 = vector.broadcast %add3A_382 : i32 to vector<16xi32>
      %add3A_384 = arith.addi %and3A_373, %add3A_383 : vector<16xi32>
      %and3A_385 = arith.constant 31 : i32
      %and3A_386 = vector.broadcast %and3A_385 : i32 to vector<16xi32>
      %and3A_387 = arith.andi %add3A_384, %and3A_386 : vector<16xi32>
      %gather3A_388 = tpu.vector_load_idx %arg8[%add3A_103, %and3A_387] : memref<512x32xf32, #tpu.memory_space<vmem>>[vector<16xi32>, vector<16xi32>], vector<16xf32>,
      %gather3A_389 = tpu.vector_load_idx %arg7[%and3A_387, %add3A_103] : memref<32x512xf32, #tpu.memory_space<vmem>>[vector<16xi32>, vector<16xi32>], vector<16xf32>,
      %mul3A_390 = arith.mulf %gather3A_389, %gather3A_388 : vector<16xf32>
      %add3A_391 = arith.addf %add3A_377, %mul3A_390 : vector<16xf32>
      %mul3A_392 = arith.mulf %gather3A_389, %gather3A_389 : vector<16xf32>
      %add3A_393 = arith.addf %add3A_379, %mul3A_392 : vector<16xf32>
      %mul3A_394 = arith.mulf %gather3A_388, %gather3A_388 : vector<16xf32>
      %add3A_395 = arith.addf %add3A_381, %mul3A_394 : vector<16xf32>
      %add3A_396 = arith.constant 1 : i32
      %add3A_397 = vector.broadcast %add3A_396 : i32 to vector<16xi32>
      %add3A_398 = arith.addi %and3A_387, %add3A_397 : vector<16xi32>
      %and3A_399 = arith.constant 31 : i32
      %and3A_400 = vector.broadcast %and3A_399 : i32 to vector<16xi32>
      %and3A_401 = arith.andi %add3A_398, %and3A_400 : vector<16xi32>
      %gather3A_402 = tpu.vector_load_idx %arg8[%add3A_103, %and3A_401] : memref<512x32xf32, #tpu.memory_space<vmem>>[vector<16xi32>, vector<16xi32>], vector<16xf32>,
      %gather3A_403 = tpu.vector_load_idx %arg7[%and3A_401, %add3A_103] : memref<32x512xf32, #tpu.memory_space<vmem>>[vector<16xi32>, vector<16xi32>], vector<16xf32>,
      %mul3A_404 = arith.mulf %gather3A_403, %gather3A_402 : vector<16xf32>
      %add3A_405 = arith.addf %add3A_391, %mul3A_404 : vector<16xf32>
      %mul3A_406 = arith.mulf %gather3A_403, %gather3A_403 : vector<16xf32>
      %add3A_407 = arith.addf %add3A_393, %mul3A_406 : vector<16xf32>
      %mul3A_408 = arith.mulf %gather3A_402, %gather3A_402 : vector<16xf32>
      %add3A_409 = arith.addf %add3A_395, %mul3A_408 : vector<16xf32>
      %add3A_410 = arith.constant 1 : i32
      %add3A_411 = vector.broadcast %add3A_410 : i32 to vector<16xi32>
      %add3A_412 = arith.addi %and3A_401, %add3A_411 : vector<16xi32>
      %and3A_413 = arith.constant 31 : i32
      %and3A_414 = vector.broadcast %and3A_413 : i32 to vector<16xi32>
      %and3A_415 = arith.andi %add3A_412, %and3A_414 : vector<16xi32>
      %gather3A_416 = tpu.vector_load_idx %arg8[%add3A_103, %and3A_415] : memref<512x32xf32, #tpu.memory_space<vmem>>[vector<16xi32>, vector<16xi32>], vector<16xf32>,
      %gather3A_417 = tpu.vector_load_idx %arg7[%and3A_415, %add3A_103] : memref<32x512xf32, #tpu.memory_space<vmem>>[vector<16xi32>, vector<16xi32>], vector<16xf32>,
      %mul3A_418 = arith.mulf %gather3A_417, %gather3A_416 : vector<16xf32>
      %add3A_419 = arith.addf %add3A_405, %mul3A_418 : vector<16xf32>
      %mul3A_420 = arith.mulf %gather3A_417, %gather3A_417 : vector<16xf32>
      %add3A_421 = arith.addf %add3A_407, %mul3A_420 : vector<16xf32>
      %mul3A_422 = arith.mulf %gather3A_416, %gather3A_416 : vector<16xf32>
      %add3A_423 = arith.addf %add3A_409, %mul3A_422 : vector<16xf32>
      %add3A_424 = arith.constant 1 : i32
      %add3A_425 = vector.broadcast %add3A_424 : i32 to vector<16xi32>
      %add3A_426 = arith.addi %and3A_415, %add3A_425 : vector<16xi32>
      %and3A_427 = arith.constant 31 : i32
      %and3A_428 = vector.broadcast %and3A_427 : i32 to vector<16xi32>
      %and3A_429 = arith.andi %add3A_426, %and3A_428 : vector<16xi32>
      %gather3A_430 = tpu.vector_load_idx %arg8[%add3A_103, %and3A_429] : memref<512x32xf32, #tpu.memory_space<vmem>>[vector<16xi32>, vector<16xi32>], vector<16xf32>,
      %gather3A_431 = tpu.vector_load_idx %arg7[%and3A_429, %add3A_103] : memref<32x512xf32, #tpu.memory_space<vmem>>[vector<16xi32>, vector<16xi32>], vector<16xf32>,
      %mul3A_432 = arith.mulf %gather3A_431, %gather3A_430 : vector<16xf32>
      %add3A_433 = arith.addf %add3A_419, %mul3A_432 : vector<16xf32>
      %mul3A_434 = arith.mulf %gather3A_431, %gather3A_431 : vector<16xf32>
      %add3A_435 = arith.addf %add3A_421, %mul3A_434 : vector<16xf32>
      %mul3A_436 = arith.mulf %gather3A_430, %gather3A_430 : vector<16xf32>
      %add3A_437 = arith.addf %add3A_423, %mul3A_436 : vector<16xf32>
      %add3A_438 = arith.constant 1 : i32
      %add3A_439 = vector.broadcast %add3A_438 : i32 to vector<16xi32>
      %add3A_440 = arith.addi %and3A_429, %add3A_439 : vector<16xi32>
      %and3A_441 = arith.constant 31 : i32
      %and3A_442 = vector.broadcast %and3A_441 : i32 to vector<16xi32>
      %and3A_443 = arith.andi %add3A_440, %and3A_442 : vector<16xi32>
      %gather3A_444 = tpu.vector_load_idx %arg8[%add3A_103, %and3A_443] : memref<512x32xf32, #tpu.memory_space<vmem>>[vector<16xi32>, vector<16xi32>], vector<16xf32>,
      %gather3A_445 = tpu.vector_load_idx %arg7[%and3A_443, %add3A_103] : memref<32x512xf32, #tpu.memory_space<vmem>>[vector<16xi32>, vector<16xi32>], vector<16xf32>,
      %mul3A_446 = arith.mulf %gather3A_445, %gather3A_444 : vector<16xf32>
      %add3A_447 = arith.addf %add3A_433, %mul3A_446 : vector<16xf32>
      %mul3A_448 = arith.mulf %gather3A_445, %gather3A_445 : vector<16xf32>
      %add3A_449 = arith.addf %add3A_435, %mul3A_448 : vector<16xf32>
      %mul3A_450 = arith.mulf %gather3A_444, %gather3A_444 : vector<16xf32>
      %add3A_451 = arith.addf %add3A_437, %mul3A_450 : vector<16xf32>
      %add3A_452 = arith.constant 1 : i32
      %add3A_453 = vector.broadcast %add3A_452 : i32 to vector<16xi32>
      %add3A_454 = arith.addi %and3A_443, %add3A_453 : vector<16xi32>
      %and3A_455 = arith.constant 31 : i32
      %and3A_456 = vector.broadcast %and3A_455 : i32 to vector<16xi32>
      %and3A_457 = arith.andi %add3A_454, %and3A_456 : vector<16xi32>
      %gather3A_458 = tpu.vector_load_idx %arg8[%add3A_103, %and3A_457] : memref<512x32xf32, #tpu.memory_space<vmem>>[vector<16xi32>, vector<16xi32>], vector<16xf32>,
      %gather3A_459 = tpu.vector_load_idx %arg7[%and3A_457, %add3A_103] : memref<32x512xf32, #tpu.memory_space<vmem>>[vector<16xi32>, vector<16xi32>], vector<16xf32>,
      %mul3A_460 = arith.mulf %gather3A_459, %gather3A_458 : vector<16xf32>
      %add3A_461 = arith.addf %add3A_447, %mul3A_460 : vector<16xf32>
      %mul3A_462 = arith.mulf %gather3A_459, %gather3A_459 : vector<16xf32>
      %add3A_463 = arith.addf %add3A_449, %mul3A_462 : vector<16xf32>
      %mul3A_464 = arith.mulf %gather3A_458, %gather3A_458 : vector<16xf32>
      %add3A_465 = arith.addf %add3A_451, %mul3A_464 : vector<16xf32>
      %add3A_466 = arith.constant 1 : i32
      %add3A_467 = vector.broadcast %add3A_466 : i32 to vector<16xi32>
      %add3A_468 = arith.addi %and3A_457, %add3A_467 : vector<16xi32>
      %and3A_469 = arith.constant 31 : i32
      %and3A_470 = vector.broadcast %and3A_469 : i32 to vector<16xi32>
      %and3A_471 = arith.andi %add3A_468, %and3A_470 : vector<16xi32>
      %gather3A_472 = tpu.vector_load_idx %arg8[%add3A_103, %and3A_471] : memref<512x32xf32, #tpu.memory_space<vmem>>[vector<16xi32>, vector<16xi32>], vector<16xf32>,
      %gather3A_473 = tpu.vector_load_idx %arg7[%and3A_471, %add3A_103] : memref<32x512xf32, #tpu.memory_space<vmem>>[vector<16xi32>, vector<16xi32>], vector<16xf32>,
      %mul3A_474 = arith.mulf %gather3A_473, %gather3A_472 : vector<16xf32>
      %add3A_475 = arith.addf %add3A_461, %mul3A_474 : vector<16xf32>
      %mul3A_476 = arith.mulf %gather3A_473, %gather3A_473 : vector<16xf32>
      %add3A_477 = arith.addf %add3A_463, %mul3A_476 : vector<16xf32>
      %mul3A_478 = arith.mulf %gather3A_472, %gather3A_472 : vector<16xf32>
      %add3A_479 = arith.addf %add3A_465, %mul3A_478 : vector<16xf32>
      %add3A_480 = arith.constant 1 : i32
      %add3A_481 = vector.broadcast %add3A_480 : i32 to vector<16xi32>
      %add3A_482 = arith.addi %and3A_471, %add3A_481 : vector<16xi32>
      %and3A_483 = arith.constant 31 : i32
      %and3A_484 = vector.broadcast %and3A_483 : i32 to vector<16xi32>
      %and3A_485 = arith.andi %add3A_482, %and3A_484 : vector<16xi32>
      %gather3A_486 = tpu.vector_load_idx %arg8[%add3A_103, %and3A_485] : memref<512x32xf32, #tpu.memory_space<vmem>>[vector<16xi32>, vector<16xi32>], vector<16xf32>,
      %gather3A_487 = tpu.vector_load_idx %arg7[%and3A_485, %add3A_103] : memref<32x512xf32, #tpu.memory_space<vmem>>[vector<16xi32>, vector<16xi32>], vector<16xf32>,
      %mul3A_488 = arith.mulf %gather3A_487, %gather3A_486 : vector<16xf32>
      %add3A_489 = arith.addf %add3A_475, %mul3A_488 : vector<16xf32>
      %mul3A_490 = arith.mulf %gather3A_487, %gather3A_487 : vector<16xf32>
      %add3A_491 = arith.addf %add3A_477, %mul3A_490 : vector<16xf32>
      %mul3A_492 = arith.mulf %gather3A_486, %gather3A_486 : vector<16xf32>
      %add3A_493 = arith.addf %add3A_479, %mul3A_492 : vector<16xf32>
      %add3A_494 = arith.constant 1 : i32
      %add3A_495 = vector.broadcast %add3A_494 : i32 to vector<16xi32>
      %add3A_496 = arith.addi %and3A_485, %add3A_495 : vector<16xi32>
      %and3A_497 = arith.constant 31 : i32
      %and3A_498 = vector.broadcast %and3A_497 : i32 to vector<16xi32>
      %and3A_499 = arith.andi %add3A_496, %and3A_498 : vector<16xi32>
      %gather3A_500 = tpu.vector_load_idx %arg8[%add3A_103, %and3A_499] : memref<512x32xf32, #tpu.memory_space<vmem>>[vector<16xi32>, vector<16xi32>], vector<16xf32>,
      %gather3A_501 = tpu.vector_load_idx %arg7[%and3A_499, %add3A_103] : memref<32x512xf32, #tpu.memory_space<vmem>>[vector<16xi32>, vector<16xi32>], vector<16xf32>,
      %mul3A_502 = arith.mulf %gather3A_501, %gather3A_500 : vector<16xf32>
      %add3A_503 = arith.addf %add3A_489, %mul3A_502 : vector<16xf32>
      %mul3A_504 = arith.mulf %gather3A_501, %gather3A_501 : vector<16xf32>
      %add3A_505 = arith.addf %add3A_491, %mul3A_504 : vector<16xf32>
      %mul3A_506 = arith.mulf %gather3A_500, %gather3A_500 : vector<16xf32>
      %add3A_507 = arith.addf %add3A_493, %mul3A_506 : vector<16xf32>
      %add3A_508 = arith.constant 1 : i32
      %add3A_509 = vector.broadcast %add3A_508 : i32 to vector<16xi32>
      %add3A_510 = arith.addi %and3A_499, %add3A_509 : vector<16xi32>
      %and3A_511 = arith.constant 31 : i32
      %and3A_512 = vector.broadcast %and3A_511 : i32 to vector<16xi32>
      %and3A_513 = arith.andi %add3A_510, %and3A_512 : vector<16xi32>
      %gather3A_514 = tpu.vector_load_idx %arg8[%add3A_103, %and3A_513] : memref<512x32xf32, #tpu.memory_space<vmem>>[vector<16xi32>, vector<16xi32>], vector<16xf32>,
      %gather3A_515 = tpu.vector_load_idx %arg7[%and3A_513, %add3A_103] : memref<32x512xf32, #tpu.memory_space<vmem>>[vector<16xi32>, vector<16xi32>], vector<16xf32>,
      %mul3A_516 = arith.mulf %gather3A_515, %gather3A_514 : vector<16xf32>
      %add3A_517 = arith.addf %add3A_503, %mul3A_516 : vector<16xf32>
      %mul3A_518 = arith.mulf %gather3A_515, %gather3A_515 : vector<16xf32>
      %add3A_519 = arith.addf %add3A_505, %mul3A_518 : vector<16xf32>
      %mul3A_520 = arith.mulf %gather3A_514, %gather3A_514 : vector<16xf32>
      %add3A_521 = arith.addf %add3A_507, %mul3A_520 : vector<16xf32>
      %add3A_522 = arith.constant 1 : i32
      %add3A_523 = vector.broadcast %add3A_522 : i32 to vector<16xi32>
      %add3A_524 = arith.addi %and3A_513, %add3A_523 : vector<16xi32>
      %and3A_525 = arith.constant 31 : i32
      %and3A_526 = vector.broadcast %and3A_525 : i32 to vector<16xi32>
      %and3A_527 = arith.andi %add3A_524, %and3A_526 : vector<16xi32>
      %gather3A_528 = tpu.vector_load_idx %arg8[%add3A_103, %and3A_527] : memref<512x32xf32, #tpu.memory_space<vmem>>[vector<16xi32>, vector<16xi32>], vector<16xf32>,
      %gather3A_529 = tpu.vector_load_idx %arg7[%and3A_527, %add3A_103] : memref<32x512xf32, #tpu.memory_space<vmem>>[vector<16xi32>, vector<16xi32>], vector<16xf32>,
      %mul3A_530 = arith.mulf %gather3A_529, %gather3A_528 : vector<16xf32>
      %add3A_531 = arith.addf %add3A_517, %mul3A_530 : vector<16xf32>
      %mul3A_532 = arith.mulf %gather3A_529, %gather3A_529 : vector<16xf32>
      %add3A_533 = arith.addf %add3A_519, %mul3A_532 : vector<16xf32>
      %mul3A_534 = arith.mulf %gather3A_528, %gather3A_528 : vector<16xf32>
      %add3A_535 = arith.addf %add3A_521, %mul3A_534 : vector<16xf32>
      %add3A_536 = arith.constant 1 : i32
      %add3A_537 = vector.broadcast %add3A_536 : i32 to vector<16xi32>
      %add3A_538 = arith.addi %and3A_527, %add3A_537 : vector<16xi32>
      %and3A_539 = arith.constant 31 : i32
      %and3A_540 = vector.broadcast %and3A_539 : i32 to vector<16xi32>
      %and3A_541 = arith.andi %add3A_538, %and3A_540 : vector<16xi32>
      %gather3A_542 = tpu.vector_load_idx %arg8[%add3A_103, %and3A_541] : memref<512x32xf32, #tpu.memory_space<vmem>>[vector<16xi32>, vector<16xi32>], vector<16xf32>,
      %gather3A_543 = tpu.vector_load_idx %arg7[%and3A_541, %add3A_103] : memref<32x512xf32, #tpu.memory_space<vmem>>[vector<16xi32>, vector<16xi32>], vector<16xf32>,
      %mul3A_544 = arith.mulf %gather3A_543, %gather3A_542 : vector<16xf32>
      %add3A_545 = arith.addf %add3A_531, %mul3A_544 : vector<16xf32>
      %mul3A_546 = arith.mulf %gather3A_543, %gather3A_543 : vector<16xf32>
      %add3A_547 = arith.addf %add3A_533, %mul3A_546 : vector<16xf32>
      %mul3A_548 = arith.mulf %gather3A_542, %gather3A_542 : vector<16xf32>
      %add3A_549 = arith.addf %add3A_535, %mul3A_548 : vector<16xf32>
      %bitcast_convert_type3A = tpu.bitcast %add3A_547 : vector<16xf32> -> vector<16xi32>
      %shift_right_logical3A = arith.constant 1 : i32
      %shift_right_logical3A_550 = vector.broadcast %shift_right_logical3A : i32 to vector<16xi32>
      %shift_right_logical3A_551 = arith.shrui %bitcast_convert_type3A, %shift_right_logical3A_550 : vector<16xi32>
      %sub3A = arith.constant 1597463007 : i32
      %sub3A_552 = vector.broadcast %sub3A : i32 to vector<16xi32>
      %sub3A_553 = arith.subi %sub3A_552, %shift_right_logical3A_551 : vector<16xi32>
      %bitcast_convert_type3A_554 = tpu.bitcast %sub3A_553 : vector<16xi32> -> vector<16xf32>
      %mul3A_555 = arith.constant 5.000000e-01 : f32
      %mul3A_556 = vector.broadcast %mul3A_555 : f32 to vector<16xf32>
      %mul3A_557 = arith.mulf %mul3A_556, %add3A_547 : vector<16xf32>
      %mul3A_558 = arith.mulf %mul3A_557, %bitcast_convert_type3A_554 : vector<16xf32>
      %mul3A_559 = arith.mulf %mul3A_558, %bitcast_convert_type3A_554 : vector<16xf32>
      %sub3A_560 = arith.constant 1.500000e+00 : f32
      %sub3A_561 = vector.broadcast %sub3A_560 : f32 to vector<16xf32>
      %sub3A_562 = arith.subf %sub3A_561, %mul3A_559 : vector<16xf32>
      %mul3A_563 = arith.mulf %bitcast_convert_type3A_554, %sub3A_562 : vector<16xf32>
      %mul3A_564 = arith.constant 5.000000e-01 : f32
      %mul3A_565 = vector.broadcast %mul3A_564 : f32 to vector<16xf32>
      %mul3A_566 = arith.mulf %mul3A_565, %add3A_547 : vector<16xf32>
      %mul3A_567 = arith.mulf %mul3A_566, %mul3A_563 : vector<16xf32>
      %mul3A_568 = arith.mulf %mul3A_567, %mul3A_563 : vector<16xf32>
      %sub3A_569 = arith.constant 1.500000e+00 : f32
      %sub3A_570 = vector.broadcast %sub3A_569 : f32 to vector<16xf32>
      %sub3A_571 = arith.subf %sub3A_570, %mul3A_568 : vector<16xf32>
      %mul3A_572 = arith.mulf %mul3A_563, %sub3A_571 : vector<16xf32>
      %mul3A_573 = arith.constant 5.000000e-01 : f32
      %mul3A_574 = vector.broadcast %mul3A_573 : f32 to vector<16xf32>
      %mul3A_575 = arith.mulf %mul3A_574, %add3A_547 : vector<16xf32>
      %mul3A_576 = arith.mulf %mul3A_575, %mul3A_572 : vector<16xf32>
      %mul3A_577 = arith.mulf %mul3A_576, %mul3A_572 : vector<16xf32>
      %sub3A_578 = arith.constant 1.500000e+00 : f32
      %sub3A_579 = vector.broadcast %sub3A_578 : f32 to vector<16xf32>
      %sub3A_580 = arith.subf %sub3A_579, %mul3A_577 : vector<16xf32>
      %mul3A_581 = arith.mulf %mul3A_572, %sub3A_580 : vector<16xf32>
      %mul3A_582 = arith.mulf %add3A_547, %mul3A_581 : vector<16xf32>
      %bitcast_convert_type3A_583 = tpu.bitcast %add3A_549 : vector<16xf32> -> vector<16xi32>
      %shift_right_logical3A_584 = arith.constant 1 : i32
      %shift_right_logical3A_585 = vector.broadcast %shift_right_logical3A_584 : i32 to vector<16xi32>
      %shift_right_logical3A_586 = arith.shrui %bitcast_convert_type3A_583, %shift_right_logical3A_585 : vector<16xi32>
      %sub3A_587 = arith.constant 1597463007 : i32
      %sub3A_588 = vector.broadcast %sub3A_587 : i32 to vector<16xi32>
      %sub3A_589 = arith.subi %sub3A_588, %shift_right_logical3A_586 : vector<16xi32>
      %bitcast_convert_type3A_590 = tpu.bitcast %sub3A_589 : vector<16xi32> -> vector<16xf32>
      %mul3A_591 = arith.constant 5.000000e-01 : f32
      %mul3A_592 = vector.broadcast %mul3A_591 : f32 to vector<16xf32>
      %mul3A_593 = arith.mulf %mul3A_592, %add3A_549 : vector<16xf32>
      %mul3A_594 = arith.mulf %mul3A_593, %bitcast_convert_type3A_590 : vector<16xf32>
      %mul3A_595 = arith.mulf %mul3A_594, %bitcast_convert_type3A_590 : vector<16xf32>
      %sub3A_596 = arith.constant 1.500000e+00 : f32
      %sub3A_597 = vector.broadcast %sub3A_596 : f32 to vector<16xf32>
      %sub3A_598 = arith.subf %sub3A_597, %mul3A_595 : vector<16xf32>
      %mul3A_599 = arith.mulf %bitcast_convert_type3A_590, %sub3A_598 : vector<16xf32>
      %mul3A_600 = arith.constant 5.000000e-01 : f32
      %mul3A_601 = vector.broadcast %mul3A_600 : f32 to vector<16xf32>
      %mul3A_602 = arith.mulf %mul3A_601, %add3A_549 : vector<16xf32>
      %mul3A_603 = arith.mulf %mul3A_602, %mul3A_599 : vector<16xf32>
      %mul3A_604 = arith.mulf %mul3A_603, %mul3A_599 : vector<16xf32>
      %sub3A_605 = arith.constant 1.500000e+00 : f32
      %sub3A_606 = vector.broadcast %sub3A_605 : f32 to vector<16xf32>
      %sub3A_607 = arith.subf %sub3A_606, %mul3A_604 : vector<16xf32>
      %mul3A_608 = arith.mulf %mul3A_599, %sub3A_607 : vector<16xf32>
      %mul3A_609 = arith.constant 5.000000e-01 : f32
      %mul3A_610 = vector.broadcast %mul3A_609 : f32 to vector<16xf32>
      %mul3A_611 = arith.mulf %mul3A_610, %add3A_549 : vector<16xf32>
      %mul3A_612 = arith.mulf %mul3A_611, %mul3A_608 : vector<16xf32>
      %mul3A_613 = arith.mulf %mul3A_612, %mul3A_608 : vector<16xf32>
      %sub3A_614 = arith.constant 1.500000e+00 : f32
      %sub3A_615 = vector.broadcast %sub3A_614 : f32 to vector<16xf32>
      %sub3A_616 = arith.subf %sub3A_615, %mul3A_613 : vector<16xf32>
      %mul3A_617 = arith.mulf %mul3A_608, %sub3A_616 : vector<16xf32>
      %mul3A_618 = arith.mulf %add3A_549, %mul3A_617 : vector<16xf32>
      %max3A = arith.constant 9.99999996E-13 : f32
      %max3A_619 = vector.broadcast %max3A : f32 to vector<16xf32>
      %max3A_620 = arith.maximumf %mul3A_582, %max3A_619 : vector<16xf32>
      %div3A = arith.constant 1.000000e+00 : f32
      %div3A_621 = vector.broadcast %div3A : f32 to vector<16xf32>
      %div3A_622 = arith.divf %div3A_621, %max3A_620 : vector<16xf32>
      %max3A_623 = arith.constant 9.99999996E-13 : f32
      %max3A_624 = vector.broadcast %max3A_623 : f32 to vector<16xf32>
      %max3A_625 = arith.maximumf %mul3A_618, %max3A_624 : vector<16xf32>
      %div3A_626 = arith.divf %div3A_622, %max3A_625 : vector<16xf32>
      %mul3A_627 = arith.mulf %add3A_545, %div3A_626 : vector<16xf32>
      %add3A_628 = arith.addf %scan3A_99, %mul3A_627 : vector<16xf32>
      scf.yield %add3A_628 : vector<16xf32>
    }
    %scan3A_68 = arith.constant 8 : i32
    %dma_wait3A_69 = arith.constant 256 : i32
    %dma_wait3A_70 = arith.constant 0 : i32
    %dma_wait3A_71 = tpu.memref_slice %arg8[%dma_wait3A_69, %dma_wait3A_70] : memref<512x32xf32, #tpu.memory_space<vmem>> -> memref<128x32xf32, #tpu.memory_space<vmem>>
    %dma_wait3A_72 = arith.constant 256 : i32
    %dma_wait3A_73 = tpu.memref_slice %arg6[%dma_wait3A_72] : memref<512xi32, #tpu.memory_space<vmem>> -> memref<128xi32, #tpu.memory_space<vmem>>
    %dma_wait3A_74 = arith.constant 0 : i32
    %dma_wait3A_75 = arith.constant 0 : i32
    %dma_wait3A_76 = tpu.memref_slice %arg4[%dma_wait3A_74, %dma_wait3A_75] : memref<100000x32xf32, #tpu.memory_space<hbm>> -> memref<100000x32xf32, #tpu.memory_space<hbm>>
    tpu.wait_indirect_dma semaphore(%arg13 : memref<!tpu.dma_semaphore, #tpu.memory_space<semaphore_mem>>) src(%dma_wait3A_76 : memref<100000x32xf32, #tpu.memory_space<hbm>>) dst(%dma_wait3A_71 : memref<128x32xf32, #tpu.memory_space<vmem>>)
    %scan3A_77 = arith.constant 16 : i32
    %scan3A_78 = arith.constant 8 : i32
    %scan3A_79 = arith.addi %scan3A_77, %scan3A_78 : i32
    %scan3A_80 = arith.constant 1 : i32
    %scan3A_81 = scf.for %scan3A_98 = %scan3A_77 to %scan3A_79 step %scan3A_80 iter_args(%scan3A_99 = %scan3A_67) -> (vector<16xf32>)  : i32 {
      %mul3A_100 = arith.constant 16 : i32
      %mul3A_101 = arith.muli %scan3A_98, %mul3A_100 : i32
      %add3A_102 = vector.broadcast %mul3A_101 : i32 to vector<16xi32>
      %add3A_103 = arith.addi %add3A_102, %iota3A : vector<16xi32>
      %broadcast_in_dim3A_104 = arith.constant 0.000000e+00 : f32
      %broadcast_in_dim3A_105 = vector.broadcast %broadcast_in_dim3A_104 : f32 to vector<16xf32>
      %broadcast_in_dim3A_106 = arith.constant 0.000000e+00 : f32
      %broadcast_in_dim3A_107 = vector.broadcast %broadcast_in_dim3A_106 : f32 to vector<16xf32>
      %broadcast_in_dim3A_108 = arith.constant 0.000000e+00 : f32
      %broadcast_in_dim3A_109 = vector.broadcast %broadcast_in_dim3A_108 : f32 to vector<16xf32>
      %gather3A = tpu.vector_load_idx %arg8[%add3A_103, %iota3A] : memref<512x32xf32, #tpu.memory_space<vmem>>[vector<16xi32>, vector<16xi32>], vector<16xf32>,
      %gather3A_110 = tpu.vector_load_idx %arg7[%iota3A, %add3A_103] : memref<32x512xf32, #tpu.memory_space<vmem>>[vector<16xi32>, vector<16xi32>], vector<16xf32>,
      %mul3A_111 = arith.mulf %gather3A_110, %gather3A : vector<16xf32>
      %add3A_112 = arith.addf %broadcast_in_dim3A_105, %mul3A_111 : vector<16xf32>
      %mul3A_113 = arith.mulf %gather3A_110, %gather3A_110 : vector<16xf32>
      %add3A_114 = arith.addf %broadcast_in_dim3A_107, %mul3A_113 : vector<16xf32>
      %mul3A_115 = arith.mulf %gather3A, %gather3A : vector<16xf32>
      %add3A_116 = arith.addf %broadcast_in_dim3A_109, %mul3A_115 : vector<16xf32>
      %add3A_117 = arith.constant 1 : i32
      %add3A_118 = vector.broadcast %add3A_117 : i32 to vector<16xi32>
      %add3A_119 = arith.addi %iota3A, %add3A_118 : vector<16xi32>
      %and3A = arith.constant 31 : i32
      %and3A_120 = vector.broadcast %and3A : i32 to vector<16xi32>
      %and3A_121 = arith.andi %add3A_119, %and3A_120 : vector<16xi32>
      %gather3A_122 = tpu.vector_load_idx %arg8[%add3A_103, %and3A_121] : memref<512x32xf32, #tpu.memory_space<vmem>>[vector<16xi32>, vector<16xi32>], vector<16xf32>,
      %gather3A_123 = tpu.vector_load_idx %arg7[%and3A_121, %add3A_103] : memref<32x512xf32, #tpu.memory_space<vmem>>[vector<16xi32>, vector<16xi32>], vector<16xf32>,
      %mul3A_124 = arith.mulf %gather3A_123, %gather3A_122 : vector<16xf32>
      %add3A_125 = arith.addf %add3A_112, %mul3A_124 : vector<16xf32>
      %mul3A_126 = arith.mulf %gather3A_123, %gather3A_123 : vector<16xf32>
      %add3A_127 = arith.addf %add3A_114, %mul3A_126 : vector<16xf32>
      %mul3A_128 = arith.mulf %gather3A_122, %gather3A_122 : vector<16xf32>
      %add3A_129 = arith.addf %add3A_116, %mul3A_128 : vector<16xf32>
      %add3A_130 = arith.constant 1 : i32
      %add3A_131 = vector.broadcast %add3A_130 : i32 to vector<16xi32>
      %add3A_132 = arith.addi %and3A_121, %add3A_131 : vector<16xi32>
      %and3A_133 = arith.constant 31 : i32
      %and3A_134 = vector.broadcast %and3A_133 : i32 to vector<16xi32>
      %and3A_135 = arith.andi %add3A_132, %and3A_134 : vector<16xi32>
      %gather3A_136 = tpu.vector_load_idx %arg8[%add3A_103, %and3A_135] : memref<512x32xf32, #tpu.memory_space<vmem>>[vector<16xi32>, vector<16xi32>], vector<16xf32>,
      %gather3A_137 = tpu.vector_load_idx %arg7[%and3A_135, %add3A_103] : memref<32x512xf32, #tpu.memory_space<vmem>>[vector<16xi32>, vector<16xi32>], vector<16xf32>,
      %mul3A_138 = arith.mulf %gather3A_137, %gather3A_136 : vector<16xf32>
      %add3A_139 = arith.addf %add3A_125, %mul3A_138 : vector<16xf32>
      %mul3A_140 = arith.mulf %gather3A_137, %gather3A_137 : vector<16xf32>
      %add3A_141 = arith.addf %add3A_127, %mul3A_140 : vector<16xf32>
      %mul3A_142 = arith.mulf %gather3A_136, %gather3A_136 : vector<16xf32>
      %add3A_143 = arith.addf %add3A_129, %mul3A_142 : vector<16xf32>
      %add3A_144 = arith.constant 1 : i32
      %add3A_145 = vector.broadcast %add3A_144 : i32 to vector<16xi32>
      %add3A_146 = arith.addi %and3A_135, %add3A_145 : vector<16xi32>
      %and3A_147 = arith.constant 31 : i32
      %and3A_148 = vector.broadcast %and3A_147 : i32 to vector<16xi32>
      %and3A_149 = arith.andi %add3A_146, %and3A_148 : vector<16xi32>
      %gather3A_150 = tpu.vector_load_idx %arg8[%add3A_103, %and3A_149] : memref<512x32xf32, #tpu.memory_space<vmem>>[vector<16xi32>, vector<16xi32>], vector<16xf32>,
      %gather3A_151 = tpu.vector_load_idx %arg7[%and3A_149, %add3A_103] : memref<32x512xf32, #tpu.memory_space<vmem>>[vector<16xi32>, vector<16xi32>], vector<16xf32>,
      %mul3A_152 = arith.mulf %gather3A_151, %gather3A_150 : vector<16xf32>
      %add3A_153 = arith.addf %add3A_139, %mul3A_152 : vector<16xf32>
      %mul3A_154 = arith.mulf %gather3A_151, %gather3A_151 : vector<16xf32>
      %add3A_155 = arith.addf %add3A_141, %mul3A_154 : vector<16xf32>
      %mul3A_156 = arith.mulf %gather3A_150, %gather3A_150 : vector<16xf32>
      %add3A_157 = arith.addf %add3A_143, %mul3A_156 : vector<16xf32>
      %add3A_158 = arith.constant 1 : i32
      %add3A_159 = vector.broadcast %add3A_158 : i32 to vector<16xi32>
      %add3A_160 = arith.addi %and3A_149, %add3A_159 : vector<16xi32>
      %and3A_161 = arith.constant 31 : i32
      %and3A_162 = vector.broadcast %and3A_161 : i32 to vector<16xi32>
      %and3A_163 = arith.andi %add3A_160, %and3A_162 : vector<16xi32>
      %gather3A_164 = tpu.vector_load_idx %arg8[%add3A_103, %and3A_163] : memref<512x32xf32, #tpu.memory_space<vmem>>[vector<16xi32>, vector<16xi32>], vector<16xf32>,
      %gather3A_165 = tpu.vector_load_idx %arg7[%and3A_163, %add3A_103] : memref<32x512xf32, #tpu.memory_space<vmem>>[vector<16xi32>, vector<16xi32>], vector<16xf32>,
      %mul3A_166 = arith.mulf %gather3A_165, %gather3A_164 : vector<16xf32>
      %add3A_167 = arith.addf %add3A_153, %mul3A_166 : vector<16xf32>
      %mul3A_168 = arith.mulf %gather3A_165, %gather3A_165 : vector<16xf32>
      %add3A_169 = arith.addf %add3A_155, %mul3A_168 : vector<16xf32>
      %mul3A_170 = arith.mulf %gather3A_164, %gather3A_164 : vector<16xf32>
      %add3A_171 = arith.addf %add3A_157, %mul3A_170 : vector<16xf32>
      %add3A_172 = arith.constant 1 : i32
      %add3A_173 = vector.broadcast %add3A_172 : i32 to vector<16xi32>
      %add3A_174 = arith.addi %and3A_163, %add3A_173 : vector<16xi32>
      %and3A_175 = arith.constant 31 : i32
      %and3A_176 = vector.broadcast %and3A_175 : i32 to vector<16xi32>
      %and3A_177 = arith.andi %add3A_174, %and3A_176 : vector<16xi32>
      %gather3A_178 = tpu.vector_load_idx %arg8[%add3A_103, %and3A_177] : memref<512x32xf32, #tpu.memory_space<vmem>>[vector<16xi32>, vector<16xi32>], vector<16xf32>,
      %gather3A_179 = tpu.vector_load_idx %arg7[%and3A_177, %add3A_103] : memref<32x512xf32, #tpu.memory_space<vmem>>[vector<16xi32>, vector<16xi32>], vector<16xf32>,
      %mul3A_180 = arith.mulf %gather3A_179, %gather3A_178 : vector<16xf32>
      %add3A_181 = arith.addf %add3A_167, %mul3A_180 : vector<16xf32>
      %mul3A_182 = arith.mulf %gather3A_179, %gather3A_179 : vector<16xf32>
      %add3A_183 = arith.addf %add3A_169, %mul3A_182 : vector<16xf32>
      %mul3A_184 = arith.mulf %gather3A_178, %gather3A_178 : vector<16xf32>
      %add3A_185 = arith.addf %add3A_171, %mul3A_184 : vector<16xf32>
      %add3A_186 = arith.constant 1 : i32
      %add3A_187 = vector.broadcast %add3A_186 : i32 to vector<16xi32>
      %add3A_188 = arith.addi %and3A_177, %add3A_187 : vector<16xi32>
      %and3A_189 = arith.constant 31 : i32
      %and3A_190 = vector.broadcast %and3A_189 : i32 to vector<16xi32>
      %and3A_191 = arith.andi %add3A_188, %and3A_190 : vector<16xi32>
      %gather3A_192 = tpu.vector_load_idx %arg8[%add3A_103, %and3A_191] : memref<512x32xf32, #tpu.memory_space<vmem>>[vector<16xi32>, vector<16xi32>], vector<16xf32>,
      %gather3A_193 = tpu.vector_load_idx %arg7[%and3A_191, %add3A_103] : memref<32x512xf32, #tpu.memory_space<vmem>>[vector<16xi32>, vector<16xi32>], vector<16xf32>,
      %mul3A_194 = arith.mulf %gather3A_193, %gather3A_192 : vector<16xf32>
      %add3A_195 = arith.addf %add3A_181, %mul3A_194 : vector<16xf32>
      %mul3A_196 = arith.mulf %gather3A_193, %gather3A_193 : vector<16xf32>
      %add3A_197 = arith.addf %add3A_183, %mul3A_196 : vector<16xf32>
      %mul3A_198 = arith.mulf %gather3A_192, %gather3A_192 : vector<16xf32>
      %add3A_199 = arith.addf %add3A_185, %mul3A_198 : vector<16xf32>
      %add3A_200 = arith.constant 1 : i32
      %add3A_201 = vector.broadcast %add3A_200 : i32 to vector<16xi32>
      %add3A_202 = arith.addi %and3A_191, %add3A_201 : vector<16xi32>
      %and3A_203 = arith.constant 31 : i32
      %and3A_204 = vector.broadcast %and3A_203 : i32 to vector<16xi32>
      %and3A_205 = arith.andi %add3A_202, %and3A_204 : vector<16xi32>
      %gather3A_206 = tpu.vector_load_idx %arg8[%add3A_103, %and3A_205] : memref<512x32xf32, #tpu.memory_space<vmem>>[vector<16xi32>, vector<16xi32>], vector<16xf32>,
      %gather3A_207 = tpu.vector_load_idx %arg7[%and3A_205, %add3A_103] : memref<32x512xf32, #tpu.memory_space<vmem>>[vector<16xi32>, vector<16xi32>], vector<16xf32>,
      %mul3A_208 = arith.mulf %gather3A_207, %gather3A_206 : vector<16xf32>
      %add3A_209 = arith.addf %add3A_195, %mul3A_208 : vector<16xf32>
      %mul3A_210 = arith.mulf %gather3A_207, %gather3A_207 : vector<16xf32>
      %add3A_211 = arith.addf %add3A_197, %mul3A_210 : vector<16xf32>
      %mul3A_212 = arith.mulf %gather3A_206, %gather3A_206 : vector<16xf32>
      %add3A_213 = arith.addf %add3A_199, %mul3A_212 : vector<16xf32>
      %add3A_214 = arith.constant 1 : i32
      %add3A_215 = vector.broadcast %add3A_214 : i32 to vector<16xi32>
      %add3A_216 = arith.addi %and3A_205, %add3A_215 : vector<16xi32>
      %and3A_217 = arith.constant 31 : i32
      %and3A_218 = vector.broadcast %and3A_217 : i32 to vector<16xi32>
      %and3A_219 = arith.andi %add3A_216, %and3A_218 : vector<16xi32>
      %gather3A_220 = tpu.vector_load_idx %arg8[%add3A_103, %and3A_219] : memref<512x32xf32, #tpu.memory_space<vmem>>[vector<16xi32>, vector<16xi32>], vector<16xf32>,
      %gather3A_221 = tpu.vector_load_idx %arg7[%and3A_219, %add3A_103] : memref<32x512xf32, #tpu.memory_space<vmem>>[vector<16xi32>, vector<16xi32>], vector<16xf32>,
      %mul3A_222 = arith.mulf %gather3A_221, %gather3A_220 : vector<16xf32>
      %add3A_223 = arith.addf %add3A_209, %mul3A_222 : vector<16xf32>
      %mul3A_224 = arith.mulf %gather3A_221, %gather3A_221 : vector<16xf32>
      %add3A_225 = arith.addf %add3A_211, %mul3A_224 : vector<16xf32>
      %mul3A_226 = arith.mulf %gather3A_220, %gather3A_220 : vector<16xf32>
      %add3A_227 = arith.addf %add3A_213, %mul3A_226 : vector<16xf32>
      %add3A_228 = arith.constant 1 : i32
      %add3A_229 = vector.broadcast %add3A_228 : i32 to vector<16xi32>
      %add3A_230 = arith.addi %and3A_219, %add3A_229 : vector<16xi32>
      %and3A_231 = arith.constant 31 : i32
      %and3A_232 = vector.broadcast %and3A_231 : i32 to vector<16xi32>
      %and3A_233 = arith.andi %add3A_230, %and3A_232 : vector<16xi32>
      %gather3A_234 = tpu.vector_load_idx %arg8[%add3A_103, %and3A_233] : memref<512x32xf32, #tpu.memory_space<vmem>>[vector<16xi32>, vector<16xi32>], vector<16xf32>,
      %gather3A_235 = tpu.vector_load_idx %arg7[%and3A_233, %add3A_103] : memref<32x512xf32, #tpu.memory_space<vmem>>[vector<16xi32>, vector<16xi32>], vector<16xf32>,
      %mul3A_236 = arith.mulf %gather3A_235, %gather3A_234 : vector<16xf32>
      %add3A_237 = arith.addf %add3A_223, %mul3A_236 : vector<16xf32>
      %mul3A_238 = arith.mulf %gather3A_235, %gather3A_235 : vector<16xf32>
      %add3A_239 = arith.addf %add3A_225, %mul3A_238 : vector<16xf32>
      %mul3A_240 = arith.mulf %gather3A_234, %gather3A_234 : vector<16xf32>
      %add3A_241 = arith.addf %add3A_227, %mul3A_240 : vector<16xf32>
      %add3A_242 = arith.constant 1 : i32
      %add3A_243 = vector.broadcast %add3A_242 : i32 to vector<16xi32>
      %add3A_244 = arith.addi %and3A_233, %add3A_243 : vector<16xi32>
      %and3A_245 = arith.constant 31 : i32
      %and3A_246 = vector.broadcast %and3A_245 : i32 to vector<16xi32>
      %and3A_247 = arith.andi %add3A_244, %and3A_246 : vector<16xi32>
      %gather3A_248 = tpu.vector_load_idx %arg8[%add3A_103, %and3A_247] : memref<512x32xf32, #tpu.memory_space<vmem>>[vector<16xi32>, vector<16xi32>], vector<16xf32>,
      %gather3A_249 = tpu.vector_load_idx %arg7[%and3A_247, %add3A_103] : memref<32x512xf32, #tpu.memory_space<vmem>>[vector<16xi32>, vector<16xi32>], vector<16xf32>,
      %mul3A_250 = arith.mulf %gather3A_249, %gather3A_248 : vector<16xf32>
      %add3A_251 = arith.addf %add3A_237, %mul3A_250 : vector<16xf32>
      %mul3A_252 = arith.mulf %gather3A_249, %gather3A_249 : vector<16xf32>
      %add3A_253 = arith.addf %add3A_239, %mul3A_252 : vector<16xf32>
      %mul3A_254 = arith.mulf %gather3A_248, %gather3A_248 : vector<16xf32>
      %add3A_255 = arith.addf %add3A_241, %mul3A_254 : vector<16xf32>
      %add3A_256 = arith.constant 1 : i32
      %add3A_257 = vector.broadcast %add3A_256 : i32 to vector<16xi32>
      %add3A_258 = arith.addi %and3A_247, %add3A_257 : vector<16xi32>
      %and3A_259 = arith.constant 31 : i32
      %and3A_260 = vector.broadcast %and3A_259 : i32 to vector<16xi32>
      %and3A_261 = arith.andi %add3A_258, %and3A_260 : vector<16xi32>
      %gather3A_262 = tpu.vector_load_idx %arg8[%add3A_103, %and3A_261] : memref<512x32xf32, #tpu.memory_space<vmem>>[vector<16xi32>, vector<16xi32>], vector<16xf32>,
      %gather3A_263 = tpu.vector_load_idx %arg7[%and3A_261, %add3A_103] : memref<32x512xf32, #tpu.memory_space<vmem>>[vector<16xi32>, vector<16xi32>], vector<16xf32>,
      %mul3A_264 = arith.mulf %gather3A_263, %gather3A_262 : vector<16xf32>
      %add3A_265 = arith.addf %add3A_251, %mul3A_264 : vector<16xf32>
      %mul3A_266 = arith.mulf %gather3A_263, %gather3A_263 : vector<16xf32>
      %add3A_267 = arith.addf %add3A_253, %mul3A_266 : vector<16xf32>
      %mul3A_268 = arith.mulf %gather3A_262, %gather3A_262 : vector<16xf32>
      %add3A_269 = arith.addf %add3A_255, %mul3A_268 : vector<16xf32>
      %add3A_270 = arith.constant 1 : i32
      %add3A_271 = vector.broadcast %add3A_270 : i32 to vector<16xi32>
      %add3A_272 = arith.addi %and3A_261, %add3A_271 : vector<16xi32>
      %and3A_273 = arith.constant 31 : i32
      %and3A_274 = vector.broadcast %and3A_273 : i32 to vector<16xi32>
      %and3A_275 = arith.andi %add3A_272, %and3A_274 : vector<16xi32>
      %gather3A_276 = tpu.vector_load_idx %arg8[%add3A_103, %and3A_275] : memref<512x32xf32, #tpu.memory_space<vmem>>[vector<16xi32>, vector<16xi32>], vector<16xf32>,
      %gather3A_277 = tpu.vector_load_idx %arg7[%and3A_275, %add3A_103] : memref<32x512xf32, #tpu.memory_space<vmem>>[vector<16xi32>, vector<16xi32>], vector<16xf32>,
      %mul3A_278 = arith.mulf %gather3A_277, %gather3A_276 : vector<16xf32>
      %add3A_279 = arith.addf %add3A_265, %mul3A_278 : vector<16xf32>
      %mul3A_280 = arith.mulf %gather3A_277, %gather3A_277 : vector<16xf32>
      %add3A_281 = arith.addf %add3A_267, %mul3A_280 : vector<16xf32>
      %mul3A_282 = arith.mulf %gather3A_276, %gather3A_276 : vector<16xf32>
      %add3A_283 = arith.addf %add3A_269, %mul3A_282 : vector<16xf32>
      %add3A_284 = arith.constant 1 : i32
      %add3A_285 = vector.broadcast %add3A_284 : i32 to vector<16xi32>
      %add3A_286 = arith.addi %and3A_275, %add3A_285 : vector<16xi32>
      %and3A_287 = arith.constant 31 : i32
      %and3A_288 = vector.broadcast %and3A_287 : i32 to vector<16xi32>
      %and3A_289 = arith.andi %add3A_286, %and3A_288 : vector<16xi32>
      %gather3A_290 = tpu.vector_load_idx %arg8[%add3A_103, %and3A_289] : memref<512x32xf32, #tpu.memory_space<vmem>>[vector<16xi32>, vector<16xi32>], vector<16xf32>,
      %gather3A_291 = tpu.vector_load_idx %arg7[%and3A_289, %add3A_103] : memref<32x512xf32, #tpu.memory_space<vmem>>[vector<16xi32>, vector<16xi32>], vector<16xf32>,
      %mul3A_292 = arith.mulf %gather3A_291, %gather3A_290 : vector<16xf32>
      %add3A_293 = arith.addf %add3A_279, %mul3A_292 : vector<16xf32>
      %mul3A_294 = arith.mulf %gather3A_291, %gather3A_291 : vector<16xf32>
      %add3A_295 = arith.addf %add3A_281, %mul3A_294 : vector<16xf32>
      %mul3A_296 = arith.mulf %gather3A_290, %gather3A_290 : vector<16xf32>
      %add3A_297 = arith.addf %add3A_283, %mul3A_296 : vector<16xf32>
      %add3A_298 = arith.constant 1 : i32
      %add3A_299 = vector.broadcast %add3A_298 : i32 to vector<16xi32>
      %add3A_300 = arith.addi %and3A_289, %add3A_299 : vector<16xi32>
      %and3A_301 = arith.constant 31 : i32
      %and3A_302 = vector.broadcast %and3A_301 : i32 to vector<16xi32>
      %and3A_303 = arith.andi %add3A_300, %and3A_302 : vector<16xi32>
      %gather3A_304 = tpu.vector_load_idx %arg8[%add3A_103, %and3A_303] : memref<512x32xf32, #tpu.memory_space<vmem>>[vector<16xi32>, vector<16xi32>], vector<16xf32>,
      %gather3A_305 = tpu.vector_load_idx %arg7[%and3A_303, %add3A_103] : memref<32x512xf32, #tpu.memory_space<vmem>>[vector<16xi32>, vector<16xi32>], vector<16xf32>,
      %mul3A_306 = arith.mulf %gather3A_305, %gather3A_304 : vector<16xf32>
      %add3A_307 = arith.addf %add3A_293, %mul3A_306 : vector<16xf32>
      %mul3A_308 = arith.mulf %gather3A_305, %gather3A_305 : vector<16xf32>
      %add3A_309 = arith.addf %add3A_295, %mul3A_308 : vector<16xf32>
      %mul3A_310 = arith.mulf %gather3A_304, %gather3A_304 : vector<16xf32>
      %add3A_311 = arith.addf %add3A_297, %mul3A_310 : vector<16xf32>
      %add3A_312 = arith.constant 1 : i32
      %add3A_313 = vector.broadcast %add3A_312 : i32 to vector<16xi32>
      %add3A_314 = arith.addi %and3A_303, %add3A_313 : vector<16xi32>
      %and3A_315 = arith.constant 31 : i32
      %and3A_316 = vector.broadcast %and3A_315 : i32 to vector<16xi32>
      %and3A_317 = arith.andi %add3A_314, %and3A_316 : vector<16xi32>
      %gather3A_318 = tpu.vector_load_idx %arg8[%add3A_103, %and3A_317] : memref<512x32xf32, #tpu.memory_space<vmem>>[vector<16xi32>, vector<16xi32>], vector<16xf32>,
      %gather3A_319 = tpu.vector_load_idx %arg7[%and3A_317, %add3A_103] : memref<32x512xf32, #tpu.memory_space<vmem>>[vector<16xi32>, vector<16xi32>], vector<16xf32>,
      %mul3A_320 = arith.mulf %gather3A_319, %gather3A_318 : vector<16xf32>
      %add3A_321 = arith.addf %add3A_307, %mul3A_320 : vector<16xf32>
      %mul3A_322 = arith.mulf %gather3A_319, %gather3A_319 : vector<16xf32>
      %add3A_323 = arith.addf %add3A_309, %mul3A_322 : vector<16xf32>
      %mul3A_324 = arith.mulf %gather3A_318, %gather3A_318 : vector<16xf32>
      %add3A_325 = arith.addf %add3A_311, %mul3A_324 : vector<16xf32>
      %add3A_326 = arith.constant 1 : i32
      %add3A_327 = vector.broadcast %add3A_326 : i32 to vector<16xi32>
      %add3A_328 = arith.addi %and3A_317, %add3A_327 : vector<16xi32>
      %and3A_329 = arith.constant 31 : i32
      %and3A_330 = vector.broadcast %and3A_329 : i32 to vector<16xi32>
      %and3A_331 = arith.andi %add3A_328, %and3A_330 : vector<16xi32>
      %gather3A_332 = tpu.vector_load_idx %arg8[%add3A_103, %and3A_331] : memref<512x32xf32, #tpu.memory_space<vmem>>[vector<16xi32>, vector<16xi32>], vector<16xf32>,
      %gather3A_333 = tpu.vector_load_idx %arg7[%and3A_331, %add3A_103] : memref<32x512xf32, #tpu.memory_space<vmem>>[vector<16xi32>, vector<16xi32>], vector<16xf32>,
      %mul3A_334 = arith.mulf %gather3A_333, %gather3A_332 : vector<16xf32>
      %add3A_335 = arith.addf %add3A_321, %mul3A_334 : vector<16xf32>
      %mul3A_336 = arith.mulf %gather3A_333, %gather3A_333 : vector<16xf32>
      %add3A_337 = arith.addf %add3A_323, %mul3A_336 : vector<16xf32>
      %mul3A_338 = arith.mulf %gather3A_332, %gather3A_332 : vector<16xf32>
      %add3A_339 = arith.addf %add3A_325, %mul3A_338 : vector<16xf32>
      %add3A_340 = arith.constant 1 : i32
      %add3A_341 = vector.broadcast %add3A_340 : i32 to vector<16xi32>
      %add3A_342 = arith.addi %and3A_331, %add3A_341 : vector<16xi32>
      %and3A_343 = arith.constant 31 : i32
      %and3A_344 = vector.broadcast %and3A_343 : i32 to vector<16xi32>
      %and3A_345 = arith.andi %add3A_342, %and3A_344 : vector<16xi32>
      %gather3A_346 = tpu.vector_load_idx %arg8[%add3A_103, %and3A_345] : memref<512x32xf32, #tpu.memory_space<vmem>>[vector<16xi32>, vector<16xi32>], vector<16xf32>,
      %gather3A_347 = tpu.vector_load_idx %arg7[%and3A_345, %add3A_103] : memref<32x512xf32, #tpu.memory_space<vmem>>[vector<16xi32>, vector<16xi32>], vector<16xf32>,
      %mul3A_348 = arith.mulf %gather3A_347, %gather3A_346 : vector<16xf32>
      %add3A_349 = arith.addf %add3A_335, %mul3A_348 : vector<16xf32>
      %mul3A_350 = arith.mulf %gather3A_347, %gather3A_347 : vector<16xf32>
      %add3A_351 = arith.addf %add3A_337, %mul3A_350 : vector<16xf32>
      %mul3A_352 = arith.mulf %gather3A_346, %gather3A_346 : vector<16xf32>
      %add3A_353 = arith.addf %add3A_339, %mul3A_352 : vector<16xf32>
      %add3A_354 = arith.constant 1 : i32
      %add3A_355 = vector.broadcast %add3A_354 : i32 to vector<16xi32>
      %add3A_356 = arith.addi %and3A_345, %add3A_355 : vector<16xi32>
      %and3A_357 = arith.constant 31 : i32
      %and3A_358 = vector.broadcast %and3A_357 : i32 to vector<16xi32>
      %and3A_359 = arith.andi %add3A_356, %and3A_358 : vector<16xi32>
      %gather3A_360 = tpu.vector_load_idx %arg8[%add3A_103, %and3A_359] : memref<512x32xf32, #tpu.memory_space<vmem>>[vector<16xi32>, vector<16xi32>], vector<16xf32>,
      %gather3A_361 = tpu.vector_load_idx %arg7[%and3A_359, %add3A_103] : memref<32x512xf32, #tpu.memory_space<vmem>>[vector<16xi32>, vector<16xi32>], vector<16xf32>,
      %mul3A_362 = arith.mulf %gather3A_361, %gather3A_360 : vector<16xf32>
      %add3A_363 = arith.addf %add3A_349, %mul3A_362 : vector<16xf32>
      %mul3A_364 = arith.mulf %gather3A_361, %gather3A_361 : vector<16xf32>
      %add3A_365 = arith.addf %add3A_351, %mul3A_364 : vector<16xf32>
      %mul3A_366 = arith.mulf %gather3A_360, %gather3A_360 : vector<16xf32>
      %add3A_367 = arith.addf %add3A_353, %mul3A_366 : vector<16xf32>
      %add3A_368 = arith.constant 1 : i32
      %add3A_369 = vector.broadcast %add3A_368 : i32 to vector<16xi32>
      %add3A_370 = arith.addi %and3A_359, %add3A_369 : vector<16xi32>
      %and3A_371 = arith.constant 31 : i32
      %and3A_372 = vector.broadcast %and3A_371 : i32 to vector<16xi32>
      %and3A_373 = arith.andi %add3A_370, %and3A_372 : vector<16xi32>
      %gather3A_374 = tpu.vector_load_idx %arg8[%add3A_103, %and3A_373] : memref<512x32xf32, #tpu.memory_space<vmem>>[vector<16xi32>, vector<16xi32>], vector<16xf32>,
      %gather3A_375 = tpu.vector_load_idx %arg7[%and3A_373, %add3A_103] : memref<32x512xf32, #tpu.memory_space<vmem>>[vector<16xi32>, vector<16xi32>], vector<16xf32>,
      %mul3A_376 = arith.mulf %gather3A_375, %gather3A_374 : vector<16xf32>
      %add3A_377 = arith.addf %add3A_363, %mul3A_376 : vector<16xf32>
      %mul3A_378 = arith.mulf %gather3A_375, %gather3A_375 : vector<16xf32>
      %add3A_379 = arith.addf %add3A_365, %mul3A_378 : vector<16xf32>
      %mul3A_380 = arith.mulf %gather3A_374, %gather3A_374 : vector<16xf32>
      %add3A_381 = arith.addf %add3A_367, %mul3A_380 : vector<16xf32>
      %add3A_382 = arith.constant 1 : i32
      %add3A_383 = vector.broadcast %add3A_382 : i32 to vector<16xi32>
      %add3A_384 = arith.addi %and3A_373, %add3A_383 : vector<16xi32>
      %and3A_385 = arith.constant 31 : i32
      %and3A_386 = vector.broadcast %and3A_385 : i32 to vector<16xi32>
      %and3A_387 = arith.andi %add3A_384, %and3A_386 : vector<16xi32>
      %gather3A_388 = tpu.vector_load_idx %arg8[%add3A_103, %and3A_387] : memref<512x32xf32, #tpu.memory_space<vmem>>[vector<16xi32>, vector<16xi32>], vector<16xf32>,
      %gather3A_389 = tpu.vector_load_idx %arg7[%and3A_387, %add3A_103] : memref<32x512xf32, #tpu.memory_space<vmem>>[vector<16xi32>, vector<16xi32>], vector<16xf32>,
      %mul3A_390 = arith.mulf %gather3A_389, %gather3A_388 : vector<16xf32>
      %add3A_391 = arith.addf %add3A_377, %mul3A_390 : vector<16xf32>
      %mul3A_392 = arith.mulf %gather3A_389, %gather3A_389 : vector<16xf32>
      %add3A_393 = arith.addf %add3A_379, %mul3A_392 : vector<16xf32>
      %mul3A_394 = arith.mulf %gather3A_388, %gather3A_388 : vector<16xf32>
      %add3A_395 = arith.addf %add3A_381, %mul3A_394 : vector<16xf32>
      %add3A_396 = arith.constant 1 : i32
      %add3A_397 = vector.broadcast %add3A_396 : i32 to vector<16xi32>
      %add3A_398 = arith.addi %and3A_387, %add3A_397 : vector<16xi32>
      %and3A_399 = arith.constant 31 : i32
      %and3A_400 = vector.broadcast %and3A_399 : i32 to vector<16xi32>
      %and3A_401 = arith.andi %add3A_398, %and3A_400 : vector<16xi32>
      %gather3A_402 = tpu.vector_load_idx %arg8[%add3A_103, %and3A_401] : memref<512x32xf32, #tpu.memory_space<vmem>>[vector<16xi32>, vector<16xi32>], vector<16xf32>,
      %gather3A_403 = tpu.vector_load_idx %arg7[%and3A_401, %add3A_103] : memref<32x512xf32, #tpu.memory_space<vmem>>[vector<16xi32>, vector<16xi32>], vector<16xf32>,
      %mul3A_404 = arith.mulf %gather3A_403, %gather3A_402 : vector<16xf32>
      %add3A_405 = arith.addf %add3A_391, %mul3A_404 : vector<16xf32>
      %mul3A_406 = arith.mulf %gather3A_403, %gather3A_403 : vector<16xf32>
      %add3A_407 = arith.addf %add3A_393, %mul3A_406 : vector<16xf32>
      %mul3A_408 = arith.mulf %gather3A_402, %gather3A_402 : vector<16xf32>
      %add3A_409 = arith.addf %add3A_395, %mul3A_408 : vector<16xf32>
      %add3A_410 = arith.constant 1 : i32
      %add3A_411 = vector.broadcast %add3A_410 : i32 to vector<16xi32>
      %add3A_412 = arith.addi %and3A_401, %add3A_411 : vector<16xi32>
      %and3A_413 = arith.constant 31 : i32
      %and3A_414 = vector.broadcast %and3A_413 : i32 to vector<16xi32>
      %and3A_415 = arith.andi %add3A_412, %and3A_414 : vector<16xi32>
      %gather3A_416 = tpu.vector_load_idx %arg8[%add3A_103, %and3A_415] : memref<512x32xf32, #tpu.memory_space<vmem>>[vector<16xi32>, vector<16xi32>], vector<16xf32>,
      %gather3A_417 = tpu.vector_load_idx %arg7[%and3A_415, %add3A_103] : memref<32x512xf32, #tpu.memory_space<vmem>>[vector<16xi32>, vector<16xi32>], vector<16xf32>,
      %mul3A_418 = arith.mulf %gather3A_417, %gather3A_416 : vector<16xf32>
      %add3A_419 = arith.addf %add3A_405, %mul3A_418 : vector<16xf32>
      %mul3A_420 = arith.mulf %gather3A_417, %gather3A_417 : vector<16xf32>
      %add3A_421 = arith.addf %add3A_407, %mul3A_420 : vector<16xf32>
      %mul3A_422 = arith.mulf %gather3A_416, %gather3A_416 : vector<16xf32>
      %add3A_423 = arith.addf %add3A_409, %mul3A_422 : vector<16xf32>
      %add3A_424 = arith.constant 1 : i32
      %add3A_425 = vector.broadcast %add3A_424 : i32 to vector<16xi32>
      %add3A_426 = arith.addi %and3A_415, %add3A_425 : vector<16xi32>
      %and3A_427 = arith.constant 31 : i32
      %and3A_428 = vector.broadcast %and3A_427 : i32 to vector<16xi32>
      %and3A_429 = arith.andi %add3A_426, %and3A_428 : vector<16xi32>
      %gather3A_430 = tpu.vector_load_idx %arg8[%add3A_103, %and3A_429] : memref<512x32xf32, #tpu.memory_space<vmem>>[vector<16xi32>, vector<16xi32>], vector<16xf32>,
      %gather3A_431 = tpu.vector_load_idx %arg7[%and3A_429, %add3A_103] : memref<32x512xf32, #tpu.memory_space<vmem>>[vector<16xi32>, vector<16xi32>], vector<16xf32>,
      %mul3A_432 = arith.mulf %gather3A_431, %gather3A_430 : vector<16xf32>
      %add3A_433 = arith.addf %add3A_419, %mul3A_432 : vector<16xf32>
      %mul3A_434 = arith.mulf %gather3A_431, %gather3A_431 : vector<16xf32>
      %add3A_435 = arith.addf %add3A_421, %mul3A_434 : vector<16xf32>
      %mul3A_436 = arith.mulf %gather3A_430, %gather3A_430 : vector<16xf32>
      %add3A_437 = arith.addf %add3A_423, %mul3A_436 : vector<16xf32>
      %add3A_438 = arith.constant 1 : i32
      %add3A_439 = vector.broadcast %add3A_438 : i32 to vector<16xi32>
      %add3A_440 = arith.addi %and3A_429, %add3A_439 : vector<16xi32>
      %and3A_441 = arith.constant 31 : i32
      %and3A_442 = vector.broadcast %and3A_441 : i32 to vector<16xi32>
      %and3A_443 = arith.andi %add3A_440, %and3A_442 : vector<16xi32>
      %gather3A_444 = tpu.vector_load_idx %arg8[%add3A_103, %and3A_443] : memref<512x32xf32, #tpu.memory_space<vmem>>[vector<16xi32>, vector<16xi32>], vector<16xf32>,
      %gather3A_445 = tpu.vector_load_idx %arg7[%and3A_443, %add3A_103] : memref<32x512xf32, #tpu.memory_space<vmem>>[vector<16xi32>, vector<16xi32>], vector<16xf32>,
      %mul3A_446 = arith.mulf %gather3A_445, %gather3A_444 : vector<16xf32>
      %add3A_447 = arith.addf %add3A_433, %mul3A_446 : vector<16xf32>
      %mul3A_448 = arith.mulf %gather3A_445, %gather3A_445 : vector<16xf32>
      %add3A_449 = arith.addf %add3A_435, %mul3A_448 : vector<16xf32>
      %mul3A_450 = arith.mulf %gather3A_444, %gather3A_444 : vector<16xf32>
      %add3A_451 = arith.addf %add3A_437, %mul3A_450 : vector<16xf32>
      %add3A_452 = arith.constant 1 : i32
      %add3A_453 = vector.broadcast %add3A_452 : i32 to vector<16xi32>
      %add3A_454 = arith.addi %and3A_443, %add3A_453 : vector<16xi32>
      %and3A_455 = arith.constant 31 : i32
      %and3A_456 = vector.broadcast %and3A_455 : i32 to vector<16xi32>
      %and3A_457 = arith.andi %add3A_454, %and3A_456 : vector<16xi32>
      %gather3A_458 = tpu.vector_load_idx %arg8[%add3A_103, %and3A_457] : memref<512x32xf32, #tpu.memory_space<vmem>>[vector<16xi32>, vector<16xi32>], vector<16xf32>,
      %gather3A_459 = tpu.vector_load_idx %arg7[%and3A_457, %add3A_103] : memref<32x512xf32, #tpu.memory_space<vmem>>[vector<16xi32>, vector<16xi32>], vector<16xf32>,
      %mul3A_460 = arith.mulf %gather3A_459, %gather3A_458 : vector<16xf32>
      %add3A_461 = arith.addf %add3A_447, %mul3A_460 : vector<16xf32>
      %mul3A_462 = arith.mulf %gather3A_459, %gather3A_459 : vector<16xf32>
      %add3A_463 = arith.addf %add3A_449, %mul3A_462 : vector<16xf32>
      %mul3A_464 = arith.mulf %gather3A_458, %gather3A_458 : vector<16xf32>
      %add3A_465 = arith.addf %add3A_451, %mul3A_464 : vector<16xf32>
      %add3A_466 = arith.constant 1 : i32
      %add3A_467 = vector.broadcast %add3A_466 : i32 to vector<16xi32>
      %add3A_468 = arith.addi %and3A_457, %add3A_467 : vector<16xi32>
      %and3A_469 = arith.constant 31 : i32
      %and3A_470 = vector.broadcast %and3A_469 : i32 to vector<16xi32>
      %and3A_471 = arith.andi %add3A_468, %and3A_470 : vector<16xi32>
      %gather3A_472 = tpu.vector_load_idx %arg8[%add3A_103, %and3A_471] : memref<512x32xf32, #tpu.memory_space<vmem>>[vector<16xi32>, vector<16xi32>], vector<16xf32>,
      %gather3A_473 = tpu.vector_load_idx %arg7[%and3A_471, %add3A_103] : memref<32x512xf32, #tpu.memory_space<vmem>>[vector<16xi32>, vector<16xi32>], vector<16xf32>,
      %mul3A_474 = arith.mulf %gather3A_473, %gather3A_472 : vector<16xf32>
      %add3A_475 = arith.addf %add3A_461, %mul3A_474 : vector<16xf32>
      %mul3A_476 = arith.mulf %gather3A_473, %gather3A_473 : vector<16xf32>
      %add3A_477 = arith.addf %add3A_463, %mul3A_476 : vector<16xf32>
      %mul3A_478 = arith.mulf %gather3A_472, %gather3A_472 : vector<16xf32>
      %add3A_479 = arith.addf %add3A_465, %mul3A_478 : vector<16xf32>
      %add3A_480 = arith.constant 1 : i32
      %add3A_481 = vector.broadcast %add3A_480 : i32 to vector<16xi32>
      %add3A_482 = arith.addi %and3A_471, %add3A_481 : vector<16xi32>
      %and3A_483 = arith.constant 31 : i32
      %and3A_484 = vector.broadcast %and3A_483 : i32 to vector<16xi32>
      %and3A_485 = arith.andi %add3A_482, %and3A_484 : vector<16xi32>
      %gather3A_486 = tpu.vector_load_idx %arg8[%add3A_103, %and3A_485] : memref<512x32xf32, #tpu.memory_space<vmem>>[vector<16xi32>, vector<16xi32>], vector<16xf32>,
      %gather3A_487 = tpu.vector_load_idx %arg7[%and3A_485, %add3A_103] : memref<32x512xf32, #tpu.memory_space<vmem>>[vector<16xi32>, vector<16xi32>], vector<16xf32>,
      %mul3A_488 = arith.mulf %gather3A_487, %gather3A_486 : vector<16xf32>
      %add3A_489 = arith.addf %add3A_475, %mul3A_488 : vector<16xf32>
      %mul3A_490 = arith.mulf %gather3A_487, %gather3A_487 : vector<16xf32>
      %add3A_491 = arith.addf %add3A_477, %mul3A_490 : vector<16xf32>
      %mul3A_492 = arith.mulf %gather3A_486, %gather3A_486 : vector<16xf32>
      %add3A_493 = arith.addf %add3A_479, %mul3A_492 : vector<16xf32>
      %add3A_494 = arith.constant 1 : i32
      %add3A_495 = vector.broadcast %add3A_494 : i32 to vector<16xi32>
      %add3A_496 = arith.addi %and3A_485, %add3A_495 : vector<16xi32>
      %and3A_497 = arith.constant 31 : i32
      %and3A_498 = vector.broadcast %and3A_497 : i32 to vector<16xi32>
      %and3A_499 = arith.andi %add3A_496, %and3A_498 : vector<16xi32>
      %gather3A_500 = tpu.vector_load_idx %arg8[%add3A_103, %and3A_499] : memref<512x32xf32, #tpu.memory_space<vmem>>[vector<16xi32>, vector<16xi32>], vector<16xf32>,
      %gather3A_501 = tpu.vector_load_idx %arg7[%and3A_499, %add3A_103] : memref<32x512xf32, #tpu.memory_space<vmem>>[vector<16xi32>, vector<16xi32>], vector<16xf32>,
      %mul3A_502 = arith.mulf %gather3A_501, %gather3A_500 : vector<16xf32>
      %add3A_503 = arith.addf %add3A_489, %mul3A_502 : vector<16xf32>
      %mul3A_504 = arith.mulf %gather3A_501, %gather3A_501 : vector<16xf32>
      %add3A_505 = arith.addf %add3A_491, %mul3A_504 : vector<16xf32>
      %mul3A_506 = arith.mulf %gather3A_500, %gather3A_500 : vector<16xf32>
      %add3A_507 = arith.addf %add3A_493, %mul3A_506 : vector<16xf32>
      %add3A_508 = arith.constant 1 : i32
      %add3A_509 = vector.broadcast %add3A_508 : i32 to vector<16xi32>
      %add3A_510 = arith.addi %and3A_499, %add3A_509 : vector<16xi32>
      %and3A_511 = arith.constant 31 : i32
      %and3A_512 = vector.broadcast %and3A_511 : i32 to vector<16xi32>
      %and3A_513 = arith.andi %add3A_510, %and3A_512 : vector<16xi32>
      %gather3A_514 = tpu.vector_load_idx %arg8[%add3A_103, %and3A_513] : memref<512x32xf32, #tpu.memory_space<vmem>>[vector<16xi32>, vector<16xi32>], vector<16xf32>,
      %gather3A_515 = tpu.vector_load_idx %arg7[%and3A_513, %add3A_103] : memref<32x512xf32, #tpu.memory_space<vmem>>[vector<16xi32>, vector<16xi32>], vector<16xf32>,
      %mul3A_516 = arith.mulf %gather3A_515, %gather3A_514 : vector<16xf32>
      %add3A_517 = arith.addf %add3A_503, %mul3A_516 : vector<16xf32>
      %mul3A_518 = arith.mulf %gather3A_515, %gather3A_515 : vector<16xf32>
      %add3A_519 = arith.addf %add3A_505, %mul3A_518 : vector<16xf32>
      %mul3A_520 = arith.mulf %gather3A_514, %gather3A_514 : vector<16xf32>
      %add3A_521 = arith.addf %add3A_507, %mul3A_520 : vector<16xf32>
      %add3A_522 = arith.constant 1 : i32
      %add3A_523 = vector.broadcast %add3A_522 : i32 to vector<16xi32>
      %add3A_524 = arith.addi %and3A_513, %add3A_523 : vector<16xi32>
      %and3A_525 = arith.constant 31 : i32
      %and3A_526 = vector.broadcast %and3A_525 : i32 to vector<16xi32>
      %and3A_527 = arith.andi %add3A_524, %and3A_526 : vector<16xi32>
      %gather3A_528 = tpu.vector_load_idx %arg8[%add3A_103, %and3A_527] : memref<512x32xf32, #tpu.memory_space<vmem>>[vector<16xi32>, vector<16xi32>], vector<16xf32>,
      %gather3A_529 = tpu.vector_load_idx %arg7[%and3A_527, %add3A_103] : memref<32x512xf32, #tpu.memory_space<vmem>>[vector<16xi32>, vector<16xi32>], vector<16xf32>,
      %mul3A_530 = arith.mulf %gather3A_529, %gather3A_528 : vector<16xf32>
      %add3A_531 = arith.addf %add3A_517, %mul3A_530 : vector<16xf32>
      %mul3A_532 = arith.mulf %gather3A_529, %gather3A_529 : vector<16xf32>
      %add3A_533 = arith.addf %add3A_519, %mul3A_532 : vector<16xf32>
      %mul3A_534 = arith.mulf %gather3A_528, %gather3A_528 : vector<16xf32>
      %add3A_535 = arith.addf %add3A_521, %mul3A_534 : vector<16xf32>
      %add3A_536 = arith.constant 1 : i32
      %add3A_537 = vector.broadcast %add3A_536 : i32 to vector<16xi32>
      %add3A_538 = arith.addi %and3A_527, %add3A_537 : vector<16xi32>
      %and3A_539 = arith.constant 31 : i32
      %and3A_540 = vector.broadcast %and3A_539 : i32 to vector<16xi32>
      %and3A_541 = arith.andi %add3A_538, %and3A_540 : vector<16xi32>
      %gather3A_542 = tpu.vector_load_idx %arg8[%add3A_103, %and3A_541] : memref<512x32xf32, #tpu.memory_space<vmem>>[vector<16xi32>, vector<16xi32>], vector<16xf32>,
      %gather3A_543 = tpu.vector_load_idx %arg7[%and3A_541, %add3A_103] : memref<32x512xf32, #tpu.memory_space<vmem>>[vector<16xi32>, vector<16xi32>], vector<16xf32>,
      %mul3A_544 = arith.mulf %gather3A_543, %gather3A_542 : vector<16xf32>
      %add3A_545 = arith.addf %add3A_531, %mul3A_544 : vector<16xf32>
      %mul3A_546 = arith.mulf %gather3A_543, %gather3A_543 : vector<16xf32>
      %add3A_547 = arith.addf %add3A_533, %mul3A_546 : vector<16xf32>
      %mul3A_548 = arith.mulf %gather3A_542, %gather3A_542 : vector<16xf32>
      %add3A_549 = arith.addf %add3A_535, %mul3A_548 : vector<16xf32>
      %bitcast_convert_type3A = tpu.bitcast %add3A_547 : vector<16xf32> -> vector<16xi32>
      %shift_right_logical3A = arith.constant 1 : i32
      %shift_right_logical3A_550 = vector.broadcast %shift_right_logical3A : i32 to vector<16xi32>
      %shift_right_logical3A_551 = arith.shrui %bitcast_convert_type3A, %shift_right_logical3A_550 : vector<16xi32>
      %sub3A = arith.constant 1597463007 : i32
      %sub3A_552 = vector.broadcast %sub3A : i32 to vector<16xi32>
      %sub3A_553 = arith.subi %sub3A_552, %shift_right_logical3A_551 : vector<16xi32>
      %bitcast_convert_type3A_554 = tpu.bitcast %sub3A_553 : vector<16xi32> -> vector<16xf32>
      %mul3A_555 = arith.constant 5.000000e-01 : f32
      %mul3A_556 = vector.broadcast %mul3A_555 : f32 to vector<16xf32>
      %mul3A_557 = arith.mulf %mul3A_556, %add3A_547 : vector<16xf32>
      %mul3A_558 = arith.mulf %mul3A_557, %bitcast_convert_type3A_554 : vector<16xf32>
      %mul3A_559 = arith.mulf %mul3A_558, %bitcast_convert_type3A_554 : vector<16xf32>
      %sub3A_560 = arith.constant 1.500000e+00 : f32
      %sub3A_561 = vector.broadcast %sub3A_560 : f32 to vector<16xf32>
      %sub3A_562 = arith.subf %sub3A_561, %mul3A_559 : vector<16xf32>
      %mul3A_563 = arith.mulf %bitcast_convert_type3A_554, %sub3A_562 : vector<16xf32>
      %mul3A_564 = arith.constant 5.000000e-01 : f32
      %mul3A_565 = vector.broadcast %mul3A_564 : f32 to vector<16xf32>
      %mul3A_566 = arith.mulf %mul3A_565, %add3A_547 : vector<16xf32>
      %mul3A_567 = arith.mulf %mul3A_566, %mul3A_563 : vector<16xf32>
      %mul3A_568 = arith.mulf %mul3A_567, %mul3A_563 : vector<16xf32>
      %sub3A_569 = arith.constant 1.500000e+00 : f32
      %sub3A_570 = vector.broadcast %sub3A_569 : f32 to vector<16xf32>
      %sub3A_571 = arith.subf %sub3A_570, %mul3A_568 : vector<16xf32>
      %mul3A_572 = arith.mulf %mul3A_563, %sub3A_571 : vector<16xf32>
      %mul3A_573 = arith.constant 5.000000e-01 : f32
      %mul3A_574 = vector.broadcast %mul3A_573 : f32 to vector<16xf32>
      %mul3A_575 = arith.mulf %mul3A_574, %add3A_547 : vector<16xf32>
      %mul3A_576 = arith.mulf %mul3A_575, %mul3A_572 : vector<16xf32>
      %mul3A_577 = arith.mulf %mul3A_576, %mul3A_572 : vector<16xf32>
      %sub3A_578 = arith.constant 1.500000e+00 : f32
      %sub3A_579 = vector.broadcast %sub3A_578 : f32 to vector<16xf32>
      %sub3A_580 = arith.subf %sub3A_579, %mul3A_577 : vector<16xf32>
      %mul3A_581 = arith.mulf %mul3A_572, %sub3A_580 : vector<16xf32>
      %mul3A_582 = arith.mulf %add3A_547, %mul3A_581 : vector<16xf32>
      %bitcast_convert_type3A_583 = tpu.bitcast %add3A_549 : vector<16xf32> -> vector<16xi32>
      %shift_right_logical3A_584 = arith.constant 1 : i32
      %shift_right_logical3A_585 = vector.broadcast %shift_right_logical3A_584 : i32 to vector<16xi32>
      %shift_right_logical3A_586 = arith.shrui %bitcast_convert_type3A_583, %shift_right_logical3A_585 : vector<16xi32>
      %sub3A_587 = arith.constant 1597463007 : i32
      %sub3A_588 = vector.broadcast %sub3A_587 : i32 to vector<16xi32>
      %sub3A_589 = arith.subi %sub3A_588, %shift_right_logical3A_586 : vector<16xi32>
      %bitcast_convert_type3A_590 = tpu.bitcast %sub3A_589 : vector<16xi32> -> vector<16xf32>
      %mul3A_591 = arith.constant 5.000000e-01 : f32
      %mul3A_592 = vector.broadcast %mul3A_591 : f32 to vector<16xf32>
      %mul3A_593 = arith.mulf %mul3A_592, %add3A_549 : vector<16xf32>
      %mul3A_594 = arith.mulf %mul3A_593, %bitcast_convert_type3A_590 : vector<16xf32>
      %mul3A_595 = arith.mulf %mul3A_594, %bitcast_convert_type3A_590 : vector<16xf32>
      %sub3A_596 = arith.constant 1.500000e+00 : f32
      %sub3A_597 = vector.broadcast %sub3A_596 : f32 to vector<16xf32>
      %sub3A_598 = arith.subf %sub3A_597, %mul3A_595 : vector<16xf32>
      %mul3A_599 = arith.mulf %bitcast_convert_type3A_590, %sub3A_598 : vector<16xf32>
      %mul3A_600 = arith.constant 5.000000e-01 : f32
      %mul3A_601 = vector.broadcast %mul3A_600 : f32 to vector<16xf32>
      %mul3A_602 = arith.mulf %mul3A_601, %add3A_549 : vector<16xf32>
      %mul3A_603 = arith.mulf %mul3A_602, %mul3A_599 : vector<16xf32>
      %mul3A_604 = arith.mulf %mul3A_603, %mul3A_599 : vector<16xf32>
      %sub3A_605 = arith.constant 1.500000e+00 : f32
      %sub3A_606 = vector.broadcast %sub3A_605 : f32 to vector<16xf32>
      %sub3A_607 = arith.subf %sub3A_606, %mul3A_604 : vector<16xf32>
      %mul3A_608 = arith.mulf %mul3A_599, %sub3A_607 : vector<16xf32>
      %mul3A_609 = arith.constant 5.000000e-01 : f32
      %mul3A_610 = vector.broadcast %mul3A_609 : f32 to vector<16xf32>
      %mul3A_611 = arith.mulf %mul3A_610, %add3A_549 : vector<16xf32>
      %mul3A_612 = arith.mulf %mul3A_611, %mul3A_608 : vector<16xf32>
      %mul3A_613 = arith.mulf %mul3A_612, %mul3A_608 : vector<16xf32>
      %sub3A_614 = arith.constant 1.500000e+00 : f32
      %sub3A_615 = vector.broadcast %sub3A_614 : f32 to vector<16xf32>
      %sub3A_616 = arith.subf %sub3A_615, %mul3A_613 : vector<16xf32>
      %mul3A_617 = arith.mulf %mul3A_608, %sub3A_616 : vector<16xf32>
      %mul3A_618 = arith.mulf %add3A_549, %mul3A_617 : vector<16xf32>
      %max3A = arith.constant 9.99999996E-13 : f32
      %max3A_619 = vector.broadcast %max3A : f32 to vector<16xf32>
      %max3A_620 = arith.maximumf %mul3A_582, %max3A_619 : vector<16xf32>
      %div3A = arith.constant 1.000000e+00 : f32
      %div3A_621 = vector.broadcast %div3A : f32 to vector<16xf32>
      %div3A_622 = arith.divf %div3A_621, %max3A_620 : vector<16xf32>
      %max3A_623 = arith.constant 9.99999996E-13 : f32
      %max3A_624 = vector.broadcast %max3A_623 : f32 to vector<16xf32>
      %max3A_625 = arith.maximumf %mul3A_618, %max3A_624 : vector<16xf32>
      %div3A_626 = arith.divf %div3A_622, %max3A_625 : vector<16xf32>
      %mul3A_627 = arith.mulf %add3A_545, %div3A_626 : vector<16xf32>
      %add3A_628 = arith.addf %scan3A_99, %mul3A_627 : vector<16xf32>
      scf.yield %add3A_628 : vector<16xf32>
    }
    %scan3A_82 = arith.constant 8 : i32
    %dma_wait3A_83 = arith.constant 384 : i32
    %dma_wait3A_84 = arith.constant 0 : i32
    %dma_wait3A_85 = tpu.memref_slice %arg8[%dma_wait3A_83, %dma_wait3A_84] : memref<512x32xf32, #tpu.memory_space<vmem>> -> memref<128x32xf32, #tpu.memory_space<vmem>>
    %dma_wait3A_86 = arith.constant 384 : i32
    %dma_wait3A_87 = tpu.memref_slice %arg6[%dma_wait3A_86] : memref<512xi32, #tpu.memory_space<vmem>> -> memref<128xi32, #tpu.memory_space<vmem>>
    %dma_wait3A_88 = arith.constant 0 : i32
    %dma_wait3A_89 = arith.constant 0 : i32
    %dma_wait3A_90 = tpu.memref_slice %arg4[%dma_wait3A_88, %dma_wait3A_89] : memref<100000x32xf32, #tpu.memory_space<hbm>> -> memref<100000x32xf32, #tpu.memory_space<hbm>>
    tpu.wait_indirect_dma semaphore(%arg14 : memref<!tpu.dma_semaphore, #tpu.memory_space<semaphore_mem>>) src(%dma_wait3A_90 : memref<100000x32xf32, #tpu.memory_space<hbm>>) dst(%dma_wait3A_85 : memref<128x32xf32, #tpu.memory_space<vmem>>)
    %scan3A_91 = arith.constant 24 : i32
    %scan3A_92 = arith.constant 8 : i32
    %scan3A_93 = arith.addi %scan3A_91, %scan3A_92 : i32
    %scan3A_94 = arith.constant 1 : i32
    %scan3A_95 = scf.for %scan3A_98 = %scan3A_91 to %scan3A_93 step %scan3A_94 iter_args(%scan3A_99 = %scan3A_81) -> (vector<16xf32>)  : i32 {
      %mul3A_100 = arith.constant 16 : i32
      %mul3A_101 = arith.muli %scan3A_98, %mul3A_100 : i32
      %add3A_102 = vector.broadcast %mul3A_101 : i32 to vector<16xi32>
      %add3A_103 = arith.addi %add3A_102, %iota3A : vector<16xi32>
      %broadcast_in_dim3A_104 = arith.constant 0.000000e+00 : f32
      %broadcast_in_dim3A_105 = vector.broadcast %broadcast_in_dim3A_104 : f32 to vector<16xf32>
      %broadcast_in_dim3A_106 = arith.constant 0.000000e+00 : f32
      %broadcast_in_dim3A_107 = vector.broadcast %broadcast_in_dim3A_106 : f32 to vector<16xf32>
      %broadcast_in_dim3A_108 = arith.constant 0.000000e+00 : f32
      %broadcast_in_dim3A_109 = vector.broadcast %broadcast_in_dim3A_108 : f32 to vector<16xf32>
      %gather3A = tpu.vector_load_idx %arg8[%add3A_103, %iota3A] : memref<512x32xf32, #tpu.memory_space<vmem>>[vector<16xi32>, vector<16xi32>], vector<16xf32>,
      %gather3A_110 = tpu.vector_load_idx %arg7[%iota3A, %add3A_103] : memref<32x512xf32, #tpu.memory_space<vmem>>[vector<16xi32>, vector<16xi32>], vector<16xf32>,
      %mul3A_111 = arith.mulf %gather3A_110, %gather3A : vector<16xf32>
      %add3A_112 = arith.addf %broadcast_in_dim3A_105, %mul3A_111 : vector<16xf32>
      %mul3A_113 = arith.mulf %gather3A_110, %gather3A_110 : vector<16xf32>
      %add3A_114 = arith.addf %broadcast_in_dim3A_107, %mul3A_113 : vector<16xf32>
      %mul3A_115 = arith.mulf %gather3A, %gather3A : vector<16xf32>
      %add3A_116 = arith.addf %broadcast_in_dim3A_109, %mul3A_115 : vector<16xf32>
      %add3A_117 = arith.constant 1 : i32
      %add3A_118 = vector.broadcast %add3A_117 : i32 to vector<16xi32>
      %add3A_119 = arith.addi %iota3A, %add3A_118 : vector<16xi32>
      %and3A = arith.constant 31 : i32
      %and3A_120 = vector.broadcast %and3A : i32 to vector<16xi32>
      %and3A_121 = arith.andi %add3A_119, %and3A_120 : vector<16xi32>
      %gather3A_122 = tpu.vector_load_idx %arg8[%add3A_103, %and3A_121] : memref<512x32xf32, #tpu.memory_space<vmem>>[vector<16xi32>, vector<16xi32>], vector<16xf32>,
      %gather3A_123 = tpu.vector_load_idx %arg7[%and3A_121, %add3A_103] : memref<32x512xf32, #tpu.memory_space<vmem>>[vector<16xi32>, vector<16xi32>], vector<16xf32>,
      %mul3A_124 = arith.mulf %gather3A_123, %gather3A_122 : vector<16xf32>
      %add3A_125 = arith.addf %add3A_112, %mul3A_124 : vector<16xf32>
      %mul3A_126 = arith.mulf %gather3A_123, %gather3A_123 : vector<16xf32>
      %add3A_127 = arith.addf %add3A_114, %mul3A_126 : vector<16xf32>
      %mul3A_128 = arith.mulf %gather3A_122, %gather3A_122 : vector<16xf32>
      %add3A_129 = arith.addf %add3A_116, %mul3A_128 : vector<16xf32>
      %add3A_130 = arith.constant 1 : i32
      %add3A_131 = vector.broadcast %add3A_130 : i32 to vector<16xi32>
      %add3A_132 = arith.addi %and3A_121, %add3A_131 : vector<16xi32>
      %and3A_133 = arith.constant 31 : i32
      %and3A_134 = vector.broadcast %and3A_133 : i32 to vector<16xi32>
      %and3A_135 = arith.andi %add3A_132, %and3A_134 : vector<16xi32>
      %gather3A_136 = tpu.vector_load_idx %arg8[%add3A_103, %and3A_135] : memref<512x32xf32, #tpu.memory_space<vmem>>[vector<16xi32>, vector<16xi32>], vector<16xf32>,
      %gather3A_137 = tpu.vector_load_idx %arg7[%and3A_135, %add3A_103] : memref<32x512xf32, #tpu.memory_space<vmem>>[vector<16xi32>, vector<16xi32>], vector<16xf32>,
      %mul3A_138 = arith.mulf %gather3A_137, %gather3A_136 : vector<16xf32>
      %add3A_139 = arith.addf %add3A_125, %mul3A_138 : vector<16xf32>
      %mul3A_140 = arith.mulf %gather3A_137, %gather3A_137 : vector<16xf32>
      %add3A_141 = arith.addf %add3A_127, %mul3A_140 : vector<16xf32>
      %mul3A_142 = arith.mulf %gather3A_136, %gather3A_136 : vector<16xf32>
      %add3A_143 = arith.addf %add3A_129, %mul3A_142 : vector<16xf32>
      %add3A_144 = arith.constant 1 : i32
      %add3A_145 = vector.broadcast %add3A_144 : i32 to vector<16xi32>
      %add3A_146 = arith.addi %and3A_135, %add3A_145 : vector<16xi32>
      %and3A_147 = arith.constant 31 : i32
      %and3A_148 = vector.broadcast %and3A_147 : i32 to vector<16xi32>
      %and3A_149 = arith.andi %add3A_146, %and3A_148 : vector<16xi32>
      %gather3A_150 = tpu.vector_load_idx %arg8[%add3A_103, %and3A_149] : memref<512x32xf32, #tpu.memory_space<vmem>>[vector<16xi32>, vector<16xi32>], vector<16xf32>,
      %gather3A_151 = tpu.vector_load_idx %arg7[%and3A_149, %add3A_103] : memref<32x512xf32, #tpu.memory_space<vmem>>[vector<16xi32>, vector<16xi32>], vector<16xf32>,
      %mul3A_152 = arith.mulf %gather3A_151, %gather3A_150 : vector<16xf32>
      %add3A_153 = arith.addf %add3A_139, %mul3A_152 : vector<16xf32>
      %mul3A_154 = arith.mulf %gather3A_151, %gather3A_151 : vector<16xf32>
      %add3A_155 = arith.addf %add3A_141, %mul3A_154 : vector<16xf32>
      %mul3A_156 = arith.mulf %gather3A_150, %gather3A_150 : vector<16xf32>
      %add3A_157 = arith.addf %add3A_143, %mul3A_156 : vector<16xf32>
      %add3A_158 = arith.constant 1 : i32
      %add3A_159 = vector.broadcast %add3A_158 : i32 to vector<16xi32>
      %add3A_160 = arith.addi %and3A_149, %add3A_159 : vector<16xi32>
      %and3A_161 = arith.constant 31 : i32
      %and3A_162 = vector.broadcast %and3A_161 : i32 to vector<16xi32>
      %and3A_163 = arith.andi %add3A_160, %and3A_162 : vector<16xi32>
      %gather3A_164 = tpu.vector_load_idx %arg8[%add3A_103, %and3A_163] : memref<512x32xf32, #tpu.memory_space<vmem>>[vector<16xi32>, vector<16xi32>], vector<16xf32>,
      %gather3A_165 = tpu.vector_load_idx %arg7[%and3A_163, %add3A_103] : memref<32x512xf32, #tpu.memory_space<vmem>>[vector<16xi32>, vector<16xi32>], vector<16xf32>,
      %mul3A_166 = arith.mulf %gather3A_165, %gather3A_164 : vector<16xf32>
      %add3A_167 = arith.addf %add3A_153, %mul3A_166 : vector<16xf32>
      %mul3A_168 = arith.mulf %gather3A_165, %gather3A_165 : vector<16xf32>
      %add3A_169 = arith.addf %add3A_155, %mul3A_168 : vector<16xf32>
      %mul3A_170 = arith.mulf %gather3A_164, %gather3A_164 : vector<16xf32>
      %add3A_171 = arith.addf %add3A_157, %mul3A_170 : vector<16xf32>
      %add3A_172 = arith.constant 1 : i32
      %add3A_173 = vector.broadcast %add3A_172 : i32 to vector<16xi32>
      %add3A_174 = arith.addi %and3A_163, %add3A_173 : vector<16xi32>
      %and3A_175 = arith.constant 31 : i32
      %and3A_176 = vector.broadcast %and3A_175 : i32 to vector<16xi32>
      %and3A_177 = arith.andi %add3A_174, %and3A_176 : vector<16xi32>
      %gather3A_178 = tpu.vector_load_idx %arg8[%add3A_103, %and3A_177] : memref<512x32xf32, #tpu.memory_space<vmem>>[vector<16xi32>, vector<16xi32>], vector<16xf32>,
      %gather3A_179 = tpu.vector_load_idx %arg7[%and3A_177, %add3A_103] : memref<32x512xf32, #tpu.memory_space<vmem>>[vector<16xi32>, vector<16xi32>], vector<16xf32>,
      %mul3A_180 = arith.mulf %gather3A_179, %gather3A_178 : vector<16xf32>
      %add3A_181 = arith.addf %add3A_167, %mul3A_180 : vector<16xf32>
      %mul3A_182 = arith.mulf %gather3A_179, %gather3A_179 : vector<16xf32>
      %add3A_183 = arith.addf %add3A_169, %mul3A_182 : vector<16xf32>
      %mul3A_184 = arith.mulf %gather3A_178, %gather3A_178 : vector<16xf32>
      %add3A_185 = arith.addf %add3A_171, %mul3A_184 : vector<16xf32>
      %add3A_186 = arith.constant 1 : i32
      %add3A_187 = vector.broadcast %add3A_186 : i32 to vector<16xi32>
      %add3A_188 = arith.addi %and3A_177, %add3A_187 : vector<16xi32>
      %and3A_189 = arith.constant 31 : i32
      %and3A_190 = vector.broadcast %and3A_189 : i32 to vector<16xi32>
      %and3A_191 = arith.andi %add3A_188, %and3A_190 : vector<16xi32>
      %gather3A_192 = tpu.vector_load_idx %arg8[%add3A_103, %and3A_191] : memref<512x32xf32, #tpu.memory_space<vmem>>[vector<16xi32>, vector<16xi32>], vector<16xf32>,
      %gather3A_193 = tpu.vector_load_idx %arg7[%and3A_191, %add3A_103] : memref<32x512xf32, #tpu.memory_space<vmem>>[vector<16xi32>, vector<16xi32>], vector<16xf32>,
      %mul3A_194 = arith.mulf %gather3A_193, %gather3A_192 : vector<16xf32>
      %add3A_195 = arith.addf %add3A_181, %mul3A_194 : vector<16xf32>
      %mul3A_196 = arith.mulf %gather3A_193, %gather3A_193 : vector<16xf32>
      %add3A_197 = arith.addf %add3A_183, %mul3A_196 : vector<16xf32>
      %mul3A_198 = arith.mulf %gather3A_192, %gather3A_192 : vector<16xf32>
      %add3A_199 = arith.addf %add3A_185, %mul3A_198 : vector<16xf32>
      %add3A_200 = arith.constant 1 : i32
      %add3A_201 = vector.broadcast %add3A_200 : i32 to vector<16xi32>
      %add3A_202 = arith.addi %and3A_191, %add3A_201 : vector<16xi32>
      %and3A_203 = arith.constant 31 : i32
      %and3A_204 = vector.broadcast %and3A_203 : i32 to vector<16xi32>
      %and3A_205 = arith.andi %add3A_202, %and3A_204 : vector<16xi32>
      %gather3A_206 = tpu.vector_load_idx %arg8[%add3A_103, %and3A_205] : memref<512x32xf32, #tpu.memory_space<vmem>>[vector<16xi32>, vector<16xi32>], vector<16xf32>,
      %gather3A_207 = tpu.vector_load_idx %arg7[%and3A_205, %add3A_103] : memref<32x512xf32, #tpu.memory_space<vmem>>[vector<16xi32>, vector<16xi32>], vector<16xf32>,
      %mul3A_208 = arith.mulf %gather3A_207, %gather3A_206 : vector<16xf32>
      %add3A_209 = arith.addf %add3A_195, %mul3A_208 : vector<16xf32>
      %mul3A_210 = arith.mulf %gather3A_207, %gather3A_207 : vector<16xf32>
      %add3A_211 = arith.addf %add3A_197, %mul3A_210 : vector<16xf32>
      %mul3A_212 = arith.mulf %gather3A_206, %gather3A_206 : vector<16xf32>
      %add3A_213 = arith.addf %add3A_199, %mul3A_212 : vector<16xf32>
      %add3A_214 = arith.constant 1 : i32
      %add3A_215 = vector.broadcast %add3A_214 : i32 to vector<16xi32>
      %add3A_216 = arith.addi %and3A_205, %add3A_215 : vector<16xi32>
      %and3A_217 = arith.constant 31 : i32
      %and3A_218 = vector.broadcast %and3A_217 : i32 to vector<16xi32>
      %and3A_219 = arith.andi %add3A_216, %and3A_218 : vector<16xi32>
      %gather3A_220 = tpu.vector_load_idx %arg8[%add3A_103, %and3A_219] : memref<512x32xf32, #tpu.memory_space<vmem>>[vector<16xi32>, vector<16xi32>], vector<16xf32>,
      %gather3A_221 = tpu.vector_load_idx %arg7[%and3A_219, %add3A_103] : memref<32x512xf32, #tpu.memory_space<vmem>>[vector<16xi32>, vector<16xi32>], vector<16xf32>,
      %mul3A_222 = arith.mulf %gather3A_221, %gather3A_220 : vector<16xf32>
      %add3A_223 = arith.addf %add3A_209, %mul3A_222 : vector<16xf32>
      %mul3A_224 = arith.mulf %gather3A_221, %gather3A_221 : vector<16xf32>
      %add3A_225 = arith.addf %add3A_211, %mul3A_224 : vector<16xf32>
      %mul3A_226 = arith.mulf %gather3A_220, %gather3A_220 : vector<16xf32>
      %add3A_227 = arith.addf %add3A_213, %mul3A_226 : vector<16xf32>
      %add3A_228 = arith.constant 1 : i32
      %add3A_229 = vector.broadcast %add3A_228 : i32 to vector<16xi32>
      %add3A_230 = arith.addi %and3A_219, %add3A_229 : vector<16xi32>
      %and3A_231 = arith.constant 31 : i32
      %and3A_232 = vector.broadcast %and3A_231 : i32 to vector<16xi32>
      %and3A_233 = arith.andi %add3A_230, %and3A_232 : vector<16xi32>
      %gather3A_234 = tpu.vector_load_idx %arg8[%add3A_103, %and3A_233] : memref<512x32xf32, #tpu.memory_space<vmem>>[vector<16xi32>, vector<16xi32>], vector<16xf32>,
      %gather3A_235 = tpu.vector_load_idx %arg7[%and3A_233, %add3A_103] : memref<32x512xf32, #tpu.memory_space<vmem>>[vector<16xi32>, vector<16xi32>], vector<16xf32>,
      %mul3A_236 = arith.mulf %gather3A_235, %gather3A_234 : vector<16xf32>
      %add3A_237 = arith.addf %add3A_223, %mul3A_236 : vector<16xf32>
      %mul3A_238 = arith.mulf %gather3A_235, %gather3A_235 : vector<16xf32>
      %add3A_239 = arith.addf %add3A_225, %mul3A_238 : vector<16xf32>
      %mul3A_240 = arith.mulf %gather3A_234, %gather3A_234 : vector<16xf32>
      %add3A_241 = arith.addf %add3A_227, %mul3A_240 : vector<16xf32>
      %add3A_242 = arith.constant 1 : i32
      %add3A_243 = vector.broadcast %add3A_242 : i32 to vector<16xi32>
      %add3A_244 = arith.addi %and3A_233, %add3A_243 : vector<16xi32>
      %and3A_245 = arith.constant 31 : i32
      %and3A_246 = vector.broadcast %and3A_245 : i32 to vector<16xi32>
      %and3A_247 = arith.andi %add3A_244, %and3A_246 : vector<16xi32>
      %gather3A_248 = tpu.vector_load_idx %arg8[%add3A_103, %and3A_247] : memref<512x32xf32, #tpu.memory_space<vmem>>[vector<16xi32>, vector<16xi32>], vector<16xf32>,
      %gather3A_249 = tpu.vector_load_idx %arg7[%and3A_247, %add3A_103] : memref<32x512xf32, #tpu.memory_space<vmem>>[vector<16xi32>, vector<16xi32>], vector<16xf32>,
      %mul3A_250 = arith.mulf %gather3A_249, %gather3A_248 : vector<16xf32>
      %add3A_251 = arith.addf %add3A_237, %mul3A_250 : vector<16xf32>
      %mul3A_252 = arith.mulf %gather3A_249, %gather3A_249 : vector<16xf32>
      %add3A_253 = arith.addf %add3A_239, %mul3A_252 : vector<16xf32>
      %mul3A_254 = arith.mulf %gather3A_248, %gather3A_248 : vector<16xf32>
      %add3A_255 = arith.addf %add3A_241, %mul3A_254 : vector<16xf32>
      %add3A_256 = arith.constant 1 : i32
      %add3A_257 = vector.broadcast %add3A_256 : i32 to vector<16xi32>
      %add3A_258 = arith.addi %and3A_247, %add3A_257 : vector<16xi32>
      %and3A_259 = arith.constant 31 : i32
      %and3A_260 = vector.broadcast %and3A_259 : i32 to vector<16xi32>
      %and3A_261 = arith.andi %add3A_258, %and3A_260 : vector<16xi32>
      %gather3A_262 = tpu.vector_load_idx %arg8[%add3A_103, %and3A_261] : memref<512x32xf32, #tpu.memory_space<vmem>>[vector<16xi32>, vector<16xi32>], vector<16xf32>,
      %gather3A_263 = tpu.vector_load_idx %arg7[%and3A_261, %add3A_103] : memref<32x512xf32, #tpu.memory_space<vmem>>[vector<16xi32>, vector<16xi32>], vector<16xf32>,
      %mul3A_264 = arith.mulf %gather3A_263, %gather3A_262 : vector<16xf32>
      %add3A_265 = arith.addf %add3A_251, %mul3A_264 : vector<16xf32>
      %mul3A_266 = arith.mulf %gather3A_263, %gather3A_263 : vector<16xf32>
      %add3A_267 = arith.addf %add3A_253, %mul3A_266 : vector<16xf32>
      %mul3A_268 = arith.mulf %gather3A_262, %gather3A_262 : vector<16xf32>
      %add3A_269 = arith.addf %add3A_255, %mul3A_268 : vector<16xf32>
      %add3A_270 = arith.constant 1 : i32
      %add3A_271 = vector.broadcast %add3A_270 : i32 to vector<16xi32>
      %add3A_272 = arith.addi %and3A_261, %add3A_271 : vector<16xi32>
      %and3A_273 = arith.constant 31 : i32
      %and3A_274 = vector.broadcast %and3A_273 : i32 to vector<16xi32>
      %and3A_275 = arith.andi %add3A_272, %and3A_274 : vector<16xi32>
      %gather3A_276 = tpu.vector_load_idx %arg8[%add3A_103, %and3A_275] : memref<512x32xf32, #tpu.memory_space<vmem>>[vector<16xi32>, vector<16xi32>], vector<16xf32>,
      %gather3A_277 = tpu.vector_load_idx %arg7[%and3A_275, %add3A_103] : memref<32x512xf32, #tpu.memory_space<vmem>>[vector<16xi32>, vector<16xi32>], vector<16xf32>,
      %mul3A_278 = arith.mulf %gather3A_277, %gather3A_276 : vector<16xf32>
      %add3A_279 = arith.addf %add3A_265, %mul3A_278 : vector<16xf32>
      %mul3A_280 = arith.mulf %gather3A_277, %gather3A_277 : vector<16xf32>
      %add3A_281 = arith.addf %add3A_267, %mul3A_280 : vector<16xf32>
      %mul3A_282 = arith.mulf %gather3A_276, %gather3A_276 : vector<16xf32>
      %add3A_283 = arith.addf %add3A_269, %mul3A_282 : vector<16xf32>
      %add3A_284 = arith.constant 1 : i32
      %add3A_285 = vector.broadcast %add3A_284 : i32 to vector<16xi32>
      %add3A_286 = arith.addi %and3A_275, %add3A_285 : vector<16xi32>
      %and3A_287 = arith.constant 31 : i32
      %and3A_288 = vector.broadcast %and3A_287 : i32 to vector<16xi32>
      %and3A_289 = arith.andi %add3A_286, %and3A_288 : vector<16xi32>
      %gather3A_290 = tpu.vector_load_idx %arg8[%add3A_103, %and3A_289] : memref<512x32xf32, #tpu.memory_space<vmem>>[vector<16xi32>, vector<16xi32>], vector<16xf32>,
      %gather3A_291 = tpu.vector_load_idx %arg7[%and3A_289, %add3A_103] : memref<32x512xf32, #tpu.memory_space<vmem>>[vector<16xi32>, vector<16xi32>], vector<16xf32>,
      %mul3A_292 = arith.mulf %gather3A_291, %gather3A_290 : vector<16xf32>
      %add3A_293 = arith.addf %add3A_279, %mul3A_292 : vector<16xf32>
      %mul3A_294 = arith.mulf %gather3A_291, %gather3A_291 : vector<16xf32>
      %add3A_295 = arith.addf %add3A_281, %mul3A_294 : vector<16xf32>
      %mul3A_296 = arith.mulf %gather3A_290, %gather3A_290 : vector<16xf32>
      %add3A_297 = arith.addf %add3A_283, %mul3A_296 : vector<16xf32>
      %add3A_298 = arith.constant 1 : i32
      %add3A_299 = vector.broadcast %add3A_298 : i32 to vector<16xi32>
      %add3A_300 = arith.addi %and3A_289, %add3A_299 : vector<16xi32>
      %and3A_301 = arith.constant 31 : i32
      %and3A_302 = vector.broadcast %and3A_301 : i32 to vector<16xi32>
      %and3A_303 = arith.andi %add3A_300, %and3A_302 : vector<16xi32>
      %gather3A_304 = tpu.vector_load_idx %arg8[%add3A_103, %and3A_303] : memref<512x32xf32, #tpu.memory_space<vmem>>[vector<16xi32>, vector<16xi32>], vector<16xf32>,
      %gather3A_305 = tpu.vector_load_idx %arg7[%and3A_303, %add3A_103] : memref<32x512xf32, #tpu.memory_space<vmem>>[vector<16xi32>, vector<16xi32>], vector<16xf32>,
      %mul3A_306 = arith.mulf %gather3A_305, %gather3A_304 : vector<16xf32>
      %add3A_307 = arith.addf %add3A_293, %mul3A_306 : vector<16xf32>
      %mul3A_308 = arith.mulf %gather3A_305, %gather3A_305 : vector<16xf32>
      %add3A_309 = arith.addf %add3A_295, %mul3A_308 : vector<16xf32>
      %mul3A_310 = arith.mulf %gather3A_304, %gather3A_304 : vector<16xf32>
      %add3A_311 = arith.addf %add3A_297, %mul3A_310 : vector<16xf32>
      %add3A_312 = arith.constant 1 : i32
      %add3A_313 = vector.broadcast %add3A_312 : i32 to vector<16xi32>
      %add3A_314 = arith.addi %and3A_303, %add3A_313 : vector<16xi32>
      %and3A_315 = arith.constant 31 : i32
      %and3A_316 = vector.broadcast %and3A_315 : i32 to vector<16xi32>
      %and3A_317 = arith.andi %add3A_314, %and3A_316 : vector<16xi32>
      %gather3A_318 = tpu.vector_load_idx %arg8[%add3A_103, %and3A_317] : memref<512x32xf32, #tpu.memory_space<vmem>>[vector<16xi32>, vector<16xi32>], vector<16xf32>,
      %gather3A_319 = tpu.vector_load_idx %arg7[%and3A_317, %add3A_103] : memref<32x512xf32, #tpu.memory_space<vmem>>[vector<16xi32>, vector<16xi32>], vector<16xf32>,
      %mul3A_320 = arith.mulf %gather3A_319, %gather3A_318 : vector<16xf32>
      %add3A_321 = arith.addf %add3A_307, %mul3A_320 : vector<16xf32>
      %mul3A_322 = arith.mulf %gather3A_319, %gather3A_319 : vector<16xf32>
      %add3A_323 = arith.addf %add3A_309, %mul3A_322 : vector<16xf32>
      %mul3A_324 = arith.mulf %gather3A_318, %gather3A_318 : vector<16xf32>
      %add3A_325 = arith.addf %add3A_311, %mul3A_324 : vector<16xf32>
      %add3A_326 = arith.constant 1 : i32
      %add3A_327 = vector.broadcast %add3A_326 : i32 to vector<16xi32>
      %add3A_328 = arith.addi %and3A_317, %add3A_327 : vector<16xi32>
      %and3A_329 = arith.constant 31 : i32
      %and3A_330 = vector.broadcast %and3A_329 : i32 to vector<16xi32>
      %and3A_331 = arith.andi %add3A_328, %and3A_330 : vector<16xi32>
      %gather3A_332 = tpu.vector_load_idx %arg8[%add3A_103, %and3A_331] : memref<512x32xf32, #tpu.memory_space<vmem>>[vector<16xi32>, vector<16xi32>], vector<16xf32>,
      %gather3A_333 = tpu.vector_load_idx %arg7[%and3A_331, %add3A_103] : memref<32x512xf32, #tpu.memory_space<vmem>>[vector<16xi32>, vector<16xi32>], vector<16xf32>,
      %mul3A_334 = arith.mulf %gather3A_333, %gather3A_332 : vector<16xf32>
      %add3A_335 = arith.addf %add3A_321, %mul3A_334 : vector<16xf32>
      %mul3A_336 = arith.mulf %gather3A_333, %gather3A_333 : vector<16xf32>
      %add3A_337 = arith.addf %add3A_323, %mul3A_336 : vector<16xf32>
      %mul3A_338 = arith.mulf %gather3A_332, %gather3A_332 : vector<16xf32>
      %add3A_339 = arith.addf %add3A_325, %mul3A_338 : vector<16xf32>
      %add3A_340 = arith.constant 1 : i32
      %add3A_341 = vector.broadcast %add3A_340 : i32 to vector<16xi32>
      %add3A_342 = arith.addi %and3A_331, %add3A_341 : vector<16xi32>
      %and3A_343 = arith.constant 31 : i32
      %and3A_344 = vector.broadcast %and3A_343 : i32 to vector<16xi32>
      %and3A_345 = arith.andi %add3A_342, %and3A_344 : vector<16xi32>
      %gather3A_346 = tpu.vector_load_idx %arg8[%add3A_103, %and3A_345] : memref<512x32xf32, #tpu.memory_space<vmem>>[vector<16xi32>, vector<16xi32>], vector<16xf32>,
      %gather3A_347 = tpu.vector_load_idx %arg7[%and3A_345, %add3A_103] : memref<32x512xf32, #tpu.memory_space<vmem>>[vector<16xi32>, vector<16xi32>], vector<16xf32>,
      %mul3A_348 = arith.mulf %gather3A_347, %gather3A_346 : vector<16xf32>
      %add3A_349 = arith.addf %add3A_335, %mul3A_348 : vector<16xf32>
      %mul3A_350 = arith.mulf %gather3A_347, %gather3A_347 : vector<16xf32>
      %add3A_351 = arith.addf %add3A_337, %mul3A_350 : vector<16xf32>
      %mul3A_352 = arith.mulf %gather3A_346, %gather3A_346 : vector<16xf32>
      %add3A_353 = arith.addf %add3A_339, %mul3A_352 : vector<16xf32>
      %add3A_354 = arith.constant 1 : i32
      %add3A_355 = vector.broadcast %add3A_354 : i32 to vector<16xi32>
      %add3A_356 = arith.addi %and3A_345, %add3A_355 : vector<16xi32>
      %and3A_357 = arith.constant 31 : i32
      %and3A_358 = vector.broadcast %and3A_357 : i32 to vector<16xi32>
      %and3A_359 = arith.andi %add3A_356, %and3A_358 : vector<16xi32>
      %gather3A_360 = tpu.vector_load_idx %arg8[%add3A_103, %and3A_359] : memref<512x32xf32, #tpu.memory_space<vmem>>[vector<16xi32>, vector<16xi32>], vector<16xf32>,
      %gather3A_361 = tpu.vector_load_idx %arg7[%and3A_359, %add3A_103] : memref<32x512xf32, #tpu.memory_space<vmem>>[vector<16xi32>, vector<16xi32>], vector<16xf32>,
      %mul3A_362 = arith.mulf %gather3A_361, %gather3A_360 : vector<16xf32>
      %add3A_363 = arith.addf %add3A_349, %mul3A_362 : vector<16xf32>
      %mul3A_364 = arith.mulf %gather3A_361, %gather3A_361 : vector<16xf32>
      %add3A_365 = arith.addf %add3A_351, %mul3A_364 : vector<16xf32>
      %mul3A_366 = arith.mulf %gather3A_360, %gather3A_360 : vector<16xf32>
      %add3A_367 = arith.addf %add3A_353, %mul3A_366 : vector<16xf32>
      %add3A_368 = arith.constant 1 : i32
      %add3A_369 = vector.broadcast %add3A_368 : i32 to vector<16xi32>
      %add3A_370 = arith.addi %and3A_359, %add3A_369 : vector<16xi32>
      %and3A_371 = arith.constant 31 : i32
      %and3A_372 = vector.broadcast %and3A_371 : i32 to vector<16xi32>
      %and3A_373 = arith.andi %add3A_370, %and3A_372 : vector<16xi32>
      %gather3A_374 = tpu.vector_load_idx %arg8[%add3A_103, %and3A_373] : memref<512x32xf32, #tpu.memory_space<vmem>>[vector<16xi32>, vector<16xi32>], vector<16xf32>,
      %gather3A_375 = tpu.vector_load_idx %arg7[%and3A_373, %add3A_103] : memref<32x512xf32, #tpu.memory_space<vmem>>[vector<16xi32>, vector<16xi32>], vector<16xf32>,
      %mul3A_376 = arith.mulf %gather3A_375, %gather3A_374 : vector<16xf32>
      %add3A_377 = arith.addf %add3A_363, %mul3A_376 : vector<16xf32>
      %mul3A_378 = arith.mulf %gather3A_375, %gather3A_375 : vector<16xf32>
      %add3A_379 = arith.addf %add3A_365, %mul3A_378 : vector<16xf32>
      %mul3A_380 = arith.mulf %gather3A_374, %gather3A_374 : vector<16xf32>
      %add3A_381 = arith.addf %add3A_367, %mul3A_380 : vector<16xf32>
      %add3A_382 = arith.constant 1 : i32
      %add3A_383 = vector.broadcast %add3A_382 : i32 to vector<16xi32>
      %add3A_384 = arith.addi %and3A_373, %add3A_383 : vector<16xi32>
      %and3A_385 = arith.constant 31 : i32
      %and3A_386 = vector.broadcast %and3A_385 : i32 to vector<16xi32>
      %and3A_387 = arith.andi %add3A_384, %and3A_386 : vector<16xi32>
      %gather3A_388 = tpu.vector_load_idx %arg8[%add3A_103, %and3A_387] : memref<512x32xf32, #tpu.memory_space<vmem>>[vector<16xi32>, vector<16xi32>], vector<16xf32>,
      %gather3A_389 = tpu.vector_load_idx %arg7[%and3A_387, %add3A_103] : memref<32x512xf32, #tpu.memory_space<vmem>>[vector<16xi32>, vector<16xi32>], vector<16xf32>,
      %mul3A_390 = arith.mulf %gather3A_389, %gather3A_388 : vector<16xf32>
      %add3A_391 = arith.addf %add3A_377, %mul3A_390 : vector<16xf32>
      %mul3A_392 = arith.mulf %gather3A_389, %gather3A_389 : vector<16xf32>
      %add3A_393 = arith.addf %add3A_379, %mul3A_392 : vector<16xf32>
      %mul3A_394 = arith.mulf %gather3A_388, %gather3A_388 : vector<16xf32>
      %add3A_395 = arith.addf %add3A_381, %mul3A_394 : vector<16xf32>
      %add3A_396 = arith.constant 1 : i32
      %add3A_397 = vector.broadcast %add3A_396 : i32 to vector<16xi32>
      %add3A_398 = arith.addi %and3A_387, %add3A_397 : vector<16xi32>
      %and3A_399 = arith.constant 31 : i32
      %and3A_400 = vector.broadcast %and3A_399 : i32 to vector<16xi32>
      %and3A_401 = arith.andi %add3A_398, %and3A_400 : vector<16xi32>
      %gather3A_402 = tpu.vector_load_idx %arg8[%add3A_103, %and3A_401] : memref<512x32xf32, #tpu.memory_space<vmem>>[vector<16xi32>, vector<16xi32>], vector<16xf32>,
      %gather3A_403 = tpu.vector_load_idx %arg7[%and3A_401, %add3A_103] : memref<32x512xf32, #tpu.memory_space<vmem>>[vector<16xi32>, vector<16xi32>], vector<16xf32>,
      %mul3A_404 = arith.mulf %gather3A_403, %gather3A_402 : vector<16xf32>
      %add3A_405 = arith.addf %add3A_391, %mul3A_404 : vector<16xf32>
      %mul3A_406 = arith.mulf %gather3A_403, %gather3A_403 : vector<16xf32>
      %add3A_407 = arith.addf %add3A_393, %mul3A_406 : vector<16xf32>
      %mul3A_408 = arith.mulf %gather3A_402, %gather3A_402 : vector<16xf32>
      %add3A_409 = arith.addf %add3A_395, %mul3A_408 : vector<16xf32>
      %add3A_410 = arith.constant 1 : i32
      %add3A_411 = vector.broadcast %add3A_410 : i32 to vector<16xi32>
      %add3A_412 = arith.addi %and3A_401, %add3A_411 : vector<16xi32>
      %and3A_413 = arith.constant 31 : i32
      %and3A_414 = vector.broadcast %and3A_413 : i32 to vector<16xi32>
      %and3A_415 = arith.andi %add3A_412, %and3A_414 : vector<16xi32>
      %gather3A_416 = tpu.vector_load_idx %arg8[%add3A_103, %and3A_415] : memref<512x32xf32, #tpu.memory_space<vmem>>[vector<16xi32>, vector<16xi32>], vector<16xf32>,
      %gather3A_417 = tpu.vector_load_idx %arg7[%and3A_415, %add3A_103] : memref<32x512xf32, #tpu.memory_space<vmem>>[vector<16xi32>, vector<16xi32>], vector<16xf32>,
      %mul3A_418 = arith.mulf %gather3A_417, %gather3A_416 : vector<16xf32>
      %add3A_419 = arith.addf %add3A_405, %mul3A_418 : vector<16xf32>
      %mul3A_420 = arith.mulf %gather3A_417, %gather3A_417 : vector<16xf32>
      %add3A_421 = arith.addf %add3A_407, %mul3A_420 : vector<16xf32>
      %mul3A_422 = arith.mulf %gather3A_416, %gather3A_416 : vector<16xf32>
      %add3A_423 = arith.addf %add3A_409, %mul3A_422 : vector<16xf32>
      %add3A_424 = arith.constant 1 : i32
      %add3A_425 = vector.broadcast %add3A_424 : i32 to vector<16xi32>
      %add3A_426 = arith.addi %and3A_415, %add3A_425 : vector<16xi32>
      %and3A_427 = arith.constant 31 : i32
      %and3A_428 = vector.broadcast %and3A_427 : i32 to vector<16xi32>
      %and3A_429 = arith.andi %add3A_426, %and3A_428 : vector<16xi32>
      %gather3A_430 = tpu.vector_load_idx %arg8[%add3A_103, %and3A_429] : memref<512x32xf32, #tpu.memory_space<vmem>>[vector<16xi32>, vector<16xi32>], vector<16xf32>,
      %gather3A_431 = tpu.vector_load_idx %arg7[%and3A_429, %add3A_103] : memref<32x512xf32, #tpu.memory_space<vmem>>[vector<16xi32>, vector<16xi32>], vector<16xf32>,
      %mul3A_432 = arith.mulf %gather3A_431, %gather3A_430 : vector<16xf32>
      %add3A_433 = arith.addf %add3A_419, %mul3A_432 : vector<16xf32>
      %mul3A_434 = arith.mulf %gather3A_431, %gather3A_431 : vector<16xf32>
      %add3A_435 = arith.addf %add3A_421, %mul3A_434 : vector<16xf32>
      %mul3A_436 = arith.mulf %gather3A_430, %gather3A_430 : vector<16xf32>
      %add3A_437 = arith.addf %add3A_423, %mul3A_436 : vector<16xf32>
      %add3A_438 = arith.constant 1 : i32
      %add3A_439 = vector.broadcast %add3A_438 : i32 to vector<16xi32>
      %add3A_440 = arith.addi %and3A_429, %add3A_439 : vector<16xi32>
      %and3A_441 = arith.constant 31 : i32
      %and3A_442 = vector.broadcast %and3A_441 : i32 to vector<16xi32>
      %and3A_443 = arith.andi %add3A_440, %and3A_442 : vector<16xi32>
      %gather3A_444 = tpu.vector_load_idx %arg8[%add3A_103, %and3A_443] : memref<512x32xf32, #tpu.memory_space<vmem>>[vector<16xi32>, vector<16xi32>], vector<16xf32>,
      %gather3A_445 = tpu.vector_load_idx %arg7[%and3A_443, %add3A_103] : memref<32x512xf32, #tpu.memory_space<vmem>>[vector<16xi32>, vector<16xi32>], vector<16xf32>,
      %mul3A_446 = arith.mulf %gather3A_445, %gather3A_444 : vector<16xf32>
      %add3A_447 = arith.addf %add3A_433, %mul3A_446 : vector<16xf32>
      %mul3A_448 = arith.mulf %gather3A_445, %gather3A_445 : vector<16xf32>
      %add3A_449 = arith.addf %add3A_435, %mul3A_448 : vector<16xf32>
      %mul3A_450 = arith.mulf %gather3A_444, %gather3A_444 : vector<16xf32>
      %add3A_451 = arith.addf %add3A_437, %mul3A_450 : vector<16xf32>
      %add3A_452 = arith.constant 1 : i32
      %add3A_453 = vector.broadcast %add3A_452 : i32 to vector<16xi32>
      %add3A_454 = arith.addi %and3A_443, %add3A_453 : vector<16xi32>
      %and3A_455 = arith.constant 31 : i32
      %and3A_456 = vector.broadcast %and3A_455 : i32 to vector<16xi32>
      %and3A_457 = arith.andi %add3A_454, %and3A_456 : vector<16xi32>
      %gather3A_458 = tpu.vector_load_idx %arg8[%add3A_103, %and3A_457] : memref<512x32xf32, #tpu.memory_space<vmem>>[vector<16xi32>, vector<16xi32>], vector<16xf32>,
      %gather3A_459 = tpu.vector_load_idx %arg7[%and3A_457, %add3A_103] : memref<32x512xf32, #tpu.memory_space<vmem>>[vector<16xi32>, vector<16xi32>], vector<16xf32>,
      %mul3A_460 = arith.mulf %gather3A_459, %gather3A_458 : vector<16xf32>
      %add3A_461 = arith.addf %add3A_447, %mul3A_460 : vector<16xf32>
      %mul3A_462 = arith.mulf %gather3A_459, %gather3A_459 : vector<16xf32>
      %add3A_463 = arith.addf %add3A_449, %mul3A_462 : vector<16xf32>
      %mul3A_464 = arith.mulf %gather3A_458, %gather3A_458 : vector<16xf32>
      %add3A_465 = arith.addf %add3A_451, %mul3A_464 : vector<16xf32>
      %add3A_466 = arith.constant 1 : i32
      %add3A_467 = vector.broadcast %add3A_466 : i32 to vector<16xi32>
      %add3A_468 = arith.addi %and3A_457, %add3A_467 : vector<16xi32>
      %and3A_469 = arith.constant 31 : i32
      %and3A_470 = vector.broadcast %and3A_469 : i32 to vector<16xi32>
      %and3A_471 = arith.andi %add3A_468, %and3A_470 : vector<16xi32>
      %gather3A_472 = tpu.vector_load_idx %arg8[%add3A_103, %and3A_471] : memref<512x32xf32, #tpu.memory_space<vmem>>[vector<16xi32>, vector<16xi32>], vector<16xf32>,
      %gather3A_473 = tpu.vector_load_idx %arg7[%and3A_471, %add3A_103] : memref<32x512xf32, #tpu.memory_space<vmem>>[vector<16xi32>, vector<16xi32>], vector<16xf32>,
      %mul3A_474 = arith.mulf %gather3A_473, %gather3A_472 : vector<16xf32>
      %add3A_475 = arith.addf %add3A_461, %mul3A_474 : vector<16xf32>
      %mul3A_476 = arith.mulf %gather3A_473, %gather3A_473 : vector<16xf32>
      %add3A_477 = arith.addf %add3A_463, %mul3A_476 : vector<16xf32>
      %mul3A_478 = arith.mulf %gather3A_472, %gather3A_472 : vector<16xf32>
      %add3A_479 = arith.addf %add3A_465, %mul3A_478 : vector<16xf32>
      %add3A_480 = arith.constant 1 : i32
      %add3A_481 = vector.broadcast %add3A_480 : i32 to vector<16xi32>
      %add3A_482 = arith.addi %and3A_471, %add3A_481 : vector<16xi32>
      %and3A_483 = arith.constant 31 : i32
      %and3A_484 = vector.broadcast %and3A_483 : i32 to vector<16xi32>
      %and3A_485 = arith.andi %add3A_482, %and3A_484 : vector<16xi32>
      %gather3A_486 = tpu.vector_load_idx %arg8[%add3A_103, %and3A_485] : memref<512x32xf32, #tpu.memory_space<vmem>>[vector<16xi32>, vector<16xi32>], vector<16xf32>,
      %gather3A_487 = tpu.vector_load_idx %arg7[%and3A_485, %add3A_103] : memref<32x512xf32, #tpu.memory_space<vmem>>[vector<16xi32>, vector<16xi32>], vector<16xf32>,
      %mul3A_488 = arith.mulf %gather3A_487, %gather3A_486 : vector<16xf32>
      %add3A_489 = arith.addf %add3A_475, %mul3A_488 : vector<16xf32>
      %mul3A_490 = arith.mulf %gather3A_487, %gather3A_487 : vector<16xf32>
      %add3A_491 = arith.addf %add3A_477, %mul3A_490 : vector<16xf32>
      %mul3A_492 = arith.mulf %gather3A_486, %gather3A_486 : vector<16xf32>
      %add3A_493 = arith.addf %add3A_479, %mul3A_492 : vector<16xf32>
      %add3A_494 = arith.constant 1 : i32
      %add3A_495 = vector.broadcast %add3A_494 : i32 to vector<16xi32>
      %add3A_496 = arith.addi %and3A_485, %add3A_495 : vector<16xi32>
      %and3A_497 = arith.constant 31 : i32
      %and3A_498 = vector.broadcast %and3A_497 : i32 to vector<16xi32>
      %and3A_499 = arith.andi %add3A_496, %and3A_498 : vector<16xi32>
      %gather3A_500 = tpu.vector_load_idx %arg8[%add3A_103, %and3A_499] : memref<512x32xf32, #tpu.memory_space<vmem>>[vector<16xi32>, vector<16xi32>], vector<16xf32>,
      %gather3A_501 = tpu.vector_load_idx %arg7[%and3A_499, %add3A_103] : memref<32x512xf32, #tpu.memory_space<vmem>>[vector<16xi32>, vector<16xi32>], vector<16xf32>,
      %mul3A_502 = arith.mulf %gather3A_501, %gather3A_500 : vector<16xf32>
      %add3A_503 = arith.addf %add3A_489, %mul3A_502 : vector<16xf32>
      %mul3A_504 = arith.mulf %gather3A_501, %gather3A_501 : vector<16xf32>
      %add3A_505 = arith.addf %add3A_491, %mul3A_504 : vector<16xf32>
      %mul3A_506 = arith.mulf %gather3A_500, %gather3A_500 : vector<16xf32>
      %add3A_507 = arith.addf %add3A_493, %mul3A_506 : vector<16xf32>
      %add3A_508 = arith.constant 1 : i32
      %add3A_509 = vector.broadcast %add3A_508 : i32 to vector<16xi32>
      %add3A_510 = arith.addi %and3A_499, %add3A_509 : vector<16xi32>
      %and3A_511 = arith.constant 31 : i32
      %and3A_512 = vector.broadcast %and3A_511 : i32 to vector<16xi32>
      %and3A_513 = arith.andi %add3A_510, %and3A_512 : vector<16xi32>
      %gather3A_514 = tpu.vector_load_idx %arg8[%add3A_103, %and3A_513] : memref<512x32xf32, #tpu.memory_space<vmem>>[vector<16xi32>, vector<16xi32>], vector<16xf32>,
      %gather3A_515 = tpu.vector_load_idx %arg7[%and3A_513, %add3A_103] : memref<32x512xf32, #tpu.memory_space<vmem>>[vector<16xi32>, vector<16xi32>], vector<16xf32>,
      %mul3A_516 = arith.mulf %gather3A_515, %gather3A_514 : vector<16xf32>
      %add3A_517 = arith.addf %add3A_503, %mul3A_516 : vector<16xf32>
      %mul3A_518 = arith.mulf %gather3A_515, %gather3A_515 : vector<16xf32>
      %add3A_519 = arith.addf %add3A_505, %mul3A_518 : vector<16xf32>
      %mul3A_520 = arith.mulf %gather3A_514, %gather3A_514 : vector<16xf32>
      %add3A_521 = arith.addf %add3A_507, %mul3A_520 : vector<16xf32>
      %add3A_522 = arith.constant 1 : i32
      %add3A_523 = vector.broadcast %add3A_522 : i32 to vector<16xi32>
      %add3A_524 = arith.addi %and3A_513, %add3A_523 : vector<16xi32>
      %and3A_525 = arith.constant 31 : i32
      %and3A_526 = vector.broadcast %and3A_525 : i32 to vector<16xi32>
      %and3A_527 = arith.andi %add3A_524, %and3A_526 : vector<16xi32>
      %gather3A_528 = tpu.vector_load_idx %arg8[%add3A_103, %and3A_527] : memref<512x32xf32, #tpu.memory_space<vmem>>[vector<16xi32>, vector<16xi32>], vector<16xf32>,
      %gather3A_529 = tpu.vector_load_idx %arg7[%and3A_527, %add3A_103] : memref<32x512xf32, #tpu.memory_space<vmem>>[vector<16xi32>, vector<16xi32>], vector<16xf32>,
      %mul3A_530 = arith.mulf %gather3A_529, %gather3A_528 : vector<16xf32>
      %add3A_531 = arith.addf %add3A_517, %mul3A_530 : vector<16xf32>
      %mul3A_532 = arith.mulf %gather3A_529, %gather3A_529 : vector<16xf32>
      %add3A_533 = arith.addf %add3A_519, %mul3A_532 : vector<16xf32>
      %mul3A_534 = arith.mulf %gather3A_528, %gather3A_528 : vector<16xf32>
      %add3A_535 = arith.addf %add3A_521, %mul3A_534 : vector<16xf32>
      %add3A_536 = arith.constant 1 : i32
      %add3A_537 = vector.broadcast %add3A_536 : i32 to vector<16xi32>
      %add3A_538 = arith.addi %and3A_527, %add3A_537 : vector<16xi32>
      %and3A_539 = arith.constant 31 : i32
      %and3A_540 = vector.broadcast %and3A_539 : i32 to vector<16xi32>
      %and3A_541 = arith.andi %add3A_538, %and3A_540 : vector<16xi32>
      %gather3A_542 = tpu.vector_load_idx %arg8[%add3A_103, %and3A_541] : memref<512x32xf32, #tpu.memory_space<vmem>>[vector<16xi32>, vector<16xi32>], vector<16xf32>,
      %gather3A_543 = tpu.vector_load_idx %arg7[%and3A_541, %add3A_103] : memref<32x512xf32, #tpu.memory_space<vmem>>[vector<16xi32>, vector<16xi32>], vector<16xf32>,
      %mul3A_544 = arith.mulf %gather3A_543, %gather3A_542 : vector<16xf32>
      %add3A_545 = arith.addf %add3A_531, %mul3A_544 : vector<16xf32>
      %mul3A_546 = arith.mulf %gather3A_543, %gather3A_543 : vector<16xf32>
      %add3A_547 = arith.addf %add3A_533, %mul3A_546 : vector<16xf32>
      %mul3A_548 = arith.mulf %gather3A_542, %gather3A_542 : vector<16xf32>
      %add3A_549 = arith.addf %add3A_535, %mul3A_548 : vector<16xf32>
      %bitcast_convert_type3A = tpu.bitcast %add3A_547 : vector<16xf32> -> vector<16xi32>
      %shift_right_logical3A = arith.constant 1 : i32
      %shift_right_logical3A_550 = vector.broadcast %shift_right_logical3A : i32 to vector<16xi32>
      %shift_right_logical3A_551 = arith.shrui %bitcast_convert_type3A, %shift_right_logical3A_550 : vector<16xi32>
      %sub3A = arith.constant 1597463007 : i32
      %sub3A_552 = vector.broadcast %sub3A : i32 to vector<16xi32>
      %sub3A_553 = arith.subi %sub3A_552, %shift_right_logical3A_551 : vector<16xi32>
      %bitcast_convert_type3A_554 = tpu.bitcast %sub3A_553 : vector<16xi32> -> vector<16xf32>
      %mul3A_555 = arith.constant 5.000000e-01 : f32
      %mul3A_556 = vector.broadcast %mul3A_555 : f32 to vector<16xf32>
      %mul3A_557 = arith.mulf %mul3A_556, %add3A_547 : vector<16xf32>
      %mul3A_558 = arith.mulf %mul3A_557, %bitcast_convert_type3A_554 : vector<16xf32>
      %mul3A_559 = arith.mulf %mul3A_558, %bitcast_convert_type3A_554 : vector<16xf32>
      %sub3A_560 = arith.constant 1.500000e+00 : f32
      %sub3A_561 = vector.broadcast %sub3A_560 : f32 to vector<16xf32>
      %sub3A_562 = arith.subf %sub3A_561, %mul3A_559 : vector<16xf32>
      %mul3A_563 = arith.mulf %bitcast_convert_type3A_554, %sub3A_562 : vector<16xf32>
      %mul3A_564 = arith.constant 5.000000e-01 : f32
      %mul3A_565 = vector.broadcast %mul3A_564 : f32 to vector<16xf32>
      %mul3A_566 = arith.mulf %mul3A_565, %add3A_547 : vector<16xf32>
      %mul3A_567 = arith.mulf %mul3A_566, %mul3A_563 : vector<16xf32>
      %mul3A_568 = arith.mulf %mul3A_567, %mul3A_563 : vector<16xf32>
      %sub3A_569 = arith.constant 1.500000e+00 : f32
      %sub3A_570 = vector.broadcast %sub3A_569 : f32 to vector<16xf32>
      %sub3A_571 = arith.subf %sub3A_570, %mul3A_568 : vector<16xf32>
      %mul3A_572 = arith.mulf %mul3A_563, %sub3A_571 : vector<16xf32>
      %mul3A_573 = arith.constant 5.000000e-01 : f32
      %mul3A_574 = vector.broadcast %mul3A_573 : f32 to vector<16xf32>
      %mul3A_575 = arith.mulf %mul3A_574, %add3A_547 : vector<16xf32>
      %mul3A_576 = arith.mulf %mul3A_575, %mul3A_572 : vector<16xf32>
      %mul3A_577 = arith.mulf %mul3A_576, %mul3A_572 : vector<16xf32>
      %sub3A_578 = arith.constant 1.500000e+00 : f32
      %sub3A_579 = vector.broadcast %sub3A_578 : f32 to vector<16xf32>
      %sub3A_580 = arith.subf %sub3A_579, %mul3A_577 : vector<16xf32>
      %mul3A_581 = arith.mulf %mul3A_572, %sub3A_580 : vector<16xf32>
      %mul3A_582 = arith.mulf %add3A_547, %mul3A_581 : vector<16xf32>
      %bitcast_convert_type3A_583 = tpu.bitcast %add3A_549 : vector<16xf32> -> vector<16xi32>
      %shift_right_logical3A_584 = arith.constant 1 : i32
      %shift_right_logical3A_585 = vector.broadcast %shift_right_logical3A_584 : i32 to vector<16xi32>
      %shift_right_logical3A_586 = arith.shrui %bitcast_convert_type3A_583, %shift_right_logical3A_585 : vector<16xi32>
      %sub3A_587 = arith.constant 1597463007 : i32
      %sub3A_588 = vector.broadcast %sub3A_587 : i32 to vector<16xi32>
      %sub3A_589 = arith.subi %sub3A_588, %shift_right_logical3A_586 : vector<16xi32>
      %bitcast_convert_type3A_590 = tpu.bitcast %sub3A_589 : vector<16xi32> -> vector<16xf32>
      %mul3A_591 = arith.constant 5.000000e-01 : f32
      %mul3A_592 = vector.broadcast %mul3A_591 : f32 to vector<16xf32>
      %mul3A_593 = arith.mulf %mul3A_592, %add3A_549 : vector<16xf32>
      %mul3A_594 = arith.mulf %mul3A_593, %bitcast_convert_type3A_590 : vector<16xf32>
      %mul3A_595 = arith.mulf %mul3A_594, %bitcast_convert_type3A_590 : vector<16xf32>
      %sub3A_596 = arith.constant 1.500000e+00 : f32
      %sub3A_597 = vector.broadcast %sub3A_596 : f32 to vector<16xf32>
      %sub3A_598 = arith.subf %sub3A_597, %mul3A_595 : vector<16xf32>
      %mul3A_599 = arith.mulf %bitcast_convert_type3A_590, %sub3A_598 : vector<16xf32>
      %mul3A_600 = arith.constant 5.000000e-01 : f32
      %mul3A_601 = vector.broadcast %mul3A_600 : f32 to vector<16xf32>
      %mul3A_602 = arith.mulf %mul3A_601, %add3A_549 : vector<16xf32>
      %mul3A_603 = arith.mulf %mul3A_602, %mul3A_599 : vector<16xf32>
      %mul3A_604 = arith.mulf %mul3A_603, %mul3A_599 : vector<16xf32>
      %sub3A_605 = arith.constant 1.500000e+00 : f32
      %sub3A_606 = vector.broadcast %sub3A_605 : f32 to vector<16xf32>
      %sub3A_607 = arith.subf %sub3A_606, %mul3A_604 : vector<16xf32>
      %mul3A_608 = arith.mulf %mul3A_599, %sub3A_607 : vector<16xf32>
      %mul3A_609 = arith.constant 5.000000e-01 : f32
      %mul3A_610 = vector.broadcast %mul3A_609 : f32 to vector<16xf32>
      %mul3A_611 = arith.mulf %mul3A_610, %add3A_549 : vector<16xf32>
      %mul3A_612 = arith.mulf %mul3A_611, %mul3A_608 : vector<16xf32>
      %mul3A_613 = arith.mulf %mul3A_612, %mul3A_608 : vector<16xf32>
      %sub3A_614 = arith.constant 1.500000e+00 : f32
      %sub3A_615 = vector.broadcast %sub3A_614 : f32 to vector<16xf32>
      %sub3A_616 = arith.subf %sub3A_615, %mul3A_613 : vector<16xf32>
      %mul3A_617 = arith.mulf %mul3A_608, %sub3A_616 : vector<16xf32>
      %mul3A_618 = arith.mulf %add3A_549, %mul3A_617 : vector<16xf32>
      %max3A = arith.constant 9.99999996E-13 : f32
      %max3A_619 = vector.broadcast %max3A : f32 to vector<16xf32>
      %max3A_620 = arith.maximumf %mul3A_582, %max3A_619 : vector<16xf32>
      %div3A = arith.constant 1.000000e+00 : f32
      %div3A_621 = vector.broadcast %div3A : f32 to vector<16xf32>
      %div3A_622 = arith.divf %div3A_621, %max3A_620 : vector<16xf32>
      %max3A_623 = arith.constant 9.99999996E-13 : f32
      %max3A_624 = vector.broadcast %max3A_623 : f32 to vector<16xf32>
      %max3A_625 = arith.maximumf %mul3A_618, %max3A_624 : vector<16xf32>
      %div3A_626 = arith.divf %div3A_622, %max3A_625 : vector<16xf32>
      %mul3A_627 = arith.mulf %add3A_545, %div3A_626 : vector<16xf32>
      %add3A_628 = arith.addf %scan3A_99, %mul3A_627 : vector<16xf32>
      scf.yield %add3A_628 : vector<16xf32>
    }
    %scan3A_96 = arith.constant 8 : i32
    %swap3A = arith.constant 0 : index
    %swap3A_97 = tpu.vector_load %arg9[%swap3A] {strides = array<i32>} : memref<16xf32, #tpu.memory_space<vmem>>, vector<16xf32>,
    tpu.vector_store %arg9[%swap3A], %scan3A_95 {strides = array<i32>} : memref<16xf32, #tpu.memory_space<vmem>>, vector<16xf32>,
    "tpu.region"() ({
      %run_scoped3A = tpu.sem_alloc : memref<!tpu.dma_semaphore, #tpu.memory_space<semaphore_mem>>
      %dma_start3A_98 = arith.constant 0 : i32
      %dma_start3A_99 = tpu.memref_slice %arg5[%add3A, %dma_start3A_98] : memref<32x16xf32, #tpu.memory_space<hbm>> -> memref<1x16xf32, #tpu.memory_space<hbm>>
      %dma_start3A_100 = tpu.memref_squeeze %dma_start3A_99 : memref<1x16xf32, #tpu.memory_space<hbm>> -> memref<16xf32, #tpu.memory_space<hbm>>
      %dma_start3A_101 = arith.constant 0 : i32
      %dma_start3A_102 = tpu.memref_slice %arg5[%add3A, %dma_start3A_101] : memref<32x16xf32, #tpu.memory_space<hbm>> -> memref<1x16xf32, #tpu.memory_space<hbm>>
      %dma_start3A_103 = tpu.memref_squeeze %dma_start3A_102 : memref<1x16xf32, #tpu.memory_space<hbm>> -> memref<16xf32, #tpu.memory_space<hbm>>
      tpu.enqueue_dma source(%arg9 : memref<16xf32, #tpu.memory_space<vmem>>) target(%dma_start3A_103 : memref<16xf32, #tpu.memory_space<hbm>>) target_semaphore(%run_scoped3A : memref<!tpu.dma_semaphore, #tpu.memory_space<semaphore_mem>>)
      %dma_wait3A_104 = arith.constant 0 : i32
      %dma_wait3A_105 = tpu.memref_slice %arg5[%add3A, %dma_wait3A_104] : memref<32x16xf32, #tpu.memory_space<hbm>> -> memref<1x16xf32, #tpu.memory_space<hbm>>
      %dma_wait3A_106 = tpu.memref_squeeze %dma_wait3A_105 : memref<1x16xf32, #tpu.memory_space<hbm>> -> memref<16xf32, #tpu.memory_space<hbm>>
      %dma_wait3A_107 = arith.constant 0 : i32
      %dma_wait3A_108 = tpu.memref_slice %arg5[%add3A, %dma_wait3A_107] : memref<32x16xf32, #tpu.memory_space<hbm>> -> memref<1x16xf32, #tpu.memory_space<hbm>>
      %dma_wait3A_109 = tpu.memref_squeeze %dma_wait3A_108 : memref<1x16xf32, #tpu.memory_space<hbm>> -> memref<16xf32, #tpu.memory_space<hbm>>
      tpu.wait_dma2 semaphore(%run_scoped3A : memref<!tpu.dma_semaphore, #tpu.memory_space<semaphore_mem>>) src(%arg9 : memref<16xf32, #tpu.memory_space<vmem>>) dst(%dma_wait3A_109 : memref<16xf32, #tpu.memory_space<hbm>>)
      tpu.yield
    }) : () -> ()
    return
  }
}

</mosaic_0001>

<sc_bundles>
// kernel: kernel.3.cloned.1.call-start
scs
__scs_entry_jumppad:
0x0: {  	(pc) =	sbr.rel $0x88, $3  }
0x1: {  	(tag) =	ssettag $0x0;
	lr =	simm.s32 $0x1  }
0x2: {  	[smem:$0x3F9E] =	sst lr;
	_ =	strace $0xD0000000  }
0x3: {  	_ = 	snop  }
0x4: {  	_ = 	snop  }
0x5: {  	_ = 	snop  }
0x6: {  	_ = 	snop  }
0x7: {  	_ = 	snop  }
__scs_overlays_trampoline_lowered:
0x8: {  	[smem:$0x3FAD] =	sst s0  }
0x9: {  	[smem:$0x3FAE] =	sst s1  }
0xa: {  	[smem:$0x3FAF] =	sst s2  }
0xb: {  	[smem:$0x3FB0] =	sst s3  }
0xc: {  	[smem:$0x3FB1] =	sst s4  }
0xd: {  	[smem:$0x3FB2] =	sst s5  }
0xe: {  	[smem:$0x3FB3] =	sst s6  }
0xf: {  	[smem:$0x3FB4] =	sst s7  }
0x10: {  	[smem:$0x3FB5] =	sst s8  }
0x11: {  	[smem:$0x3FB6] =	sst s9;
	s0 =	simm.s32 @!p0 $0x0  }
0x12: {  	s1 =	sld [smem:$0x3F9C];
	s0 =	simm.s32 @p0 $0x1  }
0x13: {  	[smem:$0x3FB7] =	sst s0;
	s0 =	simm.s32 @!p1 $0x0  }
0x14: {  	s2 =	sld [smem:$0x3F9B];
	s0 =	simm.s32 @p1 $0x1  }
0x15: {  	[smem:$0x3FB8] =	sst s0;
	s0 =	simm.s32 @!p2 $0x0  }
0x16: {  	s3 =	sld [smem:$0x3FDB];
	s0 =	simm.s32 @p2 $0x1  }
0x17: {  	s4 =	simm.s32 $0x1BF5;
	[smem:$0x3FBA] =	sst s0  }
0x18: {  	s0 =	sld [smem:$0x3F9D];
	_ =	swait.ge [sflag:s4], $0x0  }
0x19: {  	s7 =	sld [smem:$0x3F9E]  }
0x1a: {  	s8 =	sadd.s32 $0xFFFFE003, lr  }
0x1b: {  	s9 =	sadd.s32 $0xFFFFFEF7, lr;
	s5 =	simm.s32 $0xFFFFFFFF;
	p2 =	slt.u32 s8, $0xFFFFF086  }
0x1c: {  	p1 =	slt.u32 s9, $0xF7A;
	s5 =	simm.s32 @!p2 $0x0  }
0x1d: {  	s5 =	simm.s32 @p1 $0x1;
	p0 =	seq.s32 s7, s2  }
0x1e: {  	s7 =	smul.u32 @!p0 $0xF7A, s2;
	p2 =	seq.s32 @!p0 s5, $0x0  }
0x1f: {  	s9 =	smul.u32 $0xF7A, s1;
	s8 =	simm.s32 @!p0 $0x1BF5;
	p2 =	por !p2, p0  }
0x20: {  	[sflag:s8] =	ssyncset.s32 @!p0 $0xFFFFF086;
	s6 =	sadd.s32 @!p0 s3, s7;
	s7 =	simm.s32 @!p0 $0x108  }
0x21: {  	s3 =	sadd.s32 s3, s9;
	s6 =	sadd.s32 @!p0 $0x88, s6;
	s7 =	simm.s32 @p2 $0x1082  }
0x22: {  	[simem:s7], [sflag:s8] =	dma.local @!p0 [hbm:s6], $0xF7A  }
0x23: {  	s9 =	sor.u32 $0xD0000000, s2;
	s6 =	simm.s32 $0x108;
	_ =	swait.ge @!p0 [sflag:s8], $0x0  }
0x24: {  	s3 =	sadd.s32 $0x88, s3;
	s6 =	simm.s32 @!p1 $0x1082;
	[sflag:s4] =	ssyncset.s32 $0xFFFFF086  }
0x25: {  	[simem:s6], [sflag:s4] =	dma.local [hbm:s3], $0xF7A  }
0x26: {  	[smem:$0x3F9E] =	sst s1;
	(tag) =	ssettag s2;
	_ =	strace s9  }
0x27: {  	s1 =	sld [smem:$0x3FAE]  }
0x28: {  	s2 =	sld [smem:$0x3FAF]  }
0x29: {  	s4 =	sld [smem:$0x3FB1]  }
0x2a: {  	p0 =	seq.s32 s5, $0x0;
	s5 =	sld [smem:$0x3FB2]  }
0x2b: {  	s6 =	sld [smem:$0x3FB3]  }
0x2c: {  	s7 =	sld [smem:$0x3FB4]  }
0x2d: {  	s3 =	simm.s32 $0x108;
	s8 =	sld [smem:$0x3FB5]  }
0x2e: {  	s3 =	simm.s32 @!p0 $0x1082;
	s9 =	sld [smem:$0x3FB6]  }
0x2f: {  	lr =	sadd.s32 s0, s3;
	s0 =	sld [smem:$0x3FAD]  }
0x30: {  	s3 =	sld [smem:$0x3FB0]  }
0x31: {  	[smem:$0x3FB9] =	sst s10  }
0x32: {  	s10 =	sld [smem:$0x3FB7];
	_ =	sdelay $0x3  }
0x33: {  	p0 =	seq.s32 s10, $0x1;
	s10 =	sld [smem:$0x3FB9];
	_ =	sdelay $0x3  }
0x34: {  	[smem:$0x3FB9] =	sst s10  }
0x35: {  	s10 =	sld [smem:$0x3FB8];
	_ =	sdelay $0x3  }
0x36: {  	p1 =	seq.s32 s10, $0x1;
	s10 =	sld [smem:$0x3FB9];
	_ =	sdelay $0x3  }
0x37: {  	[smem:$0x3FB9] =	sst s10  }
0x38: {  	s10 =	sld [smem:$0x3FBA]  }
0x39: {  	_ = 	snop;
	(pc) =	sbr.ind lr, $3  }
0x3a: {  	_ = 	snop  }
0x3b: {  	_ = 	snop  }
0x3c: {  	p2 =	seq.s32 s10, $0x1;
	s10 =	sld [smem:$0x3FB9]  }
0x3d: {  	_ =	shalt  }
0x3e: {  	_ =	shalt  }
0x3f: {  	_ =	shalt  }
0x40: {  	_ =	shalt  }
0x41: {  	_ =	shalt  }
0x42: {  	_ =	shalt  }
0x43: {  	_ =	shalt  }
0x44: {  	_ =	shalt  }
0x45: {  	_ =	shalt  }
0x46: {  	_ =	shalt  }
0x47: {  	_ =	shalt  }
0x48: {  	_ =	shalt  }
0x49: {  	_ =	shalt  }
0x4a: {  	_ =	shalt  }
0x4b: {  	_ =	shalt  }
0x4c: {  	_ =	shalt  }
0x4d: {  	_ =	shalt  }
0x4e: {  	_ =	shalt  }
0x4f: {  	_ =	shalt  }
0x50: {  	_ =	shalt  }
0x51: {  	_ =	shalt  }
0x52: {  	_ =	shalt  }
0x53: {  	_ =	shalt  }
0x54: {  	_ =	shalt  }
0x55: {  	_ =	shalt  }
0x56: {  	_ =	shalt  }
0x57: {  	_ =	shalt  }
0x58: {  	_ =	shalt  }
0x59: {  	_ =	shalt  }
0x5a: {  	_ =	shalt  }
0x5b: {  	_ =	shalt  }
0x5c: {  	_ =	shalt  }
0x5d: {  	_ =	shalt  }
0x5e: {  	_ =	shalt  }
0x5f: {  	_ =	shalt  }
0x60: {  	_ =	shalt  }
0x61: {  	_ =	shalt  }
0x62: {  	_ =	shalt  }
0x63: {  	_ =	shalt  }
0x64: {  	_ =	shalt  }
0x65: {  	_ =	shalt  }
0x66: {  	_ =	shalt  }
0x67: {  	_ =	shalt  }
0x68: {  	_ =	shalt  }
0x69: {  	_ =	shalt  }
0x6a: {  	_ =	shalt  }
0x6b: {  	_ =	shalt  }
0x6c: {  	_ =	shalt  }
0x6d: {  	_ =	shalt  }
0x6e: {  	_ =	shalt  }
0x6f: {  	_ =	shalt  }
0x70: {  	_ =	shalt  }
0x71: {  	_ =	shalt  }
0x72: {  	_ =	shalt  }
0x73: {  	_ =	shalt  }
0x74: {  	_ =	shalt  }
0x75: {  	_ =	shalt  }
0x76: {  	_ =	shalt  }
0x77: {  	_ =	shalt  }
0x78: {  	_ =	shalt  }
0x79: {  	_ =	shalt  }
0x7a: {  	_ =	shalt  }
0x7b: {  	_ =	shalt  }
0x7c: {  	_ =	shalt  }
0x7d: {  	_ =	shalt  }
0x7e: {  	_ =	shalt  }
0x7f: {  	_ =	shalt  }
0x80: {  	_ =	shalt  }
0x81: {  	_ =	shalt  }
0x82: {  	_ =	shalt  }
0x83: {  	_ =	shalt  }
0x84: {  	_ =	shalt  }
0x85: {  	_ =	shalt  }
0x86: {  	_ =	shalt  }
0x87: {  	_ =	shalt  }
.Lfunc_end0:
.L_simem_size_0:
called_computation_lowered:
.L_overlay_start_0:
0x88: {  	s2 =	sld [smem:$0x3FD9]  }
0x89: {  	s3 =	sld [smem:$0x3FFE];
	_ =	sdelay $0x1  }
0x8a: {  	s1 =	srdreg.scid  }
0x8b: {  	s0 =	sand.u32 $0x1, s1  }
0x8c: {  	s17 =	sshll.u32 s0, $0xA;
	s2 =	sadd.s32 s3, s2  }
0x8d: {  	s2 =	sadd.s32 s2, s17  }
0x8e: {  	[smem:$0x3FC5] =	sst s2  }
0x8f: {  	_ = 	snop  }
0x90: {  	s2 =	sld [smem:$0x3FC8];
	(tm) =	ssettm $0x1  }
0x91: {  	s18 =	sld [smem:$0x3FFB];
	_ =	sdelay $0x3  }
0x92: {  	_ =	strace s18  }
0x93: {  	s3 =	sld [smem:$0x3FFC];
	_ =	sdelay $0x3  }
0x94: {  	_ =	strace s3  }
0x95: {  	s3 =	sld [smem:$0x3FFD];
	_ =	sdelay $0x3  }
0x96: {  	_ =	strace s3  }
0x97: {  	_ =	strace $0x8FFFFFFF  }
0x98: {  	s19 =	sld [smem:$0x3FDB];
	_ =	sdelay $0x1  }
0x99: {  	s4 =	simm.s32 $_scs_section_size  }
0x9a: {  	s5 =	simm.s32 $_size__tile_overlayer_lowered;
	s6 =	simm.s32 $_tile_overlayer_lowered  }
0x9b: {  	s22 =	simm.s32 $0x1BFF;
	s21 =	sshll.u32 s6, $0x1;
	s3 =	sadd.s32 s4, s19  }
0x9c: {  	s7 =	simm.s32 $0x0;
	s20 =	sshll.u32 s5, $0x1;
	s5 =	sadd.s32 s21, s3  }
0x9d: {  	[timem:s7], [sflag:s22] =	dma.local [hbm:s5], s20  }
0x9e: {  	_ =	swait.ge [sflag:s22], s20  }
0x9f: {  	s4 =	ssub.s32 $0x0, s20;
	[sflag:s22] =	ssyncset.done $0x0  }
0xa0: {  	[sflag:s22] =	ssyncadd.s32 s4;
	_ =	sdelay $0x1  }
0xa1: {  	s23 =	simm.s32 $0x1B8B  }
0xa2: {  	_ =	swait.ge [sflag:s23], $0x1  }
0xa3: {  	[sflag:s23] =	ssyncset.done $0x0  }
0xa4: {  	s25 =	simm.s32 $0x1B8E;
	s24 =	sld [smem:$0x3FFE];
	[sflag:s23] =	ssyncadd.s32 $0xFFFFFFFF  }
0xa5: {  	s26 =	simm.s32 $execute0_lowered;
	[smem:$0x3FD2] =	sst s25  }
0xa6: {  	s5 =	sshll.u32 s26, $0x1;
	_ =	strace $0x80000046;
	[dreg:$0x1] =	wrdreg $0xFFFFFFFF  }
0xa7: {  	s28 =	simm.s32 $_size_execute0_lowered;
	s3 =	sadd.s32 s3, s5;
	[dreg:$0x0] =	wrdreg $0x0  }
0xa8: {  	s5 =	sshll.u32 s28, $0x1;
	[dreg:$0x2] =	wrdreg s3  }
0xa9: {  	[dreg:$0x3] =	wrdreg s5  }
0xaa: {  	[dreg:$0x4] =	wrdreg $0xC0  }
0xab: {  	_ =	task [dreg:s7], $0x5FFFF  }
0xac: {  	[dreg:$0x1] =	wrdreg $0xFFFFFFFF  }
0xad: {  	[dreg:$0x0] =	wrdreg $0x60  }
0xae: {  	[dreg:$0x2] =	wrdreg s24  }
0xaf: {  	[dreg:$0x3] =	wrdreg s2  }
0xb0: {  	[dreg:$0x4] =	wrdreg $0x9  }
0xb1: {  	_ =	task.clear_ibuf [dreg:s7], $0x5FFFF;
	_ =	strace $0x90000046  }
0xb2: {  	s29 =	simm.s32 $0x9;
	_ =	strace $0x80000048  }
0xb3: {  	_ =	swait.ge [sflag:s29], $0x1  }
0xb4: {  	[sflag:s29] =	ssyncadd.s32 $0xFFFFFFFF  }
0xb5: {  	_ =	strace $0x90000048  }
0xb6: {  	_ =	sfence  }
0xb7: {  	s30 =	sld [smem:$0x0];
	_ =	sdelay $0x2  }
0xb8: {  	s31 =	sshll.u32 s1, $0xD;
	s1 =	sshrl.u32 s1, $0x2  }
0xb9: {  	s3 =	sand.u32 $0x4000, s31;
	s1 =	sadd.s32 s1, s30  }
0xba: {  	s0 =	sor.u32 s3, s0;
	s1 =	sshll.u32 s1, $0x11  }
0xbb: {  	s0 =	sor.u32 s1, s0  }
0xbc: {  	s0 =	sadd.s32 $0x8F2B, s0  }
0xbd: {  	[sflag:s0] =	ssyncadd.remote.s32 $0x1  }
0xbe: {  	_ =	sfence.sel $0xFFFF  }
0xbf: {  	[dreg:$0x0] =	wrdreg $0xFFFFFFFF;
	(pc) =	sbr.abs _section_cstart, $3  }
0xc0: {  	[dreg:$0x1] =	wrdreg $0xFFFFFFFF  }
0xc1: {  	_ =	task.clear_ibuf [dreg:s7], $0x2FFFF;
	_ =	strace $0x9FFFFFFF  }
0xc2: {  	(tm) =	ssettm $0x7FFFFFFF  }
0xc3: {  	_ =	shalt  }
tec
execute0_lowered:
.L_overlay_start_1:
0x0: {  	(tag) =	ssettag $0x1  }
0x1: {  	v0 =	vimm.s32 $0x14131211  }
0x2: {  	v1 =	vimm.s32 $0x18171615;
	v2 =	vimm.s32 $0x1C1B1A19;
	v3 =	vimm.s32 $0x1F1E1D  }
0x3: {  	vm0 =	vcmask $0x1F10;
	v50 =	vimm.s32 $0x15141312;
	v51 =	vimm.s32 $0x19181716  }
0x4: {  	v4 =	vimm.s32 $0x1D1C1B1A;
	v5 =	vimm.s32 $0x1001F1E;
	v52 =	vimm.s32 $0x16151413  }
0x5: {  	v53 =	vimm.s32 $0x1A191817;
	v54 =	vimm.s32 $0x1E1D1C1B;
	v55 =	vimm.s32 $0x201001F  }
0x6: {  	v56 =	vimm.s32 $0x3020100;
	v7 =	vimm.s32 $0x1F1E1D1C;
	v57 =	vimm.s32 $0x17161514  }
0x7: {  	v11 =	vimm.s32 $0x1B1A1918;
	v12 =	vimm.s32 $0x4030201;
	v59 =	vimm.s32 $0x5040302  }
0x8: {  	v22 =	vimm.s32 $0x6050403;
	v23 =	vimm.s32 $0x32107654;
	vm12 =	vcmask $0x2F10  }
0x9: {  	v30 =	vimm.s32 $0x54329876;
	v31 =	vimm.s32 $0x6543A987;
	vm1 =	vcmask $0x3F30  }
0xa: {  	v32 =	vimm.s32 $0xC0B0A09;
	v33 =	vimm.s32 $0xD0C0B0A;
	v24 =	vimm.s32 $0xE0D0C0B  }
0xb: {  	vm13 =	vcmask $0x300;
	v34 =	vimm.s32 $0x2A07;
	v35 =	vimm.s32 $0x2C07  }
0xc: {  	v36 =	vimm.s32 $0x2E07;
	v25 =	vimm.s32 $0x3207;
	v26 =	vimm.s32 $0x3407  }
0xd: {  	v27 =	vimm.s32 $0x3607;
	v28 =	vimm.s32 $0x3807;
	v29 =	vimm.s32 $0x3A07  }
0xe: {  	v37 =	vimm.s32 $0xA07;
	v38 =	vimm.s32 $0xC07;
	v39 =	vimm.s32 $0xE07  }
0xf: {  	v40 =	vimm.s32 $0x1007;
	v41 =	vimm.s32 $0x1207;
	v42 =	vimm.s32 $0x1407  }
0x10: {  	v43 =	vimm.s32 $0x1607;
	v44 =	vimm.s32 $0x1807;
	v45 =	vimm.s32 $0x1A07  }
0x11: {  	v46 =	vimm.s32 $0x1C07;
	vm14 =	vcmask $0x704;
	vm15 =	vcmask $0xB08  }
0x12: {  	vm4 =	vcmask $0xF0C;
	vm5 =	vcmask $0x1310;
	vm6 =	vcmask $0x1714  }
0x13: {  	vm7 =	vcmask $0x1B18;
	vm8 =	vcmask $0x1F1C;
	vm9 =	vcmask $0x2320  }
0x14: {  	vm10 =	vcmask $0x2724;
	vm11 =	vcmask $0x2B28;
	v0 =	vunpack.c.0.s8.s32 v0  }
0x15: {  	v6 =	vunpack.c.0.s8.s32 v1;
	v8 =	vunpack.c.0.s8.s32 v2;
	v15 =	vunpack.c.0.s8.s32 v3  }
0x16: {  	v2 =	vunpack.c.0.s8.s32 v50;
	v10 =	vunpack.c.0.s8.s32 v51;
	v13 =	vunpack.c.0.s8.s32 v4  }
0x17: {  	v16 =	vunpack.c.0.s8.s32 v5;
	v3 =	vunpack.c.0.s8.s32 v52;
	v17 =	vunpack.c.0.s8.s32 v53  }
0x18: {  	v18 =	vunpack.c.0.s8.s32 v54;
	v19 =	vunpack.c.0.s8.s32 v55;
	v9 =	vunpack.c.0.s8.s32 v56  }
0x19: {  	v20 =	vunpack.c.0.s8.s32 v7;
	v21 =	vunpack.c.0.s8.s32 v11;
	v58 =	vunpack.c.0.s8.s32 v12  }
0x1a: {  	v12 =	vunpack.c.0.s8.s32 v59;
	v22 =	vunpack.c.0.s8.s32 v22;
	v23 =	vunpack.c.l.s4.s8 v23  }
0x1b: {  	v24 =	vunpack.c.0.s8.s32 v24;
	v25 =	vsel vm13, $0x1400, v25;
	v26 =	vsel vm13, $0x1600, v26  }
0x1c: {  	v27 =	vsel vm13, $0x1800, v27;
	v28 =	vsel vm13, $0x1A00, v28;
	v29 =	vsel vm13, $0x1C00, v29  }
0x1d: {  	v37 =	vsel vm13, $0x2C00, v37;
	v38 =	vsel vm13, $0x2E00, v38;
	v39 =	vsel vm13, $0x3000, v39  }
0x1e: {  	v40 =	vsel vm13, $0x3200, v40;
	v41 =	vsel vm13, $0x3400, v41;
	v42 =	vsel vm13, $0x3600, v42  }
0x1f: {  	v43 =	vsel vm13, $0x3800, v43;
	v44 =	vsel vm13, $0x3A00, v44;
	v45 =	vsel vm13, $0x3C00, v45  }
0x20: {  	v46 =	vsel vm13, $0x3E00, v46;
	v25 =	vsel vm14, $0x1601, v25;
	v26 =	vsel vm14, $0x1801, v26  }
0x21: {  	v27 =	vsel vm14, $0x1A01, v27;
	v28 =	vsel vm14, $0x1C01, v28;
	v29 =	vsel vm14, $0x1E01, v29  }
0x22: {  	v37 =	vsel vm14, $0x2E01, v37;
	v38 =	vsel vm14, $0x3001, v38;
	v39 =	vsel vm14, $0x3201, v39  }
0x23: {  	v40 =	vsel vm14, $0x3401, v40;
	v41 =	vsel vm14, $0x3601, v41;
	v42 =	vsel vm14, $0x3801, v42  }
0x24: {  	v43 =	vsel vm14, $0x3A01, v43;
	v44 =	vsel vm14, $0x3C01, v44;
	v45 =	vsel vm14, $0x3E01, v45  }
0x25: {  	v46 =	vsel vm14, $0x1, v46;
	v0 =	vsel vm0, v6, v0;
	v1 =	vsel vm0, v15, v8  }
0x26: {  	v5 =	vsel vm0, v10, v2;
	v4 =	vsel vm0, v16, v13;
	v2 =	vsel vm0, v17, v3  }
0x27: {  	v3 =	vsel vm0, v19, v18;
	v7 =	vsel vm0, v9, v20;
	v9 =	vunpack.c.0.s8.s32 v57  }
0x28: {  	v11 =	vsel vm0, v8, v6;
	v12 =	vsel vm0, v12, v16;
	v13 =	vsel vm0, v13, v10  }
0x29: {  	v60 =	vsel vm0, v22, v19;
	v61 =	vunpack.c.0.s8.s32 v23;
	v62 =	vsel vm0, v18, v17  }
0x2a: {  	v63 =	vsel vm0, v20, v21;
	v17 =	vimm.s32 $0x43218765;
	v22 =	vunpack.c.l.s4.s8 v31  }
0x2b: {  	v23 =	vunpack.c.0.s8.s32 v33;
	v31 =	vimm.s32 $0x3E07;
	v33 =	vimm.s32 $0x207  }
0x2c: {  	v25 =	vsel vm15, $0x1802, v25;
	v26 =	vsel vm15, $0x1A02, v26;
	v27 =	vsel vm15, $0x1C02, v27  }
0x2d: {  	v28 =	vsel vm15, $0x1E02, v28;
	v29 =	vsel vm15, $0x2002, v29;
	v37 =	vsel vm15, $0x3002, v37  }
0x2e: {  	v38 =	vsel vm15, $0x3202, v38;
	v39 =	vsel vm15, $0x3402, v39;
	v40 =	vsel vm15, $0x3602, v40  }
0x2f: {  	v41 =	vsel vm15, $0x3802, v41;
	v42 =	vsel vm15, $0x3A02, v42;
	v43 =	vsel vm15, $0x3C02, v43  }
0x30: {  	v44 =	vsel vm15, $0x3E02, v44;
	v45 =	vsel vm15, $0x2, v45;
	v46 =	vsel vm15, $0x202, v46  }
0x31: {  	v17 =	vunpack.c.l.s4.s8 v17;
	v31 =	vsel vm13, $0x2000, v31;
	v33 =	vsel vm13, $0x2400, v33  }
0x32: {  	v25 =	vsel vm4, $0x1A03, v25;
	v27 =	vsel vm4, $0x1E03, v27;
	v28 =	vsel vm4, $0x2003, v28  }
0x33: {  	v29 =	vsel vm4, $0x2203, v29;
	v38 =	vsel vm4, $0x3403, v38;
	v39 =	vsel vm4, $0x3603, v39  }
0x34: {  	v40 =	vsel vm4, $0x3803, v40;
	v41 =	vsel vm4, $0x3A03, v41;
	v42 =	vsel vm4, $0x3C03, v42  }
0x35: {  	v43 =	vsel vm4, $0x3E03, v43;
	v44 =	vsel vm4, $0x3, v44;
	v45 =	vsel vm4, $0x203, v45  }
0x36: {  	v46 =	vsel vm4, $0x403, v46;
	v14 =	vsel vm0, v21, v9;
	v9 =	vsel vm0, v58, v15  }
0x37: {  	v18 =	vand.u32 $0xF, v61;
	v21 =	vunpack.c.l.s4.s8 v30;
	v22 =	vunpack.c.0.s8.s32 v22  }
0x38: {  	v30 =	vimm.s32 $0x3C07;
	v31 =	vsel vm14, $0x2201, v31;
	v33 =	vsel vm14, $0x2601, v33  }
0x39: {  	v27 =	vsel vm5, $0x2004, v27;
	v28 =	vsel vm5, $0x2204, v28;
	v29 =	vsel vm5, $0x2404, v29  }
0x3a: {  	v38 =	vsel vm5, $0x3604, v38;
	v39 =	vsel vm5, $0x3804, v39;
	v40 =	vsel vm5, $0x3A04, v40  }
0x3b: {  	v41 =	vsel vm5, $0x3C04, v41;
	v42 =	vsel vm5, $0x3E04, v42;
	v43 =	vsel vm5, $0x4, v43  }
0x3c: {  	v44 =	vsel vm5, $0x204, v44;
	v45 =	vsel vm5, $0x404, v45;
	v46 =	vsel vm5, $0x604, v46  }
0x3d: {  	v18 =	vsel vm12, v18, v20;
	v20 =	vimm.s32 $0xB0A0908;
	v17 =	vunpack.c.0.s8.s32 v17  }
0x3e: {  	v30 =	vsel vm13, $0x1E00, v30;
	v31 =	vsel vm15, $0x2402, v31;
	v33 =	vsel vm15, $0x2802, v33  }
0x3f: {  	v27 =	vsel vm6, $0x2205, v27;
	v28 =	vsel vm6, $0x2405, v28;
	v29 =	vsel vm6, $0x2605, v29  }
0x40: {  	v38 =	vsel vm6, $0x3805, v38;
	v39 =	vsel vm6, $0x3A05, v39;
	v40 =	vsel vm6, $0x3C05, v40  }
0x41: {  	v41 =	vsel vm6, $0x3E05, v41;
	v42 =	vsel vm6, $0x5, v42;
	v43 =	vsel vm6, $0x205, v43  }
0x42: {  	v44 =	vsel vm6, $0x405, v44;
	v45 =	vsel vm6, $0x605, v45;
	v46 =	vsel vm6, $0x805, v46  }
0x43: {  	v20 =	vunpack.c.0.s8.s32 v20;
	v21 =	vunpack.c.0.s8.s32 v21;
	v22 =	vand.u32 $0xF, v22  }
0x44: {  	v30 =	vsel vm14, $0x2001, v30;
	v31 =	vsel vm4, $0x2603, v31;
	v33 =	vsel vm4, $0x2A03, v33  }
0x45: {  	v27 =	vsel vm7, $0x2406, v27;
	v28 =	vsel vm7, $0x2606, v28;
	v29 =	vsel vm7, $0x2806, v29  }
0x46: {  	v38 =	vsel vm7, $0x3A06, v38;
	v39 =	vsel vm7, $0x3C06, v39;
	v40 =	vsel vm7, $0x3E06, v40  }
0x47: {  	v41 =	vsel vm7, $0x6, v41;
	v42 =	vsel vm7, $0x206, v42;
	v43 =	vsel vm7, $0x406, v43  }
0x48: {  	v44 =	vsel vm7, $0x606, v44;
	v45 =	vsel vm7, $0x806, v45;
	v46 =	vsel vm7, $0xA06, v46  }
0x49: {  	v17 =	vand.u32 $0xF, v17;
	v19 =	vsel vm12, v22, v19;
	v22 =	vsel vm13, $0xE00, v35  }
0x4a: {  	v35 =	vimm.s32 $0x607;
	v30 =	vsel vm15, $0x2202, v30;
	v31 =	vsel vm5, $0x2804, v31  }
0x4b: {  	v33 =	vsel vm5, $0x2C04, v33;
	v27 =	vsel vm8, $0x2607, v27;
	v28 =	vsel vm8, $0x2807, v28  }
0x4c: {  	v29 =	vsel vm8, $0x2A07, v29;
	v38 =	vsel vm8, $0x3C07, v38;
	v39 =	vsel vm8, $0x3E07, v39  }
0x4d: {  	v40 =	vsel vm8, $0x7, v40;
	v41 =	vsel vm8, $0x207, v41;
	v42 =	vsel vm8, $0x407, v42  }
0x4e: {  	v43 =	vsel vm8, $0x607, v43;
	v44 =	vsel vm8, $0x807, v44;
	v45 =	vsel vm8, $0xA07, v45  }
0x4f: {  	v46 =	vsel vm8, $0xC07, v46;
	v15 =	vsel vm12, v17, v15;
	v17 =	vunpack.c.0.s8.s32 v32  }
0x50: {  	v21 =	vand.u32 $0xF, v21;
	v48 =	vsel vm1, v20, v18;
	v51 =	vsel vm1, v24, v19  }
0x51: {  	v18 =	vimm.s32 $0x2407;
	v19 =	vimm.s32 $0x2607;
	v20 =	vimm.s32 $0x2807  }
0x52: {  	v24 =	vimm.s32 $0x3007;
	v32 =	vimm.s32 $0x7;
	v35 =	vsel vm13, $0x2800, v35  }
0x53: {  	v22 =	vsel vm14, $0x1001, v22;
	v30 =	vsel vm4, $0x2403, v30;
	v31 =	vsel vm6, $0x2A05, v31  }
0x54: {  	v33 =	vsel vm6, $0x2E05, v33;
	v27 =	vsel vm9, $0x2800, v27;
	v28 =	vsel vm9, $0x2A00, v28  }
0x55: {  	v29 =	vsel vm9, $0x2C00, v29;
	v38 =	vsel vm9, $0x3E00, v38;
	v39 =	vsel vm9, $0x0, v39  }
0x56: {  	v40 =	vsel vm9, $0x200, v40;
	v41 =	vsel vm9, $0x400, v41;
	v42 =	vsel vm9, $0x600, v42  }
0x57: {  	v43 =	vsel vm9, $0x800, v43;
	v44 =	vsel vm9, $0xA00, v44;
	v45 =	vsel vm9, $0xC00, v45  }
0x58: {  	v46 =	vsel vm9, $0xE00, v46;
	v16 =	vsel vm12, v21, v16;
	v18 =	vsel vm13, $0x600, v18  }
0x59: {  	v19 =	vsel vm13, $0x800, v19;
	v20 =	vsel vm13, $0xA00, v20;
	v21 =	vsel vm13, $0xC00, v34  }
0x5a: {  	v24 =	vsel vm13, $0x1200, v24;
	v32 =	vsel vm13, $0x2200, v32;
	v34 =	vimm.s32 $0x407  }
0x5b: {  	v35 =	vsel vm14, $0x2A01, v35;
	v22 =	vsel vm15, $0x1202, v22;
	v30 =	vsel vm5, $0x2604, v30  }
0x5c: {  	v31 =	vsel vm7, $0x2C06, v31;
	v33 =	vsel vm7, $0x3006, v33;
	v27 =	vsel vm10, $0x2A01, v27  }
0x5d: {  	v28 =	vsel vm10, $0x2C01, v28;
	v29 =	vsel vm10, $0x2E01, v29;
	v38 =	vsel vm10, $0x1, v38  }
0x5e: {  	v39 =	vsel vm10, $0x201, v39;
	v40 =	vsel vm10, $0x401, v40;
	v41 =	vsel vm10, $0x601, v41  }
0x5f: {  	v42 =	vsel vm10, $0x801, v42;
	v43 =	vsel vm10, $0xA01, v43;
	v44 =	vsel vm10, $0xC01, v44  }
0x60: {  	v45 =	vsel vm10, $0xE01, v45;
	v46 =	vsel vm10, $0x1001, v46;
	vm12 =	vcmask $0x2F2C  }
0x61: {  	v49 =	vsel vm1, v17, v15;
	v50 =	vsel vm1, v23, v16;
	v15 =	vimm.s32 $0x1E07  }
0x62: {  	v16 =	vimm.s32 $0x2007;
	v17 =	vimm.s32 $0x2207;
	v23 =	vsel vm13, $0x1000, v36  }
0x63: {  	v34 =	vsel vm13, $0x2600, v34;
	v36 =	vimm.s32 $0x807;
	v18 =	vsel vm14, $0x801, v18  }
0x64: {  	v19 =	vsel vm14, $0xA01, v19;
	v20 =	vsel vm14, $0xC01, v20;
	v21 =	vsel vm14, $0xE01, v21  }
0x65: {  	v24 =	vsel vm14, $0x1401, v24;
	v32 =	vsel vm14, $0x2401, v32;
	v35 =	vsel vm15, $0x2C02, v35  }
0x66: {  	v22 =	vsel vm4, $0x1403, v22;
	v30 =	vsel vm6, $0x2805, v30;
	v31 =	vsel vm8, $0x2E07, v31  }
0x67: {  	v33 =	vsel vm8, $0x3207, v33;
	v27 =	vsel vm11, $0x2C02, v27;
	v28 =	vsel vm11, $0x2E02, v28  }
0x68: {  	v29 =	vsel vm11, $0x3002, v29;
	v38 =	vsel vm11, $0x202, v38;
	v39 =	vsel vm11, $0x402, v39  }
0x69: {  	v40 =	vsel vm11, $0x602, v40;
	v41 =	vsel vm11, $0x802, v41;
	v42 =	vsel vm11, $0xA02, v42  }
0x6a: {  	v43 =	vsel vm11, $0xC02, v43;
	v44 =	vsel vm11, $0xE02, v44;
	v45 =	vsel vm11, $0x1002, v45  }
0x6b: {  	v46 =	vsel vm11, $0x1202, v46;
	v15 =	vsel vm13, $0x0, v15;
	v16 =	vsel vm13, $0x200, v16  }
0x6c: {  	v17 =	vsel vm13, $0x400, v17;
	v36 =	vsel vm13, $0x2A00, v36;
	v23 =	vsel vm14, $0x1201, v23  }
0x6d: {  	v34 =	vsel vm14, $0x2801, v34;
	v18 =	vsel vm15, $0xA02, v18;
	v19 =	vsel vm15, $0xC02, v19  }
0x6e: {  	v20 =	vsel vm15, $0xE02, v20;
	v21 =	vsel vm15, $0x1002, v21;
	v24 =	vsel vm15, $0x1602, v24  }
0x6f: {  	v32 =	vsel vm15, $0x2602, v32;
	v35 =	vsel vm4, $0x2E03, v35;
	v22 =	vsel vm5, $0x1604, v22  }
0x70: {  	v30 =	vsel vm7, $0x2A06, v30;
	v31 =	vsel vm9, $0x3000, v31;
	v33 =	vsel vm9, $0x3400, v33  }
0x71: {  	v27 =	vsel vm12, $0x2E03, v27;
	v28 =	vsel vm12, $0x3003, v28;
	v29 =	vsel vm12, $0x3203, v29  }
0x72: {  	v38 =	vsel vm12, $0x403, v38;
	v39 =	vsel vm12, $0x603, v39;
	v40 =	vsel vm12, $0x803, v40  }
0x73: {  	v41 =	vsel vm12, $0xA03, v41;
	v42 =	vsel vm12, $0xC03, v42;
	v43 =	vsel vm12, $0xE03, v43  }
0x74: {  	v44 =	vsel vm12, $0x1003, v44;
	v45 =	vsel vm12, $0x1203, v45;
	v46 =	vsel vm12, $0x1403, v46  }
0x75: {  	vm13 =	vcmask $0x3330;
	v15 =	vsel vm14, $0x201, v15;
	v16 =	vsel vm14, $0x401, v16  }
0x76: {  	v17 =	vsel vm14, $0x601, v17;
	v36 =	vsel vm14, $0x2C01, v36;
	v23 =	vsel vm15, $0x1402, v23  }
0x77: {  	v34 =	vsel vm15, $0x2A02, v34;
	v18 =	vsel vm4, $0xC03, v18;
	v19 =	vsel vm4, $0xE03, v19  }
0x78: {  	v20 =	vsel vm4, $0x1003, v20;
	v21 =	vsel vm4, $0x1203, v21;
	v32 =	vsel vm4, $0x2803, v32  }
0x79: {  	v35 =	vsel vm5, $0x3004, v35;
	v22 =	vsel vm6, $0x1805, v22;
	v30 =	vsel vm8, $0x2C07, v30  }
0x7a: {  	v31 =	vsel vm10, $0x3201, v31;
	v33 =	vsel vm10, $0x3601, v33;
	v27 =	vsel vm13, $0x3004, v27  }
0x7b: {  	v28 =	vsel vm13, $0x3204, v28;
	v29 =	vsel vm13, $0x3404, v29;
	vm14 =	vcmask $0x3734  }
0x7c: {  	v15 =	vsel vm15, $0x402, v15;
	v16 =	vsel vm15, $0x602, v16;
	v17 =	vsel vm15, $0x802, v17  }
0x7d: {  	v36 =	vsel vm15, $0x2E02, v36;
	v23 =	vsel vm4, $0x1603, v23;
	v34 =	vsel vm4, $0x2C03, v34  }
0x7e: {  	v18 =	vsel vm5, $0xE04, v18;
	v19 =	vsel vm5, $0x1004, v19;
	v20 =	vsel vm5, $0x1204, v20  }
0x7f: {  	v21 =	vsel vm5, $0x1404, v21;
	v32 =	vsel vm5, $0x2A04, v32;
	v35 =	vsel vm6, $0x3205, v35  }
0x80: {  	v22 =	vsel vm7, $0x1A06, v22;
	v30 =	vsel vm9, $0x2E00, v30;
	v31 =	vsel vm11, $0x3402, v31  }
0x81: {  	v33 =	vsel vm11, $0x3802, v33;
	v27 =	vsel vm14, $0x3205, v27;
	v28 =	vsel vm14, $0x3405, v28  }
0x82: {  	v29 =	vsel vm14, $0x3605, v29;
	vm15 =	vcmask $0x3B38;
	v15 =	vsel vm4, $0x603, v15  }
0x83: {  	v17 =	vsel vm4, $0xA03, v17;
	v36 =	vsel vm4, $0x3003, v36;
	v23 =	vsel vm5, $0x1804, v23  }
0x84: {  	v34 =	vsel vm5, $0x2E04, v34;
	v18 =	vsel vm6, $0x1005, v18;
	v19 =	vsel vm6, $0x1205, v19  }
0x85: {  	v20 =	vsel vm6, $0x1405, v20;
	v21 =	vsel vm6, $0x1605, v21;
	v32 =	vsel vm6, $0x2C05, v32  }
0x86: {  	v35 =	vsel vm7, $0x3406, v35;
	v22 =	vsel vm8, $0x1C07, v22;
	v30 =	vsel vm10, $0x3001, v30  }
0x87: {  	v31 =	vsel vm12, $0x3603, v31;
	v33 =	vsel vm12, $0x3A03, v33;
	v15 =	vsel vm5, $0x804, v15  }
0x88: {  	v17 =	vsel vm5, $0xC04, v17;
	v36 =	vsel vm5, $0x3204, v36;
	v23 =	vsel vm6, $0x1A05, v23  }
0x89: {  	v34 =	vsel vm6, $0x3005, v34;
	v18 =	vsel vm7, $0x1206, v18;
	v19 =	vsel vm7, $0x1406, v19  }
0x8a: {  	v20 =	vsel vm7, $0x1606, v20;
	v21 =	vsel vm7, $0x1806, v21;
	v32 =	vsel vm7, $0x2E06, v32  }
0x8b: {  	v35 =	vsel vm8, $0x3607, v35;
	v22 =	vsel vm9, $0x1E00, v22;
	v30 =	vsel vm11, $0x3202, v30  }
0x8c: {  	v31 =	vsel vm13, $0x3804, v31;
	v33 =	vsel vm13, $0x3C04, v33;
	v15 =	vsel vm6, $0xA05, v15  }
0x8d: {  	v17 =	vsel vm6, $0xE05, v17;
	v36 =	vsel vm6, $0x3405, v36;
	v23 =	vsel vm7, $0x1C06, v23  }
0x8e: {  	v34 =	vsel vm7, $0x3206, v34;
	v18 =	vsel vm8, $0x1407, v18;
	v19 =	vsel vm8, $0x1607, v19  }
0x8f: {  	v20 =	vsel vm8, $0x1807, v20;
	v21 =	vsel vm8, $0x1A07, v21;
	v32 =	vsel vm8, $0x3007, v32  }
0x90: {  	v35 =	vsel vm9, $0x3800, v35;
	v22 =	vsel vm10, $0x2001, v22;
	v30 =	vsel vm12, $0x3403, v30  }
0x91: {  	v31 =	vsel vm14, $0x3A05, v31;
	v33 =	vsel vm14, $0x3E05, v33;
	v15 =	vsel vm7, $0xC06, v15  }
0x92: {  	v17 =	vsel vm7, $0x1006, v17;
	v36 =	vsel vm7, $0x3606, v36;
	v23 =	vsel vm8, $0x1E07, v23  }
0x93: {  	v34 =	vsel vm8, $0x3407, v34;
	v18 =	vsel vm9, $0x1600, v18;
	v19 =	vsel vm9, $0x1800, v19  }
0x94: {  	v20 =	vsel vm9, $0x1A00, v20;
	v21 =	vsel vm9, $0x1C00, v21;
	v32 =	vsel vm9, $0x3200, v32  }
0x95: {  	v35 =	vsel vm10, $0x3A01, v35;
	v22 =	vsel vm11, $0x2202, v22;
	v30 =	vsel vm13, $0x3604, v30  }
0x96: {  	v15 =	vsel vm8, $0xE07, v15;
	v17 =	vsel vm8, $0x1207, v17;
	v36 =	vsel vm8, $0x3807, v36  }
0x97: {  	v23 =	vsel vm9, $0x2000, v23;
	v34 =	vsel vm9, $0x3600, v34;
	v18 =	vsel vm10, $0x1801, v18  }
0x98: {  	v19 =	vsel vm10, $0x1A01, v19;
	v20 =	vsel vm10, $0x1C01, v20;
	v21 =	vsel vm10, $0x1E01, v21  }
0x99: {  	v32 =	vsel vm10, $0x3401, v32;
	v22 =	vsel vm12, $0x2403, v22;
	v15 =	vsel vm9, $0x1000, v15  }
0x9a: {  	v17 =	vsel vm9, $0x1400, v17;
	v23 =	vsel vm10, $0x2201, v23;
	v18 =	vsel vm11, $0x1A02, v18  }
0x9b: {  	v19 =	vsel vm11, $0x1C02, v19;
	v20 =	vsel vm11, $0x1E02, v20;
	v21 =	vsel vm11, $0x2002, v21  }
0x9c: {  	v22 =	vsel vm13, $0x2604, v22;
	v15 =	vsel vm10, $0x1201, v15;
	v17 =	vsel vm10, $0x1601, v17  }
0x9d: {  	v23 =	vsel vm11, $0x2402, v23;
	v18 =	vsel vm12, $0x1C03, v18;
	v19 =	vsel vm12, $0x1E03, v19  }
0x9e: {  	v20 =	vsel vm12, $0x2003, v20;
	v15 =	vsel vm11, $0x1402, v15;
	v17 =	vsel vm11, $0x1802, v17  }
0x9f: {  	v21 =	vsel vm12, $0x2203, v21;
	v15 =	vsel vm12, $0x1603, v15;
	v17 =	vsel vm12, $0x1A03, v17  }
0xa0: {  	v18 =	vsel vm13, $0x1E04, v18;
	v15 =	vsel vm13, $0x1804, v15;
	v17 =	vsel vm13, $0x1C04, v17  }
0xa1: {  	v19 =	vsel vm13, $0x2004, v19;
	v15 =	vsel vm14, $0x1A05, v15;
	v17 =	vsel vm14, $0x1E05, v17  }
0xa2: {  	v18 =	vsel vm14, $0x2005, v18;
	v47 =	vsel vm15, $0x1C06, v15;
	v15 =	vsel vm15, $0x2006, v17  }
0xa3: {  	v20 =	vsel vm13, $0x2204, v20;
	v19 =	vsel vm14, $0x2205, v19;
	[tilespmem:$0x1FC10] =	vst v15;
	v15 =	vsel vm15, $0x2206, v18  }
0xa4: {  	v21 =	vsel vm13, $0x2404, v21;
	v20 =	vsel vm14, $0x2405, v20;
	[tilespmem:$0x1FC20] =	vst v15;
	v15 =	vsel vm15, $0x2406, v19  }
0xa5: {  	v23 =	vsel vm12, $0x2603, v23;
	v21 =	vsel vm14, $0x2605, v21;
	[tilespmem:$0x1FC30] =	vst v15;
	v15 =	vsel vm15, $0x2606, v20  }
0xa6: {  	v22 =	vsel vm14, $0x2805, v22;
	v23 =	vsel vm13, $0x2804, v23;
	[tilespmem:$0x1FC40] =	vst v15;
	v15 =	vsel vm15, $0x2806, v21  }
0xa7: {  	v35 =	vsel vm11, $0x3C02, v35;
	v23 =	vsel vm14, $0x2A05, v23;
	[tilespmem:$0x1FC50] =	vst v15;
	v15 =	vsel vm15, $0x2A06, v22  }
0xa8: {  	v30 =	vsel vm14, $0x3805, v30;
	v36 =	vsel vm9, $0x3A00, v36;
	[tilespmem:$0x1FC60] =	vst v15;
	v15 =	vsel vm15, $0x2C06, v23  }
0xa9: {  	v34 =	vsel vm10, $0x3801, v34;
	v32 =	vsel vm11, $0x3602, v32;
	[tilespmem:$0x1FC70] =	vst v15;
	v15 =	vsel vm15, $0x3406, v27  }
0xaa: {  	v35 =	vsel vm12, $0x3E03, v35;
	v36 =	vsel vm10, $0x3C01, v36;
	[tilespmem:$0x1FC80] =	vst v15;
	v15 =	vsel vm15, $0x3606, v28  }
0xab: {  	v34 =	vsel vm11, $0x3A02, v34;
	v32 =	vsel vm12, $0x3803, v32;
	[tilespmem:$0x1FC90] =	vst v15;
	v15 =	vsel vm15, $0x3806, v29  }
0xac: {  	v35 =	vsel vm13, $0x4, v35;
	v32 =	vsel vm13, $0x3A04, v32;
	[tilespmem:$0x1FCA0] =	vst v15;
	v15 =	vsel vm15, $0x3A06, v30  }
0xad: {  	v34 =	vsel vm12, $0x3C03, v34;
	v32 =	vsel vm14, $0x3C05, v32;
	[tilespmem:$0x1FCB0] =	vst v15;
	v15 =	vsel vm15, $0x3C06, v31  }
0xae: {  	v36 =	vsel vm11, $0x3E02, v36;
	v34 =	vsel vm13, $0x3E04, v34;
	[tilespmem:$0x1FCC0] =	vst v15;
	v15 =	vsel vm15, $0x3E06, v32  }
0xaf: {  	v36 =	vsel vm12, $0x3, v36;
	v34 =	vsel vm14, $0x5, v34;
	[tilespmem:$0x1FCD0] =	vst v15;
	v15 =	vsel vm15, $0x6, v33  }
0xb0: {  	v35 =	vsel vm14, $0x205, v35;
	v36 =	vsel vm13, $0x204, v36;
	[tilespmem:$0x1FCE0] =	vst v15;
	v15 =	vsel vm15, $0x206, v34  }
0xb1: {  	v38 =	vsel vm13, $0x604, v38;
	v36 =	vsel vm14, $0x405, v36;
	[tilespmem:$0x1FCF0] =	vst v15;
	v15 =	vsel vm15, $0x406, v35  }
0xb2: {  	v39 =	vsel vm13, $0x804, v39;
	v38 =	vsel vm14, $0x805, v38;
	[tilespmem:$0x1FD00] =	vst v15;
	v15 =	vsel vm15, $0x606, v36  }
0xb3: {  	v40 =	vsel vm13, $0xA04, v40;
	v39 =	vsel vm14, $0xA05, v39;
	[tilespmem:$0x1FD10] =	vst v15;
	v15 =	vsel vm15, $0xA06, v38  }
0xb4: {  	v41 =	vsel vm13, $0xC04, v41;
	v40 =	vsel vm14, $0xC05, v40;
	[tilespmem:$0x1FD20] =	vst v15;
	v15 =	vsel vm15, $0xC06, v39  }
0xb5: {  	v42 =	vsel vm13, $0xE04, v42;
	v41 =	vsel vm14, $0xE05, v41;
	[tilespmem:$0x1FD30] =	vst v15;
	v15 =	vsel vm15, $0xE06, v40  }
0xb6: {  	v43 =	vsel vm13, $0x1004, v43;
	v42 =	vsel vm14, $0x1005, v42;
	[tilespmem:$0x1FD40] =	vst v15;
	v15 =	vsel vm15, $0x1006, v41  }
0xb7: {  	v44 =	vsel vm13, $0x1204, v44;
	v43 =	vsel vm14, $0x1205, v43;
	[tilespmem:$0x1FD50] =	vst v15;
	v15 =	vsel vm15, $0x1206, v42  }
0xb8: {  	v45 =	vsel vm13, $0x1404, v45;
	v44 =	vsel vm14, $0x1405, v44;
	[tilespmem:$0x1FD60] =	vst v15;
	v15 =	vsel vm15, $0x1406, v43  }
0xb9: {  	v46 =	vsel vm13, $0x1604, v46;
	v45 =	vsel vm14, $0x1605, v45;
	[tilespmem:$0x1FD70] =	vst v15;
	v15 =	vsel vm15, $0x1606, v44  }
0xba: {  	v26 =	vsel vm4, $0x1C03, v26;
	v46 =	vsel vm14, $0x1805, v46;
	[tilespmem:$0x1FD80] =	vst v15;
	v15 =	vsel vm15, $0x1806, v45  }
0xbb: {  	v37 =	vsel vm4, $0x3203, v37;
	v17 =	vlaneseq.u32;
	[tilespmem:$0x1FD90] =	vst v15;
	v15 =	vsel vm15, $0x1A06, v46  }
0xbc: {  	v8 =	vcombine.low v62, v60;
	v0 =	vcombine.low v0, v1;
	[tilespmem:$0x1FDA0] =	vst v15;
	v15 =	vadd.s32 $0x1, v17  }
0xbd: {  	v59 =	vcombine.low v5, v4;
	v62 =	vcombine.low v2, v3;
	[tilespmem:$0x1FDB0] =	vst v15;
	v15 =	vadd.s32 $0x2, v17  }
0xbe: {  	v25 =	vsel vm5, $0x1C04, v25;
	v26 =	vsel vm5, $0x1E04, v26;
	[tilespmem:$0x1FDC0] =	vst v15;
	v15 =	vadd.s32 $0x4, v17  }
0xbf: {  	v37 =	vsel vm5, $0x3404, v37;
	v25 =	vsel vm6, $0x1E05, v25;
	[tilespmem:$0x1FDD0] =	vst v15;
	v15 =	vadd.s32 $0x5, v17  }
0xc0: {  	v26 =	vsel vm6, $0x2005, v26;
	v37 =	vsel vm6, $0x3605, v37;
	[tilespmem:$0x1FDE0] =	vst v15;
	v15 =	vadd.s32 $0x6, v17  }
0xc1: {  	v7 =	vcombine.low v14, v7;
	v9 =	vcombine.low v11, v9;
	[tilespmem:$0x1FDF0] =	vst v15;
	v15 =	vadd.s32 $0x7, v17  }
0xc2: {  	v25 =	vsel vm7, $0x2006, v25;
	v26 =	vsel vm7, $0x2206, v26;
	[tilespmem:$0x1FE00] =	vst v15;
	v15 =	vadd.s32 $0x9, v17  }
0xc3: {  	s4 =	rddreg [dreg:$0x0];
	v37 =	vsel vm7, $0x3806, v37;
	v25 =	vsel vm8, $0x2207, v25;
	[tilespmem:$0x1FE10] =	vst v15;
	v15 =	vadd.s32 $0xA, v17  }
0xc4: {  	s5 =	rddreg [dreg:$0x1];
	s2 =	simm.s32 $0x0;
	v26 =	vsel vm8, $0x2407, v26;
	v37 =	vsel vm8, $0x3A07, v37;
	[tilespmem:$0x1FE20] =	vst v15;
	v15 =	vadd.s32 $0xB, v17  }
0xc5: {  	[smem:$0x7FF] =	sst s2;
	v25 =	vsel vm9, $0x2400, v25;
	v26 =	vsel vm9, $0x2600, v26;
	v16 =	vsel vm4, $0x803, v16;
	[tilespmem:$0x1FE30] =	vst v15  }
0xc6: {  	s0 =	rddreg [dreg:$0x2];
	v37 =	vsel vm9, $0x3C00, v37;
	v16 =	vsel vm5, $0xA04, v16;
	v39 =	vcombine.low v13, v12;
	_ =	strace $0x80000047;
	[tilespmem:$0x1FE40] =	vst v7  }
0xc7: {  	v25 =	vsel vm10, $0x2601, v25;
	v24 =	vsel vm4, $0x1803, v24;
	v16 =	vsel vm6, $0xC05, v16;
	[tilespmem:$0x1FE50] =	vst v9  }
0xc8: {  	v26 =	vsel vm10, $0x2801, v26;
	v24 =	vsel vm5, $0x1A04, v24;
	v16 =	vsel vm7, $0xE06, v16;
	[tilespmem:$0x1FE60] =	vst v39  }
0xc9: {  	v24 =	vsel vm6, $0x1C05, v24;
	v16 =	vsel vm8, $0x1007, v16;
	v43 =	vadd.s32 $0xC, v17;
	[tilespmem:$0x1FE70] =	vst v8  }
0xca: {  	v24 =	vsel vm7, $0x1E06, v24;
	v16 =	vsel vm9, $0x1200, v16;
	v45 =	vadd.s32 $0xD, v17;
	[tilespmem:$0x1FE80] =	vst v43  }
0xcb: {  	v37 =	vsel vm10, $0x3E01, v37;
	v24 =	vsel vm8, $0x2007, v24;
	v16 =	vsel vm10, $0x1401, v16;
	[tilespmem:$0x1FEA0] =	vst v45  }
0xcc: {  	v24 =	vsel vm9, $0x2200, v24;
	v16 =	vsel vm11, $0x1602, v16;
	v58 =	vadd.s32 $0xE, v17;
	[tilespmem:$0x1FEB0] =	vst v0  }
0xcd: {  	v25 =	vsel vm11, $0x2802, v25;
	v24 =	vsel vm10, $0x2401, v24;
	v16 =	vsel vm12, $0x1803, v16;
	[tilespmem:$0x1FED0] =	vst v58  }
0xce: {  	v24 =	vsel vm11, $0x2602, v24;
	v16 =	vsel vm13, $0x1A04, v16;
	v61 =	vadd.s32 $0xF, v17;
	[tilespmem:$0x1FEE0] =	vst v59  }
0xcf: {  	v26 =	vsel vm11, $0x2A02, v26;
	v24 =	vsel vm12, $0x2803, v24;
	v16 =	vsel vm14, $0x1C05, v16;
	[tilespmem:$0x1FF00] =	vst v61  }
0xd0: {  	v25 =	vsel vm12, $0x2A03, v25;
	v24 =	vsel vm13, $0x2A04, v24;
	v16 =	vsel vm15, $0x1E06, v16;
	[tilespmem:$0x1FF10] =	vst v62  }
0xd1: {  	v26 =	vsel vm12, $0x2C03, v26;
	v24 =	vsel vm14, $0x2C05, v24;
	v18 =	vadd.s32 $0x3, v17;
	[tilespmem:$0x1FF40] =	vst v16  }
0xd2: {  	v25 =	vsel vm13, $0x2C04, v25;
	v56 =	vsel vm15, $0x2E06, v24;
	v24 =	vadd.s32 $0x8, v17;
	[tilespmem:$0x1FF50] =	vst v18  }
0xd3: {  	v37 =	vsel vm11, $0x2, v37;
	v26 =	vsel vm13, $0x2E04, v26;
	v25 =	vsel vm14, $0x2E05, v25;
	[tilespmem:$0x1FF60] =	vst v24  }
0xd4: {  	v37 =	vsel vm12, $0x203, v37;
	v26 =	vsel vm14, $0x3005, v26;
	v54 =	vsel vm15, $0x3006, v25;
	[tilespmem:$0x1FF70] =	vst v47  }
0xd5: {  	v37 =	vsel vm13, $0x404, v37;
	v55 =	vsel vm15, $0x3206, v26;
	v42 =	vimm.s32 $0xA9876543;
	[tilespmem:$0x1FF80] =	vst v54  }
0xd6: {  	s3 =	srdreg.scid;
	v37 =	vsel vm14, $0x605, v37;
	v38 =	vimm.s32 $0x87654321;
	v44 =	vunpack.c.l.s4.s8 v42;
	[tilespmem:$0x1FF90] =	vst v55  }
0xd7: {  	s1 =	stileid.u32;
	s12 =	simm.s32 $0x4200;
	s13 =	simm.s32 $0x5200;
	v57 =	vsel vm15, $0x806, v37;
	v40 =	vunpack.c.l.s4.s8 v38;
	[tilespmem:$0x1FFA0] =	vst v56  }
0xd8: {  	s15 =	simm.s32 $0x6200;
	s16 =	simm.s32 $0x180;
	s17 =	simm.s32 $0x7200;
	v53 =	vunpack.c.0.s8.s32 v44;
	[tilespmem:$0x1FFB0] =	vst v57  }
0xd9: {  	s11 =	simm.s32 $0x80;
	s14 =	simm.s32 $0x100;
	s18 =	simm.s32 $0x1;
	v41 =	vimm.s32 $0x98765432;
	v15 =	vimm.s32 $0x76543210;
	v9 =	vunpack.c.0.s8.s32 v40;
	[tilespmem:$0x1FFC0] =	vst v48  }
0xda: {  	s19 =	simm.s32 $0x2;
	s20 =	simm.s32 $0x3;
	s21 =	simm.s32 $0x4;
	v37 =	vunpack.c.l.s4.s8 v15;
	v8 =	vunpack.c.l.s4.s8 v41;
	v0 =	vand.u32 $0xF, v53;
	[tilespmem:$0x1FFD0] =	vst v49  }
0xdb: {  	s22 =	simm.s32 $0x5;
	s3 =	sand.u32 $0x1, s3;
	s6 =	sshll.u32 s1, $0x1;
	[tilespmem:$0x1FFE0] =	vst v50;
	v0 =	vcombine.low v3, v0;
	v46 =	vand.u32 $0xF, v9  }
0xdc: {  	s23 =	simm.s32 $0x8200;
	s24 =	simm.s32 $0x0;
	s6 =	sor.u32 s3, s6;
	[tilespmem:$0x1FFF0] =	vst v51;
	v7 =	vunpack.c.0.s8.s32 v37;
	v8 =	vunpack.c.0.s8.s32 v8;
	v52 =	vcombine.low v1, v46  }
0xdd: {  	s8 =	ssub.s32 $0x2, s3;
	s3 =	sadd.s32 $0x186C00, s4;
	s7 =	sshll.u32 s6, $0x6;
	[tilespmem:$0x1FF20] =	vst v0  }
0xde: {  	s6 =	sshll.u32 s6, $0x1;
	s10 =	sshrl.u32 s8, $0x1;
	s9 =	sadd.s32 s7, s4;
	v6 =	vcombine.low v63, v7;
	v60 =	vand.u32 $0xF, v8;
	v63 =	vor.u32 $0x10, v17;
	[tilespmem:$0x1FEC0] =	vst v52  }
0xdf: {  	s6 =	sadd.s32 s6, s4;
	s8 =	ssub.s32 s8, s10;
	s5 =	sadd.s32 s5, s7;
	v1 =	vcombine.low v4, v60;
	[tilespmem:$0x1FF30] =	vst v63  }
0xe0: {  	s10 =	simm.s32 $0x6;
	s4 =	sadd.s32 $0x200, s9;
	s6 =	sadd.s32 $0x10200, s6;
	[tilespmem:$0x1FE90] =	vst v6  }
0xe1: {  	s7 =	smax.u32 s8, $0x1;
	s8 =	simm.s32 $0x4000;
	s9 =	simm.s32 $0x200;
	[tilespmem:$0x1FEF0] =	vst v1  }
.LBB2_1:
0xe2: {  	[tilespmem:s9], [sflag:$0x1] =	stream.strided.gather [hbm4b:s4+s9], $0x4000, s8, s9, $0x38;
	[tilespmem:$0x8210] =	vst v63  }
0xe3: {  	_ = 	snop  }
0xe4: {  	[tilespmem:s2], [sflag:$0x6] =	stream.linear.gather [hbm4b:s5+s2], $0x200, $0x38;
	[tilespmem:$0x8210] =	vst v63  }
0xe5: {  	_ =	swait.ge [sflag:s10], $0x200  }
0xe6: {  	[sflag:s10] =	ssyncset.done $0x0  }
0xe7: {  	[sflag:s10] =	ssyncadd.s32 $0xFFFFFE00  }
0xe8: {  	[tilespmem:s12], [sflag:$0x2] =	stream.indirect.gather [hbm4b:s3+s11], $0x20, s2, s11, $0xb8;
	[tilespmem:$0x8210] =	vst v63  }
0xe9: {  	_ = 	snop  }
0xea: {  	[tilespmem:s13], [sflag:$0x3] =	stream.indirect.gather [hbm4b:s3+s11], $0x20, s11, s11, $0xb8;
	[tilespmem:$0x8210] =	vst v63  }
0xeb: {  	_ = 	snop  }
0xec: {  	[tilespmem:s15], [sflag:$0x4] =	stream.indirect.gather [hbm4b:s3+s11], $0x20, s14, s11, $0xb8;
	[tilespmem:$0x8210] =	vst v63  }
0xed: {  	_ = 	snop  }
0xee: {  	[tilespmem:s17], [sflag:$0x5] =	stream.indirect.gather [hbm4b:s3+s11], $0x20, s16, s11, $0xb8;
	[tilespmem:$0x8210] =	vst v63  }
0xef: {  	_ =	swait.ge [sflag:s18], $0x4000  }
0xf0: {  	[sflag:s18] =	ssyncset.done $0x0  }
0xf1: {  	[sflag:s18] =	ssyncadd.s32 $0xFFFFC000  }
0xf2: {  	_ =	swait.ge [sflag:s19], $0x1000  }
0xf3: {  	v5 =	vld [tilespmem:$0x1FDB0]  }
0xf4: {  	v1 =	vor.u32 s2, v17  }
0xf5: {  	v0 =	vshll.u32 v1, $0x5  }
0xf6: {  	v2 =	vand.u32 $0x78, v1;
	v1 =	vor.u32 v17, v0;
	_ =	sdelay $0x1  }
0xf7: {  	v5 =	vor.u32 v5, v0  }
0xf8: {  	[sflag:s19] =	ssyncset.done $0x0  }
0xf9: {  	[sflag:s19] =	ssyncadd.s32 $0xFFFFF000  }
0xfa: {  	v19 =	vld.idx.msk [tilespmem:v1+s12+$0x0], $0xffff  }
0xfb: {  	v1 =	vld [tilespmem:$0x1FDC0]  }
0xfc: {  	v9 =	vld.idx.msk [tilespmem:v5+s12+$0x0], $0xffff  }
0xfd: {  	v5 =	vld [tilespmem:$0x1FDD0];
	_ =	sdelay $0x1  }
0xfe: {  	v3 =	vor.u32 v47, v2  }
0xff: {  	v6 =	vld [tilespmem:$0x1FC10]  }
0x100: {  	v7 =	vor.u32 v1, v0;
	v1 =	vld [tilespmem:$0x1FC20]  }
0x101: {  	v12 =	vor.u32 v5, v0;
	v5 =	vld [tilespmem:$0x1FC40];
	_ =	sdelay $0x1  }
0x102: {  	v4 =	vor.u32 v16, v2;
	v30 =	vld.idx.msk [tilespmem:v3+s9+$0x0], $0xffff  }
0x103: {  	v3 =	vld [tilespmem:$0x1FC30];
	v6 =	vor.u32 v6, v2  }
0x104: {  	v8 =	vor.u32 v1, v2;
	v11 =	vld.idx.msk [tilespmem:v7+s12+$0x0], $0xffff  }
0x105: {  	v7 =	vor.u32 v5, v2;
	v5 =	vld [tilespmem:$0x1FDE0];
	_ =	sdelay $0x1  }
0x106: {  	v1 =	vld.idx.msk [tilespmem:v4+s9+$0x0], $0xffff  }
0x107: {  	v4 =	vor.u32 v3, v2;
	v3 =	vld.idx.msk [tilespmem:v6+s9+$0x0], $0xffff  }
0x108: {  	v10 =	vor.u32 v18, v0;
	v6 =	vld.idx.msk [tilespmem:v8+s9+$0x0], $0xffff  }
0x109: {  	v8 =	vor.u32 v5, v0;
	v5 =	vld [tilespmem:$0x1FC50];
	_ =	sdelay $0x3  }
0x10a: {  	v14 =	vld.idx.msk [tilespmem:v10+s12+$0x0], $0xffff  }
0x10b: {  	v10 =	vor.u32 v5, v2;
	v5 =	vld.idx.msk [tilespmem:v4+s9+$0x0], $0xffff  }
0x10c: {  	v4 =	vld [tilespmem:$0x1FDF0];
	_ =	sdelay $0x4  }
0x10d: {  	v16 =	vor.u32 v4, v0;
	v4 =	vld [tilespmem:$0x1FC60];
	_ =	sdelay $0x4  }
0x10e: {  	v21 =	vor.u32 v4, v2;
	v4 =	vld [tilespmem:$0x1FE00];
	_ =	sdelay $0x2  }
0x10f: {  	v32 =	vld [tilespmem:$0x1FC90]  }
0x110: {  	v46 =	vld [tilespmem:$0x1FF00]  }
0x111: {  	v22 =	vor.u32 v4, v0;
	v4 =	vld.idx.msk [tilespmem:v7+s9+$0x0], $0xffff  }
0x112: {  	v7 =	vld [tilespmem:$0x1FC70]  }
0x113: {  	v53 =	vld [tilespmem:$0x1FF30]  }
0x114: {  	v59 =	vld [tilespmem:$0x1FEB0];
	v18 =	vmul.f32 v19, v19;
	v20 =	vmul.f32 v9, v9  }
0x115: {  	v42 =	vld [tilespmem:$0x1FCE0];
	v13 =	vmul.f32 v30, v30  }
0x116: {  	v15 =	vmul.f32 v1, v1;
	v18 =	vadd.f32 v20, v18;
	v20 =	vmul.f32 v11, v11;
	v17 =	vld.idx.msk [tilespmem:v12+s12+$0x0], $0xffff  }
0x117: {  	v23 =	vor.u32 v7, v2;
	v7 =	vld.idx.msk [tilespmem:v10+s9+$0x0], $0xffff  }
0x118: {  	v12 =	vadd.f32 v15, v13;
	v15 =	vmul.f32 v3, v3;
	v10 =	vadd.f32 v20, v18;
	v18 =	vld [tilespmem:$0x1FE10]  }
0x119: {  	v61 =	vld [tilespmem:$0x1FEE0]  }
0x11a: {  	v24 =	vor.u32 v24, v0;
	v13 =	vld.idx.msk [tilespmem:v8+s12+$0x0], $0xffff;
	v8 =	vadd.f32 v15, v12;
	v12 =	vmul.f32 v6, v6  }
0x11b: {  	v44 =	vld [tilespmem:$0x1FCF0];
	v25 =	vmul.f32 v14, v14;
	v20 =	vor.u32 v56, v2  }
0x11c: {  	v12 =	vadd.f32 v12, v8;
	v15 =	vld.idx.msk [tilespmem:v16+s12+$0x0], $0xffff;
	v16 =	vmul.f32 v5, v5  }
0x11d: {  	v8 =	vld.idx.msk [tilespmem:v21+s9+$0x0], $0xffff;
	v21 =	vor.u32 v18, v0;
	v18 =	vadd.f32 v25, v10;
	v25 =	vmul.f32 v17, v17  }
0x11e: {  	v16 =	vadd.f32 v16, v12;
	v10 =	vld.idx.msk [tilespmem:v22+s12+$0x0], $0xffff;
	v22 =	vmul.f32 v4, v4  }
0x11f: {  	v25 =	vadd.f32 v25, v18;
	v18 =	vld.idx.msk [tilespmem:v24+s12+$0x0], $0xffff  }
0x120: {  	v22 =	vadd.f32 v22, v16;
	v16 =	vld.idx.msk [tilespmem:v20+s9+$0x0], $0xffff  }
0x121: {  	v26 =	vor.u32 v54, v2;
	v24 =	vmul.f32 v7, v7;
	v20 =	vld [tilespmem:$0x1FE30]  }
0x122: {  	v63 =	vld [tilespmem:$0x1FF10]  }
0x123: {  	v12 =	vld.idx.msk [tilespmem:v23+s9+$0x0], $0xffff;
	v22 =	vadd.f32 v24, v22;
	v24 =	vmul.f32 v8, v8  }
0x124: {  	v28 =	vor.u32 v55, v2;
	v27 =	vmul.f32 v13, v13;
	v23 =	vld [tilespmem:$0x1FE20]  }
0x125: {  	v33 =	vadd.f32 v24, v22;
	v24 =	vld [tilespmem:$0x1FEA0]  }
0x126: {  	v38 =	vld.idx.msk [tilespmem:v26+s9+$0x0], $0xffff;
	v25 =	vadd.f32 v27, v25;
	v27 =	vmul.f32 v15, v15;
	v29 =	vor.u32 v20, v0  }
0x127: {  	v20 =	vld [tilespmem:$0x1FC80]  }
0x128: {  	v26 =	vld [tilespmem:$0x1FE80];
	v25 =	vadd.f32 v27, v25;
	v27 =	vmul.f32 v10, v10  }
0x129: {  	v23 =	vor.u32 v23, v0;
	v22 =	vld.idx.msk [tilespmem:v28+s9+$0x0], $0xffff  }
0x12a: {  	v27 =	vadd.f32 v27, v25;
	v25 =	vld [tilespmem:$0x1FCA0];
	v28 =	vor.u32 v24, v0  }
0x12b: {  	v24 =	vld.idx.msk [tilespmem:v29+s12+$0x0], $0xffff  }
0x12c: {  	v31 =	vor.u32 v20, v2;
	v29 =	vld [tilespmem:$0x1FED0]  }
0x12d: {  	v26 =	vor.u32 v26, v0;
	v21 =	vld.idx.msk [tilespmem:v21+s12+$0x0], $0xffff;
	v34 =	vmul.f32 v12, v12  }
0x12e: {  	v20 =	vld.idx.msk [tilespmem:v23+s12+$0x0], $0xffff  }
0x12f: {  	v32 =	vor.u32 v32, v2;
	v33 =	vadd.f32 v34, v33;
	v34 =	vld.idx.msk [tilespmem:v28+s12+$0x0], $0xffff  }
0x130: {  	v44 =	vor.u32 v44, v2;
	v45 =	vmul.f32 v16, v16;
	v28 =	vld [tilespmem:$0x1FCC0]  }
0x131: {  	[tilespmem:$0x1FB30] =	vst v38;
	v36 =	vor.u32 v25, v2;
	v25 =	vld.idx.msk [tilespmem:v31+s9+$0x0], $0xffff;
	v31 =	vor.u32 v29, v0  }
0x132: {  	v38 =	vmul.f32 v38, v38;
	v35 =	vmul.f32 v18, v18;
	v33 =	vadd.f32 v45, v33;
	v29 =	vld.idx.msk [tilespmem:v26+s12+$0x0], $0xffff  }
0x133: {  	v42 =	vor.u32 v42, v2;
	v26 =	vld [tilespmem:$0x1FCB0]  }
0x134: {  	v35 =	vadd.f32 v35, v27;
	v27 =	vld.idx.msk [tilespmem:v32+s9+$0x0], $0xffff;
	v33 =	vadd.f32 v38, v33;
	v38 =	vor.u32 v59, v0  }
0x135: {  	v37 =	vmul.f32 v21, v21;
	v32 =	vor.u32 v46, v0;
	v46 =	vor.u32 v63, v0;
	v63 =	vld.idx.msk [tilespmem:v44+s9+$0x0], $0xffff  }
0x136: {  	[tilespmem:$0x1FB40] =	vst v22;
	v52 =	vmul.f32 v22, v22;
	v22 =	vld.idx.msk [tilespmem:v31+s12+$0x0], $0xffff  }
0x137: {  	v35 =	vadd.f32 v37, v35;
	v47 =	vmul.f32 v20, v20;
	v39 =	vor.u32 v28, v2;
	v31 =	vld [tilespmem:$0x1FCD0]  }
0x138: {  	v23 =	vld.idx.msk [tilespmem:v36+s9+$0x0], $0xffff;
	v26 =	vor.u32 v26, v2  }
0x139: {  	v40 =	vmul.f32 v24, v24;
	v36 =	vor.u32 v53, v0;
	v53 =	vld.idx.msk [tilespmem:v38+s12+$0x0], $0xffff;
	v37 =	vadd.f32 v47, v35  }
0x13a: {  	v38 =	vld.idx.msk [tilespmem:v42+s9+$0x0], $0xffff  }
0x13b: {  	v47 =	vld [tilespmem:$0x1FD00];
	v37 =	vadd.f32 v40, v37;
	v58 =	vmul.f32 v25, v25  }
0x13c: {  	v60 =	vmul.f32 v29, v29;
	v28 =	vld.idx.msk [tilespmem:v39+s9+$0x0], $0xffff;
	v41 =	vor.u32 v31, v2;
	v31 =	vadd.f32 v52, v33  }
0x13d: {  	v43 =	vmul.f32 v27, v27;
	v62 =	vmul.f32 v34, v34;
	v39 =	vor.u32 v61, v0;
	v26 =	vld.idx.msk [tilespmem:v26+s9+$0x0], $0xffff  }
0x13e: {  	[tilespmem:$0x1FB50] =	vst v25;
	v25 =	vld.idx.msk [tilespmem:v32+s12+$0x0], $0xffff;
	v37 =	vadd.f32 v60, v37;
	v33 =	vadd.f32 v58, v31  }
0x13f: {  	v32 =	vld.idx.msk [tilespmem:v36+s12+$0x0], $0xffff  }
0x140: {  	v45 =	vmul.f32 v23, v23;
	v40 =	vadd.f32 v62, v37;
	v62 =	vld [tilespmem:$0x1FE50];
	v43 =	vadd.f32 v43, v33  }
0x141: {  	v58 =	vld [tilespmem:$0x1FE40]  }
0x142: {  	v36 =	vld.idx.msk [tilespmem:v39+s12+$0x0], $0xffff;
	v52 =	vmul.f32 v26, v26;
	v43 =	vadd.f32 v45, v43  }
0x143: {  	v19 =	vmul.f32 v30, v19;
	v47 =	vor.u32 v47, v2;
	v33 =	vmul.f32 v22, v22;
	v35 =	vld.idx.msk [tilespmem:v41+s9+$0x0], $0xffff  }
0x144: {  	v59 =	vmul.f32 v25, v25;
	v39 =	vmul.f32 v53, v53;
	v43 =	vadd.f32 v52, v43;
	v52 =	vld [tilespmem:$0x1FD10]  }
0x145: {  	v30 =	vld [tilespmem:$0x1FEC0];
	v37 =	vmovc v48;
	[tilespmem:$0x1FB70] =	vst v26;
	v26 =	vmov v51;
	v51 =	vor.u32 v62, v0;
	v40 =	vadd.f32 v33, v40  }
0x146: {  	[tilespmem:$0x1FBD0] =	vst v53;
	v53 =	vor.u32 v37, v0;
	v37 =	vld [tilespmem:$0x1FD20];
	v45 =	vmul.f32 v28, v28;
	v48 =	vor.u32 v58, v0  }
0x147: {  	v41 =	vld.idx.msk [tilespmem:v46+s12+$0x0], $0xffff;
	v58 =	vadd.f32 v59, v40;
	v59 =	vmul.f32 v32, v32  }
0x148: {  	v62 =	vld.idx.msk [tilespmem:v47+s9+$0x0], $0xffff;
	v33 =	vmov v49;
	v45 =	vadd.f32 v45, v43  }
0x149: {  	[tilespmem:$0x1FBC0] =	vst v35;
	v35 =	vmul.f32 v35, v35;
	v44 =	vadd.f32 v59, v58;
	v58 =	vld [tilespmem:$0x1FE60];
	v49 =	vor.u32 v52, v2  }
0x14a: {  	v46 =	vld.idx.msk [tilespmem:v51+s12+$0x0], $0xffff  }
0x14b: {  	v61 =	vld.idx.msk [tilespmem:v48+s12+$0x0], $0xffff;
	v45 =	vadd.f32 v35, v45;
	v47 =	vadd.f32 v39, v44;
	v35 =	vmul.f32 v36, v36  }
0x14c: {  	v43 =	vmov v54;
	v54 =	vor.u32 v37, v2;
	v37 =	vld [tilespmem:$0x1FE90]  }
0x14d: {  	v59 =	vmul.f32 v38, v38;
	v52 =	vor.u32 v57, v2;
	v48 =	vadd.f32 v35, v47;
	v35 =	vld [tilespmem:$0x1FD30]  }
0x14e: {  	v60 =	vld.idx.msk [tilespmem:v49+s9+$0x0], $0xffff  }
0x14f: {  	v51 =	vmul.f32 v41, v41;
	v49 =	vadd.f32 v59, v45;
	v59 =	vld [tilespmem:$0x1FE70]  }
0x150: {  	[tilespmem:$0x1FB90] =	vst v28;
	v31 =	vmov v50;
	v28 =	vld [tilespmem:$0x1FD90];
	v50 =	vor.u32 v58, v0  }
0x151: {  	v51 =	vadd.f32 v51, v48;
	v39 =	vmul.f32 v61, v61;
	v48 =	vld.idx.msk [tilespmem:v54+s9+$0x0], $0xffff  }
0x152: {  	v40 =	vmov v57;
	v57 =	vor.u32 v37, v0;
	v45 =	vld.idx.msk [tilespmem:v52+s9+$0x0], $0xffff  }
0x153: {  	v52 =	vor.u32 v35, v2;
	v51 =	vadd.f32 v39, v51;
	v39 =	vmul.f32 v1, v9;
	v1 =	vld [tilespmem:$0x1FD50]  }
0x154: {  	v19 =	vadd.f32 $0.0e+00, v19;
	[tilespmem:$0x1FC00] =	vst v38;
	v38 =	vmul.f32 v63, v63;
	v44 =	vmovc v56;
	v35 =	vld [tilespmem:$0x1FD40];
	v56 =	vor.u32 v59, v0  }
0x155: {  	v47 =	vld.idx.msk [tilespmem:v50+s12+$0x0], $0xffff  }
0x156: {  	v49 =	vadd.f32 v38, v49;
	v38 =	vmul.f32 v62, v62;
	v19 =	vadd.f32 v39, v19;
	v39 =	vld [tilespmem:$0x1FD60]  }
0x157: {  	v30 =	vor.u32 v30, v0;
	v9 =	vld.idx.msk [tilespmem:v57+s12+$0x0], $0xffff  }
0x158: {  	v50 =	vadd.f32 v38, v49;
	v37 =	vmul.f32 v60, v60;
	v59 =	vor.u32 v1, v2;
	v1 =	vld.idx.msk [tilespmem:v52+s9+$0x0], $0xffff  }
0x159: {  	v38 =	vmul.f32 v46, v46;
	v58 =	vor.u32 v35, v2;
	v49 =	vld.idx.msk [tilespmem:v56+s12+$0x0], $0xffff  }
0x15a: {  	v35 =	vmul.f32 v45, v45;
	v50 =	vadd.f32 v37, v50;
	v56 =	vmul.f32 v3, v11;
	v3 =	vld [tilespmem:$0x1FEF0]  }
0x15b: {  	v51 =	vadd.f32 v38, v51;
	v38 =	vld [tilespmem:$0x1FF20]  }
0x15c: {  	v14 =	vmul.f32 v6, v14;
	v37 =	vld [tilespmem:$0x1FD70];
	v50 =	vadd.f32 v35, v50;
	v35 =	vmul.f32 v48, v48  }
0x15d: {  	v42 =	vmov v55;
	v55 =	vor.u32 v39, v2;
	v11 =	vld.idx.msk [tilespmem:v30+s12+$0x0], $0xffff;
	v19 =	vadd.f32 v56, v19  }
0x15e: {  	v54 =	vmul.f32 v47, v47;
	v50 =	vadd.f32 v35, v50;
	v6 =	vld.idx.msk [tilespmem:v59+s9+$0x0], $0xffff;
	v35 =	vmul.f32 v1, v1  }
0x15f: {  	v19 =	vadd.f32 v14, v19;
	v57 =	vor.u32 v3, v0;
	v3 =	vld.idx.msk [tilespmem:v58+s9+$0x0], $0xffff;
	v58 =	vmul.f32 v5, v17  }
0x160: {  	v59 =	vor.u32 v33, v0;
	v50 =	vadd.f32 v35, v50;
	v35 =	vld [tilespmem:$0x1FD80]  }
0x161: {  	v51 =	vadd.f32 v54, v51;
	v19 =	vadd.f32 v58, v19;
	v58 =	vld [tilespmem:$0x1FDA0]  }
0x162: {  	v54 =	vor.u32 v38, v0;
	v30 =	vmul.f32 v49, v49;
	v5 =	vld.idx.msk [tilespmem:v55+s9+$0x0], $0xffff;
	v55 =	vmul.f32 v4, v13  }
0x163: {  	v56 =	vor.u32 v37, v2;
	v13 =	vld.idx.msk [tilespmem:v53+s12+$0x0], $0xffff;
	v53 =	vor.u32 v31, v0;
	v0 =	vor.u32 v26, v0  }
0x164: {  	v30 =	vadd.f32 v30, v51;
	v19 =	vadd.f32 v55, v19;
	v55 =	vmul.f32 v7, v15  }
0x165: {  	v51 =	vmul.f32 v9, v9;
	v52 =	vor.u32 v35, v2;
	v15 =	vld.idx.msk [tilespmem:v59+s12+$0x0], $0xffff;
	v59 =	vmul.f32 v8, v10  }
0x166: {  	v17 =	vld.idx.msk [tilespmem:v57+s12+$0x0], $0xffff;
	v19 =	vadd.f32 v55, v19;
	v57 =	vor.u32 v58, v2;
	v2 =	vor.u32 v28, v2  }
0x167: {  	v14 =	vld.idx.msk [tilespmem:v54+s12+$0x0], $0xffff;
	v30 =	vadd.f32 v51, v30;
	v51 =	vmul.f32 v3, v3  }
0x168: {  	v12 =	vmul.f32 v12, v18;
	v4 =	vld.idx.msk [tilespmem:v56+s9+$0x0], $0xffff;
	v59 =	vadd.f32 v59, v19  }
0x169: {  	v18 =	vld.idx.msk [tilespmem:v0+s12+$0x0], $0xffff;
	v50 =	vadd.f32 v51, v50;
	v51 =	vmul.f32 v6, v6  }
0x16a: {  	v54 =	vmul.f32 v11, v11;
	v0 =	vmul.f32 v16, v21;
	v7 =	vld.idx.msk [tilespmem:v52+s9+$0x0], $0xffff;
	v12 =	vadd.f32 v12, v59  }
0x16b: {  	v50 =	vadd.f32 v51, v50;
	v51 =	vmul.f32 v5, v5;
	v10 =	vld.idx.msk [tilespmem:v2+s9+$0x0], $0xffff  }
0x16c: {  	v30 =	vadd.f32 v54, v30;
	v54 =	vmul.f32 v17, v17;
	v0 =	vadd.f32 v0, v12;
	v12 =	vld [tilespmem:$0x1FB30]  }
0x16d: {  	v56 =	vmul.f32 v4, v4;
	v2 =	vadd.f32 v51, v50  }
0x16e: {  	v52 =	vmul.f32 v14, v14;
	v30 =	vadd.f32 v54, v30;
	v8 =	vld.idx.msk [tilespmem:v57+s9+$0x0], $0xffff  }
0x16f: {  	v19 =	vld.idx.msk [tilespmem:v53+s12+$0x0], $0xffff;
	v53 =	vmul.f32 v7, v7;
	v2 =	vadd.f32 v56, v2  }
0x170: {  	v57 =	vmul.f32 v13, v13;
	v30 =	vadd.f32 v52, v30  }
0x171: {  	v2 =	vadd.f32 v53, v2;
	v21 =	vmul.f32 v10, v10;
	v12 =	vmul.f32 v12, v20  }
0x172: {  	v16 =	vmul.f32 v15, v15;
	v30 =	vadd.f32 v57, v30  }
0x173: {  	v2 =	vadd.f32 v21, v2;
	v21 =	vmul.f32 v8, v8;
	v0 =	vadd.f32 v12, v0;
	v12 =	vld [tilespmem:$0x1FB40];
	_ =	sdelay $0x1  }
0x174: {  	v16 =	vadd.f32 v16, v30;
	v30 =	vadd.f32 v21, v2;
	v2 =	vld [tilespmem:$0x1FB50];
	_ =	sdelay $0x1  }
0x175: {  	v20 =	vmul.f32 v19, v19  }
0x176: {  	v12 =	vmul.f32 v12, v24  }
0x177: {  	v16 =	vadd.f32 v20, v16;
	v20 =	vmul.f32 v18, v18  }
0x178: {  	v2 =	vmul.f32 v2, v29;
	v0 =	vadd.f32 v12, v0  }
0x179: {  	v29 =	vadd.f32 v20, v16  }
0x17a: {  	v16 =	vmul.f32 v27, v34;
	v0 =	vadd.f32 v2, v0  }
0x17b: {  	v2 =	vshrl.u32 v29, $0x1  }
0x17c: {  	v21 =	vsub.s32 $0x5F3759DF, v2;
	v2 =	vadd.f32 v16, v0;
	v0 =	vimm.f32 $0.0e+00  }
0x17d: {  	[tilespmem:$0x1FB60] =	vst v0;
	v0 =	vld [tilespmem:$0x1FB70];
	_ =	sdelay $0x1  }
0x17e: {  	s25 =	simm.s32 $0x10;
	v51 =	vlaneseq.u32  }
0x17f: {  	v16 =	vmul.f32 v23, v22;
	v23 =	vor.u32 s25, v51  }
0x180: {  	v24 =	vshll.u32 v23, $0x5  }
0x181: {  	v25 =	vmul.f32 v0, v25;
	v0 =	vor.u32 v26, v24  }
0x182: {  	[tilespmem:$0x1FB80] =	vst v0;
	v0 =	vld [tilespmem:$0x1FB90];
	_ =	sdelay $0x2  }
0x183: {  	v12 =	vshrl.u32 v30, $0x1  }
0x184: {  	v50 =	vmul.f32 $5.000000000e-01, v30;
	v20 =	vsub.s32 $0x5F3759DF, v12  }
0x185: {  	v27 =	vand.u32 $0x78, v23;
	v26 =	vmul.f32 v0, v32;
	v0 =	vor.u32 v31, v24  }
0x186: {  	v12 =	vmul.f32 v20, v50;
	v16 =	vadd.f32 v16, v2;
	v2 =	vld [tilespmem:$0x1FBD0];
	[tilespmem:$0x1FBA0] =	vst v0;
	v0 =	vor.u32 v58, v27  }
0x187: {  	[tilespmem:$0x1FBB0] =	vst v0;
	v0 =	vld [tilespmem:$0x1FBC0]  }
0x188: {  	v12 =	vmul.f32 v20, v12;
	_ =	sdelay $0x1  }
0x189: {  	v23 =	vsub.f32 $1.500000000e+00, v12;
	_ =	sdelay $0x1  }
0x18a: {  	v31 =	vmul.f32 v20, v23;
	v23 =	vmul.f32 v0, v2;
	v0 =	vor.u32 v33, v24  }
0x18b: {  	v34 =	vmul.f32 $5.000000000e-01, v29;
	[tilespmem:$0x1FBE0] =	vst v0;
	v0 =	vor.u32 v28, v27  }
0x18c: {  	[tilespmem:$0x1FBF0] =	vst v0;
	v0 =	vld [tilespmem:$0x1FC00]  }
0x18d: {  	v22 =	vmul.f32 v21, v34;
	_ =	sdelay $0x1  }
0x18e: {  	v22 =	vmul.f32 v21, v22;
	_ =	sdelay $0x1  }
0x18f: {  	v22 =	vsub.f32 $1.500000000e+00, v22;
	v25 =	vadd.f32 v25, v16;
	v55 =	vmul.f32 v0, v36;
	v0 =	vld [tilespmem:$0x1FFC0];
	_ =	sdelay $0x1  }
0x190: {  	v54 =	vmul.f32 v21, v22;
	v22 =	vadd.f32 v26, v25;
	_ =	sdelay $0x1  }
0x191: {  	v25 =	vmul.f32 v31, v50;
	v28 =	vadd.f32 v23, v22  }
0x192: {  	v22 =	vor.u32 v0, v24;
	v0 =	vld [tilespmem:$0x1FF60]  }
0x193: {  	v58 =	vmul.f32 v63, v41;
	v56 =	vmul.f32 v25, v31;
	v28 =	vadd.f32 v55, v28  }
0x194: {  	v59 =	vmul.f32 v62, v61  }
0x195: {  	v23 =	vor.u32 v35, v27;
	v35 =	vsub.f32 $1.500000000e+00, v56;
	v41 =	vadd.f32 v58, v28;
	_ =	sdelay $0x1  }
0x196: {  	v33 =	vmul.f32 v35, v31;
	v31 =	vadd.f32 v59, v41;
	v41 =	vor.u32 v0, v24;
	v0 =	vld [tilespmem:$0x1FF50];
	_ =	sdelay $0x1  }
0x197: {  	v26 =	vmul.f32 v54, v34;
	_ =	sdelay $0x1  }
0x198: {  	v57 =	vmul.f32 v26, v54  }
0x199: {  	v25 =	vor.u32 v38, v24;
	v38 =	vor.u32 v42, v27;
	v42 =	vor.u32 v0, v24;
	v0 =	vld [tilespmem:$0x1FF70];
	_ =	sdelay $0x1  }
0x19a: {  	v36 =	vsub.f32 $1.500000000e+00, v57;
	_ =	sdelay $0x1  }
0x19b: {  	v60 =	vmul.f32 v60, v46;
	v32 =	vmul.f32 v36, v54  }
0x19c: {  	v62 =	vmul.f32 v45, v47;
	v61 =	vmul.f32 v33, v50;
	v45 =	vor.u32 v0, v27;
	v0 =	vld [tilespmem:$0x1FF40]  }
0x19d: {  	v26 =	vor.u32 v37, v27;
	v37 =	vor.u32 v40, v27;
	v34 =	vmul.f32 v32, v34  }
0x19e: {  	v40 =	vor.u32 v44, v27;
	v36 =	vmul.f32 v61, v33;
	v28 =	vor.u32 v39, v27  }
0x19f: {  	v39 =	vor.u32 v43, v27;
	v63 =	vmul.f32 v34, v32;
	v31 =	vadd.f32 v60, v31  }
0x1a0: {  	v43 =	vor.u32 v51, v24;
	v35 =	vsub.f32 $1.500000000e+00, v36;
	v34 =	vmul.f32 v48, v49  }
0x1a1: {  	s25 =	simm.s32 $0x20;
	v36 =	vsub.f32 $1.500000000e+00, v63;
	v31 =	vadd.f32 v62, v31;
	v44 =	vor.u32 v0, v27  }
.LBB2_2:
0x1a2: {  	v0 =	vld [tilespmem:$0x1FDB0];
	_ =	sdelay $0x4  }
0x1a3: {  	v48 =	vor.u32 v0, v24;
	v0 =	vld [tilespmem:$0x1FC10];
	_ =	sdelay $0x4  }
0x1a4: {  	v49 =	vor.u32 v0, v27;
	v0 =	vld [tilespmem:$0x1FDC0];
	_ =	sdelay $0x2  }
0x1a5: {  	v1 =	vmul.f32 v1, v9;
	v31 =	vadd.f32 v34, v31;
	_ =	sdelay $0x1  }
0x1a6: {  	v1 =	vadd.f32 v1, v31;
	v31 =	vor.u32 v0, v24;
	v0 =	vld [tilespmem:$0x1FC20];
	_ =	sdelay $0x4  }
0x1a7: {  	v51 =	vor.u32 v0, v27;
	v0 =	vld [tilespmem:$0x1FC30]  }
0x1a8: {  	v9 =	vmul.f32 v35, v33;
	_ =	sdelay $0x1  }
0x1a9: {  	v11 =	vmul.f32 v3, v11;
	v30 =	vmul.f32 v9, v30  }
0x1aa: {  	v50 =	vmul.f32 v36, v32  }
0x1ab: {  	v1 =	vadd.f32 v11, v1;
	v11 =	vmax.f32 v30, $9.999999960e-13;
	v30 =	vor.u32 v0, v27;
	v0 =	vld [tilespmem:$0x1FDD0];
	_ =	sdelay $0x1  }
0x1ac: {  	v29 =	vmul.f32 v50, v29;
	_ =	sdelay $0x1  }
0x1ad: {  	v29 =	vmax.f32 v29, $9.999999960e-13;
	(erf) = vrcp.f32 v11  }
0x1ae: {  	(erf) = vrcp.f32 v29;
	v29 =	vor.u32 v0, v24;
	v0 =	vld [tilespmem:$0x1FE00];
	_ =	sdelay $0x4  }
0x1af: {  	v52 =	vor.u32 v0, v24;
	v0 =	vld [tilespmem:$0x1FC70];
	_ =	sdelay $0x4  }
0x1b0: {  	v53 =	vor.u32 v0, v27;
	v0 =	vld [tilespmem:$0x1FC40];
	_ =	sdelay $0x4  }
0x1b1: {  	v54 =	vor.u32 v0, v27;
	v0 =	vld [tilespmem:$0x1FDE0]  }
0x1b2: {  	v17 =	vmul.f32 v6, v17;
	_ =	sdelay $0x1  }
0x1b3: {  	v1 =	vadd.f32 v17, v1;
	v17 =	vmul.f32 v5, v14;
	_ =	sdelay $0x1  }
0x1b4: {  	v1 =	vadd.f32 v17, v1;
	v17 =	vor.u32 v0, v24;
	v0 =	vld [tilespmem:$0x1FC50];
	_ =	sdelay $0x4  }
0x1b5: {  	v55 =	vor.u32 v0, v27;
	v0 =	vld [tilespmem:$0x1FC60];
	_ =	sdelay $0x4  }
0x1b6: {  	v56 =	vor.u32 v0, v27;
	v0 =	vld [tilespmem:$0x1FDF0];
	_ =	sdelay $0x3  }
0x1b7: {  	v15 =	vmul.f32 v7, v15;
	v7 =	vld.idx.msk [tilespmem:v30+s9+$0x0], $0xffff  }
0x1b8: {  	v30 =	vor.u32 v0, v24;
	v0 =	vld [tilespmem:$0x1FE10];
	_ =	sdelay $0x2  }
0x1b9: {  	v13 =	vmul.f32 v4, v13  }
0x1ba: {  	v11 =	vld.idx.msk [tilespmem:v48+s12+$0x0], $0xffff  }
0x1bb: {  	v1 =	vadd.f32 v13, v1;
	v48 =	vor.u32 v0, v24;
	v0 =	vld [tilespmem:$0x1FE20]  }
0x1bc: {  	v6 =	vld.idx.msk [tilespmem:v44+s9+$0x0], $0xffff  }
0x1bd: {  	v19 =	vmul.f32 v10, v19;
	v9 =	vld.idx.msk [tilespmem:v45+s9+$0x0], $0xffff;
	v1 =	vadd.f32 v15, v1  }
0x1be: {  	v5 =	vld.idx.msk [tilespmem:v49+s9+$0x0], $0xffff  }
0x1bf: {  	v18 =	vmul.f32 v8, v18;
	v1 =	vadd.f32 v19, v1;
	v15 =	vld.idx.msk [tilespmem:v17+s12+$0x0], $0xffff;
	v17 =	vpop (erf)  }
0x1c0: {  	v47 =	vpop (erf);
	v50 =	vor.u32 v0, v24;
	v0 =	vld [tilespmem:$0x1FB60]  }
0x1c1: {  	v1 =	vadd.f32 v18, v1;
	v17 =	vmul.f32 v17, v47  }
0x1c2: {  	v57 =	vmul.f32 v6, v6;
	v4 =	vld.idx.msk [tilespmem:v51+s9+$0x0], $0xffff  }
0x1c3: {  	v10 =	vmul.f32 v9, v9;
	v1 =	vmul.f32 v17, v1;
	_ =	sdelay $0x1  }
0x1c4: {  	v59 =	vmul.f32 v5, v5;
	v13 =	vld.idx.msk [tilespmem:v29+s12+$0x0], $0xffff;
	v29 =	vadd.f32 v57, v10;
	v0 =	vadd.f32 v1, v0;
	_ =	sdelay $0x1  }
0x1c5: {  	v62 =	vmul.f32 v4, v4;
	v29 =	vadd.f32 v59, v29;
	[tilespmem:$0x1FB60] =	vst v0;
	v0 =	vld [tilespmem:$0x1FE30];
	_ =	sdelay $0x1  }
0x1c6: {  	v29 =	vadd.f32 v62, v29;
	v19 =	vld.idx.msk [tilespmem:v30+s12+$0x0], $0xffff;
	v30 =	vmul.f32 v7, v7;
	_ =	sdelay $0x1  }
0x1c7: {  	v17 =	vadd.f32 v30, v29;
	v29 =	vld.idx.msk [tilespmem:v53+s9+$0x0], $0xffff  }
0x1c8: {  	v53 =	vor.u32 v0, v24;
	v0 =	vld [tilespmem:$0x1FC80];
	_ =	sdelay $0x3  }
0x1c9: {  	v18 =	vld.idx.msk [tilespmem:v56+s9+$0x0], $0xffff  }
0x1ca: {  	v56 =	vor.u32 v0, v27;
	v0 =	vld [tilespmem:$0x1FE80];
	_ =	sdelay $0x4  }
0x1cb: {  	v57 =	vor.u32 v0, v24;
	v0 =	vld [tilespmem:$0x1FC90];
	_ =	sdelay $0x4  }
0x1cc: {  	v59 =	vor.u32 v0, v27;
	v0 =	vld [tilespmem:$0x1FEA0];
	_ =	sdelay $0x4  }
0x1cd: {  	v46 =	vor.u32 v0, v24;
	v0 =	vld [tilespmem:$0x1FCA0];
	_ =	sdelay $0x1  }
0x1ce: {  	v3 =	vld.idx.msk [tilespmem:v43+s12+$0x0], $0xffff;
	_ =	sdelay $0x1  }
0x1cf: {  	v14 =	vld.idx.msk [tilespmem:v31+s12+$0x0], $0xffff  }
0x1d0: {  	v47 =	vor.u32 v0, v27;
	v0 =	vld [tilespmem:$0x1FED0]  }
0x1d1: {  	v32 =	vld.idx.msk [tilespmem:v42+s12+$0x0], $0xffff  }
0x1d2: {  	v43 =	vmul.f32 v3, v3;
	v58 =	vmul.f32 v11, v11  }
0x1d3: {  	v31 =	vld.idx.msk [tilespmem:v37+s9+$0x0], $0xffff  }
0x1d4: {  	v60 =	vadd.f32 v58, v43;
	v61 =	vmul.f32 v14, v14;
	v37 =	vld.idx.msk [tilespmem:v48+s12+$0x0], $0xffff  }
0x1d5: {  	v48 =	vor.u32 v0, v24;
	v0 =	vld [tilespmem:$0x1FCB0]  }
0x1d6: {  	v63 =	vmul.f32 v32, v32;
	v35 =	vadd.f32 v61, v60;
	_ =	sdelay $0x1  }
0x1d7: {  	v35 =	vadd.f32 v63, v35;
	v49 =	vmul.f32 v13, v13;
	_ =	sdelay $0x1  }
0x1d8: {  	v51 =	vadd.f32 v49, v35;
	v49 =	vor.u32 v0, v27;
	v0 =	vld [tilespmem:$0x1FF00];
	_ =	sdelay $0x2  }
0x1d9: {  	v33 =	vld.idx.msk [tilespmem:v52+s12+$0x0], $0xffff;
	v52 =	vmul.f32 v15, v15  }
0x1da: {  	v10 =	vld.idx.msk [tilespmem:v54+s9+$0x0], $0xffff  }
0x1db: {  	v54 =	vadd.f32 v52, v51;
	v51 =	vor.u32 v0, v24;
	v0 =	vld [tilespmem:$0x1FCC0];
	_ =	sdelay $0x1  }
0x1dc: {  	v34 =	vld.idx.msk [tilespmem:v39+s9+$0x0], $0xffff  }
0x1dd: {  	v39 =	vld.idx.msk [tilespmem:v50+s12+$0x0], $0xffff  }
0x1de: {  	v50 =	vld.idx.msk [tilespmem:v59+s9+$0x0], $0xffff  }
0x1df: {  	v59 =	vor.u32 v0, v27;
	v0 =	vld [tilespmem:$0x1FF30]  }
0x1e0: {  	v35 =	vld.idx.msk [tilespmem:v41+s12+$0x0], $0xffff  }
0x1e1: {  	v8 =	vld.idx.msk [tilespmem:v55+s9+$0x0], $0xffff;
	v55 =	vmul.f32 v19, v19;
	_ =	sdelay $0x1  }
0x1e2: {  	v58 =	vmul.f32 v33, v33;
	v41 =	vadd.f32 v55, v54  }
0x1e3: {  	v52 =	vor.u32 v0, v24;
	v0 =	vld [tilespmem:$0x1FCD0]  }
0x1e4: {  	v60 =	vmul.f32 v35, v35;
	v41 =	vadd.f32 v58, v41;
	_ =	sdelay $0x1  }
0x1e5: {  	v61 =	vmul.f32 v37, v37;
	v41 =	vadd.f32 v60, v41;
	_ =	sdelay $0x1  }
0x1e6: {  	v62 =	vadd.f32 v61, v41;
	v61 =	vor.u32 v0, v27;
	v0 =	vld [tilespmem:$0x1FEB0];
	_ =	sdelay $0x2  }
0x1e7: {  	v63 =	vmul.f32 v39, v39;
	_ =	sdelay $0x1  }
0x1e8: {  	v43 =	vadd.f32 v63, v62;
	v62 =	vor.u32 v0, v24;
	v0 =	vld [tilespmem:$0x1FCE0];
	_ =	sdelay $0x4  }
0x1e9: {  	v55 =	vor.u32 v0, v27;
	v0 =	vld [tilespmem:$0x1FEE0];
	_ =	sdelay $0x3  }
0x1ea: {  	v44 =	vld.idx.msk [tilespmem:v57+s12+$0x0], $0xffff  }
0x1eb: {  	v57 =	vor.u32 v0, v24;
	v0 =	vld [tilespmem:$0x1FCF0];
	_ =	sdelay $0x1  }
0x1ec: {  	v41 =	vld.idx.msk [tilespmem:v47+s9+$0x0], $0xffff  }
0x1ed: {  	v47 =	vld.idx.msk [tilespmem:v51+s12+$0x0], $0xffff  }
0x1ee: {  	v51 =	vld.idx.msk [tilespmem:v52+s12+$0x0], $0xffff  }
0x1ef: {  	v52 =	vor.u32 v0, v27;
	v0 =	vld [tilespmem:$0x1FF10];
	_ =	sdelay $0x3  }
0x1f0: {  	v30 =	vmul.f32 v10, v10  }
0x1f1: {  	v58 =	vor.u32 v0, v24;
	v0 =	vld [tilespmem:$0x1FD00]  }
0x1f2: {  	v36 =	vld.idx.msk [tilespmem:v38+s9+$0x0], $0xffff;
	v1 =	vadd.f32 v30, v17;
	v17 =	vmul.f32 v8, v8  }
0x1f3: {  	v30 =	vld.idx.msk [tilespmem:v40+s9+$0x0], $0xffff  }
0x1f4: {  	v1 =	vadd.f32 v17, v1;
	v17 =	vmul.f32 v18, v18;
	v38 =	vld.idx.msk [tilespmem:v53+s12+$0x0], $0xffff  }
0x1f5: {  	v42 =	vld.idx.msk [tilespmem:v49+s9+$0x0], $0xffff  }
0x1f6: {  	v1 =	vadd.f32 v17, v1;
	v17 =	vmul.f32 v29, v29;
	v49 =	vor.u32 v0, v27;
	v0 =	vld [tilespmem:$0x1FE40];
	_ =	sdelay $0x1  }
0x1f7: {  	v1 =	vadd.f32 v17, v1;
	v17 =	vmul.f32 v30, v30  }
0x1f8: {  	v40 =	vld.idx.msk [tilespmem:v56+s9+$0x0], $0xffff;
	v60 =	vmul.f32 v38, v38  }
0x1f9: {  	v1 =	vadd.f32 v17, v1;
	v17 =	vmul.f32 v34, v34  }
0x1fa: {  	v53 =	vadd.f32 v60, v43;
	v60 =	vor.u32 v0, v24;
	v0 =	vld [tilespmem:$0x1FD10]  }
0x1fb: {  	v1 =	vadd.f32 v17, v1;
	v17 =	vmul.f32 v36, v36;
	v56 =	vld.idx.msk [tilespmem:v46+s12+$0x0], $0xffff  }
0x1fc: {  	v45 =	vld.idx.msk [tilespmem:v48+s12+$0x0], $0xffff  }
0x1fd: {  	v1 =	vadd.f32 v17, v1;
	v17 =	vmul.f32 v40, v40;
	v48 =	vld.idx.msk [tilespmem:v55+s9+$0x0], $0xffff  }
0x1fe: {  	v55 =	vld.idx.msk [tilespmem:v57+s12+$0x0], $0xffff  }
0x1ff: {  	v1 =	vadd.f32 v17, v1;
	v17 =	vmul.f32 v50, v50;
	v57 =	vor.u32 v0, v27;
	v0 =	vld [tilespmem:$0x1FE50]  }
0x200: {  	v54 =	vmul.f32 v44, v44;
	v43 =	vld.idx.msk [tilespmem:v59+s9+$0x0], $0xffff  }
0x201: {  	v2 =	vld [tilespmem:$0x1FD30];
	v1 =	vadd.f32 v17, v1;
	v17 =	vmul.f32 v41, v41  }
0x202: {  	v53 =	vadd.f32 v54, v53;
	v63 =	vmul.f32 v56, v56;
	v46 =	vld.idx.msk [tilespmem:v61+s9+$0x0], $0xffff  }
0x203: {  	v12 =	vld [tilespmem:$0x1FE70];
	v1 =	vadd.f32 v17, v1;
	v17 =	vmul.f32 v42, v42  }
0x204: {  	v54 =	vadd.f32 v63, v53;
	v59 =	vmul.f32 v45, v45;
	v61 =	vor.u32 v0, v24;
	v0 =	vld [tilespmem:$0x1FD20]  }
0x205: {  	v1 =	vadd.f32 v17, v1;
	v17 =	vmul.f32 v43, v43;
	v53 =	vld.idx.msk [tilespmem:v62+s12+$0x0], $0xffff  }
0x206: {  	v54 =	vadd.f32 v59, v54;
	v59 =	vmul.f32 v47, v47;
	v52 =	vld.idx.msk [tilespmem:v52+s9+$0x0], $0xffff  }
0x207: {  	v1 =	vadd.f32 v17, v1;
	v17 =	vmul.f32 v46, v46  }
0x208: {  	v2 =	vor.u32 v2, v27;
	v59 =	vadd.f32 v59, v54;
	v62 =	vmul.f32 v51, v51;
	v58 =	vld.idx.msk [tilespmem:v58+s12+$0x0], $0xffff  }
0x209: {  	v1 =	vadd.f32 v17, v1;
	v17 =	vmul.f32 v48, v48;
	v63 =	vor.u32 v0, v27;
	v0 =	vld [tilespmem:$0x1FE60]  }
0x20a: {  	v54 =	vld.idx.msk [tilespmem:v49+s9+$0x0], $0xffff;
	v49 =	vadd.f32 v62, v59;
	v62 =	vmul.f32 v53, v53  }
0x20b: {  	v20 =	vld [tilespmem:$0x1FD40];
	v12 =	vor.u32 v12, v24;
	v1 =	vadd.f32 v17, v1;
	v17 =	vmul.f32 v52, v52  }
0x20c: {  	v21 =	vld [tilespmem:$0x1FE90];
	v16 =	vmul.f32 v55, v55;
	v62 =	vadd.f32 v62, v49  }
0x20d: {  	v17 =	vadd.f32 v17, v1;
	v1 =	vld.idx.msk [tilespmem:v2+s9+$0x0], $0xffff  }
0x20e: {  	v2 =	vld [tilespmem:$0x1FEC0];
	v16 =	vadd.f32 v16, v62;
	v62 =	vmul.f32 v58, v58;
	v0 =	vor.u32 v0, v24  }
0x20f: {  	v59 =	vld.idx.msk [tilespmem:v60+s12+$0x0], $0xffff  }
0x210: {  	v16 =	vadd.f32 v62, v16;
	v62 =	vld.idx.msk [tilespmem:v12+s12+$0x0], $0xffff  }
0x211: {  	v12 =	vld [tilespmem:$0x1FEF0]  }
0x212: {  	v60 =	vld.idx.msk [tilespmem:v61+s12+$0x0], $0xffff  }
0x213: {  	v61 =	vld.idx.msk [tilespmem:v0+s12+$0x0], $0xffff  }
0x214: {  	v0 =	vld [tilespmem:$0x1FD50]  }
0x215: {  	v57 =	vld.idx.msk [tilespmem:v57+s9+$0x0], $0xffff  }
0x216: {  	v49 =	vld.idx.msk [tilespmem:v63+s9+$0x0], $0xffff;
	v63 =	vor.u32 v21, v24;
	_ =	sdelay $0x1  }
0x217: {  	v2 =	vor.u32 v2, v24;
	v12 =	vor.u32 v12, v24;
	v24 =	vmul.f32 v9, v3  }
0x218: {  	v20 =	vor.u32 v20, v27;
	v0 =	vor.u32 v0, v27;
	v27 =	vmul.f32 v54, v54  }
0x219: {  	v21 =	vmul.f32 v59, v59;
	v24 =	vadd.f32 $0.0e+00, v24  }
0x21a: {  	v9 =	vld.idx.msk [tilespmem:v63+s12+$0x0], $0xffff;
	v63 =	vmul.f32 v6, v11;
	v17 =	vadd.f32 v27, v17;
	v27 =	vmul.f32 v57, v57  }
0x21b: {  	v14 =	vmul.f32 v5, v14;
	v5 =	vld.idx.msk [tilespmem:v28+s9+$0x0], $0xffff;
	v16 =	vadd.f32 v21, v16  }
0x21c: {  	v21 =	vmul.f32 v31, v31;
	v11 =	vld.idx.msk [tilespmem:v2+s12+$0x0], $0xffff;
	v2 =	vadd.f32 v63, v24;
	v17 =	vadd.f32 v27, v17  }
0x21d: {  	v3 =	vld.idx.msk [tilespmem:v20+s9+$0x0], $0xffff  }
0x21e: {  	v2 =	vadd.f32 v14, v2;
	v21 =	vadd.f32 v21, v17;
	v17 =	vld.idx.msk [tilespmem:v12+s12+$0x0], $0xffff;
	v12 =	vmul.f32 v4, v32  }
0x21f: {  	v20 =	vmul.f32 v60, v60;
	v14 =	vld.idx.msk [tilespmem:v25+s12+$0x0], $0xffff  }
0x220: {  	v6 =	vld.idx.msk [tilespmem:v0+s9+$0x0], $0xffff;
	v2 =	vadd.f32 v12, v2;
	v12 =	vmul.f32 v7, v13  }
0x221: {  	v0 =	vadd.f32 v20, v16;
	v16 =	vmul.f32 v61, v61;
	v4 =	vld.idx.msk [tilespmem:v26+s9+$0x0], $0xffff  }
0x222: {  	v20 =	vmul.f32 v49, v49;
	v2 =	vadd.f32 v12, v2;
	v12 =	vmul.f32 v10, v15;
	v15 =	vld [tilespmem:$0x1FBE0]  }
0x223: {  	v24 =	vmul.f32 v1, v1;
	v0 =	vadd.f32 v16, v0;
	v16 =	vmul.f32 v62, v62;
	v10 =	vld [tilespmem:$0x1FBF0]  }
0x224: {  	v20 =	vadd.f32 v20, v21;
	v2 =	vadd.f32 v12, v2;
	v12 =	vmul.f32 v8, v19;
	v19 =	vld [tilespmem:$0x1FBA0]  }
0x225: {  	v21 =	vmul.f32 v3, v3;
	v0 =	vadd.f32 v16, v0;
	v16 =	vmul.f32 v9, v9;
	v8 =	vld [tilespmem:$0x1FBB0]  }
0x226: {  	v20 =	vadd.f32 v24, v20;
	v2 =	vadd.f32 v12, v2;
	v12 =	vmul.f32 v18, v33;
	v18 =	vld [tilespmem:$0x1FB80]  }
0x227: {  	v7 =	vld.idx.msk [tilespmem:v23+s9+$0x0], $0xffff;
	v0 =	vadd.f32 v16, v0;
	v16 =	vmul.f32 v11, v11  }
0x228: {  	v13 =	vld.idx.msk [tilespmem:v22+s12+$0x0], $0xffff;
	v23 =	vmul.f32 v6, v6;
	v20 =	vadd.f32 v21, v20  }
0x229: {  	v0 =	vadd.f32 v16, v0;
	v16 =	vmul.f32 v17, v17  }
0x22a: {  	v21 =	vmul.f32 v5, v5;
	v20 =	vadd.f32 v23, v20;
	v15 =	vld.idx.msk [tilespmem:v15+s12+$0x0], $0xffff  }
0x22b: {  	v22 =	vmul.f32 v4, v4;
	v0 =	vadd.f32 v16, v0;
	v16 =	vmul.f32 v14, v14;
	v10 =	vld.idx.msk [tilespmem:v10+s9+$0x0], $0xffff  }
0x22c: {  	v20 =	vadd.f32 v21, v20;
	v2 =	vadd.f32 v12, v2;
	v12 =	vmul.f32 v29, v35;
	v19 =	vld.idx.msk [tilespmem:v19+s12+$0x0], $0xffff  }
0x22d: {  	v0 =	vadd.f32 v16, v0;
	v16 =	vmul.f32 v13, v13;
	v8 =	vld.idx.msk [tilespmem:v8+s9+$0x0], $0xffff  }
0x22e: {  	v21 =	vmul.f32 v7, v7;
	v20 =	vadd.f32 v22, v20;
	v2 =	vadd.f32 v12, v2;
	v18 =	vld.idx.msk [tilespmem:v18+s12+$0x0], $0xffff  }
0x22f: {  	v12 =	vmul.f32 v30, v37;
	v0 =	vadd.f32 v16, v0;
	v16 =	vmul.f32 v15, v15  }
0x230: {  	v20 =	vadd.f32 v21, v20;
	v22 =	vmul.f32 v10, v10  }
0x231: {  	v2 =	vadd.f32 v12, v2;
	v0 =	vadd.f32 v16, v0;
	v16 =	vmul.f32 v19, v19  }
0x232: {  	v12 =	vmul.f32 v34, v39;
	v21 =	vmul.f32 v8, v8;
	v20 =	vadd.f32 v22, v20  }
0x233: {  	v0 =	vadd.f32 v16, v0;
	v16 =	vmul.f32 v18, v18  }
0x234: {  	v2 =	vadd.f32 v12, v2;
	v12 =	vmul.f32 v36, v38;
	v30 =	vadd.f32 v21, v20  }
0x235: {  	v20 =	vmul.f32 v40, v44;
	v29 =	vadd.f32 v16, v0  }
0x236: {  	v0 =	vadd.f32 v12, v2;
	v2 =	vshrl.u32 v30, $0x1;
	v12 =	vmul.f32 $5.000000000e-01, v30  }
0x237: {  	v2 =	vsub.s32 $0x5F3759DF, v2  }
0x238: {  	v0 =	vadd.f32 v20, v0;
	v20 =	vmul.f32 v2, v12;
	_ =	sdelay $0x1  }
0x239: {  	v21 =	vmul.f32 v50, v56;
	v20 =	vmul.f32 v2, v20  }
0x23a: {  	v35 =	vlaneseq.u32  }
0x23b: {  	v0 =	vadd.f32 v21, v0;
	v21 =	vmul.f32 v41, v45;
	v20 =	vsub.f32 $1.500000000e+00, v20  }
0x23c: {  	v22 =	vor.u32 s25, v35  }
0x23d: {  	v0 =	vadd.f32 v21, v0;
	v21 =	vmul.f32 v42, v47;
	v2 =	vmul.f32 v2, v20;
	v20 =	vld [tilespmem:$0x1FFD0]  }
0x23e: {  	v24 =	vshll.u32 v22, $0x5;
	v27 =	vand.u32 $0x78, v22;
	v22 =	vld [tilespmem:$0x1FFF0]  }
0x23f: {  	v0 =	vadd.f32 v21, v0;
	v21 =	vmul.f32 v43, v51  }
0x240: {  	v16 =	vshrl.u32 v29, $0x1;
	v56 =	vmul.f32 $5.000000000e-01, v29  }
0x241: {  	v16 =	vsub.s32 $0x5F3759DF, v16;
	v0 =	vadd.f32 v21, v0;
	v21 =	vmul.f32 v2, v12  }
0x242: {  	v23 =	vmul.f32 v16, v56;
	v20 =	vor.u32 v20, v24  }
0x243: {  	v22 =	vor.u32 v22, v24;
	v21 =	vmul.f32 v21, v2;
	[tilespmem:$0x1FBE0] =	vst v20;
	v20 =	vld [tilespmem:$0x1FD90]  }
0x244: {  	[tilespmem:$0x1FB80] =	vst v22;
	v22 =	vmul.f32 v16, v23  }
0x245: {  	v21 =	vsub.f32 $1.500000000e+00, v21  }
0x246: {  	v22 =	vsub.f32 $1.500000000e+00, v22  }
0x247: {  	v33 =	vmul.f32 v21, v2;
	v2 =	vld [tilespmem:$0x1FF80]  }
0x248: {  	v16 =	vmul.f32 v16, v22;
	v20 =	vor.u32 v20, v27  }
0x249: {  	[tilespmem:$0x1FBF0] =	vst v20;
	v20 =	vmul.f32 v46, v53  }
0x24a: {  	v23 =	vld [tilespmem:$0x1FFE0];
	v28 =	vmul.f32 v16, v56  }
0x24b: {  	v0 =	vadd.f32 v20, v0;
	v20 =	vmul.f32 v48, v55  }
0x24c: {  	v63 =	vmul.f32 v28, v16;
	v39 =	vor.u32 v2, v27;
	v2 =	vld [tilespmem:$0x1FF90]  }
0x24d: {  	v0 =	vadd.f32 v20, v0;
	v20 =	vmul.f32 v52, v58  }
0x24e: {  	v32 =	vsub.f32 $1.500000000e+00, v63  }
0x24f: {  	v25 =	vld [tilespmem:$0x1FF20];
	v23 =	vor.u32 v23, v24;
	v0 =	vadd.f32 v20, v0;
	v20 =	vmul.f32 v54, v59  }
0x250: {  	[tilespmem:$0x1FBA0] =	vst v23;
	v23 =	vld [tilespmem:$0x1FDA0];
	v32 =	vmul.f32 v32, v16  }
0x251: {  	v16 =	vld [tilespmem:$0x1FF60];
	v38 =	vor.u32 v2, v27;
	v2 =	vmul.f32 v57, v60;
	v0 =	vadd.f32 v20, v0  }
0x252: {  	v26 =	vld [tilespmem:$0x1FD70]  }
0x253: {  	v28 =	vld [tilespmem:$0x1FFB0];
	v0 =	vadd.f32 v2, v0;
	v2 =	vmul.f32 v31, v61  }
0x254: {  	v22 =	vld [tilespmem:$0x1FFC0]  }
0x255: {  	v31 =	vadd.f32 v2, v0;
	v0 =	vld [tilespmem:$0x1FF70]  }
0x256: {  	v23 =	vor.u32 v23, v27;
	v41 =	vor.u32 v16, v24;
	v16 =	vld [tilespmem:$0x1FFA0]  }
0x257: {  	[tilespmem:$0x1FBB0] =	vst v23;
	v23 =	vld [tilespmem:$0x1FD80]  }
0x258: {  	v37 =	vor.u32 v28, v27;
	v28 =	vld [tilespmem:$0x1FD60]  }
0x259: {  	v20 =	vld [tilespmem:$0x1FF50]  }
0x25a: {  	p0 =	sne.s32 s25, $0x70;
	v12 =	vmul.f32 v33, v12;
	v45 =	vor.u32 v0, v27;
	v0 =	vld [tilespmem:$0x1FF40]  }
.Ltmp0:
0x25b: {  	v34 =	vmul.f32 v49, v62;
	v40 =	vor.u32 v16, v27;
	v16 =	vmul.f32 v32, v56;
	(pc) =	sbr.rel @p0 .LBB2_2-.Ltmp0, $4  }
0x25c: {  	v25 =	vor.u32 v25, v24;
	v26 =	vor.u32 v26, v27;
	v12 =	vmul.f32 v12, v33  }
0x25d: {  	v43 =	vor.u32 v35, v24;
	v22 =	vor.u32 v22, v24;
	v16 =	vmul.f32 v16, v32  }
0x25e: {  	v35 =	vsub.f32 $1.500000000e+00, v12;
	v23 =	vor.u32 v23, v27;
	v28 =	vor.u32 v28, v27  }
0x25f: {  	s25 =	sadd.s32 $0x10, s25;
	v36 =	vsub.f32 $1.500000000e+00, v16;
	v42 =	vor.u32 v20, v24;
	v44 =	vor.u32 v0, v27  }
0x260: {  	v0 =	vld [tilespmem:$0x1FDB0]  }
0x261: {  	v2 =	vld [tilespmem:$0x1FC10];
	_ =	sdelay $0x1  }
0x262: {  	v12 =	vld [tilespmem:$0x1FDC0];
	_ =	sdelay $0x1  }
0x263: {  	v16 =	vld [tilespmem:$0x1FC20];
	v0 =	vor.u32 v0, v24  }
0x264: {  	v48 =	vld.idx.msk [tilespmem:v43+s12+$0x0], $0xffff;
	v2 =	vor.u32 v2, v27  }
0x265: {  	v21 =	vld.idx.msk [tilespmem:v45+s9+$0x0], $0xffff  }
0x266: {  	v20 =	vld [tilespmem:$0x1FC30];
	v12 =	vor.u32 v12, v24  }
0x267: {  	v61 =	vld.idx.msk [tilespmem:v44+s9+$0x0], $0xffff  }
0x268: {  	v16 =	vor.u32 v16, v27;
	v62 =	vld.idx.msk [tilespmem:v0+s12+$0x0], $0xffff  }
0x269: {  	v46 =	vld.idx.msk [tilespmem:v2+s9+$0x0], $0xffff  }
0x26a: {  	v0 =	vld [tilespmem:$0x1FDD0]  }
0x26b: {  	v20 =	vor.u32 v20, v27;
	v50 =	vld.idx.msk [tilespmem:v12+s12+$0x0], $0xffff  }
0x26c: {  	v2 =	vld [tilespmem:$0x1FC40]  }
0x26d: {  	v47 =	vld.idx.msk [tilespmem:v16+s9+$0x0], $0xffff  }
0x26e: {  	v12 =	vld [tilespmem:$0x1FDE0]  }
0x26f: {  	v16 =	vld [tilespmem:$0x1FC50]  }
0x270: {  	v51 =	vld.idx.msk [tilespmem:v20+s9+$0x0], $0xffff  }
0x271: {  	v20 =	vld [tilespmem:$0x1FDF0];
	v0 =	vor.u32 v0, v24  }
0x272: {  	v49 =	vld.idx.msk [tilespmem:v42+s12+$0x0], $0xffff;
	v2 =	vor.u32 v2, v27  }
0x273: {  	v55 =	vld [tilespmem:$0x1FC60];
	v12 =	vor.u32 v12, v24  }
0x274: {  	v57 =	vld [tilespmem:$0x1FE00];
	[tilespmem:$0x1F800] =	vst v21;
	v21 =	vmul.f32 v21, v21;
	v63 =	vmul.f32 v61, v61;
	v16 =	vor.u32 v16, v27  }
0x275: {  	v60 =	vld [tilespmem:$0x1FC70];
	v54 =	vmul.f32 v48, v48;
	v44 =	vmul.f32 v62, v62  }
0x276: {  	[tilespmem:$0x1F820] =	vst v61;
	v20 =	vor.u32 v20, v24;
	v59 =	vmul.f32 v50, v50;
	v56 =	vld.idx.msk [tilespmem:v0+s12+$0x0], $0xffff  }
0x277: {  	v0 =	vadd.f32 v63, v21;
	v21 =	vmul.f32 v46, v46;
	v58 =	vld.idx.msk [tilespmem:v2+s9+$0x0], $0xffff;
	v2 =	vadd.f32 v44, v54  }
0x278: {  	[tilespmem:$0x1F830] =	vst v62;
	v61 =	vld.idx.msk [tilespmem:v12+s12+$0x0], $0xffff  }
0x279: {  	v62 =	vld.idx.msk [tilespmem:v16+s9+$0x0], $0xffff;
	v0 =	vadd.f32 v21, v0;
	v21 =	vmul.f32 v49, v49;
	v2 =	vadd.f32 v59, v2  }
0x27a: {  	v45 =	vor.u32 v55, v27;
	v42 =	vor.u32 v57, v24;
	v16 =	vld [tilespmem:$0x1FE10]  }
0x27b: {  	v12 =	vmul.f32 v47, v47;
	v63 =	vld.idx.msk [tilespmem:v20+s12+$0x0], $0xffff;
	v2 =	vadd.f32 v21, v2;
	v20 =	vmul.f32 v56, v56  }
0x27c: {  	v44 =	vor.u32 v60, v27  }
0x27d: {  	v0 =	vadd.f32 v12, v0;
	v12 =	vmul.f32 v51, v51;
	v2 =	vadd.f32 v20, v2;
	v20 =	vld [tilespmem:$0x1FE20]  }
0x27e: {  	v55 =	vld.idx.msk [tilespmem:v41+s12+$0x0], $0xffff  }
0x27f: {  	v52 =	vld.idx.msk [tilespmem:v45+s9+$0x0], $0xffff;
	v16 =	vor.u32 v16, v24;
	v0 =	vadd.f32 v12, v0;
	v12 =	vmul.f32 v58, v58  }
0x280: {  	v53 =	vld.idx.msk [tilespmem:v42+s12+$0x0], $0xffff;
	v21 =	vmul.f32 v61, v61  }
0x281: {  	v54 =	vld.idx.msk [tilespmem:v44+s9+$0x0], $0xffff;
	v0 =	vadd.f32 v12, v0  }
0x282: {  	v12 =	vmul.f32 v62, v62;
	v2 =	vadd.f32 v21, v2;
	v21 =	vld [tilespmem:$0x1FE30];
	v20 =	vor.u32 v20, v24  }
0x283: {  	[tilespmem:$0x1F890] =	vst v56;
	v56 =	vld.idx.msk [tilespmem:v40+s9+$0x0], $0xffff  }
0x284: {  	[tilespmem:$0x1F8A0] =	vst v58;
	v0 =	vadd.f32 v12, v0;
	v58 =	vld.idx.msk [tilespmem:v16+s12+$0x0], $0xffff;
	v16 =	vmul.f32 v52, v52  }
0x285: {  	v12 =	vld [tilespmem:$0x1FC80]  }
0x286: {  	v0 =	vadd.f32 v16, v0;
	v16 =	vld [tilespmem:$0x1FC90]  }
0x287: {  	[tilespmem:$0x1F8C0] =	vst v62;
	v21 =	vor.u32 v21, v24;
	v62 =	vld.idx.msk [tilespmem:v20+s12+$0x0], $0xffff;
	v20 =	vmul.f32 v54, v54  }
0x288: {  	v60 =	vld [tilespmem:$0x1FE80]  }
0x289: {  	[tilespmem:$0x1F880] =	vst v51;
	v0 =	vadd.f32 v20, v0;
	v20 =	vld [tilespmem:$0x1FCA0]  }
0x28a: {  	[tilespmem:$0x1F8F0] =	vst v53;
	v59 =	vld.idx.msk [tilespmem:v39+s9+$0x0], $0xffff;
	v12 =	vor.u32 v12, v27  }
0x28b: {  	v51 =	vld [tilespmem:$0x1FEA0];
	[tilespmem:$0x1F8B0] =	vst v61  }
0x28c: {  	v61 =	vmul.f32 v53, v53;
	v16 =	vor.u32 v16, v27;
	v53 =	vld.idx.msk [tilespmem:v21+s12+$0x0], $0xffff;
	v21 =	vmul.f32 v56, v56  }
0x28d: {  	[tilespmem:$0x1F8D0] =	vst v63;
	v57 =	vmul.f32 v63, v63;
	v63 =	vld.idx.msk [tilespmem:v38+s9+$0x0], $0xffff  }
0x28e: {  	v0 =	vadd.f32 v21, v0;
	v21 =	vld [tilespmem:$0x1FCB0];
	v20 =	vor.u32 v20, v27  }
0x28f: {  	[tilespmem:$0x1F900] =	vst v54;
	v54 =	vld.idx.msk [tilespmem:v12+s9+$0x0], $0xffff  }
0x290: {  	v39 =	vor.u32 v60, v24;
	v12 =	vld [tilespmem:$0x1FED0]  }
0x291: {  	[tilespmem:$0x1F840] =	vst v46;
	v38 =	vor.u32 v51, v24;
	v46 =	vld.idx.msk [tilespmem:v16+s9+$0x0], $0xffff  }
0x292: {  	[tilespmem:$0x1F810] =	vst v48;
	v16 =	vld [tilespmem:$0x1FF00]  }
0x293: {  	[tilespmem:$0x1F860] =	vst v47;
	v21 =	vor.u32 v21, v27;
	v47 =	vld.idx.msk [tilespmem:v20+s9+$0x0], $0xffff  }
0x294: {  	[tilespmem:$0x1F870] =	vst v49;
	v20 =	vld [tilespmem:$0x1FF30]  }
0x295: {  	[tilespmem:$0x1F910] =	vst v55;
	v48 =	vld.idx.msk [tilespmem:v39+s12+$0x0], $0xffff;
	v12 =	vor.u32 v12, v24  }
0x296: {  	[tilespmem:$0x1F8E0] =	vst v52;
	v52 =	vmul.f32 v55, v55;
	v49 =	vld.idx.msk [tilespmem:v38+s12+$0x0], $0xffff  }
0x297: {  	v2 =	vadd.f32 v57, v2;
	[tilespmem:$0x1F930] =	vst v58;
	v55 =	vmul.f32 v58, v58;
	v58 =	vld [tilespmem:$0x1FCC0];
	v16 =	vor.u32 v16, v24  }
0x298: {  	v51 =	vld.idx.msk [tilespmem:v21+s9+$0x0], $0xffff  }
0x299: {  	[tilespmem:$0x1F850] =	vst v50;
	v2 =	vadd.f32 v61, v2;
	v21 =	vld [tilespmem:$0x1FEB0];
	v20 =	vor.u32 v20, v24  }
0x29a: {  	[tilespmem:$0x1F920] =	vst v56;
	v56 =	vmul.f32 v59, v59;
	v50 =	vld.idx.msk [tilespmem:v12+s12+$0x0], $0xffff  }
0x29b: {  	[tilespmem:$0x1F940] =	vst v59;
	v2 =	vadd.f32 v52, v2;
	v12 =	vld [tilespmem:$0x1FCD0]  }
0x29c: {  	v59 =	vmul.f32 v63, v63;
	v38 =	vor.u32 v58, v27;
	v0 =	vadd.f32 v56, v0;
	v58 =	vld.idx.msk [tilespmem:v16+s12+$0x0], $0xffff  }
0x29d: {  	v2 =	vadd.f32 v55, v2;
	v57 =	vmul.f32 v62, v62;
	v16 =	vld [tilespmem:$0x1FCE0]  }
0x29e: {  	v0 =	vadd.f32 v59, v0;
	v21 =	vor.u32 v21, v24;
	v59 =	vld.idx.msk [tilespmem:v20+s12+$0x0], $0xffff  }
0x29f: {  	v2 =	vadd.f32 v57, v2;
	v60 =	vmul.f32 v53, v53;
	v20 =	vld [tilespmem:$0x1FCF0]  }
0x2a0: {  	v12 =	vor.u32 v12, v27  }
0x2a1: {  	v44 =	vld [tilespmem:$0x1FEE0];
	[tilespmem:$0x1F950] =	vst v62;
	v62 =	vmul.f32 v48, v48;
	v2 =	vadd.f32 v60, v2  }
0x2a2: {  	v52 =	vld.idx.msk [tilespmem:v38+s9+$0x0], $0xffff;
	v16 =	vor.u32 v16, v27  }
0x2a3: {  	v55 =	vmul.f32 v49, v49;
	v61 =	vmul.f32 v54, v54;
	v2 =	vadd.f32 v62, v2;
	v43 =	vld.idx.msk [tilespmem:v21+s12+$0x0], $0xffff  }
0x2a4: {  	[tilespmem:$0x1F960] =	vst v63;
	v21 =	vld [tilespmem:$0x1FD00];
	v20 =	vor.u32 v20, v27  }
0x2a5: {  	v0 =	vadd.f32 v61, v0;
	v63 =	vmul.f32 v46, v46;
	v2 =	vadd.f32 v55, v2;
	v55 =	vld.idx.msk [tilespmem:v12+s9+$0x0], $0xffff  }
0x2a6: {  	v12 =	vld [tilespmem:$0x1FF10]  }
0x2a7: {  	v0 =	vadd.f32 v63, v0;
	v57 =	vmul.f32 v47, v47;
	v56 =	vld.idx.msk [tilespmem:v16+s9+$0x0], $0xffff  }
0x2a8: {  	v45 =	vor.u32 v44, v24;
	v60 =	vmul.f32 v50, v50;
	v16 =	vld [tilespmem:$0x1FE40]  }
0x2a9: {  	v0 =	vadd.f32 v57, v0;
	v21 =	vor.u32 v21, v27;
	v57 =	vld.idx.msk [tilespmem:v20+s9+$0x0], $0xffff  }
0x2aa: {  	v2 =	vadd.f32 v60, v2;
	v62 =	vmul.f32 v58, v58;
	v20 =	vld [tilespmem:$0x1FE50]  }
0x2ab: {  	v12 =	vor.u32 v12, v24  }
0x2ac: {  	[tilespmem:$0x1F970] =	vst v53;
	v61 =	vmul.f32 v51, v51;
	v2 =	vadd.f32 v62, v2;
	v53 =	vmul.f32 v59, v59  }
0x2ad: {  	v44 =	vld.idx.msk [tilespmem:v45+s12+$0x0], $0xffff;
	v16 =	vor.u32 v16, v24  }
0x2ae: {  	v45 =	vmul.f32 v52, v52;
	v0 =	vadd.f32 v61, v0;
	v2 =	vadd.f32 v53, v2;
	v53 =	vld.idx.msk [tilespmem:v21+s9+$0x0], $0xffff  }
0x2af: {  	v21 =	vld [tilespmem:$0x1FE60];
	v20 =	vor.u32 v20, v24  }
0x2b0: {  	v0 =	vadd.f32 v45, v0;
	v40 =	vld.idx.msk [tilespmem:v12+s12+$0x0], $0xffff;
	v12 =	vmul.f32 v55, v55  }
0x2b1: {  	v63 =	vld [tilespmem:$0x1FD10]  }
0x2b2: {  	v0 =	vadd.f32 v12, v0;
	v60 =	vld.idx.msk [tilespmem:v16+s12+$0x0], $0xffff;
	v16 =	vmul.f32 v56, v56  }
0x2b3: {  	v12 =	vld [tilespmem:$0x1FD20]  }
0x2b4: {  	v0 =	vadd.f32 v16, v0;
	v21 =	vor.u32 v21, v24;
	v41 =	vld.idx.msk [tilespmem:v20+s12+$0x0], $0xffff;
	v20 =	vmul.f32 v57, v57;
	_ =	sdelay $0x1  }
0x2b5: {  	v0 =	vadd.f32 v20, v0;
	v20 =	vld [tilespmem:$0x1FD40]  }
0x2b6: {  	v61 =	vld [tilespmem:$0x1FE70]  }
0x2b7: {  	v38 =	vor.u32 v63, v27;
	v16 =	vld [tilespmem:$0x1FD30]  }
0x2b8: {  	v12 =	vor.u32 v12, v27;
	v42 =	vld.idx.msk [tilespmem:v21+s12+$0x0], $0xffff;
	v21 =	vmul.f32 v53, v53  }
0x2b9: {  	v63 =	vld [tilespmem:$0x1FE90]  }
0x2ba: {  	[tilespmem:$0x1F980] =	vst v54;
	v54 =	vmul.f32 v43, v43;
	v39 =	vor.u32 v20, v27;
	v20 =	vadd.f32 v21, v0;
	v0 =	vld [tilespmem:$0x1FD50]  }
0x2bb: {  	v45 =	vld.idx.msk [tilespmem:v37+s9+$0x0], $0xffff  }
0x2bc: {  	v62 =	vmul.f32 v44, v44;
	v2 =	vadd.f32 v54, v2;
	v54 =	vld.idx.msk [tilespmem:v38+s9+$0x0], $0xffff  }
0x2bd: {  	v61 =	vor.u32 v61, v24;
	v38 =	vor.u32 v16, v27;
	v16 =	vld.idx.msk [tilespmem:v12+s9+$0x0], $0xffff  }
0x2be: {  	v2 =	vadd.f32 v62, v2;
	v12 =	vld [tilespmem:$0x1FEC0]  }
0x2bf: {  	v62 =	vor.u32 v63, v24;
	v63 =	vmul.f32 v40, v40;
	v21 =	vor.u32 v0, v27;
	v0 =	vld [tilespmem:$0x1FEF0];
	_ =	sdelay $0x1  }
0x2c0: {  	v2 =	vadd.f32 v63, v2;
	v63 =	vmul.f32 v60, v60  }
0x2c1: {  	v27 =	vld.idx.msk [tilespmem:v61+s12+$0x0], $0xffff;
	v61 =	vmul.f32 v54, v54  }
0x2c2: {  	v37 =	vor.u32 v12, v24;
	v12 =	vadd.f32 v63, v2;
	v2 =	vld.idx.msk [tilespmem:v38+s9+$0x0], $0xffff;
	v63 =	vmul.f32 v41, v41  }
0x2c3: {  	v38 =	vor.u32 v0, v24;
	v0 =	vadd.f32 v61, v20;
	v61 =	vmul.f32 v45, v45  }
0x2c4: {  	v39 =	vld.idx.msk [tilespmem:v39+s9+$0x0], $0xffff  }
0x2c5: {  	v63 =	vadd.f32 v63, v12;
	v12 =	vmul.f32 v16, v16;
	v0 =	vadd.f32 v61, v0  }
0x2c6: {  	v21 =	vld.idx.msk [tilespmem:v21+s9+$0x0], $0xffff  }
0x2c7: {  	v0 =	vadd.f32 v12, v0;
	v12 =	vmul.f32 v2, v2;
	_ =	sdelay $0x1  }
0x2c8: {  	v0 =	vadd.f32 v12, v0;
	v12 =	vmul.f32 v39, v39;
	_ =	sdelay $0x1  }
0x2c9: {  	v24 =	vld.idx.msk [tilespmem:v62+s12+$0x0], $0xffff;
	v0 =	vadd.f32 v12, v0;
	v12 =	vmul.f32 v21, v21  }
0x2ca: {  	v37 =	vld.idx.msk [tilespmem:v37+s12+$0x0], $0xffff;
	v20 =	vmul.f32 v42, v42  }
0x2cb: {  	v0 =	vadd.f32 v12, v0;
	v12 =	vld [tilespmem:$0x1FBE0]  }
0x2cc: {  	[tilespmem:$0x1F990] =	vst v16;
	v16 =	vadd.f32 v20, v63;
	v20 =	vmul.f32 v27, v27  }
0x2cd: {  	v38 =	vld.idx.msk [tilespmem:v38+s12+$0x0], $0xffff  }
0x2ce: {  	[tilespmem:$0x1F9A0] =	vst v2;
	v2 =	vadd.f32 v20, v16;
	v20 =	vld.idx.msk [tilespmem:v28+s9+$0x0], $0xffff;
	v16 =	vmul.f32 v24, v24;
	_ =	sdelay $0x1  }
0x2cf: {  	v2 =	vadd.f32 v16, v2;
	v16 =	vmul.f32 v37, v37;
	_ =	sdelay $0x1  }
0x2d0: {  	[tilespmem:$0x1F9C0] =	vst v37;
	v37 =	vld.idx.msk [tilespmem:v23+s9+$0x0], $0xffff;
	v2 =	vadd.f32 v16, v2;
	v16 =	vmul.f32 v38, v38  }
0x2d1: {  	v23 =	vld.idx.msk [tilespmem:v12+s12+$0x0], $0xffff;
	v12 =	vmul.f32 v20, v20  }
0x2d2: {  	v2 =	vadd.f32 v16, v2;
	v16 =	vld [tilespmem:$0x1FBF0]  }
0x2d3: {  	v0 =	vadd.f32 v12, v0;
	v12 =	vld [tilespmem:$0x1FBA0];
	_ =	sdelay $0x1  }
0x2d4: {  	v28 =	vld.idx.msk [tilespmem:v25+s12+$0x0], $0xffff  }
0x2d5: {  	v25 =	vld.idx.msk [tilespmem:v26+s9+$0x0], $0xffff;
	_ =	sdelay $0x2  }
0x2d6: {  	v26 =	vld.idx.msk [tilespmem:v22+s12+$0x0], $0xffff  }
0x2d7: {  	[tilespmem:$0x1F9D0] =	vst v21;
	v21 =	vld.idx.msk [tilespmem:v16+s9+$0x0], $0xffff;
	v16 =	vmul.f32 v28, v28  }
0x2d8: {  	v22 =	vld.idx.msk [tilespmem:v12+s12+$0x0], $0xffff;
	v12 =	vmul.f32 v25, v25  }
0x2d9: {  	v2 =	vadd.f32 v16, v2;
	v16 =	vld [tilespmem:$0x1FBB0]  }
0x2da: {  	v0 =	vadd.f32 v12, v0;
	v12 =	vld [tilespmem:$0x1FB80];
	_ =	sdelay $0x6  }
0x2db: {  	v16 =	vld.idx.msk [tilespmem:v16+s9+$0x0], $0xffff  }
0x2dc: {  	[tilespmem:$0x1F9F0] =	vst v20;
	v20 =	vld.idx.msk [tilespmem:v12+s12+$0x0], $0xffff;
	v12 =	vmul.f32 v37, v37;
	_ =	sdelay $0x1  }
0x2dd: {  	[tilespmem:$0x1F9B0] =	vst v39;
	v0 =	vadd.f32 v12, v0;
	v12 =	vmul.f32 v21, v21  }
0x2de: {  	[tilespmem:$0x1F9E0] =	vst v38;
	v38 =	vmul.f32 v26, v26  }
0x2df: {  	[tilespmem:$0x1FA60] =	vst v16;
	v0 =	vadd.f32 v12, v0;
	v12 =	vmul.f32 v16, v16;
	v16 =	vld [tilespmem:$0x1F800]  }
0x2e0: {  	v39 =	vmul.f32 v23, v23;
	v2 =	vadd.f32 v38, v2;
	[tilespmem:$0x1FA70] =	vst v20;
	v38 =	vmul.f32 v20, v20;
	v20 =	vld [tilespmem:$0x1F810];
	_ =	sdelay $0x1  }
0x2e1: {  	[tilespmem:$0x1FA00] =	vst v37;
	v2 =	vadd.f32 v39, v2;
	v37 =	vmul.f32 v22, v22;
	_ =	sdelay $0x1  }
0x2e2: {  	v2 =	vadd.f32 v37, v2;
	v37 =	vld [tilespmem:$0x1F830]  }
0x2e3: {  	v16 =	vmul.f32 v16, v20;
	v20 =	vld [tilespmem:$0x1F820];
	_ =	sdelay $0x3  }
0x2e4: {  	[tilespmem:$0x1FA10] =	vst v21;
	v21 =	vadd.f32 v12, v0  }
0x2e5: {  	v16 =	vadd.f32 $0.0e+00, v16;
	v20 =	vmul.f32 v20, v37  }
0x2e6: {  	v12 =	vshrl.u32 v21, $0x1;
	v61 =	vmul.f32 $5.000000000e-01, v21;
	v37 =	vld [tilespmem:$0x1F850]  }
0x2e7: {  	v12 =	vsub.s32 $0x5F3759DF, v12;
	v16 =	vadd.f32 v20, v16;
	v20 =	vld [tilespmem:$0x1F840]  }
0x2e8: {  	v0 =	vmul.f32 v12, v61;
	_ =	sdelay $0x1  }
0x2e9: {  	v0 =	vmul.f32 v12, v0;
	_ =	sdelay $0x1  }
0x2ea: {  	v0 =	vsub.f32 $1.500000000e+00, v0;
	v20 =	vmul.f32 v20, v37;
	_ =	sdelay $0x1  }
0x2eb: {  	v0 =	vmul.f32 v12, v0;
	v12 =	vadd.f32 v20, v16;
	v16 =	vld [tilespmem:$0x1F860]  }
0x2ec: {  	v20 =	vld [tilespmem:$0x1F870];
	_ =	sdelay $0x4  }
0x2ed: {  	v16 =	vmul.f32 v16, v20  }
0x2ee: {  	v37 =	vld [tilespmem:$0x1F890]  }
0x2ef: {  	v12 =	vadd.f32 v16, v12;
	v16 =	vld [tilespmem:$0x1F880];
	_ =	sdelay $0x4  }
0x2f0: {  	v16 =	vmul.f32 v16, v37  }
0x2f1: {  	v37 =	vld [tilespmem:$0x1F8B0]  }
0x2f2: {  	[tilespmem:$0x1FA20] =	vst v22;
	v22 =	vadd.f32 v38, v2;
	v12 =	vadd.f32 v16, v12;
	v16 =	vld [tilespmem:$0x1F8A0];
	_ =	sdelay $0x1  }
0x2f3: {  	v39 =	vshrl.u32 v22, $0x1;
	v63 =	vmul.f32 $5.000000000e-01, v22  }
0x2f4: {  	v62 =	vsub.s32 $0x5F3759DF, v39  }
0x2f5: {  	v2 =	vmul.f32 v62, v63  }
0x2f6: {  	v16 =	vmul.f32 v16, v37  }
0x2f7: {  	v2 =	vmul.f32 v62, v2;
	v37 =	vld [tilespmem:$0x1F8D0]  }
0x2f8: {  	v20 =	vmul.f32 v0, v61;
	v12 =	vadd.f32 v16, v12;
	v16 =	vld [tilespmem:$0x1F8C0]  }
0x2f9: {  	v2 =	vsub.f32 $1.500000000e+00, v2  }
0x2fa: {  	v20 =	vmul.f32 v20, v0  }
0x2fb: {  	v2 =	vmul.f32 v62, v2  }
0x2fc: {  	v20 =	vsub.f32 $1.500000000e+00, v20  }
0x2fd: {  	v62 =	vmul.f32 v2, v63;
	v16 =	vmul.f32 v16, v37  }
0x2fe: {  	v0 =	vmul.f32 v20, v0;
	v20 =	vld [tilespmem:$0x1F8F0]  }
0x2ff: {  	v62 =	vmul.f32 v62, v2;
	v12 =	vadd.f32 v16, v12;
	v16 =	vld [tilespmem:$0x1F8E0];
	_ =	sdelay $0x1  }
0x300: {  	v62 =	vsub.f32 $1.500000000e+00, v62;
	_ =	sdelay $0x1  }
0x301: {  	v2 =	vmul.f32 v62, v2  }
0x302: {  	v16 =	vmul.f32 v16, v20  }
0x303: {  	v20 =	vmul.f32 v0, v61;
	v61 =	vmul.f32 v2, v63;
	v63 =	vld [tilespmem:$0x1F910]  }
0x304: {  	v12 =	vadd.f32 v16, v12;
	v16 =	vld [tilespmem:$0x1F900];
	_ =	sdelay $0x4  }
0x305: {  	v16 =	vmul.f32 v16, v63  }
0x306: {  	v63 =	vld [tilespmem:$0x1F930]  }
0x307: {  	v12 =	vadd.f32 v16, v12;
	v16 =	vld [tilespmem:$0x1F920];
	_ =	sdelay $0x4  }
0x308: {  	v16 =	vmul.f32 v16, v63  }
0x309: {  	v39 =	vld [tilespmem:$0x1F950]  }
0x30a: {  	v20 =	vmul.f32 v20, v0;
	v12 =	vadd.f32 v16, v12;
	v16 =	vld [tilespmem:$0x1F940];
	_ =	sdelay $0x1  }
0x30b: {  	v20 =	vsub.f32 $1.500000000e+00, v20  }
0x30c: {  	v33 =	vmul.f32 v35, v33  }
0x30d: {  	v32 =	vmul.f32 v36, v32;
	v0 =	vmul.f32 v20, v0  }
0x30e: {  	v30 =	vmul.f32 v33, v30;
	v16 =	vmul.f32 v16, v39  }
0x30f: {  	v20 =	vmul.f32 v32, v29;
	v0 =	vmul.f32 v0, v21;
	v21 =	vld [tilespmem:$0x1F970]  }
0x310: {  	v62 =	vmul.f32 v61, v2;
	v29 =	vmax.f32 v30, $9.999999960e-13;
	v12 =	vadd.f32 v16, v12;
	v16 =	vld [tilespmem:$0x1F960]  }
0x311: {  	(erf) = vrcp.f32 v29;
	v20 =	vmax.f32 v20, $9.999999960e-13  }
0x312: {  	v38 =	vsub.f32 $1.500000000e+00, v62;
	(erf) = vrcp.f32 v20;
	v20 =	vld [tilespmem:$0x1F980];
	_ =	sdelay $0x1  }
0x313: {  	v2 =	vmul.f32 v38, v2  }
0x314: {  	v16 =	vmul.f32 v16, v21  }
0x315: {  	v1 =	vmul.f32 v1, v9;
	v2 =	vmul.f32 v2, v22  }
0x316: {  	v0 =	vmax.f32 v0, $9.999999960e-13;
	v20 =	vmul.f32 v20, v48;
	v12 =	vadd.f32 v16, v12  }
0x317: {  	v2 =	vmax.f32 v2, $9.999999960e-13;
	(erf) = vrcp.f32 v0;
	v0 =	vadd.f32 v34, v31  }
0x318: {  	(erf) = vrcp.f32 v2;
	v2 =	vmul.f32 v46, v49;
	v9 =	vadd.f32 v20, v12  }
0x319: {  	v0 =	vadd.f32 v1, v0  }
0x31a: {  	v1 =	vmul.f32 v3, v11;
	v3 =	vmul.f32 v47, v50;
	v2 =	vadd.f32 v2, v9;
	_ =	sdelay $0x1  }
0x31b: {  	v2 =	vadd.f32 v3, v2;
	v3 =	vmul.f32 v51, v58;
	_ =	sdelay $0x1  }
0x31c: {  	v9 =	vpop (erf)  }
0x31d: {  	v12 =	vpop (erf)  }
0x31e: {  	v2 =	vadd.f32 v3, v2;
	v3 =	vpop (erf)  }
0x31f: {  	[tilespmem:$0x1FA80] =	vst v3;
	v3 =	vpop (erf)  }
0x320: {  	[tilespmem:$0x1FA90] =	vst v3;
	v3 =	vld [tilespmem:$0x1FF70]  }
0x321: {  	v0 =	vadd.f32 v1, v0;
	v1 =	vmul.f32 v6, v17  }
0x322: {  	s25 =	simm.s32 $0x80;
	v17 =	vlaneseq.u32  }
0x323: {  	v0 =	vadd.f32 v1, v0;
	v1 =	vor.u32 s25, v17;
	v16 =	vmul.f32 v52, v59  }
0x324: {  	v11 =	vand.u32 $0xF8, v1;
	_ =	swait.ge [sflag:s20], $0x1000  }
0x325: {  	v2 =	vadd.f32 v16, v2;
	v16 =	vor.u32 v3, v11;
	v3 =	vld [tilespmem:$0x1FF40];
	_ =	sdelay $0x2  }
0x326: {  	v5 =	vmul.f32 v5, v14;
	_ =	sdelay $0x1  }
0x327: {  	v0 =	vadd.f32 v5, v0;
	v5 =	vor.u32 v3, v11;
	v3 =	vld [tilespmem:$0x1FDB0];
	_ =	sdelay $0x2  }
0x328: {  	v14 =	vmul.f32 v55, v43  }
0x329: {  	v6 =	vshll.u32 v1, $0x5  }
0x32a: {  	v2 =	vadd.f32 v14, v2;
	v14 =	vor.u32 v3, v6;
	v3 =	vld [tilespmem:$0x1FC10];
	_ =	sdelay $0x2  }
0x32b: {  	v4 =	vmul.f32 v4, v13;
	_ =	sdelay $0x1  }
0x32c: {  	v0 =	vadd.f32 v4, v0;
	v4 =	vmul.f32 v7, v15;
	v7 =	vor.u32 v3, v11;
	v3 =	vld [tilespmem:$0x1FDC0];
	_ =	sdelay $0x4  }
0x32d: {  	v20 =	vor.u32 v3, v6;
	v3 =	vld [tilespmem:$0x1FC20];
	_ =	sdelay $0x4  }
0x32e: {  	v0 =	vadd.f32 v4, v0;
	v4 =	vor.u32 v3, v11;
	v3 =	vld [tilespmem:$0x1FF50];
	_ =	sdelay $0x1  }
0x32f: {  	[sflag:s20] =	ssyncset.done $0x0  }
0x330: {  	[sflag:s20] =	ssyncadd.s32 $0xFFFFF000  }
0x331: {  	v55 =	vld.idx.msk [tilespmem:v16+s9+$0x0], $0xffff  }
0x332: {  	v16 =	vor.u32 v3, v6;
	v3 =	vld [tilespmem:$0x1FC30];
	_ =	sdelay $0x1  }
0x333: {  	v13 =	vmul.f32 v56, v44;
	_ =	sdelay $0x1  }
0x334: {  	v2 =	vadd.f32 v13, v2;
	v15 =	vld.idx.msk [tilespmem:v5+s9+$0x0], $0xffff  }
0x335: {  	v13 =	vmul.f32 v57, v40;
	v5 =	vmul.f32 v8, v18;
	v18 =	vor.u32 v3, v11;
	v3 =	vld [tilespmem:$0x1FDD0];
	_ =	sdelay $0x1  }
0x336: {  	v2 =	vadd.f32 v13, v2;
	v13 =	vmul.f32 v53, v60;
	_ =	sdelay $0x1  }
0x337: {  	v8 =	vadd.f32 v13, v2;
	v2 =	vld.idx.msk [tilespmem:v7+s9+$0x0], $0xffff  }
0x338: {  	v7 =	vor.u32 v3, v6;
	v3 =	vld [tilespmem:$0x1FDE0];
	_ =	sdelay $0x4  }
0x339: {  	v57 =	vmul.f32 v9, v12;
	v12 =	vor.u32 v3, v6;
	v3 =	vld [tilespmem:$0x1FC50];
	_ =	sdelay $0x3  }
0x33a: {  	v10 =	vmul.f32 v10, v19;
	v56 =	vld.idx.msk [tilespmem:v14+s12+$0x0], $0xffff  }
0x33b: {  	v14 =	vor.u32 v3, v11;
	v3 =	vld [tilespmem:$0x1FDF0]  }
0x33c: {  	v0 =	vadd.f32 v10, v0;
	v10 =	vmul.f32 v54, v41  }
0x33d: {  	v9 =	vld.idx.msk [tilespmem:v20+s12+$0x0], $0xffff  }
0x33e: {  	v20 =	vadd.f32 v10, v8;
	v8 =	vld.idx.msk [tilespmem:v4+s9+$0x0], $0xffff  }
0x33f: {  	v4 =	vld.idx.msk [tilespmem:v18+s9+$0x0], $0xffff  }
0x340: {  	v18 =	vor.u32 v3, v6;
	v3 =	vld [tilespmem:$0x1FC60];
	_ =	sdelay $0x2  }
0x341: {  	v1 =	vor.u32 v17, v6  }
0x342: {  	v54 =	vadd.f32 v5, v0;
	v0 =	vld [tilespmem:$0x1FC40]  }
0x343: {  	v29 =	vor.u32 v3, v11;
	v3 =	vld [tilespmem:$0x1FE00];
	_ =	sdelay $0x2  }
0x344: {  	v1 =	vld.idx.msk [tilespmem:v1+s12+$0x0], $0xffff  }
0x345: {  	v0 =	vor.u32 v0, v11  }
0x346: {  	v30 =	vor.u32 v3, v6;
	v3 =	vld [tilespmem:$0x1FC70];
	_ =	sdelay $0x1  }
0x347: {  	v5 =	vmul.f32 v55, v55;
	v10 =	vld.idx.msk [tilespmem:v16+s12+$0x0], $0xffff;
	v16 =	vmul.f32 v15, v15  }
0x348: {  	v19 =	vmul.f32 v1, v1;
	v22 =	vmul.f32 v56, v56;
	v13 =	vld.idx.msk [tilespmem:v7+s12+$0x0], $0xffff  }
0x349: {  	v7 =	vadd.f32 v16, v5;
	v5 =	vld.idx.msk [tilespmem:v0+s9+$0x0], $0xffff  }
0x34a: {  	v0 =	vadd.f32 v22, v19;
	v22 =	vor.u32 v3, v11;
	v3 =	vld [tilespmem:$0x1FF60];
	_ =	sdelay $0x4  }
0x34b: {  	v41 =	vor.u32 v3, v6;
	v3 =	vld [tilespmem:$0x1FFA0];
	_ =	sdelay $0x4  }
0x34c: {  	v43 =	vor.u32 v3, v11;
	v3 =	vld [tilespmem:$0x1FE10]  }
0x34d: {  	v16 =	vmul.f32 v2, v2;
	_ =	sdelay $0x1  }
0x34e: {  	v31 =	vmul.f32 v8, v8;
	v16 =	vadd.f32 v16, v7;
	_ =	sdelay $0x1  }
0x34f: {  	v16 =	vadd.f32 v31, v16;
	v31 =	vor.u32 v3, v6;
	v3 =	vld [tilespmem:$0x1FF80];
	_ =	sdelay $0x4  }
0x350: {  	v44 =	vor.u32 v3, v11;
	v3 =	vld [tilespmem:$0x1FE20];
	_ =	sdelay $0x3  }
0x351: {  	v17 =	vld.idx.msk [tilespmem:v22+s9+$0x0], $0xffff  }
0x352: {  	v22 =	vor.u32 v3, v6;
	v3 =	vld [tilespmem:$0x1FF90];
	_ =	sdelay $0x4  }
0x353: {  	v46 =	vor.u32 v3, v11;
	v3 =	vld [tilespmem:$0x1FE30];
	_ =	sdelay $0x4  }
0x354: {  	v48 =	vor.u32 v3, v6;
	v3 =	vld [tilespmem:$0x1FC80];
	_ =	sdelay $0x4  }
0x355: {  	v50 =	vor.u32 v3, v11;
	v3 =	vld [tilespmem:$0x1FE80]  }
0x356: {  	v19 =	vmul.f32 v9, v9;
	v12 =	vld.idx.msk [tilespmem:v12+s12+$0x0], $0xffff  }
0x357: {  	v7 =	vld.idx.msk [tilespmem:v14+s9+$0x0], $0xffff  }
0x358: {  	v21 =	vmul.f32 v45, v42;
	v42 =	vmul.f32 v10, v10;
	v0 =	vadd.f32 v19, v0;
	v14 =	vld.idx.msk [tilespmem:v18+s12+$0x0], $0xffff  }
0x359: {  	v19 =	vld.idx.msk [tilespmem:v29+s9+$0x0], $0xffff  }
0x35a: {  	v0 =	vadd.f32 v42, v0;
	v29 =	vmul.f32 v13, v13;
	v52 =	vor.u32 v3, v6;
	v3 =	vld [tilespmem:$0x1FC90]  }
0x35b: {  	v35 =	vld.idx.msk [tilespmem:v30+s12+$0x0], $0xffff  }
0x35c: {  	v45 =	vmul.f32 v12, v12;
	v0 =	vadd.f32 v29, v0;
	_ =	sdelay $0x1  }
0x35d: {  	v49 =	vmul.f32 v14, v14;
	v0 =	vadd.f32 v45, v0;
	v34 =	vld.idx.msk [tilespmem:v22+s12+$0x0], $0xffff  }
0x35e: {  	v22 =	vor.u32 v3, v11;
	v3 =	vld [tilespmem:$0x1FEA0]  }
0x35f: {  	v0 =	vadd.f32 v49, v0;
	v53 =	vmul.f32 v35, v35  }
0x360: {  	v18 =	vmul.f32 v4, v4  }
0x361: {  	v0 =	vadd.f32 v53, v0;
	v53 =	vld [tilespmem:$0x1FCC0]  }
0x362: {  	v16 =	vadd.f32 v18, v16;
	v18 =	vld.idx.msk [tilespmem:v41+s12+$0x0], $0xffff  }
0x363: {  	v30 =	vmul.f32 v5, v5;
	v59 =	vor.u32 v3, v6;
	v3 =	vld [tilespmem:$0x1FCA0]  }
0x364: {  	[tilespmem:$0x1FA30] =	vst v17;
	v58 =	vmul.f32 v17, v17;
	v17 =	vld [tilespmem:$0x1FCB0]  }
0x365: {  	v16 =	vadd.f32 v30, v16;
	v30 =	vmul.f32 v7, v7;
	v47 =	vld.idx.msk [tilespmem:v43+s9+$0x0], $0xffff  }
0x366: {  	v29 =	vld.idx.msk [tilespmem:v31+s12+$0x0], $0xffff  }
0x367: {  	v16 =	vadd.f32 v30, v16;
	v31 =	vmul.f32 v19, v19;
	v51 =	vld.idx.msk [tilespmem:v44+s9+$0x0], $0xffff  }
0x368: {  	v61 =	vor.u32 v3, v11;
	v3 =	vld [tilespmem:$0x1FED0]  }
0x369: {  	v16 =	vadd.f32 v31, v16;
	v31 =	vld.idx.msk [tilespmem:v46+s9+$0x0], $0xffff  }
0x36a: {  	v38 =	vld.idx.msk [tilespmem:v48+s12+$0x0], $0xffff  }
0x36b: {  	v62 =	vmul.f32 v47, v47;
	v16 =	vadd.f32 v58, v16;
	v30 =	vld.idx.msk [tilespmem:v50+s9+$0x0], $0xffff  }
0x36c: {  	v45 =	vor.u32 v17, v11;
	v17 =	vld.idx.msk [tilespmem:v22+s9+$0x0], $0xffff  }
0x36d: {  	v16 =	vadd.f32 v62, v16;
	[tilespmem:$0x1FA50] =	vst v51;
	v51 =	vmul.f32 v51, v51;
	v22 =	vld [tilespmem:$0x1FF00];
	v63 =	vor.u32 v3, v6  }
0x36e: {  	v60 =	vmul.f32 v18, v18;
	[tilespmem:$0x1FA40] =	vst v47;
	v47 =	vld.idx.msk [tilespmem:v59+s12+$0x0], $0xffff  }
0x36f: {  	v16 =	vadd.f32 v51, v16;
	v58 =	vmul.f32 v31, v31;
	v59 =	vld [tilespmem:$0x1FF30]  }
0x370: {  	v0 =	vadd.f32 v60, v0;
	v50 =	vmul.f32 v29, v29;
	v3 =	vld.idx.msk [tilespmem:v52+s12+$0x0], $0xffff  }
0x371: {  	v16 =	vadd.f32 v58, v16;
	v33 =	vld.idx.msk [tilespmem:v61+s9+$0x0], $0xffff  }
0x372: {  	v0 =	vadd.f32 v50, v0;
	v52 =	vmul.f32 v34, v34;
	v43 =	vld.idx.msk [tilespmem:v63+s12+$0x0], $0xffff;
	v63 =	vmul.f32 v30, v30  }
0x373: {  	v20 =	vadd.f32 v21, v20;
	v22 =	vor.u32 v22, v6;
	v61 =	vld [tilespmem:$0x1FCD0]  }
0x374: {  	v21 =	vmul.f32 v17, v17;
	v0 =	vadd.f32 v52, v0;
	v52 =	vld [tilespmem:$0x1FEB0];
	v16 =	vadd.f32 v63, v16;
	_ =	sdelay $0x1  }
0x375: {  	v46 =	vor.u32 v53, v11;
	v16 =	vadd.f32 v21, v16;
	v21 =	vld [tilespmem:$0x1FEE0]  }
0x376: {  	v60 =	vmul.f32 v38, v38;
	v48 =	vor.u32 v59, v6  }
0x377: {  	v36 =	vld.idx.msk [tilespmem:v45+s9+$0x0], $0xffff;
	v62 =	vor.u32 v61, v11  }
0x378: {  	v44 =	vld.idx.msk [tilespmem:v22+s12+$0x0], $0xffff;
	v0 =	vadd.f32 v60, v0;
	v58 =	vmul.f32 v3, v3;
	v53 =	vor.u32 v52, v6  }
0x379: {  	v61 =	vld [tilespmem:$0x1F990]  }
0x37a: {  	v40 =	vld.idx.msk [tilespmem:v46+s9+$0x0], $0xffff;
	v59 =	vmul.f32 v47, v47;
	v0 =	vadd.f32 v58, v0;
	v21 =	vor.u32 v21, v6  }
0x37b: {  	v46 =	vld.idx.msk [tilespmem:v48+s12+$0x0], $0xffff  }
0x37c: {  	v0 =	vadd.f32 v59, v0;
	v45 =	vld.idx.msk [tilespmem:v62+s9+$0x0], $0xffff;
	v62 =	vmul.f32 v43, v43  }
0x37d: {  	v48 =	vld.idx.msk [tilespmem:v53+s12+$0x0], $0xffff  }
0x37e: {  	v59 =	vmul.f32 v44, v44;
	v27 =	vmul.f32 v61, v27;
	v0 =	vadd.f32 v62, v0  }
0x37f: {  	v60 =	vmul.f32 v33, v33;
	v50 =	vld.idx.msk [tilespmem:v21+s12+$0x0], $0xffff  }
0x380: {  	v22 =	vld [tilespmem:$0x1FCE0];
	v20 =	vadd.f32 v27, v20;
	v27 =	vmul.f32 v46, v46;
	v0 =	vadd.f32 v59, v0  }
0x381: {  	v41 =	vld [tilespmem:$0x1FF10];
	v39 =	vmul.f32 v36, v36  }
0x382: {  	v16 =	vadd.f32 v60, v16;
	v60 =	vld [tilespmem:$0x1F9A0];
	v0 =	vadd.f32 v27, v0;
	v61 =	vmul.f32 v48, v48  }
0x383: {  	v63 =	vld [tilespmem:$0x1FCF0]  }
0x384: {  	v16 =	vadd.f32 v39, v16;
	v0 =	vadd.f32 v61, v0;
	v39 =	vmul.f32 v50, v50  }
0x385: {  	v22 =	vor.u32 v22, v11  }
0x386: {  	v32 =	vadd.f32 v39, v0;
	v0 =	vld [tilespmem:$0x1FD20]  }
0x387: {  	v62 =	vld [tilespmem:$0x1F9C0];
	v24 =	vmul.f32 v60, v24  }
0x388: {  	v42 =	vor.u32 v41, v6;
	v37 =	vor.u32 v63, v11;
	v63 =	vld [tilespmem:$0x1FD10]  }
0x389: {  	v20 =	vadd.f32 v24, v20;
	v24 =	vld [tilespmem:$0x1F9B0]  }
0x38a: {  	v49 =	vld.idx.msk [tilespmem:v22+s9+$0x0], $0xffff  }
0x38b: {  	[tilespmem:$0x1FAA0] =	vst v33;
	v22 =	vmul.f32 v40, v40;
	v33 =	vor.u32 v0, v11;
	v0 =	vld [tilespmem:$0x1FB60];
	_ =	sdelay $0x1  }
0x38c: {  	v53 =	vld.idx.msk [tilespmem:v42+s12+$0x0], $0xffff;
	v16 =	vadd.f32 v22, v16;
	v27 =	vmul.f32 v45, v45  }
0x38d: {  	[tilespmem:$0x1FAD0] =	vst v36;
	v42 =	vmul.f32 v57, v54;
	v36 =	vor.u32 v63, v11;
	v63 =	vld [tilespmem:$0x1F9E0];
	v24 =	vmul.f32 v24, v62  }
0x38e: {  	v16 =	vadd.f32 v27, v16;
	v27 =	vld [tilespmem:$0x1FE50]  }
0x38f: {  	v20 =	vadd.f32 v24, v20;
	v24 =	vld [tilespmem:$0x1F9D0];
	v0 =	vadd.f32 v42, v0  }
0x390: {  	v21 =	vld [tilespmem:$0x1FD00]  }
0x391: {  	[tilespmem:$0x1FAB0] =	vst v0;
	v0 =	vld [tilespmem:$0x1FE70];
	_ =	sdelay $0x1  }
0x392: {  	v22 =	vld [tilespmem:$0x1FE40]  }
0x393: {  	v27 =	vor.u32 v27, v6;
	v24 =	vmul.f32 v24, v63  }
0x394: {  	v41 =	vld [tilespmem:$0x1FFB0];
	v21 =	vor.u32 v21, v11  }
0x395: {  	v20 =	vadd.f32 v24, v20;
	v24 =	vor.u32 v0, v6;
	v0 =	vld [tilespmem:$0x1F9F0];
	_ =	sdelay $0x1  }
0x396: {  	v22 =	vor.u32 v22, v6  }
0x397: {  	v59 =	vld.idx.msk [tilespmem:v27+s12+$0x0], $0xffff  }
0x398: {  	v52 =	vld.idx.msk [tilespmem:v21+s9+$0x0], $0xffff;
	v21 =	vor.u32 v41, v11  }
0x399: {  	v27 =	vmul.f32 v0, v28;
	v0 =	vld [tilespmem:$0x1FD30];
	_ =	sdelay $0x1  }
0x39a: {  	v57 =	vld.idx.msk [tilespmem:v22+s12+$0x0], $0xffff  }
0x39b: {  	v22 =	vld [tilespmem:$0x1FE60]  }
0x39c: {  	v58 =	vld.idx.msk [tilespmem:v21+s9+$0x0], $0xffff  }
0x39d: {  	v21 =	vor.u32 v0, v11;
	v0 =	vld [tilespmem:$0x1FE90];
	_ =	sdelay $0x1  }
0x39e: {  	v51 =	vld.idx.msk [tilespmem:v37+s9+$0x0], $0xffff  }
0x39f: {  	v22 =	vor.u32 v22, v6;
	_ =	sdelay $0x1  }
0x3a0: {  	v37 =	vmul.f32 v49, v49;
	v20 =	vadd.f32 v27, v20;
	v27 =	vor.u32 v0, v6;
	v0 =	vld [tilespmem:$0x1FD40];
	_ =	sdelay $0x1  }
0x3a1: {  	v16 =	vadd.f32 v37, v16;
	v54 =	vld.idx.msk [tilespmem:v36+s9+$0x0], $0xffff;
	v36 =	vmul.f32 v51, v51  }
0x3a2: {  	v37 =	vmul.f32 v53, v53;
	v60 =	vld.idx.msk [tilespmem:v22+s12+$0x0], $0xffff  }
0x3a3: {  	v15 =	vmul.f32 v15, v56;
	v16 =	vadd.f32 v36, v16;
	v39 =	vmul.f32 v57, v57;
	v56 =	vld.idx.msk [tilespmem:v24+s12+$0x0], $0xffff  }
0x3a4: {  	v22 =	vmul.f32 v52, v52;
	v28 =	vadd.f32 v37, v32;
	v24 =	vor.u32 v0, v11;
	v0 =	vld [tilespmem:$0x1FEC0]  }
0x3a5: {  	v19 =	vmul.f32 v19, v35  }
0x3a6: {  	v35 =	vld [tilespmem:$0x1FFF0];
	v42 =	vmul.f32 v59, v59;
	v16 =	vadd.f32 v22, v16;
	v22 =	vadd.f32 v39, v28  }
0x3a7: {  	v1 =	vmul.f32 v55, v1;
	v62 =	vld [tilespmem:$0x1FFD0];
	v28 =	vmul.f32 v54, v54  }
0x3a8: {  	v22 =	vadd.f32 v42, v22;
	v42 =	vld [tilespmem:$0x1FD60]  }
0x3a9: {  	v16 =	vadd.f32 v28, v16;
	v28 =	vadd.f32 $0.0e+00, v1;
	v32 =	vor.u32 v0, v6;
	v0 =	vld [tilespmem:$0x1FD50]  }
0x3aa: {  	v63 =	vld [tilespmem:$0x1FFC0]  }
0x3ab: {  	v25 =	vmul.f32 v25, v26;
	v26 =	vmul.f32 v2, v9;
	v55 =	vld.idx.msk [tilespmem:v33+s9+$0x0], $0xffff;
	v15 =	vadd.f32 v15, v28  }
0x3ac: {  	v33 =	vmul.f32 v60, v60;
	v1 =	vld.idx.msk [tilespmem:v21+s9+$0x0], $0xffff;
	v21 =	vmul.f32 v58, v58  }
0x3ad: {  	v15 =	vadd.f32 v26, v15;
	v26 =	vor.u32 v42, v11;
	v9 =	vld.idx.msk [tilespmem:v27+s12+$0x0], $0xffff  }
0x3ae: {  	v16 =	vadd.f32 v21, v16;
	v21 =	vadd.f32 v33, v22;
	v22 =	vor.u32 v0, v11;
	v0 =	vld [tilespmem:$0x1FEF0]  }
0x3af: {  	v37 =	vld [tilespmem:$0x1FF20]  }
0x3b0: {  	v8 =	vmul.f32 v8, v10;
	v28 =	vmul.f32 v56, v56;
	v10 =	vld.idx.msk [tilespmem:v32+s12+$0x0], $0xffff  }
0x3b1: {  	v39 =	vld [tilespmem:$0x1FD70];
	v27 =	vmul.f32 v55, v55  }
0x3b2: {  	v13 =	vmul.f32 v4, v13;
	v21 =	vadd.f32 v28, v21;
	v4 =	vld.idx.msk [tilespmem:v26+s9+$0x0], $0xffff;
	v36 =	vmul.f32 v1, v1  }
0x3b3: {  	v16 =	vadd.f32 v27, v16;
	v2 =	vld.idx.msk [tilespmem:v24+s9+$0x0], $0xffff;
	v32 =	vmul.f32 v9, v9;
	v24 =	vor.u32 v0, v6  }
0x3b4: {  	v20 =	vadd.f32 v25, v20;
	v25 =	vadd.f32 v8, v15;
	v8 =	vld.idx.msk [tilespmem:v22+s9+$0x0], $0xffff;
	v22 =	vor.u32 v63, v6  }
0x3b5: {  	v16 =	vadd.f32 v36, v16;
	v36 =	vld [tilespmem:$0x1FD80];
	v21 =	vadd.f32 v32, v21;
	v33 =	vmul.f32 v10, v10  }
0x3b6: {  	v12 =	vmul.f32 v5, v12;
	v27 =	vor.u32 v37, v6;
	v32 =	vld [tilespmem:$0x1FDA0]  }
0x3b7: {  	v25 =	vadd.f32 v13, v25;
	v28 =	vor.u32 v39, v11;
	v21 =	vadd.f32 v33, v21;
	v33 =	vld [tilespmem:$0x1FD90]  }
0x3b8: {  	v15 =	vld.idx.msk [tilespmem:v24+s12+$0x0], $0xffff  }
0x3b9: {  	v25 =	vadd.f32 v12, v25;
	v12 =	vld.idx.msk [tilespmem:v22+s12+$0x0], $0xffff  }
0x3ba: {  	v26 =	vmul.f32 v2, v2;
	v24 =	vor.u32 v36, v11;
	v22 =	vmul.f32 v7, v14;
	v7 =	vld [tilespmem:$0x1FA00]  }
0x3bb: {  	v13 =	vld.idx.msk [tilespmem:v27+s12+$0x0], $0xffff;
	v27 =	vor.u32 v62, v6  }
0x3bc: {  	v5 =	vld.idx.msk [tilespmem:v28+s9+$0x0], $0xffff;
	v16 =	vadd.f32 v26, v16;
	v26 =	vor.u32 v33, v11;
	v22 =	vadd.f32 v22, v25  }
0x3bd: {  	v0 =	vld [tilespmem:$0x1FFE0];
	v28 =	vor.u32 v32, v11  }
0x3be: {  	v22 =	vadd.f32 v19, v22;
	v19 =	vld [tilespmem:$0x1FA30];
	v14 =	vmul.f32 v15, v15  }
0x3bf: {  	v11 =	vmul.f32 v8, v8;
	v23 =	vmul.f32 v7, v23;
	v7 =	vld.idx.msk [tilespmem:v24+s9+$0x0], $0xffff  }
0x3c0: {  	v21 =	vadd.f32 v14, v21;
	v14 =	vld.idx.msk [tilespmem:v27+s12+$0x0], $0xffff  }
0x3c1: {  	v16 =	vadd.f32 v11, v16;
	v24 =	vmul.f32 v4, v4;
	v11 =	vld.idx.msk [tilespmem:v26+s9+$0x0], $0xffff  }
0x3c2: {  	v61 =	vor.u32 v0, v6;
	v27 =	vor.u32 v35, v6;
	v6 =	vld.idx.msk [tilespmem:v28+s9+$0x0], $0xffff  }
0x3c3: {  	v16 =	vadd.f32 v24, v16;
	v24 =	vmul.f32 v5, v5;
	v26 =	vld [tilespmem:$0x1FA10];
	v18 =	vmul.f32 v19, v18  }
0x3c4: {  	v28 =	vld [tilespmem:$0x1FA20]  }
0x3c5: {  	v16 =	vadd.f32 v24, v16;
	v24 =	vmul.f32 v7, v7;
	v22 =	vadd.f32 v18, v22;
	v18 =	vld [tilespmem:$0x1FA40]  }
0x3c6: {  	v25 =	vmul.f32 v13, v13  }
0x3c7: {  	v16 =	vadd.f32 v24, v16;
	v24 =	vld [tilespmem:$0x1FA50]  }
0x3c8: {  	v21 =	vadd.f32 v25, v21;
	v25 =	vmul.f32 v12, v12  }
0x3c9: {  	v20 =	vadd.f32 v23, v20  }
0x3ca: {  	v21 =	vadd.f32 v25, v21;
	v26 =	vmul.f32 v26, v28;
	v25 =	vmul.f32 v18, v29  }
0x3cb: {  	v19 =	vld.idx.msk [tilespmem:v61+s12+$0x0], $0xffff;
	v23 =	vmul.f32 v11, v11  }
0x3cc: {  	v20 =	vadd.f32 v26, v20;
	v26 =	vld [tilespmem:$0x1FA60];
	v24 =	vmul.f32 v24, v34;
	v22 =	vadd.f32 v25, v22  }
0x3cd: {  	v16 =	vadd.f32 v23, v16;
	v23 =	vmul.f32 v6, v6;
	v18 =	vld.idx.msk [tilespmem:v27+s12+$0x0], $0xffff  }
0x3ce: {  	v28 =	vmul.f32 v14, v14;
	v27 =	vld [tilespmem:$0x1FA70];
	v22 =	vadd.f32 v24, v22;
	v24 =	vmul.f32 v31, v38  }
0x3cf: {  	v29 =	vadd.f32 v23, v16;
	v16 =	vmul.f32 v30, v3;
	v3 =	vld [tilespmem:$0x1FA80]  }
0x3d0: {  	v21 =	vadd.f32 v28, v21;
	v25 =	vmul.f32 v19, v19;
	v22 =	vadd.f32 v24, v22;
	v24 =	vld [tilespmem:$0x1FA90];
	_ =	sdelay $0x1  }
0x3d1: {  	v21 =	vadd.f32 v25, v21;
	v23 =	vmul.f32 v18, v18  }
0x3d2: {  	v26 =	vmul.f32 v26, v27  }
0x3d3: {  	v30 =	vadd.f32 v23, v21;
	v23 =	vld [tilespmem:$0x1FAB0]  }
0x3d4: {  	v20 =	vadd.f32 v26, v20;
	v3 =	vmul.f32 v3, v24  }
0x3d5: {  	v16 =	vadd.f32 v16, v22;
	v22 =	vld [tilespmem:$0x1FAA0]  }
0x3d6: {  	v3 =	vmul.f32 v3, v20  }
0x3d7: {  	v17 =	vmul.f32 v17, v47;
	v21 =	vshrl.u32 v29, $0x1;
	v61 =	vmul.f32 $5.000000000e-01, v30  }
0x3d8: {  	v20 =	vsub.s32 $0x5F3759DF, v21;
	v21 =	vshrl.u32 v30, $0x1;
	v3 =	vadd.f32 v3, v23  }
0x3d9: {  	v21 =	vsub.s32 $0x5F3759DF, v21  }
0x3da: {  	v16 =	vadd.f32 v17, v16;
	v22 =	vmul.f32 v22, v43;
	[tilespmem:$0x1FAC0] =	vst v3;
	v3 =	vmul.f32 v21, v61  }
0x3db: {  	s31 =	simm.s32 $0x90;
	v43 =	vlaneseq.u32  }
0x3dc: {  	v23 =	vor.u32 s31, v43;
	v16 =	vadd.f32 v22, v16;
	v22 =	vmul.f32 v21, v3;
	v3 =	vld [tilespmem:$0x1FAD0]  }
0x3dd: {  	v24 =	vshll.u32 v23, $0x5  }
0x3de: {  	v27 =	vand.u32 $0xF8, v23;
	v0 =	vor.u32 v0, v24  }
0x3df: {  	[tilespmem:$0x1FAF0] =	vst v0;
	v0 =	vor.u32 v32, v27  }
0x3e0: {  	[tilespmem:$0x1FB00] =	vst v0;
	v0 =	vor.u32 v62, v24  }
0x3e1: {  	[tilespmem:$0x1FB10] =	vst v0;
	v0 =	vor.u32 v33, v27;
	v22 =	vsub.f32 $1.500000000e+00, v22;
	v25 =	vmul.f32 v3, v44  }
0x3e2: {  	[tilespmem:$0x1FB20] =	vst v0;
	v0 =	vld [tilespmem:$0x1FF80]  }
0x3e3: {  	v26 =	vmul.f32 v40, v46;
	v46 =	vmul.f32 v21, v22;
	v25 =	vadd.f32 v25, v16  }
0x3e4: {  	v31 =	vmul.f32 $5.000000000e-01, v29  }
0x3e5: {  	v22 =	vadd.f32 v26, v25;
	v26 =	vmul.f32 v46, v61  }
0x3e6: {  	v47 =	vmul.f32 v49, v50;
	v17 =	vmul.f32 v20, v31  }
0x3e7: {  	v49 =	vmul.f32 v26, v46;
	v26 =	vor.u32 v39, v27;
	v39 =	vor.u32 v0, v27;
	v0 =	vld [tilespmem:$0x1FF90]  }
0x3e8: {  	v17 =	vmul.f32 v20, v17;
	_ =	sdelay $0x1  }
0x3e9: {  	v23 =	vsub.f32 $1.500000000e+00, v17;
	v38 =	vsub.f32 $1.500000000e+00, v49;
	_ =	sdelay $0x1  }
0x3ea: {  	v44 =	vmul.f32 v20, v23;
	v32 =	vmul.f32 v38, v46;
	v38 =	vor.u32 v0, v27;
	v0 =	vld [tilespmem:$0x1FF60];
	_ =	sdelay $0x1  }
0x3eb: {  	v25 =	vmul.f32 v44, v31;
	_ =	sdelay $0x1  }
0x3ec: {  	v23 =	vmul.f32 v45, v48;
	v48 =	vmul.f32 v25, v44  }
0x3ed: {  	v25 =	vor.u32 v37, v24;
	v37 =	vor.u32 v41, v27;
	v41 =	vor.u32 v0, v24;
	v0 =	vld [tilespmem:$0x1FFA0];
	_ =	sdelay $0x4  }
0x3ee: {  	v40 =	vor.u32 v0, v27;
	v0 =	vld [tilespmem:$0x1FF50]  }
0x3ef: {  	v28 =	vadd.f32 v23, v22;
	_ =	sdelay $0x1  }
0x3f0: {  	v50 =	vmul.f32 v51, v53;
	v28 =	vadd.f32 v47, v28;
	_ =	sdelay $0x1  }
0x3f1: {  	v51 =	vadd.f32 v50, v28;
	v28 =	vor.u32 v42, v27;
	v42 =	vor.u32 v0, v24;
	v0 =	vld [tilespmem:$0x1FF70];
	_ =	sdelay $0x1  }
0x3f2: {  	v23 =	vor.u32 v36, v27;
	v36 =	vsub.f32 $1.500000000e+00, v48  }
0x3f3: {  	v53 =	vmul.f32 v52, v57  }
0x3f4: {  	v33 =	vmul.f32 v36, v44  }
0x3f5: {  	v59 =	vmul.f32 v54, v59;
	v57 =	vadd.f32 v53, v51;
	v45 =	vor.u32 v0, v27;
	v0 =	vld [tilespmem:$0x1FF40]  }
0x3f6: {  	v31 =	vmul.f32 v33, v31;
	v34 =	vmul.f32 v32, v61  }
0x3f7: {  	v3 =	vor.u32 v35, v24;
	v61 =	vmul.f32 v58, v60;
	v35 =	vadd.f32 v59, v57  }
0x3f8: {  	v22 =	vor.u32 v63, v24;
	v62 =	vmul.f32 v31, v33;
	v63 =	vmul.f32 v34, v32  }
0x3f9: {  	v43 =	vor.u32 v43, v24;
	v34 =	vmul.f32 v55, v56;
	v31 =	vadd.f32 v61, v35  }
0x3fa: {  	s25 =	simm.s32 $0xA0;
	[tilespmem:$0x1FAE0] =	vst v3;
	v35 =	vsub.f32 $1.500000000e+00, v62;
	v36 =	vsub.f32 $1.500000000e+00, v63;
	v44 =	vor.u32 v0, v27  }
.LBB2_4:
0x3fb: {  	v0 =	vld [tilespmem:$0x1FDB0];
	_ =	sdelay $0x4  }
0x3fc: {  	v48 =	vor.u32 v0, v24;
	v0 =	vld [tilespmem:$0x1FC10];
	_ =	sdelay $0x4  }
0x3fd: {  	v49 =	vor.u32 v0, v27;
	v0 =	vld [tilespmem:$0x1FDC0];
	_ =	sdelay $0x2  }
0x3fe: {  	v1 =	vmul.f32 v1, v9;
	v31 =	vadd.f32 v34, v31;
	_ =	sdelay $0x1  }
0x3ff: {  	v1 =	vadd.f32 v1, v31;
	v31 =	vor.u32 v0, v24;
	v0 =	vld [tilespmem:$0x1FC20];
	_ =	sdelay $0x4  }
0x400: {  	v51 =	vor.u32 v0, v27;
	v0 =	vld [tilespmem:$0x1FC30]  }
0x401: {  	v9 =	vmul.f32 v35, v33;
	_ =	sdelay $0x1  }
0x402: {  	v10 =	vmul.f32 v2, v10;
	v29 =	vmul.f32 v9, v29  }
0x403: {  	v50 =	vmul.f32 v36, v32  }
0x404: {  	v1 =	vadd.f32 v10, v1;
	v10 =	vmax.f32 v29, $9.999999960e-13;
	v29 =	vor.u32 v0, v27;
	v0 =	vld [tilespmem:$0x1FDD0];
	_ =	sdelay $0x1  }
0x405: {  	v30 =	vmul.f32 v50, v30;
	_ =	sdelay $0x1  }
0x406: {  	v30 =	vmax.f32 v30, $9.999999960e-13;
	(erf) = vrcp.f32 v10  }
0x407: {  	(erf) = vrcp.f32 v30;
	v30 =	vor.u32 v0, v24;
	v0 =	vld [tilespmem:$0x1FE00];
	_ =	sdelay $0x4  }
0x408: {  	v52 =	vor.u32 v0, v24;
	v0 =	vld [tilespmem:$0x1FC70];
	_ =	sdelay $0x4  }
0x409: {  	v53 =	vor.u32 v0, v27;
	v0 =	vld [tilespmem:$0x1FC40];
	_ =	sdelay $0x4  }
0x40a: {  	v54 =	vor.u32 v0, v27;
	v0 =	vld [tilespmem:$0x1FDE0]  }
0x40b: {  	v15 =	vmul.f32 v8, v15;
	_ =	sdelay $0x1  }
0x40c: {  	v1 =	vadd.f32 v15, v1;
	v15 =	vmul.f32 v4, v13;
	_ =	sdelay $0x1  }
0x40d: {  	v1 =	vadd.f32 v15, v1;
	v15 =	vor.u32 v0, v24;
	v0 =	vld [tilespmem:$0x1FC50];
	_ =	sdelay $0x4  }
0x40e: {  	v55 =	vor.u32 v0, v27;
	v0 =	vld [tilespmem:$0x1FC60];
	_ =	sdelay $0x4  }
0x40f: {  	v56 =	vor.u32 v0, v27;
	v0 =	vld [tilespmem:$0x1FDF0];
	_ =	sdelay $0x3  }
0x410: {  	v14 =	vmul.f32 v7, v14;
	v7 =	vld.idx.msk [tilespmem:v29+s9+$0x0], $0xffff  }
0x411: {  	v29 =	vor.u32 v0, v24;
	v0 =	vld [tilespmem:$0x1FE10];
	_ =	sdelay $0x2  }
0x412: {  	v12 =	vmul.f32 v5, v12  }
0x413: {  	v10 =	vld.idx.msk [tilespmem:v48+s12+$0x0], $0xffff  }
0x414: {  	v1 =	vadd.f32 v12, v1;
	v48 =	vor.u32 v0, v24;
	v0 =	vld [tilespmem:$0x1FE20]  }
0x415: {  	v8 =	vld.idx.msk [tilespmem:v44+s9+$0x0], $0xffff  }
0x416: {  	v19 =	vmul.f32 v11, v19;
	v9 =	vld.idx.msk [tilespmem:v45+s9+$0x0], $0xffff;
	v1 =	vadd.f32 v14, v1  }
0x417: {  	v4 =	vld.idx.msk [tilespmem:v49+s9+$0x0], $0xffff  }
0x418: {  	v18 =	vmul.f32 v6, v18;
	v1 =	vadd.f32 v19, v1;
	v14 =	vld.idx.msk [tilespmem:v15+s12+$0x0], $0xffff;
	v15 =	vpop (erf)  }
0x419: {  	v47 =	vpop (erf);
	v50 =	vor.u32 v0, v24;
	v0 =	vld [tilespmem:$0x1FAC0]  }
0x41a: {  	v1 =	vadd.f32 v18, v1;
	v15 =	vmul.f32 v15, v47  }
0x41b: {  	v57 =	vmul.f32 v8, v8;
	v5 =	vld.idx.msk [tilespmem:v51+s9+$0x0], $0xffff  }
0x41c: {  	v11 =	vmul.f32 v9, v9;
	v1 =	vmul.f32 v15, v1;
	_ =	sdelay $0x1  }
0x41d: {  	v59 =	vmul.f32 v4, v4;
	v12 =	vld.idx.msk [tilespmem:v30+s12+$0x0], $0xffff;
	v30 =	vadd.f32 v57, v11;
	v0 =	vadd.f32 v1, v0;
	_ =	sdelay $0x1  }
0x41e: {  	v62 =	vmul.f32 v5, v5;
	v30 =	vadd.f32 v59, v30;
	[tilespmem:$0x1FAC0] =	vst v0;
	v0 =	vld [tilespmem:$0x1FE30];
	_ =	sdelay $0x1  }
0x41f: {  	v19 =	vld.idx.msk [tilespmem:v29+s12+$0x0], $0xffff;
	v29 =	vadd.f32 v62, v30;
	v30 =	vmul.f32 v7, v7;
	_ =	sdelay $0x1  }
0x420: {  	v15 =	vadd.f32 v30, v29;
	v29 =	vld.idx.msk [tilespmem:v53+s9+$0x0], $0xffff  }
0x421: {  	v53 =	vor.u32 v0, v24;
	v0 =	vld [tilespmem:$0x1FC80];
	_ =	sdelay $0x3  }
0x422: {  	v18 =	vld.idx.msk [tilespmem:v56+s9+$0x0], $0xffff  }
0x423: {  	v56 =	vor.u32 v0, v27;
	v0 =	vld [tilespmem:$0x1FE80];
	_ =	sdelay $0x4  }
0x424: {  	v57 =	vor.u32 v0, v24;
	v0 =	vld [tilespmem:$0x1FC90];
	_ =	sdelay $0x4  }
0x425: {  	v59 =	vor.u32 v0, v27;
	v0 =	vld [tilespmem:$0x1FEA0];
	_ =	sdelay $0x4  }
0x426: {  	v46 =	vor.u32 v0, v24;
	v0 =	vld [tilespmem:$0x1FCA0];
	_ =	sdelay $0x1  }
0x427: {  	v2 =	vld.idx.msk [tilespmem:v43+s12+$0x0], $0xffff;
	_ =	sdelay $0x1  }
0x428: {  	v13 =	vld.idx.msk [tilespmem:v31+s12+$0x0], $0xffff  }
0x429: {  	v47 =	vor.u32 v0, v27;
	v0 =	vld [tilespmem:$0x1FED0]  }
0x42a: {  	v32 =	vld.idx.msk [tilespmem:v42+s12+$0x0], $0xffff  }
0x42b: {  	v43 =	vmul.f32 v2, v2;
	v58 =	vmul.f32 v10, v10  }
0x42c: {  	v31 =	vld.idx.msk [tilespmem:v37+s9+$0x0], $0xffff  }
0x42d: {  	v60 =	vadd.f32 v58, v43;
	v61 =	vmul.f32 v13, v13;
	v37 =	vld.idx.msk [tilespmem:v48+s12+$0x0], $0xffff  }
0x42e: {  	v48 =	vor.u32 v0, v24;
	v0 =	vld [tilespmem:$0x1FCB0]  }
0x42f: {  	v63 =	vmul.f32 v32, v32;
	v35 =	vadd.f32 v61, v60;
	_ =	sdelay $0x1  }
0x430: {  	v35 =	vadd.f32 v63, v35;
	v49 =	vmul.f32 v12, v12;
	_ =	sdelay $0x1  }
0x431: {  	v51 =	vadd.f32 v49, v35;
	v49 =	vor.u32 v0, v27;
	v0 =	vld [tilespmem:$0x1FF00];
	_ =	sdelay $0x2  }
0x432: {  	v33 =	vld.idx.msk [tilespmem:v52+s12+$0x0], $0xffff;
	v52 =	vmul.f32 v14, v14  }
0x433: {  	v11 =	vld.idx.msk [tilespmem:v54+s9+$0x0], $0xffff  }
0x434: {  	v54 =	vadd.f32 v52, v51;
	v51 =	vor.u32 v0, v24;
	v0 =	vld [tilespmem:$0x1FCC0];
	_ =	sdelay $0x1  }
0x435: {  	v34 =	vld.idx.msk [tilespmem:v39+s9+$0x0], $0xffff  }
0x436: {  	v39 =	vld.idx.msk [tilespmem:v50+s12+$0x0], $0xffff  }
0x437: {  	v50 =	vld.idx.msk [tilespmem:v59+s9+$0x0], $0xffff  }
0x438: {  	v59 =	vor.u32 v0, v27;
	v0 =	vld [tilespmem:$0x1FF30]  }
0x439: {  	v35 =	vld.idx.msk [tilespmem:v41+s12+$0x0], $0xffff  }
0x43a: {  	v6 =	vld.idx.msk [tilespmem:v55+s9+$0x0], $0xffff;
	v55 =	vmul.f32 v19, v19;
	_ =	sdelay $0x1  }
0x43b: {  	v58 =	vmul.f32 v33, v33;
	v41 =	vadd.f32 v55, v54  }
0x43c: {  	v52 =	vor.u32 v0, v24;
	v0 =	vld [tilespmem:$0x1FCD0]  }
0x43d: {  	v60 =	vmul.f32 v35, v35;
	v41 =	vadd.f32 v58, v41;
	_ =	sdelay $0x1  }
0x43e: {  	v61 =	vmul.f32 v37, v37;
	v41 =	vadd.f32 v60, v41;
	_ =	sdelay $0x1  }
0x43f: {  	v62 =	vadd.f32 v61, v41;
	v61 =	vor.u32 v0, v27;
	v0 =	vld [tilespmem:$0x1FEB0];
	_ =	sdelay $0x2  }
0x440: {  	v63 =	vmul.f32 v39, v39;
	_ =	sdelay $0x1  }
0x441: {  	v43 =	vadd.f32 v63, v62;
	v62 =	vor.u32 v0, v24;
	v0 =	vld [tilespmem:$0x1FCE0];
	_ =	sdelay $0x4  }
0x442: {  	v55 =	vor.u32 v0, v27;
	v0 =	vld [tilespmem:$0x1FEE0];
	_ =	sdelay $0x3  }
0x443: {  	v44 =	vld.idx.msk [tilespmem:v57+s12+$0x0], $0xffff  }
0x444: {  	v57 =	vor.u32 v0, v24;
	v0 =	vld [tilespmem:$0x1FCF0];
	_ =	sdelay $0x1  }
0x445: {  	v41 =	vld.idx.msk [tilespmem:v47+s9+$0x0], $0xffff  }
0x446: {  	v47 =	vld.idx.msk [tilespmem:v51+s12+$0x0], $0xffff  }
0x447: {  	v51 =	vld.idx.msk [tilespmem:v52+s12+$0x0], $0xffff  }
0x448: {  	v52 =	vor.u32 v0, v27;
	v0 =	vld [tilespmem:$0x1FF10];
	_ =	sdelay $0x3  }
0x449: {  	v30 =	vmul.f32 v11, v11  }
0x44a: {  	v58 =	vor.u32 v0, v24;
	v0 =	vld [tilespmem:$0x1FD00]  }
0x44b: {  	v36 =	vld.idx.msk [tilespmem:v38+s9+$0x0], $0xffff;
	v1 =	vadd.f32 v30, v15;
	v15 =	vmul.f32 v6, v6  }
0x44c: {  	v30 =	vld.idx.msk [tilespmem:v40+s9+$0x0], $0xffff  }
0x44d: {  	v1 =	vadd.f32 v15, v1;
	v15 =	vmul.f32 v18, v18;
	v38 =	vld.idx.msk [tilespmem:v53+s12+$0x0], $0xffff  }
0x44e: {  	v42 =	vld.idx.msk [tilespmem:v49+s9+$0x0], $0xffff  }
0x44f: {  	v1 =	vadd.f32 v15, v1;
	v15 =	vmul.f32 v29, v29;
	v49 =	vor.u32 v0, v27;
	v0 =	vld [tilespmem:$0x1FE40];
	_ =	sdelay $0x1  }
0x450: {  	v1 =	vadd.f32 v15, v1;
	v15 =	vmul.f32 v30, v30  }
0x451: {  	v40 =	vld.idx.msk [tilespmem:v56+s9+$0x0], $0xffff;
	v60 =	vmul.f32 v38, v38  }
0x452: {  	v1 =	vadd.f32 v15, v1;
	v15 =	vmul.f32 v34, v34  }
0x453: {  	v53 =	vadd.f32 v60, v43;
	v60 =	vor.u32 v0, v24;
	v0 =	vld [tilespmem:$0x1FD10]  }
0x454: {  	v1 =	vadd.f32 v15, v1;
	v15 =	vmul.f32 v36, v36;
	v56 =	vld.idx.msk [tilespmem:v46+s12+$0x0], $0xffff  }
0x455: {  	v45 =	vld.idx.msk [tilespmem:v48+s12+$0x0], $0xffff  }
0x456: {  	v1 =	vadd.f32 v15, v1;
	v15 =	vmul.f32 v40, v40;
	v48 =	vld.idx.msk [tilespmem:v55+s9+$0x0], $0xffff  }
0x457: {  	v55 =	vld.idx.msk [tilespmem:v57+s12+$0x0], $0xffff  }
0x458: {  	v1 =	vadd.f32 v15, v1;
	v15 =	vmul.f32 v50, v50;
	v57 =	vor.u32 v0, v27;
	v0 =	vld [tilespmem:$0x1FE50]  }
0x459: {  	v54 =	vmul.f32 v44, v44;
	v43 =	vld.idx.msk [tilespmem:v59+s9+$0x0], $0xffff  }
0x45a: {  	v3 =	vld [tilespmem:$0x1FD30];
	v1 =	vadd.f32 v15, v1;
	v15 =	vmul.f32 v41, v41  }
0x45b: {  	v53 =	vadd.f32 v54, v53;
	v63 =	vmul.f32 v56, v56;
	v46 =	vld.idx.msk [tilespmem:v61+s9+$0x0], $0xffff  }
0x45c: {  	v16 =	vld [tilespmem:$0x1FE70];
	v1 =	vadd.f32 v15, v1;
	v15 =	vmul.f32 v42, v42  }
0x45d: {  	v54 =	vadd.f32 v63, v53;
	v59 =	vmul.f32 v45, v45;
	v61 =	vor.u32 v0, v24;
	v0 =	vld [tilespmem:$0x1FD20]  }
0x45e: {  	v1 =	vadd.f32 v15, v1;
	v15 =	vmul.f32 v43, v43;
	v53 =	vld.idx.msk [tilespmem:v62+s12+$0x0], $0xffff  }
0x45f: {  	v54 =	vadd.f32 v59, v54;
	v59 =	vmul.f32 v47, v47;
	v52 =	vld.idx.msk [tilespmem:v52+s9+$0x0], $0xffff  }
0x460: {  	v1 =	vadd.f32 v15, v1;
	v15 =	vmul.f32 v46, v46  }
0x461: {  	v3 =	vor.u32 v3, v27;
	v59 =	vadd.f32 v59, v54;
	v62 =	vmul.f32 v51, v51;
	v58 =	vld.idx.msk [tilespmem:v58+s12+$0x0], $0xffff  }
0x462: {  	v1 =	vadd.f32 v15, v1;
	v15 =	vmul.f32 v48, v48;
	v63 =	vor.u32 v0, v27;
	v0 =	vld [tilespmem:$0x1FE60]  }
0x463: {  	v54 =	vld.idx.msk [tilespmem:v49+s9+$0x0], $0xffff;
	v49 =	vadd.f32 v62, v59;
	v62 =	vmul.f32 v53, v53  }
0x464: {  	v20 =	vld [tilespmem:$0x1FD40];
	v16 =	vor.u32 v16, v24;
	v1 =	vadd.f32 v15, v1;
	v15 =	vmul.f32 v52, v52  }
0x465: {  	v21 =	vld [tilespmem:$0x1FE90];
	v17 =	vmul.f32 v55, v55;
	v62 =	vadd.f32 v62, v49  }
0x466: {  	v15 =	vadd.f32 v15, v1;
	v1 =	vld.idx.msk [tilespmem:v3+s9+$0x0], $0xffff  }
0x467: {  	v3 =	vld [tilespmem:$0x1FEC0];
	v17 =	vadd.f32 v17, v62;
	v62 =	vmul.f32 v58, v58;
	v0 =	vor.u32 v0, v24  }
0x468: {  	v59 =	vld.idx.msk [tilespmem:v60+s12+$0x0], $0xffff  }
0x469: {  	v17 =	vadd.f32 v62, v17;
	v62 =	vld.idx.msk [tilespmem:v16+s12+$0x0], $0xffff  }
0x46a: {  	v16 =	vld [tilespmem:$0x1FEF0]  }
0x46b: {  	v60 =	vld.idx.msk [tilespmem:v61+s12+$0x0], $0xffff  }
0x46c: {  	v61 =	vld.idx.msk [tilespmem:v0+s12+$0x0], $0xffff  }
0x46d: {  	v0 =	vld [tilespmem:$0x1FD50]  }
0x46e: {  	v57 =	vld.idx.msk [tilespmem:v57+s9+$0x0], $0xffff  }
0x46f: {  	v49 =	vld.idx.msk [tilespmem:v63+s9+$0x0], $0xffff;
	v63 =	vor.u32 v21, v24;
	_ =	sdelay $0x1  }
0x470: {  	v3 =	vor.u32 v3, v24;
	v16 =	vor.u32 v16, v24;
	v24 =	vmul.f32 v9, v2  }
0x471: {  	v20 =	vor.u32 v20, v27;
	v0 =	vor.u32 v0, v27;
	v27 =	vmul.f32 v54, v54  }
0x472: {  	v21 =	vmul.f32 v59, v59;
	v24 =	vadd.f32 $0.0e+00, v24  }
0x473: {  	v9 =	vld.idx.msk [tilespmem:v63+s12+$0x0], $0xffff;
	v63 =	vmul.f32 v8, v10;
	v15 =	vadd.f32 v27, v15;
	v27 =	vmul.f32 v57, v57  }
0x474: {  	v13 =	vmul.f32 v4, v13;
	v4 =	vld.idx.msk [tilespmem:v28+s9+$0x0], $0xffff;
	v17 =	vadd.f32 v21, v17  }
0x475: {  	v21 =	vmul.f32 v31, v31;
	v10 =	vld.idx.msk [tilespmem:v3+s12+$0x0], $0xffff;
	v3 =	vadd.f32 v63, v24;
	v15 =	vadd.f32 v27, v15  }
0x476: {  	v2 =	vld.idx.msk [tilespmem:v20+s9+$0x0], $0xffff  }
0x477: {  	v3 =	vadd.f32 v13, v3;
	v21 =	vadd.f32 v21, v15;
	v15 =	vld.idx.msk [tilespmem:v16+s12+$0x0], $0xffff;
	v16 =	vmul.f32 v5, v32  }
0x478: {  	v20 =	vmul.f32 v60, v60;
	v13 =	vld.idx.msk [tilespmem:v25+s12+$0x0], $0xffff  }
0x479: {  	v8 =	vld.idx.msk [tilespmem:v0+s9+$0x0], $0xffff;
	v3 =	vadd.f32 v16, v3;
	v16 =	vmul.f32 v7, v12  }
0x47a: {  	v0 =	vadd.f32 v20, v17;
	v17 =	vmul.f32 v61, v61;
	v5 =	vld.idx.msk [tilespmem:v26+s9+$0x0], $0xffff  }
0x47b: {  	v20 =	vmul.f32 v49, v49;
	v3 =	vadd.f32 v16, v3;
	v16 =	vmul.f32 v11, v14;
	v14 =	vld [tilespmem:$0x1FB10]  }
0x47c: {  	v24 =	vmul.f32 v1, v1;
	v0 =	vadd.f32 v17, v0;
	v17 =	vmul.f32 v62, v62;
	v11 =	vld [tilespmem:$0x1FB20]  }
0x47d: {  	v20 =	vadd.f32 v20, v21;
	v3 =	vadd.f32 v16, v3;
	v16 =	vmul.f32 v6, v19;
	v19 =	vld [tilespmem:$0x1FAF0]  }
0x47e: {  	v21 =	vmul.f32 v2, v2;
	v0 =	vadd.f32 v17, v0;
	v17 =	vmul.f32 v9, v9;
	v6 =	vld [tilespmem:$0x1FB00]  }
0x47f: {  	v20 =	vadd.f32 v24, v20;
	v3 =	vadd.f32 v16, v3;
	v16 =	vmul.f32 v18, v33;
	v18 =	vld [tilespmem:$0x1FAE0]  }
0x480: {  	v7 =	vld.idx.msk [tilespmem:v23+s9+$0x0], $0xffff;
	v0 =	vadd.f32 v17, v0;
	v17 =	vmul.f32 v10, v10  }
0x481: {  	v12 =	vld.idx.msk [tilespmem:v22+s12+$0x0], $0xffff;
	v23 =	vmul.f32 v8, v8;
	v20 =	vadd.f32 v21, v20  }
0x482: {  	v0 =	vadd.f32 v17, v0;
	v17 =	vmul.f32 v15, v15  }
0x483: {  	v21 =	vmul.f32 v4, v4;
	v20 =	vadd.f32 v23, v20;
	v14 =	vld.idx.msk [tilespmem:v14+s12+$0x0], $0xffff  }
0x484: {  	v22 =	vmul.f32 v5, v5;
	v0 =	vadd.f32 v17, v0;
	v17 =	vmul.f32 v13, v13;
	v11 =	vld.idx.msk [tilespmem:v11+s9+$0x0], $0xffff  }
0x485: {  	v20 =	vadd.f32 v21, v20;
	v3 =	vadd.f32 v16, v3;
	v16 =	vmul.f32 v29, v35;
	v19 =	vld.idx.msk [tilespmem:v19+s12+$0x0], $0xffff  }
0x486: {  	v0 =	vadd.f32 v17, v0;
	v17 =	vmul.f32 v12, v12;
	v6 =	vld.idx.msk [tilespmem:v6+s9+$0x0], $0xffff  }
0x487: {  	v21 =	vmul.f32 v7, v7;
	v20 =	vadd.f32 v22, v20;
	v3 =	vadd.f32 v16, v3;
	v18 =	vld.idx.msk [tilespmem:v18+s12+$0x0], $0xffff  }
0x488: {  	v16 =	vmul.f32 v30, v37;
	v0 =	vadd.f32 v17, v0;
	v17 =	vmul.f32 v14, v14  }
0x489: {  	v20 =	vadd.f32 v21, v20;
	v22 =	vmul.f32 v11, v11  }
0x48a: {  	v3 =	vadd.f32 v16, v3;
	v0 =	vadd.f32 v17, v0;
	v17 =	vmul.f32 v19, v19  }
0x48b: {  	v16 =	vmul.f32 v34, v39;
	v21 =	vmul.f32 v6, v6;
	v20 =	vadd.f32 v22, v20  }
0x48c: {  	v0 =	vadd.f32 v17, v0;
	v17 =	vmul.f32 v18, v18  }
0x48d: {  	v3 =	vadd.f32 v16, v3;
	v16 =	vmul.f32 v36, v38;
	v29 =	vadd.f32 v21, v20  }
0x48e: {  	v20 =	vmul.f32 v40, v44;
	v30 =	vadd.f32 v17, v0  }
0x48f: {  	v0 =	vadd.f32 v16, v3;
	v3 =	vshrl.u32 v29, $0x1;
	v16 =	vmul.f32 $5.000000000e-01, v29  }
0x490: {  	v3 =	vsub.s32 $0x5F3759DF, v3  }
0x491: {  	v0 =	vadd.f32 v20, v0;
	v20 =	vmul.f32 v3, v16;
	_ =	sdelay $0x1  }
0x492: {  	v21 =	vmul.f32 v50, v56;
	v20 =	vmul.f32 v3, v20  }
0x493: {  	v35 =	vlaneseq.u32  }
0x494: {  	v0 =	vadd.f32 v21, v0;
	v21 =	vmul.f32 v41, v45;
	v20 =	vsub.f32 $1.500000000e+00, v20  }
0x495: {  	v22 =	vor.u32 s25, v35  }
0x496: {  	v0 =	vadd.f32 v21, v0;
	v21 =	vmul.f32 v42, v47;
	v3 =	vmul.f32 v3, v20;
	v20 =	vld [tilespmem:$0x1FFD0]  }
0x497: {  	v24 =	vshll.u32 v22, $0x5;
	v27 =	vand.u32 $0xF8, v22;
	v22 =	vld [tilespmem:$0x1FFF0]  }
0x498: {  	v0 =	vadd.f32 v21, v0;
	v21 =	vmul.f32 v43, v51  }
0x499: {  	v17 =	vshrl.u32 v30, $0x1;
	v56 =	vmul.f32 $5.000000000e-01, v30  }
0x49a: {  	v17 =	vsub.s32 $0x5F3759DF, v17;
	v0 =	vadd.f32 v21, v0;
	v21 =	vmul.f32 v3, v16  }
0x49b: {  	v23 =	vmul.f32 v17, v56;
	v20 =	vor.u32 v20, v24  }
0x49c: {  	v22 =	vor.u32 v22, v24;
	v21 =	vmul.f32 v21, v3;
	[tilespmem:$0x1FB10] =	vst v20;
	v20 =	vld [tilespmem:$0x1FD90]  }
0x49d: {  	[tilespmem:$0x1FAE0] =	vst v22;
	v22 =	vmul.f32 v17, v23  }
0x49e: {  	v21 =	vsub.f32 $1.500000000e+00, v21  }
0x49f: {  	v22 =	vsub.f32 $1.500000000e+00, v22  }
0x4a0: {  	v33 =	vmul.f32 v21, v3;
	v3 =	vld [tilespmem:$0x1FF80]  }
0x4a1: {  	v17 =	vmul.f32 v17, v22;
	v20 =	vor.u32 v20, v27  }
0x4a2: {  	[tilespmem:$0x1FB20] =	vst v20;
	v20 =	vmul.f32 v46, v53  }
0x4a3: {  	v23 =	vld [tilespmem:$0x1FFE0];
	v28 =	vmul.f32 v17, v56  }
0x4a4: {  	v0 =	vadd.f32 v20, v0;
	v20 =	vmul.f32 v48, v55  }
0x4a5: {  	v63 =	vmul.f32 v28, v17;
	v39 =	vor.u32 v3, v27;
	v3 =	vld [tilespmem:$0x1FF90]  }
0x4a6: {  	v0 =	vadd.f32 v20, v0;
	v20 =	vmul.f32 v52, v58  }
0x4a7: {  	v32 =	vsub.f32 $1.500000000e+00, v63  }
0x4a8: {  	v25 =	vld [tilespmem:$0x1FF20];
	v23 =	vor.u32 v23, v24;
	v0 =	vadd.f32 v20, v0;
	v20 =	vmul.f32 v54, v59  }
0x4a9: {  	[tilespmem:$0x1FAF0] =	vst v23;
	v23 =	vld [tilespmem:$0x1FDA0];
	v32 =	vmul.f32 v32, v17  }
0x4aa: {  	v17 =	vld [tilespmem:$0x1FF60];
	v38 =	vor.u32 v3, v27;
	v3 =	vmul.f32 v57, v60;
	v0 =	vadd.f32 v20, v0  }
0x4ab: {  	v26 =	vld [tilespmem:$0x1FD70]  }
0x4ac: {  	v28 =	vld [tilespmem:$0x1FFB0];
	v0 =	vadd.f32 v3, v0;
	v3 =	vmul.f32 v31, v61  }
0x4ad: {  	v22 =	vld [tilespmem:$0x1FFC0]  }
0x4ae: {  	v31 =	vadd.f32 v3, v0;
	v0 =	vld [tilespmem:$0x1FF70]  }
0x4af: {  	v23 =	vor.u32 v23, v27;
	v41 =	vor.u32 v17, v24;
	v17 =	vld [tilespmem:$0x1FFA0]  }
0x4b0: {  	[tilespmem:$0x1FB00] =	vst v23;
	v23 =	vld [tilespmem:$0x1FD80]  }
0x4b1: {  	v37 =	vor.u32 v28, v27;
	v28 =	vld [tilespmem:$0x1FD60]  }
0x4b2: {  	v20 =	vld [tilespmem:$0x1FF50]  }
0x4b3: {  	p0 =	sne.s32 s25, $0xF0;
	v16 =	vmul.f32 v33, v16;
	v45 =	vor.u32 v0, v27;
	v0 =	vld [tilespmem:$0x1FF40]  }
.Ltmp1:
0x4b4: {  	v34 =	vmul.f32 v49, v62;
	v40 =	vor.u32 v17, v27;
	v17 =	vmul.f32 v32, v56;
	(pc) =	sbr.rel @p0 .LBB2_4-.Ltmp1, $4  }
0x4b5: {  	v25 =	vor.u32 v25, v24;
	v26 =	vor.u32 v26, v27;
	v16 =	vmul.f32 v16, v33  }
0x4b6: {  	v43 =	vor.u32 v35, v24;
	v22 =	vor.u32 v22, v24;
	v17 =	vmul.f32 v17, v32  }
0x4b7: {  	v35 =	vsub.f32 $1.500000000e+00, v16;
	v23 =	vor.u32 v23, v27;
	v28 =	vor.u32 v28, v27  }
0x4b8: {  	s25 =	sadd.s32 $0x10, s25;
	v36 =	vsub.f32 $1.500000000e+00, v17;
	v42 =	vor.u32 v20, v24;
	v44 =	vor.u32 v0, v27  }
0x4b9: {  	v0 =	vld [tilespmem:$0x1FDB0]  }
0x4ba: {  	v3 =	vld [tilespmem:$0x1FC10];
	_ =	sdelay $0x1  }
0x4bb: {  	v16 =	vld [tilespmem:$0x1FDC0];
	_ =	sdelay $0x1  }
0x4bc: {  	v17 =	vld [tilespmem:$0x1FC20];
	v0 =	vor.u32 v0, v24  }
0x4bd: {  	v48 =	vld.idx.msk [tilespmem:v43+s12+$0x0], $0xffff;
	v3 =	vor.u32 v3, v27  }
0x4be: {  	v21 =	vld.idx.msk [tilespmem:v45+s9+$0x0], $0xffff  }
0x4bf: {  	v20 =	vld [tilespmem:$0x1FC30];
	v16 =	vor.u32 v16, v24  }
0x4c0: {  	v61 =	vld.idx.msk [tilespmem:v44+s9+$0x0], $0xffff  }
0x4c1: {  	v17 =	vor.u32 v17, v27;
	v62 =	vld.idx.msk [tilespmem:v0+s12+$0x0], $0xffff  }
0x4c2: {  	v46 =	vld.idx.msk [tilespmem:v3+s9+$0x0], $0xffff  }
0x4c3: {  	v0 =	vld [tilespmem:$0x1FDD0]  }
0x4c4: {  	v20 =	vor.u32 v20, v27;
	v50 =	vld.idx.msk [tilespmem:v16+s12+$0x0], $0xffff  }
0x4c5: {  	v3 =	vld [tilespmem:$0x1FC40]  }
0x4c6: {  	v47 =	vld.idx.msk [tilespmem:v17+s9+$0x0], $0xffff  }
0x4c7: {  	v16 =	vld [tilespmem:$0x1FDE0]  }
0x4c8: {  	v17 =	vld [tilespmem:$0x1FC50]  }
0x4c9: {  	v51 =	vld.idx.msk [tilespmem:v20+s9+$0x0], $0xffff  }
0x4ca: {  	v20 =	vld [tilespmem:$0x1FDF0];
	v0 =	vor.u32 v0, v24  }
0x4cb: {  	v49 =	vld.idx.msk [tilespmem:v42+s12+$0x0], $0xffff;
	v3 =	vor.u32 v3, v27  }
0x4cc: {  	v55 =	vld [tilespmem:$0x1FC60];
	v16 =	vor.u32 v16, v24  }
0x4cd: {  	v57 =	vld [tilespmem:$0x1FE00];
	[tilespmem:$0x1F4C0] =	vst v21;
	v21 =	vmul.f32 v21, v21;
	v63 =	vmul.f32 v61, v61;
	v17 =	vor.u32 v17, v27  }
0x4ce: {  	v60 =	vld [tilespmem:$0x1FC70];
	v54 =	vmul.f32 v48, v48;
	v44 =	vmul.f32 v62, v62  }
0x4cf: {  	[tilespmem:$0x1F4E0] =	vst v61;
	v20 =	vor.u32 v20, v24;
	v59 =	vmul.f32 v50, v50;
	v56 =	vld.idx.msk [tilespmem:v0+s12+$0x0], $0xffff  }
0x4d0: {  	v0 =	vadd.f32 v63, v21;
	v21 =	vmul.f32 v46, v46;
	v58 =	vld.idx.msk [tilespmem:v3+s9+$0x0], $0xffff;
	v3 =	vadd.f32 v44, v54  }
0x4d1: {  	[tilespmem:$0x1F4F0] =	vst v62;
	v61 =	vld.idx.msk [tilespmem:v16+s12+$0x0], $0xffff  }
0x4d2: {  	v62 =	vld.idx.msk [tilespmem:v17+s9+$0x0], $0xffff;
	v0 =	vadd.f32 v21, v0;
	v21 =	vmul.f32 v49, v49;
	v3 =	vadd.f32 v59, v3  }
0x4d3: {  	v45 =	vor.u32 v55, v27;
	v42 =	vor.u32 v57, v24;
	v17 =	vld [tilespmem:$0x1FE10]  }
0x4d4: {  	v16 =	vmul.f32 v47, v47;
	v63 =	vld.idx.msk [tilespmem:v20+s12+$0x0], $0xffff;
	v3 =	vadd.f32 v21, v3;
	v20 =	vmul.f32 v56, v56  }
0x4d5: {  	v44 =	vor.u32 v60, v27  }
0x4d6: {  	v0 =	vadd.f32 v16, v0;
	v16 =	vmul.f32 v51, v51;
	v3 =	vadd.f32 v20, v3;
	v20 =	vld [tilespmem:$0x1FE20]  }
0x4d7: {  	v55 =	vld.idx.msk [tilespmem:v41+s12+$0x0], $0xffff  }
0x4d8: {  	v52 =	vld.idx.msk [tilespmem:v45+s9+$0x0], $0xffff;
	v17 =	vor.u32 v17, v24;
	v0 =	vadd.f32 v16, v0;
	v16 =	vmul.f32 v58, v58  }
0x4d9: {  	v53 =	vld.idx.msk [tilespmem:v42+s12+$0x0], $0xffff;
	v21 =	vmul.f32 v61, v61  }
0x4da: {  	v54 =	vld.idx.msk [tilespmem:v44+s9+$0x0], $0xffff;
	v0 =	vadd.f32 v16, v0  }
0x4db: {  	v16 =	vmul.f32 v62, v62;
	v3 =	vadd.f32 v21, v3;
	v21 =	vld [tilespmem:$0x1FE30];
	v20 =	vor.u32 v20, v24  }
0x4dc: {  	[tilespmem:$0x1F550] =	vst v56;
	v56 =	vld.idx.msk [tilespmem:v40+s9+$0x0], $0xffff  }
0x4dd: {  	[tilespmem:$0x1F560] =	vst v58;
	v0 =	vadd.f32 v16, v0;
	v58 =	vld.idx.msk [tilespmem:v17+s12+$0x0], $0xffff;
	v17 =	vmul.f32 v52, v52  }
0x4de: {  	v16 =	vld [tilespmem:$0x1FC80]  }
0x4df: {  	v0 =	vadd.f32 v17, v0;
	v17 =	vld [tilespmem:$0x1FC90]  }
0x4e0: {  	[tilespmem:$0x1F580] =	vst v62;
	v21 =	vor.u32 v21, v24;
	v62 =	vld.idx.msk [tilespmem:v20+s12+$0x0], $0xffff;
	v20 =	vmul.f32 v54, v54  }
0x4e1: {  	v60 =	vld [tilespmem:$0x1FE80]  }
0x4e2: {  	[tilespmem:$0x1F540] =	vst v51;
	v0 =	vadd.f32 v20, v0;
	v20 =	vld [tilespmem:$0x1FCA0]  }
0x4e3: {  	[tilespmem:$0x1F5B0] =	vst v53;
	v59 =	vld.idx.msk [tilespmem:v39+s9+$0x0], $0xffff;
	v16 =	vor.u32 v16, v27  }
0x4e4: {  	v51 =	vld [tilespmem:$0x1FEA0];
	[tilespmem:$0x1F570] =	vst v61  }
0x4e5: {  	v61 =	vmul.f32 v53, v53;
	v17 =	vor.u32 v17, v27;
	v53 =	vld.idx.msk [tilespmem:v21+s12+$0x0], $0xffff;
	v21 =	vmul.f32 v56, v56  }
0x4e6: {  	[tilespmem:$0x1F590] =	vst v63;
	v57 =	vmul.f32 v63, v63;
	v63 =	vld.idx.msk [tilespmem:v38+s9+$0x0], $0xffff  }
0x4e7: {  	v0 =	vadd.f32 v21, v0;
	v21 =	vld [tilespmem:$0x1FCB0];
	v20 =	vor.u32 v20, v27  }
0x4e8: {  	[tilespmem:$0x1F5C0] =	vst v54;
	v54 =	vld.idx.msk [tilespmem:v16+s9+$0x0], $0xffff  }
0x4e9: {  	v39 =	vor.u32 v60, v24;
	v16 =	vld [tilespmem:$0x1FED0]  }
0x4ea: {  	[tilespmem:$0x1F500] =	vst v46;
	v38 =	vor.u32 v51, v24;
	v46 =	vld.idx.msk [tilespmem:v17+s9+$0x0], $0xffff  }
0x4eb: {  	[tilespmem:$0x1F4D0] =	vst v48;
	v17 =	vld [tilespmem:$0x1FF00]  }
0x4ec: {  	[tilespmem:$0x1F520] =	vst v47;
	v21 =	vor.u32 v21, v27;
	v47 =	vld.idx.msk [tilespmem:v20+s9+$0x0], $0xffff  }
0x4ed: {  	[tilespmem:$0x1F530] =	vst v49;
	v20 =	vld [tilespmem:$0x1FF30]  }
0x4ee: {  	[tilespmem:$0x1F5D0] =	vst v55;
	v48 =	vld.idx.msk [tilespmem:v39+s12+$0x0], $0xffff;
	v16 =	vor.u32 v16, v24  }
0x4ef: {  	[tilespmem:$0x1F5A0] =	vst v52;
	v52 =	vmul.f32 v55, v55;
	v49 =	vld.idx.msk [tilespmem:v38+s12+$0x0], $0xffff  }
0x4f0: {  	v3 =	vadd.f32 v57, v3;
	[tilespmem:$0x1F5F0] =	vst v58;
	v55 =	vmul.f32 v58, v58;
	v58 =	vld [tilespmem:$0x1FCC0];
	v17 =	vor.u32 v17, v24  }
0x4f1: {  	v51 =	vld.idx.msk [tilespmem:v21+s9+$0x0], $0xffff  }
0x4f2: {  	[tilespmem:$0x1F510] =	vst v50;
	v3 =	vadd.f32 v61, v3;
	v21 =	vld [tilespmem:$0x1FEB0];
	v20 =	vor.u32 v20, v24  }
0x4f3: {  	[tilespmem:$0x1F5E0] =	vst v56;
	v56 =	vmul.f32 v59, v59;
	v50 =	vld.idx.msk [tilespmem:v16+s12+$0x0], $0xffff  }
0x4f4: {  	[tilespmem:$0x1F600] =	vst v59;
	v3 =	vadd.f32 v52, v3;
	v16 =	vld [tilespmem:$0x1FCD0]  }
0x4f5: {  	v59 =	vmul.f32 v63, v63;
	v38 =	vor.u32 v58, v27;
	v0 =	vadd.f32 v56, v0;
	v58 =	vld.idx.msk [tilespmem:v17+s12+$0x0], $0xffff  }
0x4f6: {  	v3 =	vadd.f32 v55, v3;
	v57 =	vmul.f32 v62, v62;
	v17 =	vld [tilespmem:$0x1FCE0]  }
0x4f7: {  	v0 =	vadd.f32 v59, v0;
	v21 =	vor.u32 v21, v24;
	v59 =	vld.idx.msk [tilespmem:v20+s12+$0x0], $0xffff  }
0x4f8: {  	v3 =	vadd.f32 v57, v3;
	v60 =	vmul.f32 v53, v53;
	v20 =	vld [tilespmem:$0x1FCF0]  }
0x4f9: {  	v16 =	vor.u32 v16, v27  }
0x4fa: {  	v44 =	vld [tilespmem:$0x1FEE0];
	[tilespmem:$0x1F610] =	vst v62;
	v62 =	vmul.f32 v48, v48;
	v3 =	vadd.f32 v60, v3  }
0x4fb: {  	v52 =	vld.idx.msk [tilespmem:v38+s9+$0x0], $0xffff;
	v17 =	vor.u32 v17, v27  }
0x4fc: {  	v55 =	vmul.f32 v49, v49;
	v61 =	vmul.f32 v54, v54;
	v3 =	vadd.f32 v62, v3;
	v43 =	vld.idx.msk [tilespmem:v21+s12+$0x0], $0xffff  }
0x4fd: {  	[tilespmem:$0x1F620] =	vst v63;
	v21 =	vld [tilespmem:$0x1FD00];
	v20 =	vor.u32 v20, v27  }
0x4fe: {  	v0 =	vadd.f32 v61, v0;
	v63 =	vmul.f32 v46, v46;
	v3 =	vadd.f32 v55, v3;
	v55 =	vld.idx.msk [tilespmem:v16+s9+$0x0], $0xffff  }
0x4ff: {  	v16 =	vld [tilespmem:$0x1FF10]  }
0x500: {  	v0 =	vadd.f32 v63, v0;
	v57 =	vmul.f32 v47, v47;
	v56 =	vld.idx.msk [tilespmem:v17+s9+$0x0], $0xffff  }
0x501: {  	v45 =	vor.u32 v44, v24;
	v60 =	vmul.f32 v50, v50;
	v17 =	vld [tilespmem:$0x1FE40]  }
0x502: {  	v0 =	vadd.f32 v57, v0;
	v21 =	vor.u32 v21, v27;
	v57 =	vld.idx.msk [tilespmem:v20+s9+$0x0], $0xffff  }
0x503: {  	v3 =	vadd.f32 v60, v3;
	v62 =	vmul.f32 v58, v58;
	v20 =	vld [tilespmem:$0x1FE50]  }
0x504: {  	v63 =	vld [tilespmem:$0x1FD10];
	v16 =	vor.u32 v16, v24  }
0x505: {  	[tilespmem:$0x1F630] =	vst v53;
	v61 =	vmul.f32 v51, v51;
	v3 =	vadd.f32 v62, v3;
	v53 =	vmul.f32 v59, v59  }
0x506: {  	v44 =	vld.idx.msk [tilespmem:v45+s12+$0x0], $0xffff;
	v17 =	vor.u32 v17, v24  }
0x507: {  	v45 =	vmul.f32 v52, v52;
	v0 =	vadd.f32 v61, v0;
	v3 =	vadd.f32 v53, v3;
	v53 =	vld.idx.msk [tilespmem:v21+s9+$0x0], $0xffff  }
0x508: {  	v21 =	vld [tilespmem:$0x1FE60];
	v20 =	vor.u32 v20, v24  }
0x509: {  	v38 =	vor.u32 v63, v27;
	v0 =	vadd.f32 v45, v0;
	v40 =	vld.idx.msk [tilespmem:v16+s12+$0x0], $0xffff;
	v16 =	vmul.f32 v55, v55;
	_ =	sdelay $0x1  }
0x50a: {  	v0 =	vadd.f32 v16, v0;
	v60 =	vld.idx.msk [tilespmem:v17+s12+$0x0], $0xffff;
	v17 =	vmul.f32 v56, v56  }
0x50b: {  	[tilespmem:$0x1F640] =	vst v54;
	v54 =	vmul.f32 v43, v43;
	v16 =	vld [tilespmem:$0x1FD20]  }
0x50c: {  	v0 =	vadd.f32 v17, v0;
	v21 =	vor.u32 v21, v24;
	v41 =	vld.idx.msk [tilespmem:v20+s12+$0x0], $0xffff;
	v20 =	vmul.f32 v57, v57  }
0x50d: {  	v3 =	vadd.f32 v54, v3;
	v54 =	vld.idx.msk [tilespmem:v38+s9+$0x0], $0xffff  }
0x50e: {  	v0 =	vadd.f32 v20, v0;
	v20 =	vld [tilespmem:$0x1FD40]  }
0x50f: {  	v38 =	vld [tilespmem:$0x1FE70]  }
0x510: {  	v17 =	vld [tilespmem:$0x1FD30];
	v16 =	vor.u32 v16, v27  }
0x511: {  	v42 =	vld.idx.msk [tilespmem:v21+s12+$0x0], $0xffff;
	v21 =	vmul.f32 v53, v53;
	_ =	sdelay $0x1  }
0x512: {  	v39 =	vor.u32 v20, v27;
	v20 =	vadd.f32 v21, v0;
	v0 =	vld [tilespmem:$0x1FD50]  }
0x513: {  	v62 =	vld [tilespmem:$0x1FE90]  }
0x514: {  	v61 =	vor.u32 v38, v24;
	v38 =	vor.u32 v17, v27;
	v17 =	vld.idx.msk [tilespmem:v16+s9+$0x0], $0xffff  }
0x515: {  	v16 =	vld [tilespmem:$0x1FEC0]  }
0x516: {  	v45 =	vmul.f32 v44, v44  }
0x517: {  	v21 =	vor.u32 v0, v27;
	v0 =	vld [tilespmem:$0x1FEF0]  }
0x518: {  	v62 =	vor.u32 v62, v24;
	v3 =	vadd.f32 v45, v3;
	v45 =	vld.idx.msk [tilespmem:v37+s9+$0x0], $0xffff;
	v63 =	vmul.f32 v40, v40;
	_ =	sdelay $0x1  }
0x519: {  	v3 =	vadd.f32 v63, v3;
	v63 =	vmul.f32 v60, v60;
	v37 =	vor.u32 v16, v24  }
0x51a: {  	v27 =	vld.idx.msk [tilespmem:v61+s12+$0x0], $0xffff;
	v61 =	vmul.f32 v54, v54  }
0x51b: {  	v16 =	vadd.f32 v63, v3;
	v3 =	vld.idx.msk [tilespmem:v38+s9+$0x0], $0xffff;
	v63 =	vmul.f32 v41, v41;
	v38 =	vor.u32 v0, v24  }
0x51c: {  	v0 =	vadd.f32 v61, v20;
	v24 =	vld.idx.msk [tilespmem:v62+s12+$0x0], $0xffff;
	v61 =	vmul.f32 v45, v45  }
0x51d: {  	v63 =	vadd.f32 v63, v16;
	v39 =	vld.idx.msk [tilespmem:v39+s9+$0x0], $0xffff;
	v20 =	vmul.f32 v42, v42  }
0x51e: {  	v16 =	vmul.f32 v17, v17;
	v0 =	vadd.f32 v61, v0;
	v61 =	vld.idx.msk [tilespmem:v37+s12+$0x0], $0xffff  }
0x51f: {  	[tilespmem:$0x1F650] =	vst v17;
	v21 =	vld.idx.msk [tilespmem:v21+s9+$0x0], $0xffff;
	v17 =	vadd.f32 v20, v63;
	v20 =	vmul.f32 v27, v27  }
0x520: {  	v0 =	vadd.f32 v16, v0;
	v16 =	vmul.f32 v3, v3;
	v63 =	vld.idx.msk [tilespmem:v38+s12+$0x0], $0xffff  }
0x521: {  	[tilespmem:$0x1F660] =	vst v3;
	v3 =	vadd.f32 v20, v17;
	v17 =	vmul.f32 v24, v24  }
0x522: {  	v0 =	vadd.f32 v16, v0;
	v16 =	vmul.f32 v39, v39  }
0x523: {  	v3 =	vadd.f32 v17, v3;
	v17 =	vmul.f32 v61, v61  }
0x524: {  	v0 =	vadd.f32 v16, v0;
	v16 =	vmul.f32 v21, v21  }
0x525: {  	v3 =	vadd.f32 v17, v3;
	v17 =	vmul.f32 v63, v63  }
0x526: {  	v0 =	vadd.f32 v16, v0;
	v16 =	vld [tilespmem:$0x1FB10]  }
0x527: {  	v3 =	vadd.f32 v17, v3;
	v17 =	vld [tilespmem:$0x1FB20];
	_ =	sdelay $0x1  }
0x528: {  	v20 =	vld.idx.msk [tilespmem:v28+s9+$0x0], $0xffff  }
0x529: {  	v28 =	vld.idx.msk [tilespmem:v25+s12+$0x0], $0xffff;
	_ =	sdelay $0x1  }
0x52a: {  	v25 =	vld.idx.msk [tilespmem:v22+s12+$0x0], $0xffff  }
0x52b: {  	v22 =	vld.idx.msk [tilespmem:v23+s9+$0x0], $0xffff  }
0x52c: {  	v23 =	vld.idx.msk [tilespmem:v16+s12+$0x0], $0xffff;
	v16 =	vmul.f32 v20, v20  }
0x52d: {  	[tilespmem:$0x1F6B0] =	vst v20;
	v20 =	vld.idx.msk [tilespmem:v17+s9+$0x0], $0xffff;
	v17 =	vmul.f32 v28, v28  }
0x52e: {  	v0 =	vadd.f32 v16, v0;
	v16 =	vld [tilespmem:$0x1FAF0]  }
0x52f: {  	v17 =	vadd.f32 v17, v3;
	v3 =	vld [tilespmem:$0x1FB00];
	_ =	sdelay $0x6  }
0x530: {  	[tilespmem:$0x1F690] =	vst v21;
	v21 =	vld.idx.msk [tilespmem:v16+s12+$0x0], $0xffff  }
0x531: {  	v16 =	vld.idx.msk [tilespmem:v3+s9+$0x0], $0xffff  }
0x532: {  	v3 =	vld [tilespmem:$0x1FAE0]  }
0x533: {  	v26 =	vld.idx.msk [tilespmem:v26+s9+$0x0], $0xffff;
	_ =	sdelay $0x4  }
0x534: {  	v37 =	vmul.f32 v26, v26  }
0x535: {  	v38 =	vmul.f32 v25, v25  }
0x536: {  	[tilespmem:$0x1F670] =	vst v39;
	v39 =	vmul.f32 v22, v22;
	v0 =	vadd.f32 v37, v0;
	v3 =	vld.idx.msk [tilespmem:v3+s12+$0x0], $0xffff  }
0x537: {  	v37 =	vmul.f32 v23, v23;
	v17 =	vadd.f32 v38, v17  }
0x538: {  	v0 =	vadd.f32 v39, v0  }
0x539: {  	v38 =	vmul.f32 v20, v20;
	v17 =	vadd.f32 v37, v17;
	v39 =	vmul.f32 v21, v21;
	_ =	sdelay $0x1  }
0x53a: {  	v0 =	vadd.f32 v38, v0;
	v17 =	vadd.f32 v39, v17;
	v38 =	vmul.f32 v3, v3  }
0x53b: {  	[tilespmem:$0x1F740] =	vst v16;
	v37 =	vmul.f32 v16, v16;
	v16 =	vld [tilespmem:$0x1F4C0]  }
0x53c: {  	[tilespmem:$0x1F6C0] =	vst v22;
	v22 =	vadd.f32 v38, v17;
	v17 =	vld [tilespmem:$0x1F4D0];
	_ =	sdelay $0x3  }
0x53d: {  	[tilespmem:$0x1F6E0] =	vst v21;
	v21 =	vadd.f32 v37, v0;
	v37 =	vld [tilespmem:$0x1F4F0]  }
0x53e: {  	v16 =	vmul.f32 v16, v17;
	v17 =	vld [tilespmem:$0x1F4E0];
	_ =	sdelay $0x3  }
0x53f: {  	v39 =	vshrl.u32 v22, $0x1  }
0x540: {  	[tilespmem:$0x1F6D0] =	vst v20;
	v20 =	vmul.f32 $5.000000000e-01, v22;
	v16 =	vadd.f32 $0.0e+00, v16;
	v17 =	vmul.f32 v17, v37  }
0x541: {  	[tilespmem:$0x1F6A0] =	vst v63;
	v63 =	vsub.s32 $0x5F3759DF, v39;
	v37 =	vld [tilespmem:$0x1F510]  }
0x542: {  	[tilespmem:$0x1F750] =	vst v3;
	v3 =	vmul.f32 v63, v20;
	v16 =	vadd.f32 v17, v16;
	v17 =	vld [tilespmem:$0x1F500];
	_ =	sdelay $0x1  }
0x543: {  	v3 =	vmul.f32 v63, v3;
	_ =	sdelay $0x1  }
0x544: {  	v3 =	vsub.f32 $1.500000000e+00, v3  }
0x545: {  	v17 =	vmul.f32 v17, v37  }
0x546: {  	v3 =	vmul.f32 v63, v3;
	v63 =	vld [tilespmem:$0x1F530]  }
0x547: {  	v16 =	vadd.f32 v17, v16;
	v17 =	vld [tilespmem:$0x1F520];
	_ =	sdelay $0x4  }
0x548: {  	v17 =	vmul.f32 v17, v63  }
0x549: {  	v37 =	vld [tilespmem:$0x1F550]  }
0x54a: {  	v16 =	vadd.f32 v17, v16;
	v17 =	vld [tilespmem:$0x1F540];
	_ =	sdelay $0x3  }
0x54b: {  	[tilespmem:$0x1F680] =	vst v61;
	v61 =	vshrl.u32 v21, $0x1;
	v62 =	vmul.f32 $5.000000000e-01, v21  }
0x54c: {  	v61 =	vsub.s32 $0x5F3759DF, v61;
	v17 =	vmul.f32 v17, v37  }
0x54d: {  	v0 =	vmul.f32 v61, v62;
	v37 =	vld [tilespmem:$0x1F570]  }
0x54e: {  	v16 =	vadd.f32 v17, v16;
	v17 =	vld [tilespmem:$0x1F560]  }
0x54f: {  	v0 =	vmul.f32 v61, v0;
	_ =	sdelay $0x1  }
0x550: {  	v0 =	vsub.f32 $1.500000000e+00, v0;
	_ =	sdelay $0x1  }
0x551: {  	v0 =	vmul.f32 v61, v0;
	v17 =	vmul.f32 v17, v37  }
0x552: {  	v37 =	vld [tilespmem:$0x1F590]  }
0x553: {  	v61 =	vmul.f32 v0, v62;
	v16 =	vadd.f32 v17, v16;
	v17 =	vld [tilespmem:$0x1F580];
	_ =	sdelay $0x1  }
0x554: {  	v61 =	vmul.f32 v61, v0;
	_ =	sdelay $0x1  }
0x555: {  	v61 =	vsub.f32 $1.500000000e+00, v61  }
0x556: {  	v17 =	vmul.f32 v17, v37  }
0x557: {  	v0 =	vmul.f32 v61, v0;
	v61 =	vld [tilespmem:$0x1F5B0]  }
0x558: {  	v63 =	vmul.f32 v3, v20;
	v16 =	vadd.f32 v17, v16;
	v17 =	vld [tilespmem:$0x1F5A0];
	_ =	sdelay $0x1  }
0x559: {  	v63 =	vmul.f32 v63, v3;
	_ =	sdelay $0x1  }
0x55a: {  	v63 =	vsub.f32 $1.500000000e+00, v63  }
0x55b: {  	v17 =	vmul.f32 v17, v61  }
0x55c: {  	v3 =	vmul.f32 v63, v3;
	v63 =	vld [tilespmem:$0x1F5D0]  }
0x55d: {  	v16 =	vadd.f32 v17, v16;
	v17 =	vld [tilespmem:$0x1F5C0];
	_ =	sdelay $0x4  }
0x55e: {  	v17 =	vmul.f32 v17, v63  }
0x55f: {  	v37 =	vld [tilespmem:$0x1F5F0]  }
0x560: {  	v16 =	vadd.f32 v17, v16;
	v17 =	vld [tilespmem:$0x1F5E0];
	_ =	sdelay $0x4  }
0x561: {  	v20 =	vmul.f32 v3, v20;
	v17 =	vmul.f32 v17, v37  }
0x562: {  	v39 =	vld [tilespmem:$0x1F610]  }
0x563: {  	v20 =	vmul.f32 v20, v3;
	v16 =	vadd.f32 v17, v16;
	v17 =	vld [tilespmem:$0x1F600]  }
0x564: {  	v33 =	vmul.f32 v35, v33  }
0x565: {  	v20 =	vsub.f32 $1.500000000e+00, v20  }
0x566: {  	v29 =	vmul.f32 v33, v29  }
0x567: {  	v3 =	vmul.f32 v20, v3  }
0x568: {  	v20 =	vmax.f32 v29, $9.999999960e-13;
	v61 =	vmul.f32 v0, v62;
	v17 =	vmul.f32 v17, v39  }
0x569: {  	(erf) = vrcp.f32 v20;
	v20 =	vld [tilespmem:$0x1F630]  }
0x56a: {  	v61 =	vmul.f32 v61, v0;
	v16 =	vadd.f32 v17, v16;
	v17 =	vld [tilespmem:$0x1F620]  }
0x56b: {  	v32 =	vmul.f32 v36, v32  }
0x56c: {  	v38 =	vsub.f32 $1.500000000e+00, v61  }
0x56d: {  	v30 =	vmul.f32 v32, v30  }
0x56e: {  	v0 =	vmul.f32 v38, v0  }
0x56f: {  	v17 =	vmul.f32 v17, v20;
	v20 =	vmax.f32 v30, $9.999999960e-13  }
0x570: {  	v0 =	vmul.f32 v0, v21;
	(erf) = vrcp.f32 v20;
	v20 =	vld [tilespmem:$0x1F640]  }
0x571: {  	v3 =	vmul.f32 v3, v22  }
0x572: {  	v0 =	vmax.f32 v0, $9.999999960e-13  }
0x573: {  	v3 =	vmax.f32 v3, $9.999999960e-13;
	(erf) = vrcp.f32 v0  }
0x574: {  	v1 =	vmul.f32 v1, v9;
	(erf) = vrcp.f32 v3  }
0x575: {  	v16 =	vadd.f32 v17, v16;
	v0 =	vadd.f32 v34, v31;
	v20 =	vmul.f32 v20, v48;
	_ =	sdelay $0x1  }
0x576: {  	v0 =	vadd.f32 v1, v0;
	v1 =	vmul.f32 v2, v10;
	v9 =	vadd.f32 v20, v16;
	_ =	sdelay $0x1  }
0x577: {  	v3 =	vmul.f32 v46, v49;
	v0 =	vadd.f32 v1, v0;
	v1 =	vmul.f32 v8, v15  }
0x578: {  	s25 =	simm.s32 $0x100;
	v10 =	vlaneseq.u32;
	v8 =	vpop (erf)  }
0x579: {  	v0 =	vadd.f32 v1, v0;
	v1 =	vor.u32 s25, v10;
	v2 =	vadd.f32 v3, v9;
	v9 =	vpop (erf)  }
0x57a: {  	v4 =	vmul.f32 v4, v13;
	v29 =	vshll.u32 v1, $0x5;
	v13 =	vpop (erf)  }
0x57b: {  	v31 =	vand.u32 $0x1F8, v1;
	v3 =	vmul.f32 v47, v50;
	v1 =	vor.u32 v10, v29;
	[tilespmem:$0x1F760] =	vst v13;
	v10 =	vpop (erf)  }
0x57c: {  	v0 =	vadd.f32 v4, v0;
	v4 =	vmul.f32 v5, v12;
	[tilespmem:$0x1F770] =	vst v10  }
0x57d: {  	v2 =	vadd.f32 v3, v2;
	v3 =	vmul.f32 v51, v58;
	v10 =	vld [tilespmem:$0x1FF70];
	_ =	swait.ge [sflag:s21], $0x1000  }
0x57e: {  	v0 =	vadd.f32 v4, v0;
	v5 =	vld [tilespmem:$0x1FF40]  }
0x57f: {  	v4 =	vmul.f32 v7, v14;
	v2 =	vadd.f32 v3, v2;
	v3 =	vmul.f32 v52, v59;
	v7 =	vld [tilespmem:$0x1FC10];
	_ =	sdelay $0x1  }
0x580: {  	v2 =	vadd.f32 v3, v2;
	v3 =	vmul.f32 v55, v43  }
0x581: {  	v0 =	vadd.f32 v4, v0;
	v13 =	vld [tilespmem:$0x1FDC0];
	v10 =	vor.u32 v10, v31  }
0x582: {  	v4 =	vld [tilespmem:$0x1FC20];
	v2 =	vadd.f32 v3, v2;
	v3 =	vmul.f32 v56, v44;
	v5 =	vor.u32 v5, v31  }
0x583: {  	v7 =	vor.u32 v7, v31  }
0x584: {  	[sflag:s21] =	ssyncset.done $0x0;
	v2 =	vadd.f32 v3, v2;
	v3 =	vmul.f32 v57, v40  }
0x585: {  	v12 =	vld [tilespmem:$0x1FDB0];
	[sflag:s21] =	ssyncadd.s32 $0xFFFFF000  }
0x586: {  	v13 =	vor.u32 v13, v29;
	v2 =	vadd.f32 v3, v2;
	v3 =	vmul.f32 v53, v60;
	v55 =	vld.idx.msk [tilespmem:v10+s9+$0x0], $0xffff  }
0x587: {  	v4 =	vor.u32 v4, v31;
	v15 =	vld.idx.msk [tilespmem:v5+s9+$0x0], $0xffff  }
0x588: {  	v3 =	vadd.f32 v3, v2;
	v2 =	vld.idx.msk [tilespmem:v7+s9+$0x0], $0xffff  }
0x589: {  	v7 =	vld [tilespmem:$0x1FDD0]  }
0x58a: {  	v5 =	vmul.f32 v6, v18;
	v6 =	vld [tilespmem:$0x1FC30]  }
0x58b: {  	v11 =	vmul.f32 v11, v19;
	v58 =	vmul.f32 v8, v9;
	v9 =	vld.idx.msk [tilespmem:v13+s12+$0x0], $0xffff  }
0x58c: {  	v12 =	vor.u32 v12, v29;
	v8 =	vld.idx.msk [tilespmem:v4+s9+$0x0], $0xffff  }
0x58d: {  	v0 =	vadd.f32 v11, v0;
	v4 =	vld [tilespmem:$0x1FDE0]  }
0x58e: {  	v13 =	vld [tilespmem:$0x1FC60];
	v7 =	vor.u32 v7, v29  }
0x58f: {  	v11 =	vmul.f32 v54, v41;
	v57 =	vadd.f32 v5, v0;
	v0 =	vld [tilespmem:$0x1FC40]  }
0x590: {  	v1 =	vld.idx.msk [tilespmem:v1+s12+$0x0], $0xffff  }
0x591: {  	v3 =	vadd.f32 v11, v3;
	v56 =	vld.idx.msk [tilespmem:v12+s12+$0x0], $0xffff  }
0x592: {  	v5 =	vmul.f32 v55, v55;
	v11 =	vor.u32 v4, v29;
	v4 =	vld [tilespmem:$0x1FC50];
	v12 =	vmul.f32 v15, v15  }
0x593: {  	v6 =	vor.u32 v6, v31;
	v20 =	vor.u32 v13, v31;
	v13 =	vld.idx.msk [tilespmem:v7+s12+$0x0], $0xffff  }
0x594: {  	v0 =	vor.u32 v0, v31;
	v7 =	vadd.f32 v12, v5;
	v5 =	vld [tilespmem:$0x1FE00]  }
0x595: {  	v12 =	vld [tilespmem:$0x1FC70];
	_ =	sdelay $0x1  }
0x596: {  	v17 =	vld [tilespmem:$0x1FE20]  }
0x597: {  	v18 =	vmul.f32 v1, v1;
	v19 =	vmul.f32 v56, v56;
	v14 =	vor.u32 v4, v31;
	v4 =	vld.idx.msk [tilespmem:v6+s9+$0x0], $0xffff  }
0x598: {  	v21 =	vmul.f32 v2, v2;
	v22 =	vor.u32 v5, v29;
	v5 =	vld.idx.msk [tilespmem:v0+s9+$0x0], $0xffff  }
0x599: {  	v0 =	vadd.f32 v19, v18;
	v19 =	vor.u32 v12, v31;
	v12 =	vld.idx.msk [tilespmem:v11+s12+$0x0], $0xffff  }
0x59a: {  	v11 =	vadd.f32 v21, v7;
	v7 =	vld [tilespmem:$0x1FF60]  }
0x59b: {  	v6 =	vld [tilespmem:$0x1FDF0];
	_ =	sdelay $0x1  }
0x59c: {  	v46 =	vor.u32 v17, v29;
	v17 =	vld [tilespmem:$0x1FF90];
	_ =	sdelay $0x1  }
0x59d: {  	v18 =	vmul.f32 v9, v9;
	v21 =	vmul.f32 v8, v8;
	v41 =	vor.u32 v7, v29;
	v7 =	vld.idx.msk [tilespmem:v14+s9+$0x0], $0xffff  }
0x59e: {  	v6 =	vor.u32 v6, v29;
	v14 =	vld [tilespmem:$0x1FFA0]  }
0x59f: {  	v0 =	vadd.f32 v18, v0;
	v18 =	vadd.f32 v21, v11;
	v11 =	vld [tilespmem:$0x1FE10]  }
0x5a0: {  	v51 =	vor.u32 v17, v31;
	v17 =	vld [tilespmem:$0x1FE30]  }
0x5a1: {  	v10 =	vld [tilespmem:$0x1FF50]  }
0x5a2: {  	v30 =	vld [tilespmem:$0x1FCA0]  }
0x5a3: {  	v43 =	vor.u32 v14, v31;
	v14 =	vld.idx.msk [tilespmem:v6+s12+$0x0], $0xffff  }
0x5a4: {  	v6 =	vld.idx.msk [tilespmem:v20+s9+$0x0], $0xffff;
	v20 =	vor.u32 v11, v29  }
0x5a5: {  	v47 =	vor.u32 v17, v29;
	v17 =	vld [tilespmem:$0x1FC80]  }
0x5a6: {  	v10 =	vor.u32 v10, v29;
	_ =	sdelay $0x1  }
0x5a7: {  	v63 =	vor.u32 v30, v31;
	v30 =	vld [tilespmem:$0x1FCB0]  }
0x5a8: {  	v49 =	vld.idx.msk [tilespmem:v20+s12+$0x0], $0xffff  }
0x5a9: {  	v20 =	vor.u32 v17, v31;
	v17 =	vld [tilespmem:$0x1FE80]  }
0x5aa: {  	v10 =	vld.idx.msk [tilespmem:v10+s12+$0x0], $0xffff  }
0x5ab: {  	v59 =	vld.idx.msk [tilespmem:v46+s12+$0x0], $0xffff  }
0x5ac: {  	v11 =	vld [tilespmem:$0x1FF80]  }
0x5ad: {  	v35 =	vld.idx.msk [tilespmem:v51+s9+$0x0], $0xffff  }
0x5ae: {  	v16 =	vmul.f32 v45, v42;
	v53 =	vor.u32 v17, v29;
	v17 =	vld [tilespmem:$0x1FC90]  }
0x5af: {  	v42 =	vmul.f32 v10, v10;
	v21 =	vmul.f32 v4, v4;
	v34 =	vld.idx.msk [tilespmem:v20+s9+$0x0], $0xffff  }
0x5b0: {  	v44 =	vmul.f32 v13, v13;
	v20 =	vld [tilespmem:$0x1FED0]  }
0x5b1: {  	v0 =	vadd.f32 v42, v0;
	v21 =	vadd.f32 v21, v18;
	v18 =	vld.idx.msk [tilespmem:v19+s9+$0x0], $0xffff;
	v45 =	vor.u32 v11, v31  }
0x5b2: {  	v11 =	vld.idx.msk [tilespmem:v22+s12+$0x0], $0xffff  }
0x5b3: {  	v50 =	vmul.f32 v12, v12;
	v0 =	vadd.f32 v44, v0;
	v19 =	vld.idx.msk [tilespmem:v41+s12+$0x0], $0xffff  }
0x5b4: {  	v22 =	vmul.f32 v5, v5;
	v60 =	vor.u32 v17, v31;
	v17 =	vld [tilespmem:$0x1FEA0]  }
0x5b5: {  	v0 =	vadd.f32 v50, v0;
	v52 =	vld.idx.msk [tilespmem:v43+s9+$0x0], $0xffff;
	v48 =	vmul.f32 v14, v14;
	v20 =	vor.u32 v20, v29  }
0x5b6: {  	v21 =	vadd.f32 v22, v21;
	v22 =	vmul.f32 v7, v7;
	v50 =	vld.idx.msk [tilespmem:v45+s9+$0x0], $0xffff  }
0x5b7: {  	v0 =	vadd.f32 v48, v0;
	v54 =	vmul.f32 v11, v11;
	v43 =	vld.idx.msk [tilespmem:v53+s12+$0x0], $0xffff  }
0x5b8: {  	v21 =	vadd.f32 v22, v21;
	v22 =	vmul.f32 v6, v6;
	v53 =	vld [tilespmem:$0x1FF00]  }
0x5b9: {  	v62 =	vmul.f32 v19, v19;
	v0 =	vadd.f32 v54, v0;
	v61 =	vor.u32 v17, v29;
	v17 =	vld.idx.msk [tilespmem:v47+s12+$0x0], $0xffff  }
0x5ba: {  	v21 =	vadd.f32 v22, v21;
	v22 =	vmul.f32 v18, v18;
	v44 =	vld.idx.msk [tilespmem:v20+s12+$0x0], $0xffff  }
0x5bb: {  	v51 =	vmul.f32 v49, v49;
	v0 =	vadd.f32 v62, v0;
	v20 =	vld [tilespmem:$0x1FCD0]  }
0x5bc: {  	[tilespmem:$0x1F6F0] =	vst v52;
	v21 =	vadd.f32 v22, v21;
	v22 =	vmul.f32 v52, v52;
	v52 =	vor.u32 v30, v31  }
0x5bd: {  	[tilespmem:$0x1F720] =	vst v59;
	v54 =	vmul.f32 v59, v59;
	v59 =	vld [tilespmem:$0x1FCC0];
	v0 =	vadd.f32 v51, v0  }
0x5be: {  	v21 =	vadd.f32 v22, v21;
	v22 =	vmul.f32 v50, v50;
	v48 =	vld.idx.msk [tilespmem:v61+s12+$0x0], $0xffff  }
0x5bf: {  	v0 =	vadd.f32 v54, v0;
	v30 =	vld.idx.msk [tilespmem:v60+s9+$0x0], $0xffff;
	v46 =	vor.u32 v53, v29;
	v51 =	vmul.f32 v17, v17  }
0x5c0: {  	v62 =	vld [tilespmem:$0x1FF30];
	v21 =	vadd.f32 v22, v21;
	v22 =	vmul.f32 v35, v35;
	v20 =	vor.u32 v20, v31  }
0x5c1: {  	v38 =	vld.idx.msk [tilespmem:v52+s9+$0x0], $0xffff;
	v54 =	vmul.f32 v43, v43;
	v0 =	vadd.f32 v51, v0  }
0x5c2: {  	v52 =	vld [tilespmem:$0x1FEB0];
	v21 =	vadd.f32 v22, v21;
	v22 =	vmul.f32 v34, v34  }
0x5c3: {  	v60 =	vor.u32 v59, v31;
	v61 =	vld.idx.msk [tilespmem:v63+s9+$0x0], $0xffff;
	v0 =	vadd.f32 v54, v0;
	v59 =	vmul.f32 v48, v48  }
0x5c4: {  	v3 =	vadd.f32 v16, v3;
	v16 =	vadd.f32 v22, v21;
	v45 =	vld.idx.msk [tilespmem:v46+s12+$0x0], $0xffff;
	v21 =	vmul.f32 v30, v30  }
0x5c5: {  	v46 =	vld.idx.msk [tilespmem:v20+s9+$0x0], $0xffff;
	v20 =	vmul.f32 v44, v44;
	v0 =	vadd.f32 v59, v0  }
0x5c6: {  	v16 =	vadd.f32 v21, v16;
	v21 =	vld [tilespmem:$0x1FEE0]  }
0x5c7: {  	v0 =	vadd.f32 v20, v0;
	v20 =	vld [tilespmem:$0x1FF10]  }
0x5c8: {  	v63 =	vor.u32 v62, v29;
	_ =	sdelay $0x1  }
0x5c9: {  	[tilespmem:$0x1F730] =	vst v35;
	v53 =	vor.u32 v52, v29;
	v35 =	vld.idx.msk [tilespmem:v60+s9+$0x0], $0xffff  }
0x5ca: {  	[tilespmem:$0x1F780] =	vst v61;
	v60 =	vmul.f32 v61, v61;
	v61 =	vld [tilespmem:$0x1F650];
	v21 =	vor.u32 v21, v29  }
0x5cb: {  	v20 =	vor.u32 v20, v29  }
0x5cc: {  	v47 =	vld.idx.msk [tilespmem:v63+s12+$0x0], $0xffff;
	_ =	sdelay $0x1  }
0x5cd: {  	[tilespmem:$0x1F700] =	vst v49;
	v49 =	vld.idx.msk [tilespmem:v53+s12+$0x0], $0xffff  }
0x5ce: {  	v37 =	vmul.f32 v45, v45;
	v27 =	vmul.f32 v61, v27;
	v51 =	vld.idx.msk [tilespmem:v21+s12+$0x0], $0xffff  }
0x5cf: {  	v54 =	vld.idx.msk [tilespmem:v20+s12+$0x0], $0xffff  }
0x5d0: {  	v0 =	vadd.f32 v37, v0;
	v3 =	vadd.f32 v27, v3;
	v27 =	vmul.f32 v47, v47;
	v20 =	vld [tilespmem:$0x1FD10]  }
0x5d1: {  	v36 =	vmul.f32 v38, v38  }
0x5d2: {  	v39 =	vld [tilespmem:$0x1F660];
	v16 =	vadd.f32 v60, v16;
	v40 =	vmul.f32 v49, v49;
	v0 =	vadd.f32 v27, v0  }
0x5d3: {  	v22 =	vld [tilespmem:$0x1FCE0]  }
0x5d4: {  	v16 =	vadd.f32 v36, v16;
	v0 =	vadd.f32 v40, v0;
	v36 =	vmul.f32 v51, v51  }
0x5d5: {  	v20 =	vor.u32 v20, v31  }
0x5d6: {  	v40 =	vadd.f32 v36, v0;
	v0 =	vld [tilespmem:$0x1FD20]  }
0x5d7: {  	v24 =	vmul.f32 v39, v24  }
0x5d8: {  	v41 =	vld [tilespmem:$0x1F680];
	v22 =	vor.u32 v22, v31  }
0x5d9: {  	v3 =	vadd.f32 v24, v3;
	v24 =	vld [tilespmem:$0x1F670]  }
0x5da: {  	v37 =	vmul.f32 v58, v57;
	v57 =	vld.idx.msk [tilespmem:v20+s9+$0x0], $0xffff  }
0x5db: {  	v20 =	vor.u32 v0, v31;
	v0 =	vld [tilespmem:$0x1FAC0];
	_ =	sdelay $0x1  }
0x5dc: {  	[tilespmem:$0x1F710] =	vst v50;
	v50 =	vld.idx.msk [tilespmem:v22+s9+$0x0], $0xffff;
	v22 =	vmul.f32 v35, v35  }
0x5dd: {  	v39 =	vld [tilespmem:$0x1F6A0];
	v24 =	vmul.f32 v24, v41  }
0x5de: {  	v16 =	vadd.f32 v22, v16;
	v21 =	vld [tilespmem:$0x1FD00];
	v27 =	vmul.f32 v46, v46  }
0x5df: {  	v3 =	vadd.f32 v24, v3;
	v24 =	vld [tilespmem:$0x1F690];
	v0 =	vadd.f32 v37, v0  }
0x5e0: {  	v16 =	vadd.f32 v27, v16;
	v27 =	vld [tilespmem:$0x1FE50]  }
0x5e1: {  	[tilespmem:$0x1F790] =	vst v0;
	v0 =	vld [tilespmem:$0x1FE70];
	_ =	sdelay $0x2  }
0x5e2: {  	v21 =	vor.u32 v21, v31;
	v24 =	vmul.f32 v24, v39  }
0x5e3: {  	v41 =	vld [tilespmem:$0x1FFB0];
	v27 =	vor.u32 v27, v29  }
0x5e4: {  	v3 =	vadd.f32 v24, v3;
	v24 =	vor.u32 v0, v29;
	v0 =	vld [tilespmem:$0x1F6B0];
	_ =	sdelay $0x1  }
0x5e5: {  	v22 =	vld [tilespmem:$0x1FE40]  }
0x5e6: {  	v53 =	vld.idx.msk [tilespmem:v21+s9+$0x0], $0xffff  }
0x5e7: {  	v21 =	vor.u32 v41, v31;
	v60 =	vld.idx.msk [tilespmem:v27+s12+$0x0], $0xffff  }
0x5e8: {  	v27 =	vmul.f32 v0, v28;
	v0 =	vld [tilespmem:$0x1FD30]  }
0x5e9: {  	v62 =	vld [tilespmem:$0x1FCF0]  }
0x5ea: {  	v22 =	vor.u32 v22, v29;
	_ =	sdelay $0x1  }
0x5eb: {  	v59 =	vld.idx.msk [tilespmem:v21+s9+$0x0], $0xffff  }
0x5ec: {  	v21 =	vor.u32 v0, v31;
	v0 =	vld [tilespmem:$0x1FE90]  }
0x5ed: {  	v63 =	vor.u32 v62, v31  }
0x5ee: {  	v58 =	vld.idx.msk [tilespmem:v22+s12+$0x0], $0xffff  }
0x5ef: {  	v22 =	vld [tilespmem:$0x1FE60];
	_ =	sdelay $0x1  }
0x5f0: {  	v3 =	vadd.f32 v27, v3;
	v27 =	vor.u32 v0, v29;
	v0 =	vld [tilespmem:$0x1FD40]  }
0x5f1: {  	v52 =	vld.idx.msk [tilespmem:v63+s9+$0x0], $0xffff;
	_ =	sdelay $0x1  }
0x5f2: {  	v22 =	vor.u32 v22, v29  }
0x5f3: {  	v15 =	vmul.f32 v15, v56;
	v42 =	vmul.f32 v50, v50;
	v56 =	vld.idx.msk [tilespmem:v24+s12+$0x0], $0xffff  }
0x5f4: {  	v24 =	vor.u32 v0, v31;
	v0 =	vld [tilespmem:$0x1FEC0]  }
0x5f5: {  	v16 =	vadd.f32 v42, v16;
	v42 =	vmul.f32 v52, v52  }
0x5f6: {  	v32 =	vmul.f32 v54, v54  }
0x5f7: {  	v16 =	vadd.f32 v42, v16;
	v61 =	vld.idx.msk [tilespmem:v22+s12+$0x0], $0xffff;
	v22 =	vmul.f32 v53, v53  }
0x5f8: {  	v1 =	vmul.f32 v55, v1;
	v33 =	vmul.f32 v58, v58;
	v55 =	vld.idx.msk [tilespmem:v20+s9+$0x0], $0xffff;
	v28 =	vadd.f32 v32, v40  }
0x5f9: {  	v16 =	vadd.f32 v22, v16;
	v20 =	vmul.f32 v57, v57;
	v36 =	vor.u32 v0, v29;
	v0 =	vld [tilespmem:$0x1FD50]  }
0x5fa: {  	v22 =	vadd.f32 v33, v28;
	v28 =	vmul.f32 v60, v60  }
0x5fb: {  	v62 =	vld [tilespmem:$0x1FFD0];
	v16 =	vadd.f32 v20, v16;
	v20 =	vadd.f32 $0.0e+00, v1  }
0x5fc: {  	v22 =	vadd.f32 v28, v22;
	v28 =	vmul.f32 v61, v61;
	v1 =	vld.idx.msk [tilespmem:v21+s9+$0x0], $0xffff;
	v21 =	vmul.f32 v59, v59  }
0x5fd: {  	v15 =	vadd.f32 v15, v20;
	v20 =	vmul.f32 v2, v9;
	v9 =	vld.idx.msk [tilespmem:v27+s12+$0x0], $0xffff  }
0x5fe: {  	v16 =	vadd.f32 v21, v16;
	v21 =	vadd.f32 v28, v22;
	v22 =	vor.u32 v0, v31;
	v0 =	vld [tilespmem:$0x1FEF0]  }
0x5ff: {  	v42 =	vld [tilespmem:$0x1FD60]  }
0x600: {  	v40 =	vld [tilespmem:$0x1FF20];
	v27 =	vmul.f32 v56, v56  }
0x601: {  	v63 =	vld [tilespmem:$0x1FFC0]  }
0x602: {  	v39 =	vld [tilespmem:$0x1FD70];
	v21 =	vadd.f32 v27, v21;
	v37 =	vmul.f32 v9, v9  }
0x603: {  	v25 =	vmul.f32 v26, v25;
	v26 =	vmul.f32 v55, v55;
	v2 =	vld.idx.msk [tilespmem:v24+s9+$0x0], $0xffff;
	v24 =	vor.u32 v0, v29  }
0x604: {  	v15 =	vadd.f32 v20, v15;
	v20 =	vor.u32 v42, v31;
	v21 =	vadd.f32 v37, v21;
	v37 =	vld [tilespmem:$0x1FD80]  }
0x605: {  	v8 =	vmul.f32 v8, v10;
	v16 =	vadd.f32 v26, v16;
	v26 =	vor.u32 v40, v29;
	v10 =	vld.idx.msk [tilespmem:v36+s12+$0x0], $0xffff  }
0x606: {  	v13 =	vmul.f32 v4, v13;
	v3 =	vadd.f32 v25, v3;
	v36 =	vld [tilespmem:$0x1FD90]  }
0x607: {  	v25 =	vadd.f32 v8, v15;
	v28 =	vmul.f32 v1, v1;
	v8 =	vld.idx.msk [tilespmem:v22+s9+$0x0], $0xffff;
	v22 =	vor.u32 v63, v29  }
0x608: {  	v12 =	vmul.f32 v5, v12;
	v27 =	vor.u32 v39, v31;
	v15 =	vld.idx.msk [tilespmem:v24+s12+$0x0], $0xffff  }
0x609: {  	v4 =	vld.idx.msk [tilespmem:v20+s9+$0x0], $0xffff;
	v25 =	vadd.f32 v13, v25;
	v16 =	vadd.f32 v28, v16;
	v20 =	vor.u32 v37, v31  }
0x60a: {  	v13 =	vld.idx.msk [tilespmem:v26+s12+$0x0], $0xffff;
	v26 =	vor.u32 v62, v29;
	v28 =	vmul.f32 v10, v10;
	v24 =	vmul.f32 v2, v2  }
0x60b: {  	v25 =	vadd.f32 v12, v25  }
0x60c: {  	v21 =	vadd.f32 v28, v21;
	v12 =	vld.idx.msk [tilespmem:v22+s12+$0x0], $0xffff;
	v22 =	vmul.f32 v8, v8;
	v16 =	vadd.f32 v24, v16  }
0x60d: {  	v5 =	vld.idx.msk [tilespmem:v27+s9+$0x0], $0xffff;
	v28 =	vmul.f32 v7, v14;
	v24 =	vor.u32 v36, v31;
	v14 =	vmul.f32 v15, v15  }
0x60e: {  	v7 =	vld.idx.msk [tilespmem:v20+s9+$0x0], $0xffff;
	v20 =	vmul.f32 v4, v4;
	v16 =	vadd.f32 v22, v16  }
0x60f: {  	v22 =	vadd.f32 v28, v25;
	v21 =	vadd.f32 v14, v21;
	v14 =	vld.idx.msk [tilespmem:v26+s12+$0x0], $0xffff;
	v26 =	vmul.f32 v6, v11  }
0x610: {  	v33 =	vld [tilespmem:$0x1FDA0];
	v25 =	vmul.f32 v13, v13  }
0x611: {  	v18 =	vmul.f32 v18, v19;
	v0 =	vld [tilespmem:$0x1F6C0];
	v16 =	vadd.f32 v20, v16;
	v22 =	vadd.f32 v26, v22  }
0x612: {  	v20 =	vmul.f32 v5, v5;
	v11 =	vld.idx.msk [tilespmem:v24+s9+$0x0], $0xffff;
	v24 =	vmul.f32 v12, v12;
	v21 =	vadd.f32 v25, v21  }
0x613: {  	v22 =	vadd.f32 v18, v22;
	v18 =	vld [tilespmem:$0x1F6F0]  }
0x614: {  	v16 =	vadd.f32 v20, v16;
	v20 =	vadd.f32 v24, v21;
	v24 =	vld [tilespmem:$0x1F700];
	_ =	sdelay $0x3  }
0x615: {  	v27 =	vor.u32 v33, v31;
	v23 =	vmul.f32 v0, v23  }
0x616: {  	v24 =	vmul.f32 v18, v24  }
0x617: {  	v3 =	vadd.f32 v23, v3;
	v23 =	vld [tilespmem:$0x1F710]  }
0x618: {  	v22 =	vadd.f32 v24, v22;
	v24 =	vld [tilespmem:$0x1F720]  }
0x619: {  	v32 =	vld [tilespmem:$0x1FFE0]  }
0x61a: {  	v6 =	vld.idx.msk [tilespmem:v27+s9+$0x0], $0xffff  }
0x61b: {  	v27 =	vld [tilespmem:$0x1F6E0]  }
0x61c: {  	v25 =	vld [tilespmem:$0x1F6D0]  }
0x61d: {  	v0 =	vld [tilespmem:$0x1FFF0];
	v23 =	vmul.f32 v23, v24;
	_ =	sdelay $0x1  }
0x61e: {  	v22 =	vadd.f32 v23, v22;
	v23 =	vld [tilespmem:$0x1F730];
	_ =	sdelay $0x1  }
0x61f: {  	v31 =	vor.u32 v32, v29;
	v25 =	vmul.f32 v25, v27  }
0x620: {  	v28 =	vor.u32 v0, v29;
	v21 =	vmul.f32 v7, v7  }
0x621: {  	v3 =	vadd.f32 v25, v3;
	v25 =	vld [tilespmem:$0x1F750]  }
0x622: {  	v16 =	vadd.f32 v21, v16;
	v21 =	vmul.f32 v11, v11;
	v23 =	vmul.f32 v23, v17;
	v17 =	vld [tilespmem:$0x1F740];
	_ =	sdelay $0x1  }
0x623: {  	v19 =	vld.idx.msk [tilespmem:v31+s12+$0x0], $0xffff;
	v16 =	vadd.f32 v21, v16;
	v21 =	vmul.f32 v6, v6  }
0x624: {  	v18 =	vld.idx.msk [tilespmem:v28+s12+$0x0], $0xffff  }
0x625: {  	v29 =	vadd.f32 v21, v16;
	v21 =	vadd.f32 v23, v22;
	v23 =	vld [tilespmem:$0x1F770]  }
0x626: {  	v26 =	vmul.f32 v14, v14;
	v25 =	vmul.f32 v17, v25;
	v17 =	vld [tilespmem:$0x1F760];
	_ =	sdelay $0x1  }
0x627: {  	v20 =	vadd.f32 v26, v20;
	v24 =	vmul.f32 v19, v19  }
0x628: {  	v16 =	vmul.f32 v34, v43  }
0x629: {  	v20 =	vadd.f32 v24, v20;
	v22 =	vmul.f32 v18, v18  }
0x62a: {  	v16 =	vadd.f32 v16, v21;
	v17 =	vmul.f32 v17, v23;
	v23 =	vmul.f32 v30, v48  }
0x62b: {  	v3 =	vadd.f32 v25, v3;
	v30 =	vadd.f32 v22, v20  }
0x62c: {  	v16 =	vadd.f32 v23, v16;
	v23 =	vld [tilespmem:$0x1F790]  }
0x62d: {  	v3 =	vmul.f32 v17, v3;
	v17 =	vshrl.u32 v30, $0x1  }
0x62e: {  	v22 =	vsub.s32 $0x5F3759DF, v17;
	v17 =	vld [tilespmem:$0x1F780];
	_ =	sdelay $0x1  }
0x62f: {  	s31 =	simm.s32 $0x110;
	v43 =	vlaneseq.u32  }
0x630: {  	v34 =	vmul.f32 $5.000000000e-01, v30;
	v3 =	vadd.f32 v3, v23;
	v23 =	vor.u32 s31, v43  }
0x631: {  	v24 =	vshll.u32 v23, $0x5  }
0x632: {  	v17 =	vmul.f32 v17, v44;
	[tilespmem:$0x1F7A0] =	vst v3;
	v3 =	vmul.f32 v22, v34;
	v0 =	vor.u32 v0, v24  }
0x633: {  	v27 =	vand.u32 $0x1F8, v23;
	[tilespmem:$0x1F7B0] =	vst v0;
	v0 =	vor.u32 v32, v24  }
0x634: {  	v16 =	vadd.f32 v17, v16;
	v17 =	vmul.f32 v22, v3;
	[tilespmem:$0x1F7C0] =	vst v0;
	v0 =	vor.u32 v33, v27  }
0x635: {  	[tilespmem:$0x1F7D0] =	vst v0;
	v0 =	vor.u32 v62, v24  }
0x636: {  	v25 =	vmul.f32 v38, v45;
	v23 =	vsub.f32 $1.500000000e+00, v17;
	[tilespmem:$0x1F7E0] =	vst v0;
	v0 =	vor.u32 v36, v27  }
0x637: {  	[tilespmem:$0x1F7F0] =	vst v0;
	v0 =	vld [tilespmem:$0x1FF80]  }
0x638: {  	v26 =	vmul.f32 v35, v47;
	v25 =	vadd.f32 v25, v16;
	v47 =	vmul.f32 v22, v23;
	_ =	sdelay $0x1  }
0x639: {  	v22 =	vadd.f32 v26, v25;
	v26 =	vmul.f32 v47, v34  }
0x63a: {  	v48 =	vmul.f32 v50, v51  }
0x63b: {  	v50 =	vmul.f32 v26, v47;
	v26 =	vor.u32 v39, v27;
	v39 =	vor.u32 v0, v27;
	v0 =	vld [tilespmem:$0x1FF90];
	_ =	sdelay $0x2  }
0x63c: {  	v31 =	vmul.f32 $5.000000000e-01, v29;
	v20 =	vshrl.u32 v29, $0x1;
	v38 =	vsub.f32 $1.500000000e+00, v50  }
0x63d: {  	v20 =	vsub.s32 $0x5F3759DF, v20  }
0x63e: {  	v21 =	vmul.f32 v20, v31;
	v32 =	vmul.f32 v38, v47;
	v38 =	vor.u32 v0, v27;
	v0 =	vld [tilespmem:$0x1FF60];
	_ =	sdelay $0x1  }
0x63f: {  	v21 =	vmul.f32 v20, v21;
	v23 =	vmul.f32 v46, v49;
	_ =	sdelay $0x1  }
0x640: {  	v21 =	vsub.f32 $1.500000000e+00, v21;
	v28 =	vadd.f32 v23, v22  }
0x641: {  	v23 =	vor.u32 v37, v27;
	v37 =	vor.u32 v41, v27;
	v41 =	vor.u32 v0, v24;
	v0 =	vld [tilespmem:$0x1FFA0]  }
0x642: {  	v45 =	vmul.f32 v20, v21;
	_ =	sdelay $0x1  }
0x643: {  	v25 =	vmul.f32 v45, v31;
	_ =	sdelay $0x1  }
0x644: {  	v49 =	vmul.f32 v25, v45;
	v25 =	vor.u32 v40, v24;
	v40 =	vor.u32 v0, v27;
	v0 =	vld [tilespmem:$0x1FF50];
	_ =	sdelay $0x2  }
0x645: {  	v51 =	vmul.f32 v52, v54;
	v28 =	vadd.f32 v48, v28;
	_ =	sdelay $0x1  }
0x646: {  	v52 =	vadd.f32 v51, v28;
	v28 =	vor.u32 v42, v27;
	v42 =	vor.u32 v0, v24;
	v0 =	vld [tilespmem:$0x1FF70];
	_ =	sdelay $0x1  }
0x647: {  	v36 =	vsub.f32 $1.500000000e+00, v49  }
0x648: {  	v54 =	vmul.f32 v53, v58  }
0x649: {  	v33 =	vmul.f32 v36, v45  }
0x64a: {  	v60 =	vmul.f32 v57, v60;
	v58 =	vadd.f32 v54, v52;
	v45 =	vor.u32 v0, v27;
	v0 =	vld [tilespmem:$0x1FF40]  }
0x64b: {  	v31 =	vmul.f32 v33, v31;
	v34 =	vmul.f32 v32, v34  }
0x64c: {  	v61 =	vmul.f32 v59, v61;
	v35 =	vadd.f32 v60, v58  }
0x64d: {  	v22 =	vor.u32 v63, v24;
	v62 =	vmul.f32 v31, v33;
	v63 =	vmul.f32 v34, v32  }
0x64e: {  	v43 =	vor.u32 v43, v24;
	v31 =	vadd.f32 v61, v35;
	v34 =	vmul.f32 v55, v56  }
0x64f: {  	s25 =	simm.s32 $0x120;
	v35 =	vsub.f32 $1.500000000e+00, v62;
	v36 =	vsub.f32 $1.500000000e+00, v63;
	v44 =	vor.u32 v0, v27  }
.LBB2_6:
0x650: {  	v0 =	vld [tilespmem:$0x1FDB0];
	_ =	sdelay $0x4  }
0x651: {  	v48 =	vor.u32 v0, v24;
	v0 =	vld [tilespmem:$0x1FC10];
	_ =	sdelay $0x4  }
0x652: {  	v49 =	vor.u32 v0, v27;
	v0 =	vld [tilespmem:$0x1FDC0];
	_ =	sdelay $0x2  }
0x653: {  	v1 =	vmul.f32 v1, v9;
	v31 =	vadd.f32 v34, v31;
	_ =	sdelay $0x1  }
0x654: {  	v1 =	vadd.f32 v1, v31;
	v31 =	vor.u32 v0, v24;
	v0 =	vld [tilespmem:$0x1FC20];
	_ =	sdelay $0x4  }
0x655: {  	v51 =	vor.u32 v0, v27;
	v0 =	vld [tilespmem:$0x1FC30]  }
0x656: {  	v9 =	vmul.f32 v35, v33;
	_ =	sdelay $0x1  }
0x657: {  	v10 =	vmul.f32 v2, v10;
	v29 =	vmul.f32 v9, v29  }
0x658: {  	v50 =	vmul.f32 v36, v32  }
0x659: {  	v1 =	vadd.f32 v10, v1;
	v10 =	vmax.f32 v29, $9.999999960e-13;
	v29 =	vor.u32 v0, v27;
	v0 =	vld [tilespmem:$0x1FDD0];
	_ =	sdelay $0x1  }
0x65a: {  	v30 =	vmul.f32 v50, v30;
	_ =	sdelay $0x1  }
0x65b: {  	v30 =	vmax.f32 v30, $9.999999960e-13;
	(erf) = vrcp.f32 v10  }
0x65c: {  	(erf) = vrcp.f32 v30;
	v30 =	vor.u32 v0, v24;
	v0 =	vld [tilespmem:$0x1FE00];
	_ =	sdelay $0x4  }
0x65d: {  	v52 =	vor.u32 v0, v24;
	v0 =	vld [tilespmem:$0x1FC70];
	_ =	sdelay $0x4  }
0x65e: {  	v53 =	vor.u32 v0, v27;
	v0 =	vld [tilespmem:$0x1FC40];
	_ =	sdelay $0x4  }
0x65f: {  	v54 =	vor.u32 v0, v27;
	v0 =	vld [tilespmem:$0x1FDE0]  }
0x660: {  	v15 =	vmul.f32 v8, v15;
	_ =	sdelay $0x1  }
0x661: {  	v1 =	vadd.f32 v15, v1;
	v15 =	vmul.f32 v4, v13;
	_ =	sdelay $0x1  }
0x662: {  	v1 =	vadd.f32 v15, v1;
	v15 =	vor.u32 v0, v24;
	v0 =	vld [tilespmem:$0x1FC50];
	_ =	sdelay $0x4  }
0x663: {  	v55 =	vor.u32 v0, v27;
	v0 =	vld [tilespmem:$0x1FC60];
	_ =	sdelay $0x4  }
0x664: {  	v56 =	vor.u32 v0, v27;
	v0 =	vld [tilespmem:$0x1FDF0];
	_ =	sdelay $0x3  }
0x665: {  	v14 =	vmul.f32 v7, v14;
	v7 =	vld.idx.msk [tilespmem:v29+s9+$0x0], $0xffff  }
0x666: {  	v29 =	vor.u32 v0, v24;
	v0 =	vld [tilespmem:$0x1FE10];
	_ =	sdelay $0x2  }
0x667: {  	v12 =	vmul.f32 v5, v12  }
0x668: {  	v10 =	vld.idx.msk [tilespmem:v48+s12+$0x0], $0xffff  }
0x669: {  	v1 =	vadd.f32 v12, v1;
	v48 =	vor.u32 v0, v24;
	v0 =	vld [tilespmem:$0x1FE20]  }
0x66a: {  	v8 =	vld.idx.msk [tilespmem:v44+s9+$0x0], $0xffff  }
0x66b: {  	v19 =	vmul.f32 v11, v19;
	v9 =	vld.idx.msk [tilespmem:v45+s9+$0x0], $0xffff;
	v1 =	vadd.f32 v14, v1  }
0x66c: {  	v4 =	vld.idx.msk [tilespmem:v49+s9+$0x0], $0xffff  }
0x66d: {  	v18 =	vmul.f32 v6, v18;
	v1 =	vadd.f32 v19, v1;
	v14 =	vld.idx.msk [tilespmem:v15+s12+$0x0], $0xffff;
	v15 =	vpop (erf)  }
0x66e: {  	v47 =	vpop (erf);
	v50 =	vor.u32 v0, v24;
	v0 =	vld [tilespmem:$0x1F7A0]  }
0x66f: {  	v1 =	vadd.f32 v18, v1;
	v15 =	vmul.f32 v15, v47  }
0x670: {  	v57 =	vmul.f32 v8, v8;
	v5 =	vld.idx.msk [tilespmem:v51+s9+$0x0], $0xffff  }
0x671: {  	v11 =	vmul.f32 v9, v9;
	v1 =	vmul.f32 v15, v1;
	_ =	sdelay $0x1  }
0x672: {  	v59 =	vmul.f32 v4, v4;
	v12 =	vld.idx.msk [tilespmem:v30+s12+$0x0], $0xffff;
	v30 =	vadd.f32 v57, v11;
	v0 =	vadd.f32 v1, v0;
	_ =	sdelay $0x1  }
0x673: {  	v62 =	vmul.f32 v5, v5;
	v30 =	vadd.f32 v59, v30;
	[tilespmem:$0x1F7A0] =	vst v0;
	v0 =	vld [tilespmem:$0x1FE30];
	_ =	sdelay $0x1  }
0x674: {  	v19 =	vld.idx.msk [tilespmem:v29+s12+$0x0], $0xffff;
	v29 =	vadd.f32 v62, v30;
	v30 =	vmul.f32 v7, v7;
	_ =	sdelay $0x1  }
0x675: {  	v15 =	vadd.f32 v30, v29;
	v29 =	vld.idx.msk [tilespmem:v53+s9+$0x0], $0xffff  }
0x676: {  	v53 =	vor.u32 v0, v24;
	v0 =	vld [tilespmem:$0x1FC80];
	_ =	sdelay $0x3  }
0x677: {  	v18 =	vld.idx.msk [tilespmem:v56+s9+$0x0], $0xffff  }
0x678: {  	v56 =	vor.u32 v0, v27;
	v0 =	vld [tilespmem:$0x1FE80];
	_ =	sdelay $0x4  }
0x679: {  	v57 =	vor.u32 v0, v24;
	v0 =	vld [tilespmem:$0x1FC90];
	_ =	sdelay $0x4  }
0x67a: {  	v59 =	vor.u32 v0, v27;
	v0 =	vld [tilespmem:$0x1FEA0];
	_ =	sdelay $0x4  }
0x67b: {  	v46 =	vor.u32 v0, v24;
	v0 =	vld [tilespmem:$0x1FCA0];
	_ =	sdelay $0x1  }
0x67c: {  	v2 =	vld.idx.msk [tilespmem:v43+s12+$0x0], $0xffff;
	_ =	sdelay $0x1  }
0x67d: {  	v13 =	vld.idx.msk [tilespmem:v31+s12+$0x0], $0xffff  }
0x67e: {  	v47 =	vor.u32 v0, v27;
	v0 =	vld [tilespmem:$0x1FED0]  }
0x67f: {  	v32 =	vld.idx.msk [tilespmem:v42+s12+$0x0], $0xffff  }
0x680: {  	v43 =	vmul.f32 v2, v2;
	v58 =	vmul.f32 v10, v10  }
0x681: {  	v31 =	vld.idx.msk [tilespmem:v37+s9+$0x0], $0xffff  }
0x682: {  	v60 =	vadd.f32 v58, v43;
	v61 =	vmul.f32 v13, v13;
	v37 =	vld.idx.msk [tilespmem:v48+s12+$0x0], $0xffff  }
0x683: {  	v48 =	vor.u32 v0, v24;
	v0 =	vld [tilespmem:$0x1FCB0]  }
0x684: {  	v63 =	vmul.f32 v32, v32;
	v35 =	vadd.f32 v61, v60;
	_ =	sdelay $0x1  }
0x685: {  	v35 =	vadd.f32 v63, v35;
	v49 =	vmul.f32 v12, v12;
	_ =	sdelay $0x1  }
0x686: {  	v51 =	vadd.f32 v49, v35;
	v49 =	vor.u32 v0, v27;
	v0 =	vld [tilespmem:$0x1FF00];
	_ =	sdelay $0x2  }
0x687: {  	v33 =	vld.idx.msk [tilespmem:v52+s12+$0x0], $0xffff;
	v52 =	vmul.f32 v14, v14  }
0x688: {  	v11 =	vld.idx.msk [tilespmem:v54+s9+$0x0], $0xffff  }
0x689: {  	v54 =	vadd.f32 v52, v51;
	v51 =	vor.u32 v0, v24;
	v0 =	vld [tilespmem:$0x1FCC0];
	_ =	sdelay $0x1  }
0x68a: {  	v34 =	vld.idx.msk [tilespmem:v39+s9+$0x0], $0xffff  }
0x68b: {  	v39 =	vld.idx.msk [tilespmem:v50+s12+$0x0], $0xffff  }
0x68c: {  	v50 =	vld.idx.msk [tilespmem:v59+s9+$0x0], $0xffff  }
0x68d: {  	v59 =	vor.u32 v0, v27;
	v0 =	vld [tilespmem:$0x1FF30]  }
0x68e: {  	v35 =	vld.idx.msk [tilespmem:v41+s12+$0x0], $0xffff  }
0x68f: {  	v6 =	vld.idx.msk [tilespmem:v55+s9+$0x0], $0xffff;
	v55 =	vmul.f32 v19, v19;
	_ =	sdelay $0x1  }
0x690: {  	v58 =	vmul.f32 v33, v33;
	v41 =	vadd.f32 v55, v54  }
0x691: {  	v52 =	vor.u32 v0, v24;
	v0 =	vld [tilespmem:$0x1FCD0]  }
0x692: {  	v60 =	vmul.f32 v35, v35;
	v41 =	vadd.f32 v58, v41;
	_ =	sdelay $0x1  }
0x693: {  	v61 =	vmul.f32 v37, v37;
	v41 =	vadd.f32 v60, v41;
	_ =	sdelay $0x1  }
0x694: {  	v62 =	vadd.f32 v61, v41;
	v61 =	vor.u32 v0, v27;
	v0 =	vld [tilespmem:$0x1FEB0];
	_ =	sdelay $0x2  }
0x695: {  	v63 =	vmul.f32 v39, v39;
	_ =	sdelay $0x1  }
0x696: {  	v43 =	vadd.f32 v63, v62;
	v62 =	vor.u32 v0, v24;
	v0 =	vld [tilespmem:$0x1FCE0];
	_ =	sdelay $0x4  }
0x697: {  	v55 =	vor.u32 v0, v27;
	v0 =	vld [tilespmem:$0x1FEE0];
	_ =	sdelay $0x3  }
0x698: {  	v44 =	vld.idx.msk [tilespmem:v57+s12+$0x0], $0xffff  }
0x699: {  	v57 =	vor.u32 v0, v24;
	v0 =	vld [tilespmem:$0x1FCF0];
	_ =	sdelay $0x1  }
0x69a: {  	v41 =	vld.idx.msk [tilespmem:v47+s9+$0x0], $0xffff  }
0x69b: {  	v47 =	vld.idx.msk [tilespmem:v51+s12+$0x0], $0xffff  }
0x69c: {  	v51 =	vld.idx.msk [tilespmem:v52+s12+$0x0], $0xffff  }
0x69d: {  	v52 =	vor.u32 v0, v27;
	v0 =	vld [tilespmem:$0x1FF10];
	_ =	sdelay $0x3  }
0x69e: {  	v30 =	vmul.f32 v11, v11  }
0x69f: {  	v58 =	vor.u32 v0, v24;
	v0 =	vld [tilespmem:$0x1FD00]  }
0x6a0: {  	v36 =	vld.idx.msk [tilespmem:v38+s9+$0x0], $0xffff;
	v1 =	vadd.f32 v30, v15;
	v15 =	vmul.f32 v6, v6  }
0x6a1: {  	v30 =	vld.idx.msk [tilespmem:v40+s9+$0x0], $0xffff  }
0x6a2: {  	v1 =	vadd.f32 v15, v1;
	v15 =	vmul.f32 v18, v18;
	v38 =	vld.idx.msk [tilespmem:v53+s12+$0x0], $0xffff  }
0x6a3: {  	v42 =	vld.idx.msk [tilespmem:v49+s9+$0x0], $0xffff  }
0x6a4: {  	v1 =	vadd.f32 v15, v1;
	v15 =	vmul.f32 v29, v29;
	v49 =	vor.u32 v0, v27;
	v0 =	vld [tilespmem:$0x1FE40];
	_ =	sdelay $0x1  }
0x6a5: {  	v1 =	vadd.f32 v15, v1;
	v15 =	vmul.f32 v30, v30  }
0x6a6: {  	v40 =	vld.idx.msk [tilespmem:v56+s9+$0x0], $0xffff;
	v60 =	vmul.f32 v38, v38  }
0x6a7: {  	v1 =	vadd.f32 v15, v1;
	v15 =	vmul.f32 v34, v34  }
0x6a8: {  	v53 =	vadd.f32 v60, v43;
	v60 =	vor.u32 v0, v24;
	v0 =	vld [tilespmem:$0x1FD10]  }
0x6a9: {  	v1 =	vadd.f32 v15, v1;
	v15 =	vmul.f32 v36, v36;
	v56 =	vld.idx.msk [tilespmem:v46+s12+$0x0], $0xffff  }
0x6aa: {  	v45 =	vld.idx.msk [tilespmem:v48+s12+$0x0], $0xffff  }
0x6ab: {  	v1 =	vadd.f32 v15, v1;
	v15 =	vmul.f32 v40, v40;
	v48 =	vld.idx.msk [tilespmem:v55+s9+$0x0], $0xffff  }
0x6ac: {  	v55 =	vld.idx.msk [tilespmem:v57+s12+$0x0], $0xffff  }
0x6ad: {  	v1 =	vadd.f32 v15, v1;
	v15 =	vmul.f32 v50, v50;
	v57 =	vor.u32 v0, v27;
	v0 =	vld [tilespmem:$0x1FE50]  }
0x6ae: {  	v54 =	vmul.f32 v44, v44;
	v43 =	vld.idx.msk [tilespmem:v59+s9+$0x0], $0xffff  }
0x6af: {  	v3 =	vld [tilespmem:$0x1FD30];
	v1 =	vadd.f32 v15, v1;
	v15 =	vmul.f32 v41, v41  }
0x6b0: {  	v53 =	vadd.f32 v54, v53;
	v63 =	vmul.f32 v56, v56;
	v46 =	vld.idx.msk [tilespmem:v61+s9+$0x0], $0xffff  }
0x6b1: {  	v16 =	vld [tilespmem:$0x1FE70];
	v1 =	vadd.f32 v15, v1;
	v15 =	vmul.f32 v42, v42  }
0x6b2: {  	v54 =	vadd.f32 v63, v53;
	v59 =	vmul.f32 v45, v45;
	v61 =	vor.u32 v0, v24;
	v0 =	vld [tilespmem:$0x1FD20]  }
0x6b3: {  	v1 =	vadd.f32 v15, v1;
	v15 =	vmul.f32 v43, v43;
	v53 =	vld.idx.msk [tilespmem:v62+s12+$0x0], $0xffff  }
0x6b4: {  	v54 =	vadd.f32 v59, v54;
	v59 =	vmul.f32 v47, v47;
	v52 =	vld.idx.msk [tilespmem:v52+s9+$0x0], $0xffff  }
0x6b5: {  	v1 =	vadd.f32 v15, v1;
	v15 =	vmul.f32 v46, v46  }
0x6b6: {  	v3 =	vor.u32 v3, v27;
	v59 =	vadd.f32 v59, v54;
	v62 =	vmul.f32 v51, v51;
	v58 =	vld.idx.msk [tilespmem:v58+s12+$0x0], $0xffff  }
0x6b7: {  	v1 =	vadd.f32 v15, v1;
	v15 =	vmul.f32 v48, v48;
	v63 =	vor.u32 v0, v27;
	v0 =	vld [tilespmem:$0x1FE60]  }
0x6b8: {  	v54 =	vld.idx.msk [tilespmem:v49+s9+$0x0], $0xffff;
	v49 =	vadd.f32 v62, v59;
	v62 =	vmul.f32 v53, v53  }
0x6b9: {  	v20 =	vld [tilespmem:$0x1FD40];
	v16 =	vor.u32 v16, v24;
	v1 =	vadd.f32 v15, v1;
	v15 =	vmul.f32 v52, v52  }
0x6ba: {  	v21 =	vld [tilespmem:$0x1FE90];
	v17 =	vmul.f32 v55, v55;
	v62 =	vadd.f32 v62, v49  }
0x6bb: {  	v15 =	vadd.f32 v15, v1;
	v1 =	vld.idx.msk [tilespmem:v3+s9+$0x0], $0xffff  }
0x6bc: {  	v3 =	vld [tilespmem:$0x1FEC0];
	v17 =	vadd.f32 v17, v62;
	v62 =	vmul.f32 v58, v58;
	v0 =	vor.u32 v0, v24  }
0x6bd: {  	v59 =	vld.idx.msk [tilespmem:v60+s12+$0x0], $0xffff  }
0x6be: {  	v17 =	vadd.f32 v62, v17;
	v62 =	vld.idx.msk [tilespmem:v16+s12+$0x0], $0xffff  }
0x6bf: {  	v16 =	vld [tilespmem:$0x1FEF0]  }
0x6c0: {  	v60 =	vld.idx.msk [tilespmem:v61+s12+$0x0], $0xffff  }
0x6c1: {  	v61 =	vld.idx.msk [tilespmem:v0+s12+$0x0], $0xffff  }
0x6c2: {  	v0 =	vld [tilespmem:$0x1FD50]  }
0x6c3: {  	v57 =	vld.idx.msk [tilespmem:v57+s9+$0x0], $0xffff  }
0x6c4: {  	v49 =	vld.idx.msk [tilespmem:v63+s9+$0x0], $0xffff;
	v63 =	vor.u32 v21, v24;
	_ =	sdelay $0x1  }
0x6c5: {  	v3 =	vor.u32 v3, v24;
	v16 =	vor.u32 v16, v24;
	v24 =	vmul.f32 v9, v2  }
0x6c6: {  	v20 =	vor.u32 v20, v27;
	v0 =	vor.u32 v0, v27;
	v27 =	vmul.f32 v54, v54  }
0x6c7: {  	v21 =	vmul.f32 v59, v59;
	v24 =	vadd.f32 $0.0e+00, v24  }
0x6c8: {  	v9 =	vld.idx.msk [tilespmem:v63+s12+$0x0], $0xffff;
	v63 =	vmul.f32 v8, v10;
	v15 =	vadd.f32 v27, v15;
	v27 =	vmul.f32 v57, v57  }
0x6c9: {  	v13 =	vmul.f32 v4, v13;
	v4 =	vld.idx.msk [tilespmem:v28+s9+$0x0], $0xffff;
	v17 =	vadd.f32 v21, v17  }
0x6ca: {  	v21 =	vmul.f32 v31, v31;
	v10 =	vld.idx.msk [tilespmem:v3+s12+$0x0], $0xffff;
	v3 =	vadd.f32 v63, v24;
	v15 =	vadd.f32 v27, v15  }
0x6cb: {  	v2 =	vld.idx.msk [tilespmem:v20+s9+$0x0], $0xffff  }
0x6cc: {  	v3 =	vadd.f32 v13, v3;
	v21 =	vadd.f32 v21, v15;
	v15 =	vld.idx.msk [tilespmem:v16+s12+$0x0], $0xffff;
	v16 =	vmul.f32 v5, v32  }
0x6cd: {  	v20 =	vmul.f32 v60, v60;
	v13 =	vld.idx.msk [tilespmem:v25+s12+$0x0], $0xffff  }
0x6ce: {  	v8 =	vld.idx.msk [tilespmem:v0+s9+$0x0], $0xffff;
	v3 =	vadd.f32 v16, v3;
	v16 =	vmul.f32 v7, v12  }
0x6cf: {  	v0 =	vadd.f32 v20, v17;
	v17 =	vmul.f32 v61, v61;
	v5 =	vld.idx.msk [tilespmem:v26+s9+$0x0], $0xffff  }
0x6d0: {  	v20 =	vmul.f32 v49, v49;
	v3 =	vadd.f32 v16, v3;
	v16 =	vmul.f32 v11, v14;
	v14 =	vld [tilespmem:$0x1F7E0]  }
0x6d1: {  	v24 =	vmul.f32 v1, v1;
	v0 =	vadd.f32 v17, v0;
	v17 =	vmul.f32 v62, v62;
	v11 =	vld [tilespmem:$0x1F7F0]  }
0x6d2: {  	v20 =	vadd.f32 v20, v21;
	v3 =	vadd.f32 v16, v3;
	v16 =	vmul.f32 v6, v19;
	v19 =	vld [tilespmem:$0x1F7C0]  }
0x6d3: {  	v21 =	vmul.f32 v2, v2;
	v0 =	vadd.f32 v17, v0;
	v17 =	vmul.f32 v9, v9;
	v6 =	vld [tilespmem:$0x1F7D0]  }
0x6d4: {  	v20 =	vadd.f32 v24, v20;
	v3 =	vadd.f32 v16, v3;
	v16 =	vmul.f32 v18, v33;
	v18 =	vld [tilespmem:$0x1F7B0]  }
0x6d5: {  	v7 =	vld.idx.msk [tilespmem:v23+s9+$0x0], $0xffff;
	v0 =	vadd.f32 v17, v0;
	v17 =	vmul.f32 v10, v10  }
0x6d6: {  	v12 =	vld.idx.msk [tilespmem:v22+s12+$0x0], $0xffff;
	v23 =	vmul.f32 v8, v8;
	v20 =	vadd.f32 v21, v20  }
0x6d7: {  	v0 =	vadd.f32 v17, v0;
	v17 =	vmul.f32 v15, v15  }
0x6d8: {  	v21 =	vmul.f32 v4, v4;
	v20 =	vadd.f32 v23, v20;
	v14 =	vld.idx.msk [tilespmem:v14+s12+$0x0], $0xffff  }
0x6d9: {  	v22 =	vmul.f32 v5, v5;
	v0 =	vadd.f32 v17, v0;
	v17 =	vmul.f32 v13, v13;
	v11 =	vld.idx.msk [tilespmem:v11+s9+$0x0], $0xffff  }
0x6da: {  	v20 =	vadd.f32 v21, v20;
	v3 =	vadd.f32 v16, v3;
	v16 =	vmul.f32 v29, v35;
	v19 =	vld.idx.msk [tilespmem:v19+s12+$0x0], $0xffff  }
0x6db: {  	v0 =	vadd.f32 v17, v0;
	v17 =	vmul.f32 v12, v12;
	v6 =	vld.idx.msk [tilespmem:v6+s9+$0x0], $0xffff  }
0x6dc: {  	v21 =	vmul.f32 v7, v7;
	v20 =	vadd.f32 v22, v20;
	v3 =	vadd.f32 v16, v3;
	v18 =	vld.idx.msk [tilespmem:v18+s12+$0x0], $0xffff  }
0x6dd: {  	v16 =	vmul.f32 v30, v37;
	v0 =	vadd.f32 v17, v0;
	v17 =	vmul.f32 v14, v14  }
0x6de: {  	v20 =	vadd.f32 v21, v20;
	v22 =	vmul.f32 v11, v11  }
0x6df: {  	v3 =	vadd.f32 v16, v3;
	v0 =	vadd.f32 v17, v0;
	v17 =	vmul.f32 v19, v19  }
0x6e0: {  	v16 =	vmul.f32 v34, v39;
	v21 =	vmul.f32 v6, v6;
	v20 =	vadd.f32 v22, v20  }
0x6e1: {  	v0 =	vadd.f32 v17, v0;
	v17 =	vmul.f32 v18, v18  }
0x6e2: {  	v3 =	vadd.f32 v16, v3;
	v16 =	vmul.f32 v36, v38;
	v29 =	vadd.f32 v21, v20  }
0x6e3: {  	v20 =	vmul.f32 v40, v44;
	v30 =	vadd.f32 v17, v0  }
0x6e4: {  	v0 =	vadd.f32 v16, v3;
	v3 =	vshrl.u32 v29, $0x1;
	v16 =	vmul.f32 $5.000000000e-01, v29  }
0x6e5: {  	v3 =	vsub.s32 $0x5F3759DF, v3  }
0x6e6: {  	v0 =	vadd.f32 v20, v0;
	v20 =	vmul.f32 v3, v16;
	_ =	sdelay $0x1  }
0x6e7: {  	v21 =	vmul.f32 v50, v56;
	v20 =	vmul.f32 v3, v20  }
0x6e8: {  	v35 =	vlaneseq.u32  }
0x6e9: {  	v0 =	vadd.f32 v21, v0;
	v21 =	vmul.f32 v41, v45;
	v20 =	vsub.f32 $1.500000000e+00, v20  }
0x6ea: {  	v22 =	vor.u32 s25, v35  }
0x6eb: {  	v0 =	vadd.f32 v21, v0;
	v21 =	vmul.f32 v42, v47;
	v3 =	vmul.f32 v3, v20;
	v20 =	vld [tilespmem:$0x1FFD0]  }
0x6ec: {  	v24 =	vshll.u32 v22, $0x5;
	v27 =	vand.u32 $0x1F8, v22;
	v22 =	vld [tilespmem:$0x1FFF0]  }
0x6ed: {  	v0 =	vadd.f32 v21, v0;
	v21 =	vmul.f32 v43, v51  }
0x6ee: {  	v17 =	vshrl.u32 v30, $0x1;
	v56 =	vmul.f32 $5.000000000e-01, v30  }
0x6ef: {  	v17 =	vsub.s32 $0x5F3759DF, v17;
	v0 =	vadd.f32 v21, v0;
	v21 =	vmul.f32 v3, v16  }
0x6f0: {  	v23 =	vmul.f32 v17, v56;
	v20 =	vor.u32 v20, v24  }
0x6f1: {  	v22 =	vor.u32 v22, v24;
	v21 =	vmul.f32 v21, v3;
	[tilespmem:$0x1F7E0] =	vst v20;
	v20 =	vld [tilespmem:$0x1FD90]  }
0x6f2: {  	[tilespmem:$0x1F7B0] =	vst v22;
	v22 =	vmul.f32 v17, v23  }
0x6f3: {  	v21 =	vsub.f32 $1.500000000e+00, v21  }
0x6f4: {  	v22 =	vsub.f32 $1.500000000e+00, v22  }
0x6f5: {  	v33 =	vmul.f32 v21, v3;
	v3 =	vld [tilespmem:$0x1FF80]  }
0x6f6: {  	v17 =	vmul.f32 v17, v22;
	v20 =	vor.u32 v20, v27  }
0x6f7: {  	[tilespmem:$0x1F7F0] =	vst v20;
	v20 =	vmul.f32 v46, v53  }
0x6f8: {  	v23 =	vld [tilespmem:$0x1FFE0];
	v28 =	vmul.f32 v17, v56  }
0x6f9: {  	v0 =	vadd.f32 v20, v0;
	v20 =	vmul.f32 v48, v55  }
0x6fa: {  	v63 =	vmul.f32 v28, v17;
	v39 =	vor.u32 v3, v27;
	v3 =	vld [tilespmem:$0x1FF90]  }
0x6fb: {  	v0 =	vadd.f32 v20, v0;
	v20 =	vmul.f32 v52, v58  }
0x6fc: {  	v32 =	vsub.f32 $1.500000000e+00, v63  }
0x6fd: {  	v25 =	vld [tilespmem:$0x1FF20];
	v23 =	vor.u32 v23, v24;
	v0 =	vadd.f32 v20, v0;
	v20 =	vmul.f32 v54, v59  }
0x6fe: {  	[tilespmem:$0x1F7C0] =	vst v23;
	v23 =	vld [tilespmem:$0x1FDA0];
	v32 =	vmul.f32 v32, v17  }
0x6ff: {  	v17 =	vld [tilespmem:$0x1FF60];
	v38 =	vor.u32 v3, v27;
	v3 =	vmul.f32 v57, v60;
	v0 =	vadd.f32 v20, v0  }
0x700: {  	v26 =	vld [tilespmem:$0x1FD70]  }
0x701: {  	v28 =	vld [tilespmem:$0x1FFB0];
	v0 =	vadd.f32 v3, v0;
	v3 =	vmul.f32 v31, v61  }
0x702: {  	v22 =	vld [tilespmem:$0x1FFC0]  }
0x703: {  	v31 =	vadd.f32 v3, v0;
	v0 =	vld [tilespmem:$0x1FF70]  }
0x704: {  	v23 =	vor.u32 v23, v27;
	v41 =	vor.u32 v17, v24;
	v17 =	vld [tilespmem:$0x1FFA0]  }
0x705: {  	[tilespmem:$0x1F7D0] =	vst v23;
	v23 =	vld [tilespmem:$0x1FD80]  }
0x706: {  	v37 =	vor.u32 v28, v27;
	v28 =	vld [tilespmem:$0x1FD60]  }
0x707: {  	v20 =	vld [tilespmem:$0x1FF50]  }
0x708: {  	p0 =	sne.s32 s25, $0x170;
	v16 =	vmul.f32 v33, v16;
	v45 =	vor.u32 v0, v27;
	v0 =	vld [tilespmem:$0x1FF40]  }
.Ltmp2:
0x709: {  	v34 =	vmul.f32 v49, v62;
	v40 =	vor.u32 v17, v27;
	v17 =	vmul.f32 v32, v56;
	(pc) =	sbr.rel @p0 .LBB2_6-.Ltmp2, $4  }
0x70a: {  	v25 =	vor.u32 v25, v24;
	v26 =	vor.u32 v26, v27;
	v16 =	vmul.f32 v16, v33  }
0x70b: {  	v43 =	vor.u32 v35, v24;
	v22 =	vor.u32 v22, v24;
	v17 =	vmul.f32 v17, v32  }
0x70c: {  	v35 =	vsub.f32 $1.500000000e+00, v16;
	v23 =	vor.u32 v23, v27;
	v28 =	vor.u32 v28, v27  }
0x70d: {  	s25 =	sadd.s32 $0x10, s25;
	v36 =	vsub.f32 $1.500000000e+00, v17;
	v42 =	vor.u32 v20, v24;
	v44 =	vor.u32 v0, v27  }
0x70e: {  	v0 =	vld [tilespmem:$0x1FDB0]  }
0x70f: {  	v3 =	vld [tilespmem:$0x1FC10];
	_ =	sdelay $0x1  }
0x710: {  	v16 =	vld [tilespmem:$0x1FDC0];
	_ =	sdelay $0x1  }
0x711: {  	v17 =	vld [tilespmem:$0x1FC20];
	v0 =	vor.u32 v0, v24  }
0x712: {  	v48 =	vld.idx.msk [tilespmem:v43+s12+$0x0], $0xffff;
	v3 =	vor.u32 v3, v27  }
0x713: {  	v21 =	vld.idx.msk [tilespmem:v45+s9+$0x0], $0xffff  }
0x714: {  	v20 =	vld [tilespmem:$0x1FC30];
	v16 =	vor.u32 v16, v24  }
0x715: {  	v61 =	vld.idx.msk [tilespmem:v44+s9+$0x0], $0xffff  }
0x716: {  	v17 =	vor.u32 v17, v27;
	v62 =	vld.idx.msk [tilespmem:v0+s12+$0x0], $0xffff  }
0x717: {  	v46 =	vld.idx.msk [tilespmem:v3+s9+$0x0], $0xffff  }
0x718: {  	v0 =	vld [tilespmem:$0x1FDD0]  }
0x719: {  	v20 =	vor.u32 v20, v27;
	v50 =	vld.idx.msk [tilespmem:v16+s12+$0x0], $0xffff  }
0x71a: {  	v3 =	vld [tilespmem:$0x1FC40]  }
0x71b: {  	v47 =	vld.idx.msk [tilespmem:v17+s9+$0x0], $0xffff  }
0x71c: {  	v16 =	vld [tilespmem:$0x1FDE0]  }
0x71d: {  	v17 =	vld [tilespmem:$0x1FC50]  }
0x71e: {  	v51 =	vld.idx.msk [tilespmem:v20+s9+$0x0], $0xffff  }
0x71f: {  	v20 =	vld [tilespmem:$0x1FDF0];
	v0 =	vor.u32 v0, v24  }
0x720: {  	v49 =	vld.idx.msk [tilespmem:v42+s12+$0x0], $0xffff;
	v3 =	vor.u32 v3, v27  }
0x721: {  	v55 =	vld [tilespmem:$0x1FC60];
	v16 =	vor.u32 v16, v24  }
0x722: {  	v57 =	vld [tilespmem:$0x1FE00];
	[tilespmem:$0x1F190] =	vst v21;
	v21 =	vmul.f32 v21, v21;
	v63 =	vmul.f32 v61, v61;
	v17 =	vor.u32 v17, v27  }
0x723: {  	v60 =	vld [tilespmem:$0x1FC70];
	v54 =	vmul.f32 v48, v48;
	v44 =	vmul.f32 v62, v62  }
0x724: {  	[tilespmem:$0x1F1B0] =	vst v61;
	v20 =	vor.u32 v20, v24;
	v59 =	vmul.f32 v50, v50;
	v56 =	vld.idx.msk [tilespmem:v0+s12+$0x0], $0xffff  }
0x725: {  	v0 =	vadd.f32 v63, v21;
	v21 =	vmul.f32 v46, v46;
	v58 =	vld.idx.msk [tilespmem:v3+s9+$0x0], $0xffff;
	v3 =	vadd.f32 v44, v54  }
0x726: {  	[tilespmem:$0x1F1C0] =	vst v62;
	v61 =	vld.idx.msk [tilespmem:v16+s12+$0x0], $0xffff  }
0x727: {  	v62 =	vld.idx.msk [tilespmem:v17+s9+$0x0], $0xffff;
	v0 =	vadd.f32 v21, v0;
	v21 =	vmul.f32 v49, v49;
	v3 =	vadd.f32 v59, v3  }
0x728: {  	v45 =	vor.u32 v55, v27;
	v42 =	vor.u32 v57, v24;
	v17 =	vld [tilespmem:$0x1FE10]  }
0x729: {  	v16 =	vmul.f32 v47, v47;
	v63 =	vld.idx.msk [tilespmem:v20+s12+$0x0], $0xffff;
	v3 =	vadd.f32 v21, v3;
	v20 =	vmul.f32 v56, v56  }
0x72a: {  	v44 =	vor.u32 v60, v27  }
0x72b: {  	v0 =	vadd.f32 v16, v0;
	v16 =	vmul.f32 v51, v51;
	v3 =	vadd.f32 v20, v3;
	v20 =	vld [tilespmem:$0x1FE20]  }
0x72c: {  	v55 =	vld.idx.msk [tilespmem:v41+s12+$0x0], $0xffff  }
0x72d: {  	v52 =	vld.idx.msk [tilespmem:v45+s9+$0x0], $0xffff;
	v17 =	vor.u32 v17, v24;
	v0 =	vadd.f32 v16, v0;
	v16 =	vmul.f32 v58, v58  }
0x72e: {  	v53 =	vld.idx.msk [tilespmem:v42+s12+$0x0], $0xffff;
	v21 =	vmul.f32 v61, v61  }
0x72f: {  	v54 =	vld.idx.msk [tilespmem:v44+s9+$0x0], $0xffff;
	v0 =	vadd.f32 v16, v0  }
0x730: {  	v16 =	vmul.f32 v62, v62;
	v3 =	vadd.f32 v21, v3;
	v21 =	vld [tilespmem:$0x1FE30];
	v20 =	vor.u32 v20, v24  }
0x731: {  	[tilespmem:$0x1F220] =	vst v56;
	v56 =	vld.idx.msk [tilespmem:v40+s9+$0x0], $0xffff  }
0x732: {  	[tilespmem:$0x1F230] =	vst v58;
	v0 =	vadd.f32 v16, v0;
	v58 =	vld.idx.msk [tilespmem:v17+s12+$0x0], $0xffff;
	v17 =	vmul.f32 v52, v52  }
0x733: {  	v16 =	vld [tilespmem:$0x1FC80]  }
0x734: {  	v0 =	vadd.f32 v17, v0;
	v17 =	vld [tilespmem:$0x1FC90]  }
0x735: {  	[tilespmem:$0x1F250] =	vst v62;
	v21 =	vor.u32 v21, v24;
	v62 =	vld.idx.msk [tilespmem:v20+s12+$0x0], $0xffff;
	v20 =	vmul.f32 v54, v54  }
0x736: {  	v60 =	vld [tilespmem:$0x1FE80]  }
0x737: {  	[tilespmem:$0x1F210] =	vst v51;
	v0 =	vadd.f32 v20, v0;
	v20 =	vld [tilespmem:$0x1FCA0]  }
0x738: {  	[tilespmem:$0x1F280] =	vst v53;
	v59 =	vld.idx.msk [tilespmem:v39+s9+$0x0], $0xffff;
	v16 =	vor.u32 v16, v27  }
0x739: {  	v51 =	vld [tilespmem:$0x1FEA0];
	[tilespmem:$0x1F240] =	vst v61  }
0x73a: {  	v61 =	vmul.f32 v53, v53;
	v17 =	vor.u32 v17, v27;
	v53 =	vld.idx.msk [tilespmem:v21+s12+$0x0], $0xffff;
	v21 =	vmul.f32 v56, v56  }
0x73b: {  	[tilespmem:$0x1F260] =	vst v63;
	v57 =	vmul.f32 v63, v63;
	v63 =	vld.idx.msk [tilespmem:v38+s9+$0x0], $0xffff  }
0x73c: {  	v0 =	vadd.f32 v21, v0;
	v21 =	vld [tilespmem:$0x1FCB0];
	v20 =	vor.u32 v20, v27  }
0x73d: {  	[tilespmem:$0x1F290] =	vst v54;
	v54 =	vld.idx.msk [tilespmem:v16+s9+$0x0], $0xffff  }
0x73e: {  	v39 =	vor.u32 v60, v24;
	v16 =	vld [tilespmem:$0x1FED0]  }
0x73f: {  	[tilespmem:$0x1F1D0] =	vst v46;
	v38 =	vor.u32 v51, v24;
	v46 =	vld.idx.msk [tilespmem:v17+s9+$0x0], $0xffff  }
0x740: {  	[tilespmem:$0x1F1A0] =	vst v48;
	v17 =	vld [tilespmem:$0x1FF00]  }
0x741: {  	[tilespmem:$0x1F1F0] =	vst v47;
	v21 =	vor.u32 v21, v27;
	v47 =	vld.idx.msk [tilespmem:v20+s9+$0x0], $0xffff  }
0x742: {  	[tilespmem:$0x1F200] =	vst v49;
	v20 =	vld [tilespmem:$0x1FF30]  }
0x743: {  	[tilespmem:$0x1F2A0] =	vst v55;
	v48 =	vld.idx.msk [tilespmem:v39+s12+$0x0], $0xffff;
	v16 =	vor.u32 v16, v24  }
0x744: {  	[tilespmem:$0x1F270] =	vst v52;
	v52 =	vmul.f32 v55, v55;
	v49 =	vld.idx.msk [tilespmem:v38+s12+$0x0], $0xffff  }
0x745: {  	v3 =	vadd.f32 v57, v3;
	[tilespmem:$0x1F2C0] =	vst v58;
	v55 =	vmul.f32 v58, v58;
	v58 =	vld [tilespmem:$0x1FCC0];
	v17 =	vor.u32 v17, v24  }
0x746: {  	v51 =	vld.idx.msk [tilespmem:v21+s9+$0x0], $0xffff  }
0x747: {  	[tilespmem:$0x1F1E0] =	vst v50;
	v3 =	vadd.f32 v61, v3;
	v21 =	vld [tilespmem:$0x1FEB0];
	v20 =	vor.u32 v20, v24  }
0x748: {  	[tilespmem:$0x1F2B0] =	vst v56;
	v56 =	vmul.f32 v59, v59;
	v50 =	vld.idx.msk [tilespmem:v16+s12+$0x0], $0xffff  }
0x749: {  	[tilespmem:$0x1F2D0] =	vst v59;
	v3 =	vadd.f32 v52, v3;
	v16 =	vld [tilespmem:$0x1FCD0]  }
0x74a: {  	v59 =	vmul.f32 v63, v63;
	v38 =	vor.u32 v58, v27;
	v0 =	vadd.f32 v56, v0;
	v58 =	vld.idx.msk [tilespmem:v17+s12+$0x0], $0xffff  }
0x74b: {  	v3 =	vadd.f32 v55, v3;
	v57 =	vmul.f32 v62, v62;
	v17 =	vld [tilespmem:$0x1FCE0]  }
0x74c: {  	v0 =	vadd.f32 v59, v0;
	v21 =	vor.u32 v21, v24;
	v59 =	vld.idx.msk [tilespmem:v20+s12+$0x0], $0xffff  }
0x74d: {  	v3 =	vadd.f32 v57, v3;
	v60 =	vmul.f32 v53, v53;
	v20 =	vld [tilespmem:$0x1FCF0]  }
0x74e: {  	v16 =	vor.u32 v16, v27  }
0x74f: {  	v44 =	vld [tilespmem:$0x1FEE0];
	[tilespmem:$0x1F2E0] =	vst v62;
	v62 =	vmul.f32 v48, v48;
	v3 =	vadd.f32 v60, v3  }
0x750: {  	v52 =	vld.idx.msk [tilespmem:v38+s9+$0x0], $0xffff;
	v17 =	vor.u32 v17, v27  }
0x751: {  	v55 =	vmul.f32 v49, v49;
	v61 =	vmul.f32 v54, v54;
	v3 =	vadd.f32 v62, v3;
	v43 =	vld.idx.msk [tilespmem:v21+s12+$0x0], $0xffff  }
0x752: {  	[tilespmem:$0x1F2F0] =	vst v63;
	v21 =	vld [tilespmem:$0x1FD00];
	v20 =	vor.u32 v20, v27  }
0x753: {  	v0 =	vadd.f32 v61, v0;
	v63 =	vmul.f32 v46, v46;
	v3 =	vadd.f32 v55, v3;
	v55 =	vld.idx.msk [tilespmem:v16+s9+$0x0], $0xffff  }
0x754: {  	v16 =	vld [tilespmem:$0x1FF10]  }
0x755: {  	v0 =	vadd.f32 v63, v0;
	v57 =	vmul.f32 v47, v47;
	v56 =	vld.idx.msk [tilespmem:v17+s9+$0x0], $0xffff  }
0x756: {  	v45 =	vor.u32 v44, v24;
	v60 =	vmul.f32 v50, v50;
	v17 =	vld [tilespmem:$0x1FE40]  }
0x757: {  	v0 =	vadd.f32 v57, v0;
	v21 =	vor.u32 v21, v27;
	v57 =	vld.idx.msk [tilespmem:v20+s9+$0x0], $0xffff  }
0x758: {  	v3 =	vadd.f32 v60, v3;
	v62 =	vmul.f32 v58, v58;
	v20 =	vld [tilespmem:$0x1FE50]  }
0x759: {  	v63 =	vld [tilespmem:$0x1FD10];
	v16 =	vor.u32 v16, v24  }
0x75a: {  	[tilespmem:$0x1F300] =	vst v53;
	v61 =	vmul.f32 v51, v51;
	v3 =	vadd.f32 v62, v3;
	v53 =	vmul.f32 v59, v59  }
0x75b: {  	v44 =	vld.idx.msk [tilespmem:v45+s12+$0x0], $0xffff;
	v17 =	vor.u32 v17, v24  }
0x75c: {  	v45 =	vmul.f32 v52, v52;
	v0 =	vadd.f32 v61, v0;
	v3 =	vadd.f32 v53, v3;
	v53 =	vld.idx.msk [tilespmem:v21+s9+$0x0], $0xffff  }
0x75d: {  	v21 =	vld [tilespmem:$0x1FE60];
	v20 =	vor.u32 v20, v24  }
0x75e: {  	v38 =	vor.u32 v63, v27;
	v0 =	vadd.f32 v45, v0;
	v40 =	vld.idx.msk [tilespmem:v16+s12+$0x0], $0xffff;
	v16 =	vmul.f32 v55, v55;
	_ =	sdelay $0x1  }
0x75f: {  	v0 =	vadd.f32 v16, v0;
	v60 =	vld.idx.msk [tilespmem:v17+s12+$0x0], $0xffff;
	v17 =	vmul.f32 v56, v56  }
0x760: {  	[tilespmem:$0x1F310] =	vst v54;
	v54 =	vmul.f32 v43, v43;
	v16 =	vld [tilespmem:$0x1FD20]  }
0x761: {  	v0 =	vadd.f32 v17, v0;
	v21 =	vor.u32 v21, v24;
	v41 =	vld.idx.msk [tilespmem:v20+s12+$0x0], $0xffff;
	v20 =	vmul.f32 v57, v57  }
0x762: {  	v3 =	vadd.f32 v54, v3;
	v54 =	vld.idx.msk [tilespmem:v38+s9+$0x0], $0xffff  }
0x763: {  	v0 =	vadd.f32 v20, v0;
	v20 =	vld [tilespmem:$0x1FD40]  }
0x764: {  	v38 =	vld [tilespmem:$0x1FE70]  }
0x765: {  	v17 =	vld [tilespmem:$0x1FD30]  }
0x766: {  	v16 =	vor.u32 v16, v27;
	v42 =	vld.idx.msk [tilespmem:v21+s12+$0x0], $0xffff;
	v21 =	vmul.f32 v53, v53;
	_ =	sdelay $0x1  }
0x767: {  	v45 =	vmul.f32 v44, v44;
	v39 =	vor.u32 v20, v27;
	v20 =	vadd.f32 v21, v0;
	v0 =	vld [tilespmem:$0x1FD50];
	_ =	sdelay $0x1  }
0x768: {  	v3 =	vadd.f32 v45, v3;
	v45 =	vld.idx.msk [tilespmem:v37+s9+$0x0], $0xffff  }
0x769: {  	v61 =	vor.u32 v38, v24;
	v38 =	vor.u32 v17, v27;
	v17 =	vld.idx.msk [tilespmem:v16+s9+$0x0], $0xffff  }
0x76a: {  	v16 =	vld [tilespmem:$0x1FEC0]  }
0x76b: {  	v63 =	vmul.f32 v40, v40;
	v21 =	vor.u32 v0, v27;
	v0 =	vld [tilespmem:$0x1FEF0];
	_ =	sdelay $0x1  }
0x76c: {  	v62 =	vld [tilespmem:$0x1FE90];
	v3 =	vadd.f32 v63, v3;
	v63 =	vmul.f32 v60, v60  }
0x76d: {  	v27 =	vld.idx.msk [tilespmem:v61+s12+$0x0], $0xffff;
	v61 =	vmul.f32 v54, v54  }
0x76e: {  	v37 =	vor.u32 v16, v24;
	v16 =	vadd.f32 v63, v3;
	v3 =	vld.idx.msk [tilespmem:v38+s9+$0x0], $0xffff;
	v63 =	vmul.f32 v41, v41  }
0x76f: {  	v38 =	vor.u32 v0, v24;
	v0 =	vadd.f32 v61, v20;
	v61 =	vmul.f32 v45, v45  }
0x770: {  	v39 =	vld.idx.msk [tilespmem:v39+s9+$0x0], $0xffff  }
0x771: {  	v63 =	vadd.f32 v63, v16;
	v16 =	vmul.f32 v17, v17;
	v0 =	vadd.f32 v61, v0  }
0x772: {  	v62 =	vor.u32 v62, v24;
	v21 =	vld.idx.msk [tilespmem:v21+s9+$0x0], $0xffff  }
0x773: {  	v0 =	vadd.f32 v16, v0;
	v16 =	vmul.f32 v3, v3;
	_ =	sdelay $0x1  }
0x774: {  	v0 =	vadd.f32 v16, v0;
	v16 =	vmul.f32 v39, v39;
	_ =	sdelay $0x1  }
0x775: {  	v24 =	vld.idx.msk [tilespmem:v62+s12+$0x0], $0xffff;
	v0 =	vadd.f32 v16, v0;
	v16 =	vmul.f32 v21, v21  }
0x776: {  	v20 =	vmul.f32 v42, v42;
	v61 =	vld.idx.msk [tilespmem:v37+s12+$0x0], $0xffff  }
0x777: {  	v0 =	vadd.f32 v16, v0;
	v16 =	vld [tilespmem:$0x1F7E0]  }
0x778: {  	[tilespmem:$0x1F320] =	vst v17;
	v17 =	vadd.f32 v20, v63;
	v20 =	vmul.f32 v27, v27  }
0x779: {  	v37 =	vld.idx.msk [tilespmem:v38+s12+$0x0], $0xffff  }
0x77a: {  	v28 =	vld.idx.msk [tilespmem:v28+s9+$0x0], $0xffff;
	[tilespmem:$0x1F330] =	vst v3;
	v3 =	vadd.f32 v20, v17;
	v17 =	vmul.f32 v24, v24;
	_ =	sdelay $0x1  }
0x77b: {  	v3 =	vadd.f32 v17, v3;
	v17 =	vmul.f32 v61, v61;
	_ =	sdelay $0x1  }
0x77c: {  	[tilespmem:$0x1F350] =	vst v61;
	v61 =	vld.idx.msk [tilespmem:v23+s9+$0x0], $0xffff;
	v3 =	vadd.f32 v17, v3;
	v17 =	vmul.f32 v37, v37  }
0x77d: {  	v23 =	vld.idx.msk [tilespmem:v16+s12+$0x0], $0xffff;
	v16 =	vmul.f32 v28, v28  }
0x77e: {  	v3 =	vadd.f32 v17, v3;
	v17 =	vld [tilespmem:$0x1F7F0]  }
0x77f: {  	v0 =	vadd.f32 v16, v0;
	v16 =	vld [tilespmem:$0x1F7C0];
	_ =	sdelay $0x1  }
0x780: {  	v25 =	vld.idx.msk [tilespmem:v25+s12+$0x0], $0xffff  }
0x781: {  	v20 =	vld.idx.msk [tilespmem:v26+s9+$0x0], $0xffff;
	_ =	sdelay $0x2  }
0x782: {  	v26 =	vld.idx.msk [tilespmem:v22+s12+$0x0], $0xffff  }
0x783: {  	v22 =	vld.idx.msk [tilespmem:v17+s9+$0x0], $0xffff;
	v17 =	vmul.f32 v25, v25  }
0x784: {  	v63 =	vld.idx.msk [tilespmem:v16+s12+$0x0], $0xffff;
	v16 =	vmul.f32 v20, v20  }
0x785: {  	v3 =	vadd.f32 v17, v3;
	v17 =	vld [tilespmem:$0x1F7D0]  }
0x786: {  	v0 =	vadd.f32 v16, v0;
	v16 =	vld [tilespmem:$0x1F7B0];
	_ =	sdelay $0x6  }
0x787: {  	[tilespmem:$0x1F380] =	vst v20;
	v20 =	vld.idx.msk [tilespmem:v17+s9+$0x0], $0xffff;
	v17 =	vmul.f32 v26, v26  }
0x788: {  	[tilespmem:$0x1F360] =	vst v21;
	v21 =	vld.idx.msk [tilespmem:v16+s12+$0x0], $0xffff  }
0x789: {  	v3 =	vadd.f32 v17, v3;
	v17 =	vmul.f32 v23, v23;
	_ =	sdelay $0x1  }
0x78a: {  	v3 =	vadd.f32 v17, v3;
	v17 =	vmul.f32 v63, v63;
	_ =	sdelay $0x1  }
0x78b: {  	v3 =	vadd.f32 v17, v3;
	v16 =	vmul.f32 v61, v61;
	v17 =	vmul.f32 v21, v21;
	_ =	sdelay $0x1  }
0x78c: {  	[tilespmem:$0x1F3A0] =	vst v22;
	v0 =	vadd.f32 v16, v0;
	v16 =	vmul.f32 v22, v22;
	v22 =	vadd.f32 v17, v3;
	v3 =	vld [tilespmem:$0x1F190]  }
0x78d: {  	v17 =	vld [tilespmem:$0x1F1A0];
	_ =	sdelay $0x3  }
0x78e: {  	[tilespmem:$0x1F370] =	vst v37;
	v37 =	vld [tilespmem:$0x1F1C0]  }
0x78f: {  	v0 =	vadd.f32 v16, v0;
	v16 =	vmul.f32 v20, v20;
	v3 =	vmul.f32 v3, v17;
	v17 =	vld [tilespmem:$0x1F1B0];
	_ =	sdelay $0x1  }
0x790: {  	[tilespmem:$0x1F410] =	vst v21;
	v21 =	vadd.f32 v16, v0;
	_ =	sdelay $0x1  }
0x791: {  	v16 =	vshrl.u32 v21, $0x1  }
0x792: {  	[tilespmem:$0x1F400] =	vst v20;
	v20 =	vmul.f32 $5.000000000e-01, v21;
	v3 =	vadd.f32 $0.0e+00, v3;
	v17 =	vmul.f32 v17, v37  }
0x793: {  	v16 =	vsub.s32 $0x5F3759DF, v16;
	v37 =	vld [tilespmem:$0x1F1E0]  }
0x794: {  	[tilespmem:$0x1F340] =	vst v39;
	v39 =	vmul.f32 v16, v20;
	v3 =	vadd.f32 v17, v3;
	v17 =	vld [tilespmem:$0x1F1D0];
	_ =	sdelay $0x1  }
0x795: {  	[tilespmem:$0x1F3B0] =	vst v63;
	v63 =	vmul.f32 v16, v39;
	_ =	sdelay $0x1  }
0x796: {  	v63 =	vsub.f32 $1.500000000e+00, v63  }
0x797: {  	v17 =	vmul.f32 v17, v37  }
0x798: {  	v16 =	vmul.f32 v16, v63;
	v63 =	vld [tilespmem:$0x1F200]  }
0x799: {  	v3 =	vadd.f32 v17, v3;
	v17 =	vld [tilespmem:$0x1F1F0];
	_ =	sdelay $0x4  }
0x79a: {  	v17 =	vmul.f32 v17, v63  }
0x79b: {  	v37 =	vld [tilespmem:$0x1F220]  }
0x79c: {  	v3 =	vadd.f32 v17, v3;
	v17 =	vld [tilespmem:$0x1F210];
	_ =	sdelay $0x4  }
0x79d: {  	v17 =	vmul.f32 v17, v37  }
0x79e: {  	v38 =	vshrl.u32 v22, $0x1;
	v62 =	vmul.f32 $5.000000000e-01, v22;
	v37 =	vld [tilespmem:$0x1F240]  }
0x79f: {  	[tilespmem:$0x1F390] =	vst v61;
	v61 =	vsub.s32 $0x5F3759DF, v38;
	v3 =	vadd.f32 v17, v3;
	v17 =	vld [tilespmem:$0x1F230]  }
0x7a0: {  	v0 =	vmul.f32 v61, v62;
	_ =	sdelay $0x1  }
0x7a1: {  	v0 =	vmul.f32 v61, v0;
	_ =	sdelay $0x1  }
0x7a2: {  	v0 =	vsub.f32 $1.500000000e+00, v0;
	v17 =	vmul.f32 v17, v37  }
0x7a3: {  	v37 =	vld [tilespmem:$0x1F260]  }
0x7a4: {  	v0 =	vmul.f32 v61, v0;
	v61 =	vmul.f32 v16, v20;
	v3 =	vadd.f32 v17, v3;
	v17 =	vld [tilespmem:$0x1F250];
	_ =	sdelay $0x1  }
0x7a5: {  	v61 =	vmul.f32 v61, v16;
	_ =	sdelay $0x1  }
0x7a6: {  	v61 =	vsub.f32 $1.500000000e+00, v61  }
0x7a7: {  	v17 =	vmul.f32 v17, v37  }
0x7a8: {  	v16 =	vmul.f32 v61, v16;
	v61 =	vld [tilespmem:$0x1F280]  }
0x7a9: {  	v63 =	vmul.f32 v0, v62;
	v3 =	vadd.f32 v17, v3;
	v17 =	vld [tilespmem:$0x1F270];
	_ =	sdelay $0x1  }
0x7aa: {  	v63 =	vmul.f32 v63, v0;
	_ =	sdelay $0x1  }
0x7ab: {  	v63 =	vsub.f32 $1.500000000e+00, v63  }
0x7ac: {  	v17 =	vmul.f32 v17, v61  }
0x7ad: {  	v0 =	vmul.f32 v63, v0;
	v63 =	vld [tilespmem:$0x1F2A0]  }
0x7ae: {  	v3 =	vadd.f32 v17, v3;
	v17 =	vld [tilespmem:$0x1F290]  }
0x7af: {  	v20 =	vmul.f32 v16, v20  }
0x7b0: {  	v61 =	vmul.f32 v0, v62  }
0x7b1: {  	v20 =	vmul.f32 v20, v16  }
0x7b2: {  	v62 =	vmul.f32 v61, v0  }
0x7b3: {  	v33 =	vmul.f32 v35, v33;
	v20 =	vsub.f32 $1.500000000e+00, v20;
	v17 =	vmul.f32 v17, v63  }
0x7b4: {  	v32 =	vmul.f32 v36, v32;
	v38 =	vsub.f32 $1.500000000e+00, v62;
	v63 =	vld [tilespmem:$0x1F2C0]  }
0x7b5: {  	v29 =	vmul.f32 v33, v29;
	v16 =	vmul.f32 v20, v16;
	v3 =	vadd.f32 v17, v3;
	v17 =	vld [tilespmem:$0x1F2B0]  }
0x7b6: {  	v20 =	vmul.f32 v32, v30;
	v0 =	vmul.f32 v38, v0  }
0x7b7: {  	v29 =	vmax.f32 v29, $9.999999960e-13;
	v16 =	vmul.f32 v16, v21  }
0x7b8: {  	(erf) = vrcp.f32 v29;
	v20 =	vmax.f32 v20, $9.999999960e-13;
	v0 =	vmul.f32 v0, v22  }
0x7b9: {  	(erf) = vrcp.f32 v20;
	v16 =	vmax.f32 v16, $9.999999960e-13  }
0x7ba: {  	(erf) = vrcp.f32 v16;
	v0 =	vmax.f32 v0, $9.999999960e-13;
	v17 =	vmul.f32 v17, v63  }
0x7bb: {  	v1 =	vmul.f32 v1, v9;
	v39 =	vld [tilespmem:$0x1F2E0];
	v16 =	vadd.f32 v34, v31;
	(erf) = vrcp.f32 v0  }
0x7bc: {  	v3 =	vadd.f32 v17, v3;
	v17 =	vld [tilespmem:$0x1F2D0]  }
0x7bd: {  	v2 =	vmul.f32 v2, v10;
	v1 =	vadd.f32 v1, v16;
	_ =	sdelay $0x1  }
0x7be: {  	v1 =	vadd.f32 v2, v1;
	v2 =	vmul.f32 v8, v15;
	_ =	sdelay $0x1  }
0x7bf: {  	s25 =	simm.s32 $0x180;
	v15 =	vpop (erf);
	v2 =	vadd.f32 v2, v1;
	v1 =	vlaneseq.u32;
	v17 =	vmul.f32 v17, v39  }
0x7c0: {  	v21 =	vld [tilespmem:$0x1F300];
	v8 =	vor.u32 s25, v1;
	v16 =	vpop (erf)  }
0x7c1: {  	v9 =	vshll.u32 v8, $0x5;
	v10 =	vpop (erf);
	v3 =	vadd.f32 v17, v3;
	v17 =	vld [tilespmem:$0x1F2F0]  }
0x7c2: {  	v4 =	vmul.f32 v4, v13;
	v13 =	vor.u32 v1, v9;
	v1 =	vpop (erf)  }
0x7c3: {  	[tilespmem:$0x1F430] =	vst v1;
	v1 =	vld [tilespmem:$0x1FF70];
	_ =	sdelay $0x2  }
0x7c4: {  	[tilespmem:$0x1F420] =	vst v10;
	v17 =	vmul.f32 v17, v21  }
0x7c5: {  	v20 =	vld [tilespmem:$0x1F310];
	v10 =	vand.u32 $0x1F8, v8;
	_ =	swait.ge [sflag:s22], $0x1000  }
0x7c6: {  	v3 =	vadd.f32 v17, v3;
	v17 =	vor.u32 v1, v10;
	v1 =	vld [tilespmem:$0x1FF40];
	_ =	sdelay $0x4  }
0x7c7: {  	v2 =	vadd.f32 v4, v2;
	v4 =	vmul.f32 v5, v12;
	v5 =	vor.u32 v1, v10;
	v1 =	vld [tilespmem:$0x1FDB0];
	_ =	sdelay $0x4  }
0x7c8: {  	v12 =	vor.u32 v1, v9;
	v1 =	vld [tilespmem:$0x1FC10];
	_ =	sdelay $0x4  }
0x7c9: {  	v7 =	vmul.f32 v7, v14;
	v14 =	vor.u32 v1, v10;
	v1 =	vld [tilespmem:$0x1FDC0];
	_ =	sdelay $0x1  }
0x7ca: {  	[sflag:s22] =	ssyncset.done $0x0  }
0x7cb: {  	[sflag:s22] =	ssyncadd.s32 $0xFFFFF000  }
0x7cc: {  	v2 =	vadd.f32 v4, v2;
	v4 =	vld.idx.msk [tilespmem:v13+s12+$0x0], $0xffff  }
0x7cd: {  	v13 =	vor.u32 v1, v9;
	v1 =	vld [tilespmem:$0x1FC20];
	_ =	sdelay $0x2  }
0x7ce: {  	v20 =	vmul.f32 v20, v48  }
0x7cf: {  	v2 =	vadd.f32 v7, v2  }
0x7d0: {  	v0 =	vmul.f32 v46, v49;
	v3 =	vadd.f32 v20, v3;
	v7 =	vor.u32 v1, v10;
	v1 =	vld [tilespmem:$0x1FF50];
	_ =	sdelay $0x1  }
0x7d1: {  	v0 =	vadd.f32 v0, v3;
	v3 =	vmul.f32 v47, v50;
	_ =	sdelay $0x1  }
0x7d2: {  	v0 =	vadd.f32 v3, v0;
	v3 =	vmul.f32 v51, v58  }
0x7d3: {  	v11 =	vmul.f32 v11, v19;
	v19 =	vor.u32 v1, v9;
	v1 =	vld [tilespmem:$0x1FC30]  }
0x7d4: {  	v0 =	vadd.f32 v3, v0;
	v3 =	vmul.f32 v52, v59;
	_ =	sdelay $0x1  }
0x7d5: {  	v0 =	vadd.f32 v3, v0;
	v3 =	vmul.f32 v55, v43  }
0x7d6: {  	v2 =	vadd.f32 v11, v2  }
0x7d7: {  	v0 =	vadd.f32 v3, v0;
	v3 =	vmul.f32 v56, v44;
	v11 =	vor.u32 v1, v10;
	v1 =	vld [tilespmem:$0x1FDD0];
	_ =	sdelay $0x1  }
0x7d8: {  	v0 =	vadd.f32 v3, v0;
	v3 =	vmul.f32 v57, v40;
	_ =	sdelay $0x1  }
0x7d9: {  	v0 =	vadd.f32 v3, v0;
	v3 =	vmul.f32 v53, v60;
	v53 =	vld.idx.msk [tilespmem:v12+s12+$0x0], $0xffff  }
0x7da: {  	v12 =	vor.u32 v1, v9;
	v1 =	vld [tilespmem:$0x1FC40];
	_ =	sdelay $0x2  }
0x7db: {  	v6 =	vmul.f32 v6, v18  }
0x7dc: {  	v0 =	vadd.f32 v3, v0  }
0x7dd: {  	v3 =	vmul.f32 v54, v41;
	v54 =	vadd.f32 v6, v2;
	v6 =	vor.u32 v1, v10;
	v1 =	vld [tilespmem:$0x1FDE0];
	_ =	sdelay $0x3  }
0x7de: {  	v55 =	vmul.f32 v15, v16;
	v16 =	vld.idx.msk [tilespmem:v13+s12+$0x0], $0xffff  }
0x7df: {  	v13 =	vor.u32 v1, v9;
	v1 =	vld [tilespmem:$0x1FC50];
	_ =	sdelay $0x4  }
0x7e0: {  	v18 =	vor.u32 v1, v10;
	v1 =	vld [tilespmem:$0x1FDF0];
	_ =	sdelay $0x4  }
0x7e1: {  	v21 =	vor.u32 v1, v9;
	v1 =	vld [tilespmem:$0x1FC60];
	_ =	sdelay $0x4  }
0x7e2: {  	v30 =	vor.u32 v1, v10;
	v1 =	vld [tilespmem:$0x1FE00];
	_ =	sdelay $0x4  }
0x7e3: {  	v31 =	vor.u32 v1, v9;
	v1 =	vld [tilespmem:$0x1FC70];
	_ =	sdelay $0x4  }
0x7e4: {  	v20 =	vmul.f32 v45, v42;
	v45 =	vor.u32 v1, v10;
	v1 =	vld [tilespmem:$0x1FF60];
	_ =	sdelay $0x4  }
0x7e5: {  	v46 =	vor.u32 v1, v9;
	v1 =	vld [tilespmem:$0x1FFA0]  }
0x7e6: {  	v22 =	vmul.f32 v4, v4;
	v29 =	vmul.f32 v53, v53  }
0x7e7: {  	v2 =	vld.idx.msk [tilespmem:v11+s9+$0x0], $0xffff  }
0x7e8: {  	v22 =	vadd.f32 v29, v22;
	v29 =	vmul.f32 v16, v16;
	v11 =	vld.idx.msk [tilespmem:v6+s9+$0x0], $0xffff  }
0x7e9: {  	v6 =	vld.idx.msk [tilespmem:v18+s9+$0x0], $0xffff  }
0x7ea: {  	v18 =	vadd.f32 v29, v22;
	v22 =	vor.u32 v1, v10;
	v1 =	vld [tilespmem:$0x1FE10];
	_ =	sdelay $0x4  }
0x7eb: {  	v29 =	vor.u32 v1, v9;
	v1 =	vld [tilespmem:$0x1FF80];
	_ =	sdelay $0x4  }
0x7ec: {  	v49 =	vor.u32 v1, v10;
	v1 =	vld [tilespmem:$0x1FE20];
	_ =	sdelay $0x2  }
0x7ed: {  	v51 =	vld.idx.msk [tilespmem:v17+s9+$0x0], $0xffff  }
0x7ee: {  	v17 =	vld.idx.msk [tilespmem:v5+s9+$0x0], $0xffff  }
0x7ef: {  	v50 =	vor.u32 v1, v9;
	v1 =	vld [tilespmem:$0x1FF90];
	_ =	sdelay $0x1  }
0x7f0: {  	v5 =	vld.idx.msk [tilespmem:v14+s9+$0x0], $0xffff  }
0x7f1: {  	v7 =	vld.idx.msk [tilespmem:v7+s9+$0x0], $0xffff  }
0x7f2: {  	v15 =	vld.idx.msk [tilespmem:v19+s12+$0x0], $0xffff  }
0x7f3: {  	v14 =	vmul.f32 v51, v51;
	v19 =	vmul.f32 v17, v17;
	v56 =	vor.u32 v1, v10;
	v1 =	vld [tilespmem:$0x1FE30];
	_ =	sdelay $0x1  }
0x7f4: {  	v0 =	vadd.f32 v3, v0;
	v3 =	vld.idx.msk [tilespmem:v12+s12+$0x0], $0xffff;
	v12 =	vadd.f32 v19, v14;
	v19 =	vmul.f32 v5, v5  }
0x7f5: {  	v14 =	vld.idx.msk [tilespmem:v13+s12+$0x0], $0xffff  }
0x7f6: {  	v12 =	vadd.f32 v19, v12;
	v19 =	vmul.f32 v7, v7;
	v58 =	vld.idx.msk [tilespmem:v22+s9+$0x0], $0xffff  }
0x7f7: {  	v22 =	vor.u32 v1, v9;
	v1 =	vld [tilespmem:$0x1FC80]  }
0x7f8: {  	v19 =	vadd.f32 v19, v12;
	v13 =	vld.idx.msk [tilespmem:v21+s12+$0x0], $0xffff;
	v21 =	vmul.f32 v2, v2  }
0x7f9: {  	v12 =	vld.idx.msk [tilespmem:v30+s9+$0x0], $0xffff  }
0x7fa: {  	v19 =	vadd.f32 v21, v19;
	v21 =	vmul.f32 v11, v11  }
0x7fb: {  	v47 =	vmul.f32 v15, v15  }
0x7fc: {  	v57 =	vmul.f32 v6, v6;
	v21 =	vadd.f32 v21, v19;
	v60 =	vor.u32 v1, v10;
	v1 =	vld [tilespmem:$0x1FE80]  }
0x7fd: {  	v48 =	vmul.f32 v3, v3;
	v30 =	vadd.f32 v47, v18  }
0x7fe: {  	v21 =	vadd.f32 v57, v21;
	v34 =	vld.idx.msk [tilespmem:v31+s12+$0x0], $0xffff;
	v61 =	vmul.f32 v12, v12  }
0x7ff: {  	v52 =	vmul.f32 v14, v14;
	v30 =	vadd.f32 v48, v30  }
0x800: {  	v21 =	vadd.f32 v61, v21;
	v61 =	vld [tilespmem:$0x1FF00]  }
0x801: {  	v59 =	vmul.f32 v13, v13;
	v30 =	vadd.f32 v52, v30;
	v63 =	vor.u32 v1, v9;
	v1 =	vld [tilespmem:$0x1FC90]  }
0x802: {  	v37 =	vld [tilespmem:$0x1FCC0]  }
0x803: {  	v39 =	vld [tilespmem:$0x1FCE0];
	v38 =	vadd.f32 v59, v30;
	v47 =	vmul.f32 v34, v34  }
0x804: {  	v8 =	vld.idx.msk [tilespmem:v45+s9+$0x0], $0xffff  }
0x805: {  	v41 =	vadd.f32 v47, v38;
	v47 =	vor.u32 v61, v9;
	v61 =	vld [tilespmem:$0x1FEB0]  }
0x806: {  	v48 =	vor.u32 v1, v10;
	v1 =	vld [tilespmem:$0x1FEA0]  }
0x807: {  	v18 =	vld.idx.msk [tilespmem:v46+s12+$0x0], $0xffff  }
0x808: {  	v19 =	vld.idx.msk [tilespmem:v29+s12+$0x0], $0xffff  }
0x809: {  	v62 =	vld.idx.msk [tilespmem:v49+s9+$0x0], $0xffff  }
0x80a: {  	[tilespmem:$0x1F3C0] =	vst v8;
	v49 =	vmul.f32 v8, v8;
	v8 =	vld [tilespmem:$0x1FCB0]  }
0x80b: {  	v52 =	vor.u32 v1, v9;
	v1 =	vld [tilespmem:$0x1FCA0]  }
0x80c: {  	v31 =	vld.idx.msk [tilespmem:v50+s12+$0x0], $0xffff  }
0x80d: {  	v50 =	vld.idx.msk [tilespmem:v56+s9+$0x0], $0xffff  }
0x80e: {  	v29 =	vld.idx.msk [tilespmem:v22+s12+$0x0], $0xffff  }
0x80f: {  	v57 =	vmul.f32 v58, v58;
	v21 =	vadd.f32 v49, v21;
	v30 =	vld.idx.msk [tilespmem:v60+s9+$0x0], $0xffff  }
0x810: {  	v22 =	vor.u32 v1, v10;
	v1 =	vld [tilespmem:$0x1FED0]  }
0x811: {  	v33 =	vld.idx.msk [tilespmem:v47+s12+$0x0], $0xffff;
	v21 =	vadd.f32 v57, v21;
	v36 =	vor.u32 v8, v10;
	v60 =	vmul.f32 v62, v62  }
0x812: {  	v44 =	vor.u32 v37, v10;
	v56 =	vmul.f32 v18, v18;
	v8 =	vld.idx.msk [tilespmem:v48+s9+$0x0], $0xffff  }
0x813: {  	v38 =	vmul.f32 v50, v50;
	v21 =	vadd.f32 v60, v21;
	v46 =	vld.idx.msk [tilespmem:v52+s12+$0x0], $0xffff  }
0x814: {  	[tilespmem:$0x1F3D0] =	vst v58;
	v59 =	vmul.f32 v19, v19;
	v43 =	vadd.f32 v56, v41;
	v52 =	vld [tilespmem:$0x1FF30]  }
0x815: {  	v21 =	vadd.f32 v38, v21;
	v60 =	vmul.f32 v30, v30;
	v58 =	vor.u32 v1, v9;
	v1 =	vld.idx.msk [tilespmem:v63+s12+$0x0], $0xffff  }
0x816: {  	[tilespmem:$0x1F3E0] =	vst v62;
	v37 =	vld.idx.msk [tilespmem:v36+s9+$0x0], $0xffff;
	v62 =	vadd.f32 v59, v43;
	v63 =	vmul.f32 v31, v31  }
0x817: {  	v0 =	vadd.f32 v20, v0;
	v36 =	vld.idx.msk [tilespmem:v44+s9+$0x0], $0xffff;
	v20 =	vadd.f32 v60, v21;
	v21 =	vmul.f32 v8, v8  }
0x818: {  	v57 =	vmul.f32 v29, v29;
	v35 =	vld.idx.msk [tilespmem:v22+s9+$0x0], $0xffff;
	v22 =	vadd.f32 v63, v62  }
0x819: {  	v20 =	vadd.f32 v21, v20;
	v21 =	vld [tilespmem:$0x1FEE0];
	v56 =	vor.u32 v52, v9  }
0x81a: {  	v62 =	vor.u32 v61, v9;
	v22 =	vadd.f32 v57, v22;
	v57 =	vld [tilespmem:$0x1F320];
	v38 =	vmul.f32 v1, v1  }
0x81b: {  	v63 =	vld.idx.msk [tilespmem:v58+s12+$0x0], $0xffff  }
0x81c: {  	v22 =	vadd.f32 v38, v22;
	v38 =	vld [tilespmem:$0x1F330]  }
0x81d: {  	v58 =	vld [tilespmem:$0x1FCD0]  }
0x81e: {  	v45 =	vld.idx.msk [tilespmem:v56+s12+$0x0], $0xffff  }
0x81f: {  	v47 =	vld.idx.msk [tilespmem:v62+s12+$0x0], $0xffff  }
0x820: {  	v40 =	vor.u32 v39, v10;
	v56 =	vmul.f32 v35, v35;
	v62 =	vld [tilespmem:$0x1FF10]  }
0x821: {  	v41 =	vmul.f32 v46, v46;
	v21 =	vor.u32 v21, v9;
	v39 =	vmul.f32 v38, v24;
	v24 =	vld [tilespmem:$0x1FE40]  }
0x822: {  	v61 =	vmul.f32 v37, v37;
	v20 =	vadd.f32 v56, v20;
	v27 =	vmul.f32 v57, v27  }
0x823: {  	v22 =	vadd.f32 v41, v22  }
0x824: {  	v20 =	vadd.f32 v61, v20;
	v0 =	vadd.f32 v27, v0;
	v27 =	vmul.f32 v36, v36  }
0x825: {  	v59 =	vor.u32 v58, v10;
	v58 =	vmul.f32 v63, v63;
	v56 =	vor.u32 v62, v9;
	v62 =	vld [tilespmem:$0x1F350]  }
0x826: {  	v20 =	vadd.f32 v27, v20;
	v27 =	vor.u32 v24, v9;
	v24 =	vld [tilespmem:$0x1F340]  }
0x827: {  	[tilespmem:$0x1F440] =	vst v35;
	v35 =	vmul.f32 v33, v33;
	v49 =	vld.idx.msk [tilespmem:v21+s12+$0x0], $0xffff;
	v22 =	vadd.f32 v58, v22  }
0x828: {  	v21 =	vld [tilespmem:$0x1FD00]  }
0x829: {  	[tilespmem:$0x1F450] =	vst v37;
	v37 =	vmul.f32 v45, v45;
	v22 =	vadd.f32 v35, v22;
	_ =	sdelay $0x1  }
0x82a: {  	v22 =	vadd.f32 v37, v22;
	v37 =	vmul.f32 v24, v62;
	v24 =	vld [tilespmem:$0x1FD10]  }
0x82b: {  	v42 =	vld [tilespmem:$0x1FFB0]  }
0x82c: {  	v21 =	vor.u32 v21, v10;
	v0 =	vadd.f32 v39, v0;
	v44 =	vld.idx.msk [tilespmem:v59+s9+$0x0], $0xffff  }
0x82d: {  	v59 =	vld [tilespmem:$0x1FCF0]  }
0x82e: {  	v57 =	vadd.f32 v37, v0;
	v0 =	vld [tilespmem:$0x1FE60]  }
0x82f: {  	v38 =	vor.u32 v24, v10;
	v24 =	vld [tilespmem:$0x1FE50];
	_ =	sdelay $0x1  }
0x830: {  	[tilespmem:$0x1F3F0] =	vst v50;
	v50 =	vld.idx.msk [tilespmem:v21+s9+$0x0], $0xffff  }
0x831: {  	v41 =	vmul.f32 v55, v54;
	v21 =	vor.u32 v42, v10;
	v55 =	vld.idx.msk [tilespmem:v27+s12+$0x0], $0xffff  }
0x832: {  	v60 =	vor.u32 v59, v10;
	v27 =	vor.u32 v0, v9;
	v0 =	vld [tilespmem:$0x1F360]  }
0x833: {  	v58 =	vor.u32 v24, v9;
	v24 =	vld [tilespmem:$0x1F370]  }
0x834: {  	v48 =	vld.idx.msk [tilespmem:v40+s9+$0x0], $0xffff  }
0x835: {  	v52 =	vld.idx.msk [tilespmem:v56+s12+$0x0], $0xffff  }
0x836: {  	v56 =	vld.idx.msk [tilespmem:v21+s9+$0x0], $0xffff  }
0x837: {  	v43 =	vld.idx.msk [tilespmem:v60+s9+$0x0], $0xffff;
	v60 =	vmul.f32 v44, v44  }
0x838: {  	v61 =	vmul.f32 v47, v47;
	v32 =	vmul.f32 v0, v24;
	v0 =	vld [tilespmem:$0x1FD20]  }
0x839: {  	v39 =	vmul.f32 v48, v48;
	v20 =	vadd.f32 v60, v20;
	v24 =	vld [tilespmem:$0x1FE70]  }
0x83a: {  	v22 =	vadd.f32 v61, v22;
	v54 =	vld.idx.msk [tilespmem:v38+s9+$0x0], $0xffff  }
0x83b: {  	v40 =	vmul.f32 v49, v49;
	v20 =	vadd.f32 v39, v20;
	v39 =	vadd.f32 v32, v57;
	v57 =	vld.idx.msk [tilespmem:v58+s12+$0x0], $0xffff  }
0x83c: {  	v37 =	vmul.f32 v43, v43;
	v58 =	vld.idx.msk [tilespmem:v27+s12+$0x0], $0xffff  }
0x83d: {  	v22 =	vadd.f32 v40, v22;
	v35 =	vor.u32 v0, v10;
	v0 =	vld [tilespmem:$0x1F7A0]  }
0x83e: {  	v20 =	vadd.f32 v37, v20;
	v27 =	vmul.f32 v50, v50;
	v40 =	vor.u32 v24, v9;
	v24 =	vld [tilespmem:$0x1FE90]  }
0x83f: {  	v21 =	vld [tilespmem:$0x1FD30]  }
0x840: {  	v4 =	vmul.f32 v51, v4;
	v20 =	vadd.f32 v27, v20;
	v27 =	vmul.f32 v54, v54;
	_ =	sdelay $0x1  }
0x841: {  	v20 =	vadd.f32 v27, v20;
	v27 =	vadd.f32 $0.0e+00, v4;
	v4 =	vld [tilespmem:$0x1FEC0]  }
0x842: {  	v17 =	vmul.f32 v17, v53;
	v0 =	vadd.f32 v41, v0;
	v41 =	vor.u32 v24, v9;
	v24 =	vld [tilespmem:$0x1FD40]  }
0x843: {  	v21 =	vor.u32 v21, v10;
	v38 =	vmul.f32 v52, v52  }
0x844: {  	v17 =	vadd.f32 v17, v27;
	v27 =	vmul.f32 v5, v16;
	v5 =	vld [tilespmem:$0x1FD50]  }
0x845: {  	v25 =	vmul.f32 v28, v25;
	v28 =	vmul.f32 v55, v55;
	v22 =	vadd.f32 v38, v22;
	v51 =	vld.idx.msk [tilespmem:v35+s9+$0x0], $0xffff  }
0x846: {  	v53 =	vld.idx.msk [tilespmem:v40+s12+$0x0], $0xffff;
	v35 =	vor.u32 v4, v9  }
0x847: {  	v22 =	vadd.f32 v28, v22;
	v28 =	vor.u32 v24, v10;
	v24 =	vld [tilespmem:$0x1F380]  }
0x848: {  	v4 =	vld.idx.msk [tilespmem:v21+s9+$0x0], $0xffff  }
0x849: {  	v32 =	vmul.f32 v57, v57;
	v16 =	vld.idx.msk [tilespmem:v41+s12+$0x0], $0xffff  }
0x84a: {  	v21 =	vmul.f32 v56, v56;
	v41 =	vld [tilespmem:$0x1FD60]  }
0x84b: {  	v7 =	vmul.f32 v7, v15;
	v37 =	vmul.f32 v58, v58;
	v22 =	vadd.f32 v32, v22;
	v15 =	vld.idx.msk [tilespmem:v35+s12+$0x0], $0xffff  }
0x84c: {  	v20 =	vadd.f32 v21, v20;
	v38 =	vmul.f32 v51, v51;
	v26 =	vmul.f32 v24, v26;
	v24 =	vld [tilespmem:$0x1FEF0]  }
0x84d: {  	v21 =	vadd.f32 v37, v22;
	v22 =	vor.u32 v5, v10;
	v32 =	vmul.f32 v53, v53  }
0x84e: {  	v35 =	vmul.f32 v4, v4;
	v20 =	vadd.f32 v38, v20;
	v38 =	vld [tilespmem:$0x1FFC0]  }
0x84f: {  	v25 =	vadd.f32 v25, v39;
	v21 =	vadd.f32 v32, v21;
	v32 =	vmul.f32 v16, v16  }
0x850: {  	v17 =	vadd.f32 v27, v17;
	v20 =	vadd.f32 v35, v20;
	v27 =	vor.u32 v41, v10  }
0x851: {  	v5 =	vld.idx.msk [tilespmem:v28+s9+$0x0], $0xffff;
	v35 =	vmul.f32 v15, v15;
	v21 =	vadd.f32 v32, v21;
	v28 =	vor.u32 v24, v9  }
0x852: {  	v25 =	vadd.f32 v26, v25;
	v26 =	vadd.f32 v7, v17;
	v7 =	vld.idx.msk [tilespmem:v22+s9+$0x0], $0xffff  }
0x853: {  	v2 =	vmul.f32 v2, v3;
	v22 =	vor.u32 v38, v9;
	v21 =	vadd.f32 v35, v21;
	v35 =	vld [tilespmem:$0x1FD90];
	_ =	sdelay $0x1  }
0x854: {  	v11 =	vmul.f32 v11, v14;
	v26 =	vadd.f32 v2, v26;
	v3 =	vld.idx.msk [tilespmem:v27+s9+$0x0], $0xffff  }
0x855: {  	v17 =	vld.idx.msk [tilespmem:v28+s12+$0x0], $0xffff;
	v28 =	vmul.f32 v5, v5  }
0x856: {  	v39 =	vld [tilespmem:$0x1FD70];
	v26 =	vadd.f32 v11, v26  }
0x857: {  	v11 =	vld.idx.msk [tilespmem:v22+s12+$0x0], $0xffff;
	v22 =	vmul.f32 v7, v7;
	v20 =	vadd.f32 v28, v20;
	v28 =	vor.u32 v35, v10;
	_ =	sdelay $0x1  }
0x858: {  	v20 =	vadd.f32 v22, v20;
	v22 =	vmul.f32 v3, v3  }
0x859: {  	v40 =	vld [tilespmem:$0x1FF20]  }
0x85a: {  	v22 =	vadd.f32 v22, v20;
	v20 =	vld [tilespmem:$0x1F3A0]  }
0x85b: {  	v34 =	vmul.f32 v12, v34;
	v60 =	vor.u32 v39, v10;
	v12 =	vld.idx.msk [tilespmem:v28+s9+$0x0], $0xffff  }
0x85c: {  	v28 =	vld [tilespmem:$0x1F3B0];
	_ =	sdelay $0x2  }
0x85d: {  	v37 =	vld [tilespmem:$0x1FD80]  }
0x85e: {  	v2 =	vld.idx.msk [tilespmem:v60+s9+$0x0], $0xffff  }
0x85f: {  	v59 =	vor.u32 v40, v9;
	v28 =	vmul.f32 v20, v28;
	v20 =	vld [tilespmem:$0x1F3C0]  }
0x860: {  	v60 =	vmul.f32 v6, v13;
	v6 =	vld [tilespmem:$0x1F390]  }
0x861: {  	v62 =	vld [tilespmem:$0x1FFD0]  }
0x862: {  	v26 =	vadd.f32 v60, v26  }
0x863: {  	v32 =	vld [tilespmem:$0x1FDA0]  }
0x864: {  	v14 =	vld.idx.msk [tilespmem:v59+s12+$0x0], $0xffff;
	v26 =	vadd.f32 v34, v26;
	v18 =	vmul.f32 v20, v18  }
0x865: {  	v27 =	vor.u32 v37, v10;
	v24 =	vld [tilespmem:$0x1FFE0];
	v23 =	vmul.f32 v6, v23  }
0x866: {  	v59 =	vor.u32 v62, v9;
	v18 =	vadd.f32 v18, v26;
	v26 =	vld [tilespmem:$0x1F3D0]  }
0x867: {  	v23 =	vadd.f32 v23, v25;
	v25 =	vld [tilespmem:$0x1F3E0]  }
0x868: {  	v60 =	vld [tilespmem:$0x1FFF0];
	v10 =	vor.u32 v32, v10  }
0x869: {  	v13 =	vmul.f32 v17, v17  }
0x86a: {  	v6 =	vld.idx.msk [tilespmem:v27+s9+$0x0], $0xffff  }
0x86b: {  	v21 =	vadd.f32 v13, v21;
	v13 =	vld.idx.msk [tilespmem:v59+s12+$0x0], $0xffff;
	v26 =	vmul.f32 v26, v19  }
0x86c: {  	v61 =	vor.u32 v24, v9;
	v27 =	vmul.f32 v14, v14;
	v25 =	vmul.f32 v25, v31  }
0x86d: {  	v59 =	vor.u32 v60, v9;
	v9 =	vld.idx.msk [tilespmem:v10+s9+$0x0], $0xffff;
	v10 =	vmul.f32 v2, v2;
	v18 =	vadd.f32 v26, v18  }
0x86e: {  	v21 =	vadd.f32 v27, v21;
	v27 =	vmul.f32 v11, v11  }
0x86f: {  	v10 =	vadd.f32 v10, v22;
	v22 =	vmul.f32 v6, v6;
	v18 =	vadd.f32 v25, v18;
	v25 =	vld [tilespmem:$0x1F3F0]  }
0x870: {  	v21 =	vadd.f32 v27, v21;
	v27 =	vmul.f32 v13, v13  }
0x871: {  	v10 =	vadd.f32 v22, v10;
	v22 =	vmul.f32 v12, v12;
	v20 =	vld.idx.msk [tilespmem:v61+s12+$0x0], $0xffff  }
0x872: {  	v21 =	vadd.f32 v27, v21;
	v27 =	vld [tilespmem:$0x1F400]  }
0x873: {  	v10 =	vadd.f32 v22, v10;
	v22 =	vmul.f32 v9, v9;
	v19 =	vld.idx.msk [tilespmem:v59+s12+$0x0], $0xffff  }
0x874: {  	v23 =	vadd.f32 v28, v23;
	v28 =	vld [tilespmem:$0x1F410];
	v25 =	vmul.f32 v25, v29  }
0x875: {  	v29 =	vadd.f32 v22, v10;
	v10 =	vmul.f32 v30, v1;
	v1 =	vld [tilespmem:$0x1F420]  }
0x876: {  	v26 =	vmul.f32 v20, v20;
	v18 =	vadd.f32 v25, v18;
	v25 =	vld [tilespmem:$0x1F430];
	_ =	sdelay $0x1  }
0x877: {  	v21 =	vadd.f32 v26, v21;
	v22 =	vmul.f32 v19, v19  }
0x878: {  	v27 =	vmul.f32 v27, v28  }
0x879: {  	v30 =	vadd.f32 v22, v21;
	v22 =	vld [tilespmem:$0x1F440]  }
0x87a: {  	v23 =	vadd.f32 v27, v23;
	v21 =	vshrl.u32 v29, $0x1;
	v1 =	vmul.f32 v1, v25  }
0x87b: {  	v8 =	vmul.f32 v8, v46;
	v10 =	vadd.f32 v10, v18;
	v18 =	vsub.s32 $0x5F3759DF, v21  }
0x87c: {  	v21 =	vshrl.u32 v30, $0x1;
	v34 =	vmul.f32 $5.000000000e-01, v30;
	v1 =	vmul.f32 v1, v23  }
0x87d: {  	v21 =	vsub.s32 $0x5F3759DF, v21;
	v8 =	vadd.f32 v8, v10  }
0x87e: {  	v22 =	vmul.f32 v22, v63;
	v0 =	vadd.f32 v1, v0;
	v1 =	vmul.f32 v21, v34;
	_ =	sdelay $0x1  }
0x87f: {  	v8 =	vadd.f32 v22, v8;
	v22 =	vmul.f32 v21, v1;
	v1 =	vld [tilespmem:$0x1F450];
	_ =	sdelay $0x1  }
0x880: {  	s31 =	simm.s32 $0x190;
	v46 =	vlaneseq.u32  }
0x881: {  	v23 =	vor.u32 s31, v46  }
0x882: {  	v31 =	vmul.f32 $5.000000000e-01, v29;
	v25 =	vshll.u32 v23, $0x5  }
0x883: {  	v26 =	vmul.f32 v1, v33;
	v1 =	vor.u32 v60, v25  }
0x884: {  	v10 =	vmul.f32 v18, v31;
	v27 =	vand.u32 $0x1F8, v23;
	[tilespmem:$0x1F460] =	vst v1;
	v1 =	vor.u32 v24, v25  }
0x885: {  	[tilespmem:$0x1F470] =	vst v1;
	v1 =	vor.u32 v32, v27  }
0x886: {  	v10 =	vmul.f32 v18, v10;
	[tilespmem:$0x1F480] =	vst v1;
	v1 =	vor.u32 v62, v25  }
0x887: {  	[tilespmem:$0x1F490] =	vst v1;
	v1 =	vor.u32 v35, v27  }
0x888: {  	v23 =	vsub.f32 $1.500000000e+00, v10;
	[tilespmem:$0x1F4A0] =	vst v1;
	v1 =	vor.u32 v38, v25  }
0x889: {  	v28 =	vmul.f32 v36, v45;
	[tilespmem:$0x1F4B0] =	vst v1;
	v1 =	vld [tilespmem:$0x1FF80]  }
0x88a: {  	v61 =	vmul.f32 v18, v23;
	v22 =	vsub.f32 $1.500000000e+00, v22;
	v26 =	vadd.f32 v26, v8;
	_ =	sdelay $0x1  }
0x88b: {  	v63 =	vmul.f32 v21, v22;
	v22 =	vadd.f32 v28, v26;
	v26 =	vmul.f32 v61, v31  }
0x88c: {  	v23 =	vmul.f32 v44, v47  }
0x88d: {  	v47 =	vmul.f32 v26, v61;
	v26 =	vor.u32 v39, v27;
	v39 =	vor.u32 v1, v27;
	v1 =	vld [tilespmem:$0x1FF90];
	_ =	sdelay $0x4  }
0x88e: {  	v38 =	vor.u32 v1, v27;
	v1 =	vld [tilespmem:$0x1FF60]  }
0x88f: {  	v28 =	vmul.f32 v63, v34;
	_ =	sdelay $0x1  }
0x890: {  	v28 =	vmul.f32 v28, v63  }
0x891: {  	v45 =	vmul.f32 v48, v49;
	v48 =	vmul.f32 v43, v52  }
0x892: {  	v52 =	vsub.f32 $1.500000000e+00, v28;
	v28 =	vor.u32 v41, v27;
	v41 =	vor.u32 v1, v25;
	v1 =	vld [tilespmem:$0x1FFA0];
	_ =	sdelay $0x4  }
0x893: {  	v24 =	vor.u32 v40, v25;
	v40 =	vor.u32 v1, v27;
	v1 =	vld [tilespmem:$0x1FF50];
	_ =	sdelay $0x3  }
0x894: {  	v44 =	vadd.f32 v23, v22  }
0x895: {  	v23 =	vor.u32 v37, v27;
	v37 =	vor.u32 v42, v27;
	v42 =	vor.u32 v1, v25;
	v1 =	vld [tilespmem:$0x1FF70]  }
0x896: {  	v35 =	vadd.f32 v45, v44  }
0x897: {  	v49 =	vsub.f32 $1.500000000e+00, v47  }
0x898: {  	v59 =	vmul.f32 v50, v55;
	v35 =	vadd.f32 v48, v35  }
0x899: {  	v32 =	vmul.f32 v49, v61;
	v33 =	vmul.f32 v52, v63  }
0x89a: {  	v60 =	vmul.f32 v54, v57;
	v35 =	vadd.f32 v59, v35;
	v45 =	vor.u32 v1, v27;
	v1 =	vld [tilespmem:$0x1FF40]  }
0x89b: {  	v31 =	vmul.f32 v32, v31;
	v34 =	vmul.f32 v33, v34  }
0x89c: {  	v61 =	vmul.f32 v56, v58;
	v35 =	vadd.f32 v60, v35  }
0x89d: {  	v62 =	vmul.f32 v31, v32;
	v63 =	vmul.f32 v34, v33  }
0x89e: {  	v43 =	vor.u32 v46, v25;
	v34 =	vmul.f32 v51, v53;
	v31 =	vadd.f32 v61, v35  }
0x89f: {  	s25 =	simm.s32 $0x1A0;
	v35 =	vsub.f32 $1.500000000e+00, v62;
	v36 =	vsub.f32 $1.500000000e+00, v63;
	v44 =	vor.u32 v1, v27  }
.LBB2_8:
0x8a0: {  	v1 =	vld [tilespmem:$0x1FDB0];
	_ =	sdelay $0x4  }
0x8a1: {  	v49 =	vor.u32 v1, v25;
	v1 =	vld [tilespmem:$0x1FC10];
	_ =	sdelay $0x4  }
0x8a2: {  	v50 =	vor.u32 v1, v27;
	v1 =	vld [tilespmem:$0x1FDC0];
	_ =	sdelay $0x2  }
0x8a3: {  	v4 =	vmul.f32 v4, v16;
	v31 =	vadd.f32 v34, v31;
	_ =	sdelay $0x1  }
0x8a4: {  	v4 =	vadd.f32 v4, v31;
	v31 =	vor.u32 v1, v25;
	v1 =	vld [tilespmem:$0x1FC20];
	_ =	sdelay $0x4  }
0x8a5: {  	v51 =	vor.u32 v1, v27;
	v1 =	vld [tilespmem:$0x1FC30]  }
0x8a6: {  	v16 =	vmul.f32 v35, v32;
	_ =	sdelay $0x1  }
0x8a7: {  	v15 =	vmul.f32 v5, v15;
	v29 =	vmul.f32 v16, v29  }
0x8a8: {  	v33 =	vmul.f32 v36, v33  }
0x8a9: {  	v4 =	vadd.f32 v15, v4;
	v15 =	vmax.f32 v29, $9.999999960e-13;
	v29 =	vor.u32 v1, v27;
	v1 =	vld [tilespmem:$0x1FDD0];
	_ =	sdelay $0x1  }
0x8aa: {  	v30 =	vmul.f32 v33, v30;
	_ =	sdelay $0x1  }
0x8ab: {  	v30 =	vmax.f32 v30, $9.999999960e-13;
	(erf) = vrcp.f32 v15  }
0x8ac: {  	(erf) = vrcp.f32 v30;
	v30 =	vor.u32 v1, v25;
	v1 =	vld [tilespmem:$0x1FE00];
	_ =	sdelay $0x4  }
0x8ad: {  	v52 =	vor.u32 v1, v25;
	v1 =	vld [tilespmem:$0x1FC70];
	_ =	sdelay $0x4  }
0x8ae: {  	v53 =	vor.u32 v1, v27;
	v1 =	vld [tilespmem:$0x1FC40];
	_ =	sdelay $0x4  }
0x8af: {  	v54 =	vor.u32 v1, v27;
	v1 =	vld [tilespmem:$0x1FDE0]  }
0x8b0: {  	v17 =	vmul.f32 v7, v17;
	_ =	sdelay $0x1  }
0x8b1: {  	v4 =	vadd.f32 v17, v4;
	v17 =	vmul.f32 v3, v14;
	_ =	sdelay $0x1  }
0x8b2: {  	v4 =	vadd.f32 v17, v4;
	v17 =	vor.u32 v1, v25;
	v1 =	vld [tilespmem:$0x1FC50];
	_ =	sdelay $0x4  }
0x8b3: {  	v55 =	vor.u32 v1, v27;
	v1 =	vld [tilespmem:$0x1FC60];
	_ =	sdelay $0x4  }
0x8b4: {  	v56 =	vor.u32 v1, v27;
	v1 =	vld [tilespmem:$0x1FDF0];
	_ =	sdelay $0x2  }
0x8b5: {  	v7 =	vld.idx.msk [tilespmem:v44+s9+$0x0], $0xffff  }
0x8b6: {  	v13 =	vmul.f32 v6, v13;
	v6 =	vld.idx.msk [tilespmem:v29+s9+$0x0], $0xffff  }
0x8b7: {  	v29 =	vor.u32 v1, v25;
	v1 =	vld [tilespmem:$0x1FE10]  }
0x8b8: {  	v16 =	vld.idx.msk [tilespmem:v45+s9+$0x0], $0xffff;
	_ =	sdelay $0x1  }
0x8b9: {  	v11 =	vmul.f32 v2, v11;
	v3 =	vld.idx.msk [tilespmem:v50+s9+$0x0], $0xffff  }
0x8ba: {  	v2 =	vld.idx.msk [tilespmem:v51+s9+$0x0], $0xffff  }
0x8bb: {  	v20 =	vmul.f32 v12, v20;
	v4 =	vadd.f32 v11, v4;
	v48 =	vor.u32 v1, v25;
	v1 =	vld [tilespmem:$0x1FE20]  }
0x8bc: {  	v57 =	vmul.f32 v7, v7;
	v12 =	vmul.f32 v16, v16  }
0x8bd: {  	v4 =	vadd.f32 v13, v4  }
0x8be: {  	v59 =	vmul.f32 v3, v3;
	v11 =	vld.idx.msk [tilespmem:v30+s12+$0x0], $0xffff;
	v30 =	vadd.f32 v57, v12  }
0x8bf: {  	v19 =	vmul.f32 v9, v19;
	v4 =	vadd.f32 v20, v4;
	v13 =	vld.idx.msk [tilespmem:v17+s12+$0x0], $0xffff  }
0x8c0: {  	v62 =	vmul.f32 v2, v2;
	v30 =	vadd.f32 v59, v30;
	v17 =	vpop (erf);
	v50 =	vor.u32 v1, v25;
	v1 =	vld [tilespmem:$0x1FE30]  }
0x8c1: {  	v4 =	vadd.f32 v19, v4;
	v47 =	vpop (erf)  }
0x8c2: {  	v17 =	vmul.f32 v17, v47;
	v20 =	vld.idx.msk [tilespmem:v29+s12+$0x0], $0xffff;
	v29 =	vadd.f32 v62, v30;
	v30 =	vmul.f32 v6, v6;
	_ =	sdelay $0x1  }
0x8c3: {  	v4 =	vmul.f32 v17, v4;
	v17 =	vadd.f32 v30, v29;
	v29 =	vld.idx.msk [tilespmem:v53+s9+$0x0], $0xffff  }
0x8c4: {  	v53 =	vor.u32 v1, v25;
	v1 =	vld [tilespmem:$0x1FC80];
	_ =	sdelay $0x3  }
0x8c5: {  	v19 =	vld.idx.msk [tilespmem:v56+s9+$0x0], $0xffff  }
0x8c6: {  	v56 =	vor.u32 v1, v27;
	v1 =	vld [tilespmem:$0x1FE80];
	_ =	sdelay $0x4  }
0x8c7: {  	v57 =	vor.u32 v1, v25;
	v1 =	vld [tilespmem:$0x1FC90];
	_ =	sdelay $0x4  }
0x8c8: {  	v59 =	vor.u32 v1, v27;
	v1 =	vld [tilespmem:$0x1FEA0];
	_ =	sdelay $0x4  }
0x8c9: {  	v46 =	vor.u32 v1, v25;
	v1 =	vld [tilespmem:$0x1FCA0]  }
0x8ca: {  	v5 =	vld.idx.msk [tilespmem:v43+s12+$0x0], $0xffff  }
0x8cb: {  	v15 =	vld.idx.msk [tilespmem:v49+s12+$0x0], $0xffff;
	_ =	sdelay $0x1  }
0x8cc: {  	v14 =	vld.idx.msk [tilespmem:v31+s12+$0x0], $0xffff  }
0x8cd: {  	v47 =	vor.u32 v1, v27;
	v1 =	vld [tilespmem:$0x1FED0]  }
0x8ce: {  	v32 =	vld.idx.msk [tilespmem:v42+s12+$0x0], $0xffff  }
0x8cf: {  	v43 =	vmul.f32 v5, v5;
	v58 =	vmul.f32 v15, v15  }
0x8d0: {  	v31 =	vld.idx.msk [tilespmem:v37+s9+$0x0], $0xffff  }
0x8d1: {  	v60 =	vadd.f32 v58, v43;
	v61 =	vmul.f32 v14, v14;
	v37 =	vld.idx.msk [tilespmem:v48+s12+$0x0], $0xffff  }
0x8d2: {  	v48 =	vor.u32 v1, v25;
	v1 =	vld [tilespmem:$0x1FCB0]  }
0x8d3: {  	v63 =	vmul.f32 v32, v32;
	v35 =	vadd.f32 v61, v60;
	_ =	sdelay $0x1  }
0x8d4: {  	v35 =	vadd.f32 v63, v35;
	v49 =	vmul.f32 v11, v11;
	_ =	sdelay $0x1  }
0x8d5: {  	v51 =	vadd.f32 v49, v35;
	v49 =	vor.u32 v1, v27;
	v1 =	vld [tilespmem:$0x1FF00];
	_ =	sdelay $0x2  }
0x8d6: {  	v33 =	vld.idx.msk [tilespmem:v52+s12+$0x0], $0xffff;
	v52 =	vmul.f32 v13, v13  }
0x8d7: {  	v12 =	vld.idx.msk [tilespmem:v54+s9+$0x0], $0xffff  }
0x8d8: {  	v54 =	vadd.f32 v52, v51;
	v51 =	vor.u32 v1, v25;
	v1 =	vld [tilespmem:$0x1FCC0];
	_ =	sdelay $0x1  }
0x8d9: {  	v34 =	vld.idx.msk [tilespmem:v39+s9+$0x0], $0xffff  }
0x8da: {  	v39 =	vld.idx.msk [tilespmem:v50+s12+$0x0], $0xffff  }
0x8db: {  	v50 =	vld.idx.msk [tilespmem:v59+s9+$0x0], $0xffff  }
0x8dc: {  	v59 =	vor.u32 v1, v27;
	v1 =	vld [tilespmem:$0x1FF30]  }
0x8dd: {  	v35 =	vld.idx.msk [tilespmem:v41+s12+$0x0], $0xffff  }
0x8de: {  	v9 =	vld.idx.msk [tilespmem:v55+s9+$0x0], $0xffff;
	v55 =	vmul.f32 v20, v20;
	_ =	sdelay $0x1  }
0x8df: {  	v58 =	vmul.f32 v33, v33;
	v41 =	vadd.f32 v55, v54  }
0x8e0: {  	v52 =	vor.u32 v1, v25;
	v1 =	vld [tilespmem:$0x1FCD0]  }
0x8e1: {  	v60 =	vmul.f32 v35, v35;
	v41 =	vadd.f32 v58, v41;
	_ =	sdelay $0x1  }
0x8e2: {  	v61 =	vmul.f32 v37, v37;
	v41 =	vadd.f32 v60, v41;
	_ =	sdelay $0x1  }
0x8e3: {  	v62 =	vadd.f32 v61, v41;
	v61 =	vor.u32 v1, v27;
	v1 =	vld [tilespmem:$0x1FEB0];
	_ =	sdelay $0x2  }
0x8e4: {  	v63 =	vmul.f32 v39, v39;
	_ =	sdelay $0x1  }
0x8e5: {  	v43 =	vadd.f32 v63, v62;
	v62 =	vor.u32 v1, v25;
	v1 =	vld [tilespmem:$0x1FCE0];
	_ =	sdelay $0x4  }
0x8e6: {  	v55 =	vor.u32 v1, v27;
	v1 =	vld [tilespmem:$0x1FEE0];
	_ =	sdelay $0x3  }
0x8e7: {  	v44 =	vld.idx.msk [tilespmem:v57+s12+$0x0], $0xffff  }
0x8e8: {  	v57 =	vor.u32 v1, v25;
	v1 =	vld [tilespmem:$0x1FCF0];
	_ =	sdelay $0x1  }
0x8e9: {  	v41 =	vld.idx.msk [tilespmem:v47+s9+$0x0], $0xffff  }
0x8ea: {  	v47 =	vld.idx.msk [tilespmem:v51+s12+$0x0], $0xffff  }
0x8eb: {  	v51 =	vld.idx.msk [tilespmem:v52+s12+$0x0], $0xffff  }
0x8ec: {  	v52 =	vor.u32 v1, v27;
	v1 =	vld [tilespmem:$0x1FF10];
	_ =	sdelay $0x3  }
0x8ed: {  	v30 =	vmul.f32 v12, v12  }
0x8ee: {  	v58 =	vor.u32 v1, v25;
	v1 =	vld [tilespmem:$0x1FD00]  }
0x8ef: {  	v36 =	vld.idx.msk [tilespmem:v38+s9+$0x0], $0xffff;
	v0 =	vadd.f32 v4, v0;
	v4 =	vadd.f32 v30, v17;
	v17 =	vmul.f32 v9, v9  }
0x8f0: {  	v30 =	vld.idx.msk [tilespmem:v40+s9+$0x0], $0xffff  }
0x8f1: {  	v4 =	vadd.f32 v17, v4;
	v17 =	vmul.f32 v19, v19;
	v38 =	vld.idx.msk [tilespmem:v53+s12+$0x0], $0xffff  }
0x8f2: {  	v42 =	vld.idx.msk [tilespmem:v49+s9+$0x0], $0xffff  }
0x8f3: {  	v4 =	vadd.f32 v17, v4;
	v17 =	vmul.f32 v29, v29;
	v49 =	vor.u32 v1, v27;
	v1 =	vld [tilespmem:$0x1FE40];
	_ =	sdelay $0x1  }
0x8f4: {  	v4 =	vadd.f32 v17, v4;
	v17 =	vmul.f32 v30, v30  }
0x8f5: {  	v40 =	vld.idx.msk [tilespmem:v56+s9+$0x0], $0xffff;
	v60 =	vmul.f32 v38, v38  }
0x8f6: {  	v4 =	vadd.f32 v17, v4;
	v17 =	vmul.f32 v34, v34  }
0x8f7: {  	v53 =	vadd.f32 v60, v43;
	v60 =	vor.u32 v1, v25;
	v1 =	vld [tilespmem:$0x1FD10]  }
0x8f8: {  	v4 =	vadd.f32 v17, v4;
	v17 =	vmul.f32 v36, v36;
	v56 =	vld.idx.msk [tilespmem:v46+s12+$0x0], $0xffff  }
0x8f9: {  	v45 =	vld.idx.msk [tilespmem:v48+s12+$0x0], $0xffff  }
0x8fa: {  	v4 =	vadd.f32 v17, v4;
	v17 =	vmul.f32 v40, v40;
	v48 =	vld.idx.msk [tilespmem:v55+s9+$0x0], $0xffff  }
0x8fb: {  	v55 =	vld.idx.msk [tilespmem:v57+s12+$0x0], $0xffff  }
0x8fc: {  	v4 =	vadd.f32 v17, v4;
	v17 =	vmul.f32 v50, v50;
	v57 =	vor.u32 v1, v27;
	v1 =	vld [tilespmem:$0x1FE50]  }
0x8fd: {  	v54 =	vmul.f32 v44, v44;
	v43 =	vld.idx.msk [tilespmem:v59+s9+$0x0], $0xffff  }
0x8fe: {  	v8 =	vld [tilespmem:$0x1FD30];
	v4 =	vadd.f32 v17, v4;
	v17 =	vmul.f32 v41, v41  }
0x8ff: {  	v53 =	vadd.f32 v54, v53;
	v63 =	vmul.f32 v56, v56;
	v46 =	vld.idx.msk [tilespmem:v61+s9+$0x0], $0xffff  }
0x900: {  	v10 =	vld [tilespmem:$0x1FE70];
	v4 =	vadd.f32 v17, v4;
	v17 =	vmul.f32 v42, v42  }
0x901: {  	v54 =	vadd.f32 v63, v53;
	v59 =	vmul.f32 v45, v45;
	v61 =	vor.u32 v1, v25;
	v1 =	vld [tilespmem:$0x1FD20]  }
0x902: {  	v4 =	vadd.f32 v17, v4;
	v17 =	vmul.f32 v43, v43;
	v53 =	vld.idx.msk [tilespmem:v62+s12+$0x0], $0xffff  }
0x903: {  	v54 =	vadd.f32 v59, v54;
	v59 =	vmul.f32 v47, v47;
	v52 =	vld.idx.msk [tilespmem:v52+s9+$0x0], $0xffff  }
0x904: {  	v4 =	vadd.f32 v17, v4;
	v17 =	vmul.f32 v46, v46  }
0x905: {  	v8 =	vor.u32 v8, v27;
	v59 =	vadd.f32 v59, v54;
	v62 =	vmul.f32 v51, v51;
	v58 =	vld.idx.msk [tilespmem:v58+s12+$0x0], $0xffff  }
0x906: {  	v4 =	vadd.f32 v17, v4;
	v17 =	vmul.f32 v48, v48;
	v63 =	vor.u32 v1, v27;
	v1 =	vld [tilespmem:$0x1FE60]  }
0x907: {  	v54 =	vld.idx.msk [tilespmem:v49+s9+$0x0], $0xffff;
	v49 =	vadd.f32 v62, v59;
	v62 =	vmul.f32 v53, v53  }
0x908: {  	v21 =	vld [tilespmem:$0x1FD40];
	v10 =	vor.u32 v10, v25;
	v4 =	vadd.f32 v17, v4;
	v17 =	vmul.f32 v52, v52  }
0x909: {  	v22 =	vld [tilespmem:$0x1FE90];
	v18 =	vmul.f32 v55, v55;
	v62 =	vadd.f32 v62, v49  }
0x90a: {  	v17 =	vadd.f32 v17, v4;
	v4 =	vld.idx.msk [tilespmem:v8+s9+$0x0], $0xffff  }
0x90b: {  	v8 =	vld [tilespmem:$0x1FEC0];
	v18 =	vadd.f32 v18, v62;
	v62 =	vmul.f32 v58, v58;
	v1 =	vor.u32 v1, v25  }
0x90c: {  	v59 =	vld.idx.msk [tilespmem:v60+s12+$0x0], $0xffff  }
0x90d: {  	v18 =	vadd.f32 v62, v18;
	v62 =	vld.idx.msk [tilespmem:v10+s12+$0x0], $0xffff  }
0x90e: {  	v10 =	vld [tilespmem:$0x1FEF0]  }
0x90f: {  	v60 =	vld.idx.msk [tilespmem:v61+s12+$0x0], $0xffff  }
0x910: {  	v61 =	vld.idx.msk [tilespmem:v1+s12+$0x0], $0xffff  }
0x911: {  	v1 =	vld [tilespmem:$0x1FD50]  }
0x912: {  	v49 =	vld.idx.msk [tilespmem:v63+s9+$0x0], $0xffff;
	v63 =	vor.u32 v22, v25  }
0x913: {  	v57 =	vld.idx.msk [tilespmem:v57+s9+$0x0], $0xffff  }
0x914: {  	v8 =	vor.u32 v8, v25  }
0x915: {  	v21 =	vor.u32 v21, v27;
	v10 =	vor.u32 v10, v25;
	v25 =	vmul.f32 v16, v5  }
0x916: {  	v1 =	vor.u32 v1, v27;
	v27 =	vmul.f32 v54, v54  }
0x917: {  	v14 =	vmul.f32 v3, v14;
	v25 =	vadd.f32 $0.0e+00, v25;
	v16 =	vld.idx.msk [tilespmem:v63+s12+$0x0], $0xffff;
	v63 =	vmul.f32 v7, v15  }
0x918: {  	v3 =	vld.idx.msk [tilespmem:v28+s9+$0x0], $0xffff;
	v22 =	vmul.f32 v59, v59;
	v17 =	vadd.f32 v27, v17;
	v27 =	vmul.f32 v57, v57  }
0x919: {  	v15 =	vld.idx.msk [tilespmem:v8+s12+$0x0], $0xffff;
	v8 =	vadd.f32 v63, v25  }
0x91a: {  	v5 =	vld.idx.msk [tilespmem:v21+s9+$0x0], $0xffff;
	v18 =	vadd.f32 v22, v18;
	v22 =	vmul.f32 v31, v31;
	v17 =	vadd.f32 v27, v17  }
0x91b: {  	v8 =	vadd.f32 v14, v8;
	v14 =	vld.idx.msk [tilespmem:v24+s12+$0x0], $0xffff  }
0x91c: {  	v22 =	vadd.f32 v22, v17;
	v17 =	vld.idx.msk [tilespmem:v10+s12+$0x0], $0xffff;
	v10 =	vmul.f32 v2, v32  }
0x91d: {  	v21 =	vmul.f32 v60, v60;
	v7 =	vld.idx.msk [tilespmem:v1+s9+$0x0], $0xffff  }
0x91e: {  	v8 =	vadd.f32 v10, v8;
	v10 =	vmul.f32 v6, v11;
	v11 =	vld [tilespmem:$0x1F4B0]  }
0x91f: {  	v1 =	vadd.f32 v21, v18;
	v18 =	vmul.f32 v61, v61;
	v2 =	vld.idx.msk [tilespmem:v26+s9+$0x0], $0xffff  }
0x920: {  	v21 =	vmul.f32 v49, v49;
	v8 =	vadd.f32 v10, v8;
	v10 =	vmul.f32 v12, v13;
	v13 =	vld [tilespmem:$0x1F490]  }
0x921: {  	v25 =	vmul.f32 v4, v4;
	v1 =	vadd.f32 v18, v1;
	v18 =	vmul.f32 v62, v62;
	v12 =	vld [tilespmem:$0x1F4A0]  }
0x922: {  	v21 =	vadd.f32 v21, v22;
	v8 =	vadd.f32 v10, v8;
	v10 =	vmul.f32 v9, v20;
	v20 =	vld [tilespmem:$0x1F470]  }
0x923: {  	v22 =	vmul.f32 v5, v5;
	v1 =	vadd.f32 v18, v1;
	v18 =	vmul.f32 v16, v16;
	v9 =	vld [tilespmem:$0x1F480]  }
0x924: {  	v21 =	vadd.f32 v25, v21;
	v8 =	vadd.f32 v10, v8;
	v10 =	vmul.f32 v19, v33;
	v19 =	vld [tilespmem:$0x1F460]  }
0x925: {  	v6 =	vld.idx.msk [tilespmem:v23+s9+$0x0], $0xffff;
	v1 =	vadd.f32 v18, v1;
	v18 =	vmul.f32 v15, v15  }
0x926: {  	v23 =	vmul.f32 v7, v7;
	v21 =	vadd.f32 v22, v21;
	v11 =	vld.idx.msk [tilespmem:v11+s12+$0x0], $0xffff  }
0x927: {  	v1 =	vadd.f32 v18, v1;
	v18 =	vmul.f32 v17, v17  }
0x928: {  	v22 =	vmul.f32 v3, v3;
	v21 =	vadd.f32 v23, v21;
	v13 =	vld.idx.msk [tilespmem:v13+s12+$0x0], $0xffff  }
0x929: {  	v23 =	vmul.f32 v2, v2;
	v1 =	vadd.f32 v18, v1;
	v18 =	vmul.f32 v14, v14;
	v12 =	vld.idx.msk [tilespmem:v12+s9+$0x0], $0xffff  }
0x92a: {  	v21 =	vadd.f32 v22, v21;
	v8 =	vadd.f32 v10, v8;
	v10 =	vmul.f32 v29, v35;
	v20 =	vld.idx.msk [tilespmem:v20+s12+$0x0], $0xffff  }
0x92b: {  	v1 =	vadd.f32 v18, v1;
	v9 =	vld.idx.msk [tilespmem:v9+s9+$0x0], $0xffff;
	v18 =	vmul.f32 v11, v11  }
0x92c: {  	v22 =	vmul.f32 v6, v6;
	v21 =	vadd.f32 v23, v21;
	v8 =	vadd.f32 v10, v8;
	v19 =	vld.idx.msk [tilespmem:v19+s12+$0x0], $0xffff  }
0x92d: {  	v10 =	vmul.f32 v30, v37;
	v1 =	vadd.f32 v18, v1;
	v18 =	vmul.f32 v13, v13  }
0x92e: {  	v21 =	vadd.f32 v22, v21;
	v23 =	vmul.f32 v12, v12  }
0x92f: {  	v8 =	vadd.f32 v10, v8;
	v1 =	vadd.f32 v18, v1;
	v18 =	vmul.f32 v20, v20  }
0x930: {  	v10 =	vmul.f32 v34, v39;
	v22 =	vmul.f32 v9, v9;
	v21 =	vadd.f32 v23, v21  }
0x931: {  	v1 =	vadd.f32 v18, v1;
	v18 =	vmul.f32 v19, v19  }
0x932: {  	v8 =	vadd.f32 v10, v8;
	v10 =	vmul.f32 v36, v38;
	v29 =	vadd.f32 v22, v21  }
0x933: {  	v21 =	vmul.f32 v40, v44;
	v30 =	vadd.f32 v18, v1  }
0x934: {  	v1 =	vadd.f32 v10, v8;
	v8 =	vshrl.u32 v29, $0x1;
	v10 =	vmul.f32 $5.000000000e-01, v29  }
0x935: {  	v8 =	vsub.s32 $0x5F3759DF, v8  }
0x936: {  	v1 =	vadd.f32 v21, v1;
	v21 =	vmul.f32 v8, v10;
	_ =	sdelay $0x1  }
0x937: {  	v22 =	vmul.f32 v50, v56;
	v21 =	vmul.f32 v8, v21  }
0x938: {  	v35 =	vlaneseq.u32  }
0x939: {  	v1 =	vadd.f32 v22, v1;
	v22 =	vmul.f32 v41, v45;
	v21 =	vsub.f32 $1.500000000e+00, v21  }
0x93a: {  	v23 =	vor.u32 s25, v35  }
0x93b: {  	v1 =	vadd.f32 v22, v1;
	v22 =	vmul.f32 v42, v47;
	v8 =	vmul.f32 v8, v21;
	v21 =	vld [tilespmem:$0x1FFD0]  }
0x93c: {  	v25 =	vshll.u32 v23, $0x5;
	v27 =	vand.u32 $0x1F8, v23;
	v23 =	vld [tilespmem:$0x1FFF0]  }
0x93d: {  	v1 =	vadd.f32 v22, v1;
	v22 =	vmul.f32 v43, v51  }
0x93e: {  	v18 =	vshrl.u32 v30, $0x1;
	v50 =	vmul.f32 $5.000000000e-01, v30  }
0x93f: {  	v18 =	vsub.s32 $0x5F3759DF, v18;
	v1 =	vadd.f32 v22, v1;
	v22 =	vmul.f32 v8, v10  }
0x940: {  	v24 =	vmul.f32 v18, v50;
	v21 =	vor.u32 v21, v25  }
0x941: {  	v23 =	vor.u32 v23, v25;
	v22 =	vmul.f32 v22, v8;
	[tilespmem:$0x1F490] =	vst v21;
	v21 =	vld [tilespmem:$0x1FD90]  }
0x942: {  	[tilespmem:$0x1F460] =	vst v23;
	v23 =	vmul.f32 v18, v24  }
0x943: {  	v22 =	vsub.f32 $1.500000000e+00, v22  }
0x944: {  	v23 =	vsub.f32 $1.500000000e+00, v23  }
0x945: {  	v32 =	vmul.f32 v22, v8;
	v8 =	vld [tilespmem:$0x1FF80]  }
0x946: {  	v18 =	vmul.f32 v18, v23;
	v21 =	vor.u32 v21, v27  }
0x947: {  	[tilespmem:$0x1F4A0] =	vst v21;
	v21 =	vmul.f32 v46, v53  }
0x948: {  	v24 =	vld [tilespmem:$0x1FFE0];
	v28 =	vmul.f32 v18, v50  }
0x949: {  	v1 =	vadd.f32 v21, v1;
	v21 =	vmul.f32 v48, v55  }
0x94a: {  	v56 =	vmul.f32 v28, v18;
	v39 =	vor.u32 v8, v27;
	v8 =	vld [tilespmem:$0x1FF90]  }
0x94b: {  	v1 =	vadd.f32 v21, v1;
	v21 =	vmul.f32 v52, v58  }
0x94c: {  	v23 =	vld [tilespmem:$0x1FFC0];
	v63 =	vsub.f32 $1.500000000e+00, v56  }
0x94d: {  	v24 =	vor.u32 v24, v25;
	v1 =	vadd.f32 v21, v1;
	v21 =	vmul.f32 v54, v59  }
0x94e: {  	[tilespmem:$0x1F470] =	vst v24;
	v24 =	vld [tilespmem:$0x1FDA0];
	v33 =	vmul.f32 v63, v18  }
0x94f: {  	v18 =	vld [tilespmem:$0x1FF60];
	v38 =	vor.u32 v8, v27;
	v8 =	vmul.f32 v57, v60;
	v1 =	vadd.f32 v21, v1  }
0x950: {  	v26 =	vld [tilespmem:$0x1FD70]  }
0x951: {  	v28 =	vld [tilespmem:$0x1FFB0];
	v23 =	vor.u32 v23, v25;
	v1 =	vadd.f32 v8, v1;
	v8 =	vmul.f32 v31, v61  }
0x952: {  	[tilespmem:$0x1F4B0] =	vst v23;
	v23 =	vld [tilespmem:$0x1FD80]  }
0x953: {  	v31 =	vadd.f32 v8, v1;
	v1 =	vld [tilespmem:$0x1FF70]  }
0x954: {  	v24 =	vor.u32 v24, v27;
	v41 =	vor.u32 v18, v25;
	v18 =	vld [tilespmem:$0x1FFA0]  }
0x955: {  	[tilespmem:$0x1F480] =	vst v24;
	v24 =	vld [tilespmem:$0x1FF20]  }
0x956: {  	v37 =	vor.u32 v28, v27;
	v28 =	vld [tilespmem:$0x1FD60]  }
0x957: {  	v21 =	vld [tilespmem:$0x1FF50]  }
0x958: {  	p0 =	sne.s32 s25, $0x1F0;
	v10 =	vmul.f32 v32, v10;
	v45 =	vor.u32 v1, v27;
	v1 =	vld [tilespmem:$0x1FF40]  }
.Ltmp3:
0x959: {  	v40 =	vor.u32 v18, v27;
	v18 =	vmul.f32 v33, v50;
	(pc) =	sbr.rel @p0 .LBB2_8-.Ltmp3, $4  }
0x95a: {  	v34 =	vmul.f32 v49, v62;
	v26 =	vor.u32 v26, v27;
	v10 =	vmul.f32 v10, v32  }
0x95b: {  	v43 =	vor.u32 v35, v25;
	v23 =	vor.u32 v23, v27;
	v18 =	vmul.f32 v18, v33  }
0x95c: {  	v35 =	vsub.f32 $1.500000000e+00, v10;
	v24 =	vor.u32 v24, v25;
	v28 =	vor.u32 v28, v27  }
0x95d: {  	s25 =	sadd.s32 $0x10, s25;
	v36 =	vsub.f32 $1.500000000e+00, v18;
	v42 =	vor.u32 v21, v25;
	v44 =	vor.u32 v1, v27  }
0x95e: {  	_ =	sdelay $0x1  }
0x95f: {  	v1 =	vld [tilespmem:$0x1FDB0]  }
0x960: {  	v8 =	vld [tilespmem:$0x1FC10]  }
0x961: {  	v56 =	vld.idx.msk [tilespmem:v43+s12+$0x0], $0xffff  }
0x962: {  	v10 =	vld [tilespmem:$0x1FDC0]  }
0x963: {  	v18 =	vld [tilespmem:$0x1FC20]  }
0x964: {  	v51 =	vld.idx.msk [tilespmem:v45+s9+$0x0], $0xffff  }
0x965: {  	v57 =	vld.idx.msk [tilespmem:v44+s9+$0x0], $0xffff  }
0x966: {  	v21 =	vld [tilespmem:$0x1FC30]  }
0x967: {  	v54 =	vld [tilespmem:$0x1FDD0]  }
0x968: {  	v55 =	vld [tilespmem:$0x1FC40];
	v18 =	vor.u32 v18, v27  }
0x969: {  	v58 =	vld [tilespmem:$0x1FDE0]  }
0x96a: {  	v62 =	vld [tilespmem:$0x1FC60]  }
0x96b: {  	v49 =	vld.idx.msk [tilespmem:v42+s12+$0x0], $0xffff  }
0x96c: {  	v60 =	vld [tilespmem:$0x1FDF0];
	v1 =	vor.u32 v1, v25  }
0x96d: {  	v8 =	vor.u32 v8, v27;
	v47 =	vld.idx.msk [tilespmem:v18+s9+$0x0], $0xffff  }
0x96e: {  	v10 =	vor.u32 v10, v25;
	v22 =	vmul.f32 v51, v51;
	v59 =	vmul.f32 v57, v57;
	v18 =	vld [tilespmem:$0x1FC50]  }
0x96f: {  	v21 =	vor.u32 v21, v27;
	v45 =	vor.u32 v62, v27;
	v62 =	vld [tilespmem:$0x1FC70]  }
0x970: {  	v63 =	vadd.f32 v59, v22;
	v59 =	vld [tilespmem:$0x1FE00]  }
0x971: {  	v53 =	vld.idx.msk [tilespmem:v1+s12+$0x0], $0xffff;
	v1 =	vor.u32 v54, v25  }
0x972: {  	v48 =	vld.idx.msk [tilespmem:v8+s9+$0x0], $0xffff;
	v8 =	vor.u32 v55, v27  }
0x973: {  	v52 =	vld.idx.msk [tilespmem:v10+s12+$0x0], $0xffff;
	v18 =	vor.u32 v18, v27  }
0x974: {  	v46 =	vld.idx.msk [tilespmem:v21+s9+$0x0], $0xffff  }
0x975: {  	v45 =	vld.idx.msk [tilespmem:v45+s9+$0x0], $0xffff  }
0x976: {  	v10 =	vor.u32 v58, v25;
	v50 =	vld.idx.msk [tilespmem:v1+s12+$0x0], $0xffff  }
0x977: {  	v21 =	vor.u32 v60, v25;
	[tilespmem:$0x1EFA0] =	vst v48;
	v58 =	vmul.f32 v48, v48;
	v48 =	vld.idx.msk [tilespmem:v8+s9+$0x0], $0xffff  }
0x978: {  	v43 =	vmul.f32 v56, v56;
	v42 =	vor.u32 v59, v25;
	v61 =	vmul.f32 v53, v53;
	v55 =	vld.idx.msk [tilespmem:v18+s9+$0x0], $0xffff  }
0x979: {  	v44 =	vor.u32 v62, v27;
	[tilespmem:$0x1EFB0] =	vst v52;
	v18 =	vld [tilespmem:$0x1FE10]  }
0x97a: {  	[tilespmem:$0x1EFE0] =	vst v46;
	v59 =	vmul.f32 v46, v46;
	v46 =	vld [tilespmem:$0x1FEA0];
	v60 =	vadd.f32 v61, v43  }
0x97b: {  	v61 =	vmul.f32 v52, v52;
	v52 =	vld.idx.msk [tilespmem:v10+s12+$0x0], $0xffff;
	v1 =	vadd.f32 v58, v63;
	v63 =	vmul.f32 v47, v47  }
0x97c: {  	v58 =	vld.idx.msk [tilespmem:v21+s12+$0x0], $0xffff  }
0x97d: {  	v8 =	vadd.f32 v61, v60;
	v1 =	vadd.f32 v63, v1;
	v61 =	vld.idx.msk [tilespmem:v42+s12+$0x0], $0xffff  }
0x97e: {  	v42 =	vld.idx.msk [tilespmem:v44+s9+$0x0], $0xffff;
	v18 =	vor.u32 v18, v25  }
0x97f: {  	v54 =	vmul.f32 v49, v49;
	v63 =	vld [tilespmem:$0x1FE20];
	v62 =	vmul.f32 v48, v48;
	v1 =	vadd.f32 v59, v1  }
0x980: {  	[tilespmem:$0x1EFF0] =	vst v48;
	v60 =	vmul.f32 v50, v50;
	v43 =	vmov v50;
	v48 =	vld.idx.msk [tilespmem:v41+s12+$0x0], $0xffff  }
0x981: {  	v8 =	vadd.f32 v54, v8;
	v54 =	vld [tilespmem:$0x1FE30];
	[tilespmem:$0x1F020] =	vst v58;
	v1 =	vadd.f32 v62, v1;
	v50 =	vmul.f32 v55, v55  }
0x982: {  	v59 =	vld [tilespmem:$0x1FC80];
	[tilespmem:$0x1F010] =	vst v55  }
0x983: {  	v55 =	vmul.f32 v58, v58;
	v1 =	vadd.f32 v50, v1;
	v58 =	vld.idx.msk [tilespmem:v18+s12+$0x0], $0xffff;
	v18 =	vmul.f32 v45, v45  }
0x984: {  	[tilespmem:$0x1F000] =	vst v52;
	v44 =	vmul.f32 v52, v52;
	v52 =	vld.idx.msk [tilespmem:v40+s9+$0x0], $0xffff  }
0x985: {  	v1 =	vadd.f32 v18, v1;
	v18 =	vld [tilespmem:$0x1FC90]  }
0x986: {  	v8 =	vadd.f32 v60, v8;
	v60 =	vld [tilespmem:$0x1FE80]  }
0x987: {  	[tilespmem:$0x1F050] =	vst v42;
	v21 =	vor.u32 v63, v25;
	v63 =	vmul.f32 v42, v42;
	v42 =	vld.idx.msk [tilespmem:v38+s9+$0x0], $0xffff  }
0x988: {  	[tilespmem:$0x1EFD0] =	vst v49;
	v8 =	vadd.f32 v44, v8;
	v44 =	vld.idx.msk [tilespmem:v39+s9+$0x0], $0xffff  }
0x989: {  	[tilespmem:$0x1F060] =	vst v48;
	v49 =	vmul.f32 v48, v48;
	v48 =	vld [tilespmem:$0x1FCF0]  }
0x98a: {  	v10 =	vor.u32 v59, v27;
	v59 =	vld [tilespmem:$0x1FCB0];
	v18 =	vor.u32 v18, v27  }
0x98b: {  	v50 =	vld [tilespmem:$0x1FCA0]  }
0x98c: {  	v22 =	vor.u32 v54, v25;
	v8 =	vadd.f32 v55, v8;
	v55 =	vld [tilespmem:$0x1FED0]  }
0x98d: {  	[tilespmem:$0x1F040] =	vst v61;
	v61 =	vmul.f32 v61, v61;
	v62 =	vld.idx.msk [tilespmem:v21+s12+$0x0], $0xffff  }
0x98e: {  	[tilespmem:$0x1F030] =	vst v45;
	v45 =	vld [tilespmem:$0x1FCC0]  }
0x98f: {  	v39 =	vor.u32 v60, v25;
	v8 =	vadd.f32 v61, v8;
	v61 =	vld.idx.msk [tilespmem:v18+s9+$0x0], $0xffff  }
0x990: {  	v18 =	vld [tilespmem:$0x1FF00]  }
0x991: {  	v38 =	vor.u32 v46, v25;
	v46 =	vld.idx.msk [tilespmem:v22+s12+$0x0], $0xffff  }
0x992: {  	[tilespmem:$0x1EFC0] =	vst v47;
	v54 =	vld.idx.msk [tilespmem:v10+s9+$0x0], $0xffff  }
0x993: {  	[tilespmem:$0x1F070] =	vst v52;
	v8 =	vadd.f32 v49, v8;
	v10 =	vor.u32 v55, v25;
	v55 =	vld [tilespmem:$0x1FEB0]  }
0x994: {  	v22 =	vor.u32 v59, v27;
	v47 =	vld.idx.msk [tilespmem:v39+s12+$0x0], $0xffff;
	[tilespmem:$0x1F080] =	vst v58;
	v58 =	vmul.f32 v58, v58  }
0x995: {  	v52 =	vmul.f32 v52, v52;
	v39 =	vld [tilespmem:$0x1FE70];
	[tilespmem:$0x1F0A0] =	vst v62;
	v18 =	vor.u32 v18, v25  }
0x996: {  	v1 =	vadd.f32 v63, v1;
	v62 =	vmul.f32 v62, v62;
	v63 =	vld.idx.msk [tilespmem:v38+s12+$0x0], $0xffff;
	v8 =	vadd.f32 v58, v8  }
0x997: {  	v21 =	vor.u32 v50, v27;
	v38 =	vor.u32 v45, v27;
	v45 =	vld [tilespmem:$0x1FD10]  }
0x998: {  	v1 =	vadd.f32 v52, v1;
	v59 =	vmul.f32 v46, v46;
	v52 =	vld [tilespmem:$0x1FCD0];
	v8 =	vadd.f32 v62, v8  }
0x999: {  	v41 =	vld.idx.msk [tilespmem:v22+s9+$0x0], $0xffff  }
0x99a: {  	v8 =	vadd.f32 v59, v8;
	v59 =	vld.idx.msk [tilespmem:v18+s12+$0x0], $0xffff  }
0x99b: {  	v18 =	vld [tilespmem:$0x1FCE0]  }
0x99c: {  	v50 =	vld.idx.msk [tilespmem:v21+s9+$0x0], $0xffff  }
0x99d: {  	v58 =	vld [tilespmem:$0x1FF30]  }
0x99e: {  	v60 =	vmul.f32 v44, v44;
	v22 =	vor.u32 v55, v25;
	v62 =	vld [tilespmem:$0x1FEE0]  }
0x99f: {  	v55 =	vld [tilespmem:$0x1FD00]  }
0x9a0: {  	v1 =	vadd.f32 v60, v1;
	v60 =	vld.idx.msk [tilespmem:v10+s12+$0x0], $0xffff;
	v18 =	vor.u32 v18, v27  }
0x9a1: {  	[tilespmem:$0x1F090] =	vst v44;
	v44 =	vld.idx.msk [tilespmem:v38+s9+$0x0], $0xffff  }
0x9a2: {  	v49 =	vmul.f32 v42, v42;
	[tilespmem:$0x1F0D0] =	vst v54;
	v10 =	vor.u32 v52, v27;
	v52 =	vld [tilespmem:$0x1FF10]  }
0x9a3: {  	v21 =	vor.u32 v58, v25;
	v58 =	vmul.f32 v47, v47;
	v38 =	vor.u32 v62, v25;
	v62 =	vld.idx.msk [tilespmem:v22+s12+$0x0], $0xffff  }
0x9a4: {  	v54 =	vmul.f32 v54, v54;
	[tilespmem:$0x1F100] =	vst v63;
	v1 =	vadd.f32 v49, v1;
	v22 =	vor.u32 v55, v27;
	v55 =	vld [tilespmem:$0x1FE60]  }
0x9a5: {  	[tilespmem:$0x1F130] =	vst v41;
	v8 =	vadd.f32 v58, v8;
	v58 =	vmul.f32 v41, v41;
	v41 =	vld.idx.msk [tilespmem:v18+s9+$0x0], $0xffff  }
0x9a6: {  	v63 =	vmul.f32 v63, v63;
	v1 =	vadd.f32 v54, v1;
	[tilespmem:$0x1F0F0] =	vst v61;
	v61 =	vmul.f32 v61, v61;
	v18 =	vld [tilespmem:$0x1FE40]  }
0x9a7: {  	[tilespmem:$0x1F110] =	vst v50;
	v49 =	vmul.f32 v50, v50;
	v50 =	vld.idx.msk [tilespmem:v10+s9+$0x0], $0xffff;
	v10 =	vor.u32 v52, v25  }
0x9a8: {  	[tilespmem:$0x1F0E0] =	vst v47;
	v47 =	vld.idx.msk [tilespmem:v21+s12+$0x0], $0xffff;
	v21 =	vor.u32 v48, v27;
	v1 =	vadd.f32 v61, v1  }
0x9a9: {  	v54 =	vmul.f32 v60, v60;
	v8 =	vadd.f32 v63, v8;
	v48 =	vld [tilespmem:$0x1FE50]  }
0x9aa: {  	[tilespmem:$0x1F120] =	vst v60;
	v60 =	vld.idx.msk [tilespmem:v38+s12+$0x0], $0xffff;
	v38 =	vor.u32 v45, v27;
	v1 =	vadd.f32 v49, v1  }
0x9ab: {  	v8 =	vadd.f32 v54, v8;
	v45 =	vld [tilespmem:$0x1FD40];
	[tilespmem:$0x1F140] =	vst v59;
	v59 =	vmul.f32 v59, v59;
	v18 =	vor.u32 v18, v25  }
0x9ac: {  	[tilespmem:$0x1F0C0] =	vst v46;
	v46 =	vmul.f32 v44, v44;
	v54 =	vld.idx.msk [tilespmem:v10+s12+$0x0], $0xffff;
	v1 =	vadd.f32 v58, v1  }
0x9ad: {  	v10 =	vor.u32 v55, v25;
	v8 =	vadd.f32 v59, v8;
	v59 =	vld.idx.msk [tilespmem:v21+s9+$0x0], $0xffff  }
0x9ae: {  	[tilespmem:$0x1F170] =	vst v50;
	v50 =	vmul.f32 v50, v50;
	v58 =	vld.idx.msk [tilespmem:v22+s9+$0x0], $0xffff;
	v1 =	vadd.f32 v46, v1  }
0x9af: {  	v55 =	vld.idx.msk [tilespmem:v38+s9+$0x0], $0xffff  }
0x9b0: {  	v1 =	vadd.f32 v50, v1;
	v50 =	vld.idx.msk [tilespmem:v18+s12+$0x0], $0xffff;
	v18 =	vmul.f32 v41, v41  }
0x9b1: {  	[tilespmem:$0x1F160] =	vst v47;
	v49 =	vmul.f32 v47, v47;
	v38 =	vld [tilespmem:$0x1FEC0]  }
0x9b2: {  	v22 =	vor.u32 v39, v25;
	v47 =	vld.idx.msk [tilespmem:v10+s12+$0x0], $0xffff;
	v63 =	vmul.f32 v59, v59;
	v1 =	vadd.f32 v18, v1  }
0x9b3: {  	v21 =	vor.u32 v48, v25;
	v48 =	vld [tilespmem:$0x1FE90]  }
0x9b4: {  	[tilespmem:$0x1F0B0] =	vst v42;
	v42 =	vmul.f32 v58, v58;
	v18 =	vld [tilespmem:$0x1FD20];
	v1 =	vadd.f32 v63, v1  }
0x9b5: {  	[tilespmem:$0x1F180] =	vst v41;
	v41 =	vld [tilespmem:$0x1FD30]  }
0x9b6: {  	v52 =	vmul.f32 v62, v62;
	v8 =	vadd.f32 v49, v8;
	v1 =	vadd.f32 v42, v1;
	v42 =	vld [tilespmem:$0x1FEF0]  }
0x9b7: {  	v51 =	vmul.f32 v51, v56;
	v56 =	vld.idx.msk [tilespmem:v22+s12+$0x0], $0xffff  }
0x9b8: {  	v61 =	vmul.f32 v60, v60;
	v10 =	vor.u32 v45, v27;
	v49 =	vld.idx.msk [tilespmem:v37+s9+$0x0], $0xffff;
	v8 =	vadd.f32 v52, v8  }
0x9b9: {  	v40 =	vmul.f32 v54, v54;
	v52 =	vld.idx.msk [tilespmem:v21+s12+$0x0], $0xffff;
	v18 =	vor.u32 v18, v27  }
0x9ba: {  	v22 =	vor.u32 v38, v25;
	v37 =	vld [tilespmem:$0x1EFA0];
	v8 =	vadd.f32 v61, v8;
	v63 =	vor.u32 v48, v25  }
0x9bb: {  	v21 =	vor.u32 v41, v27;
	v41 =	vadd.f32 $0.0e+00, v51;
	v51 =	vor.u32 v42, v25;
	v25 =	vld [tilespmem:$0x1EFB0]  }
0x9bc: {  	v8 =	vadd.f32 v40, v8;
	v40 =	vld [tilespmem:$0x1FD50];
	v46 =	vmul.f32 v50, v50  }
0x9bd: {  	v61 =	vmul.f32 v55, v55;
	v48 =	vld.idx.msk [tilespmem:v10+s9+$0x0], $0xffff  }
0x9be: {  	v39 =	vadd.f32 v46, v8;
	v46 =	vld.idx.msk [tilespmem:v18+s9+$0x0], $0xffff;
	v18 =	vmul.f32 v52, v52  }
0x9bf: {  	v53 =	vmul.f32 v57, v53;
	v1 =	vadd.f32 v61, v1;
	v42 =	vld [tilespmem:$0x1EFC0]  }
0x9c0: {  	v61 =	vmul.f32 v47, v47;
	v18 =	vadd.f32 v18, v39;
	v38 =	vmul.f32 v37, v25;
	v25 =	vld [tilespmem:$0x1EFD0]  }
0x9c1: {  	v27 =	vor.u32 v40, v27;
	v45 =	vld.idx.msk [tilespmem:v21+s9+$0x0], $0xffff  }
0x9c2: {  	v8 =	vmul.f32 v56, v56;
	v21 =	vadd.f32 v53, v41;
	v41 =	vld.idx.msk [tilespmem:v63+s12+$0x0], $0xffff;
	v40 =	vadd.f32 v61, v18  }
0x9c3: {  	[tilespmem:$0x1F150] =	vst v44;
	v44 =	vmul.f32 v49, v49;
	v37 =	vld [tilespmem:$0x1EFE0]  }
0x9c4: {  	v10 =	vadd.f32 v8, v40;
	v40 =	vld [tilespmem:$0x1EFF0]  }
0x9c5: {  	v1 =	vadd.f32 v44, v1;
	v44 =	vmul.f32 v42, v25;
	v42 =	vld [tilespmem:$0x1F000]  }
0x9c6: {  	v63 =	vld [tilespmem:$0x1F020];
	v21 =	vadd.f32 v38, v21  }
0x9c7: {  	v61 =	vld [tilespmem:$0x1F010]  }
0x9c8: {  	v38 =	vmul.f32 v37, v43;
	v21 =	vadd.f32 v44, v21  }
0x9c9: {  	v18 =	vmul.f32 v46, v46  }
0x9ca: {  	v57 =	vld.idx.msk [tilespmem:v22+s12+$0x0], $0xffff;
	v21 =	vadd.f32 v38, v21;
	v22 =	vmul.f32 v40, v42  }
0x9cb: {  	v53 =	vld.idx.msk [tilespmem:v27+s9+$0x0], $0xffff;
	v1 =	vadd.f32 v18, v1  }
0x9cc: {  	v18 =	vmul.f32 v45, v45;
	v21 =	vadd.f32 v22, v21;
	v22 =	vmul.f32 v61, v63;
	v61 =	vld [tilespmem:$0x1F030]  }
0x9cd: {  	v63 =	vld [tilespmem:$0x1F040]  }
0x9ce: {  	v39 =	vmul.f32 v48, v48;
	v1 =	vadd.f32 v18, v1  }
0x9cf: {  	v43 =	vld.idx.msk [tilespmem:v51+s12+$0x0], $0xffff  }
0x9d0: {  	v44 =	vld.idx.msk [tilespmem:v28+s9+$0x0], $0xffff;
	v1 =	vadd.f32 v39, v1;
	v28 =	vmul.f32 v53, v53  }
0x9d1: {  	v18 =	vmul.f32 v41, v41  }
0x9d2: {  	v8 =	vadd.f32 v28, v1;
	v28 =	vmul.f32 v61, v63;
	v61 =	vld [tilespmem:$0x1F050]  }
0x9d3: {  	v10 =	vadd.f32 v18, v10;
	v18 =	vmul.f32 v57, v57;
	v63 =	vld [tilespmem:$0x1F060];
	_ =	sdelay $0x1  }
0x9d4: {  	v10 =	vadd.f32 v18, v10;
	v18 =	vmul.f32 v43, v43  }
0x9d5: {  	v51 =	vadd.f32 v22, v21  }
0x9d6: {  	v39 =	vld [tilespmem:$0x1F4B0];
	v10 =	vadd.f32 v18, v10  }
0x9d7: {  	v18 =	vmul.f32 v44, v44;
	v51 =	vadd.f32 v28, v51;
	v63 =	vmul.f32 v61, v63  }
0x9d8: {  	v61 =	vld [tilespmem:$0x1F080]  }
0x9d9: {  	v8 =	vadd.f32 v18, v8;
	v18 =	vadd.f32 v63, v51;
	v51 =	vld [tilespmem:$0x1F070]  }
0x9da: {  	v37 =	vld.idx.msk [tilespmem:v23+s9+$0x0], $0xffff  }
0x9db: {  	v42 =	vld.idx.msk [tilespmem:v24+s12+$0x0], $0xffff  }
0x9dc: {  	v28 =	vld [tilespmem:$0x1F490]  }
0x9dd: {  	v40 =	vld.idx.msk [tilespmem:v26+s9+$0x0], $0xffff  }
0x9de: {  	v39 =	vld.idx.msk [tilespmem:v39+s12+$0x0], $0xffff;
	v51 =	vmul.f32 v51, v61  }
0x9df: {  	v61 =	vld [tilespmem:$0x1F0A0]  }
0x9e0: {  	v18 =	vadd.f32 v51, v18;
	v51 =	vld [tilespmem:$0x1F090]  }
0x9e1: {  	v23 =	vld [tilespmem:$0x1F480];
	v1 =	vmul.f32 v42, v42  }
0x9e2: {  	v38 =	vld [tilespmem:$0x1F4A0]  }
0x9e3: {  	v21 =	vadd.f32 v1, v10;
	v22 =	vmul.f32 v39, v39  }
0x9e4: {  	v28 =	vld.idx.msk [tilespmem:v28+s12+$0x0], $0xffff  }
0x9e5: {  	v10 =	vmul.f32 v40, v40;
	v22 =	vadd.f32 v22, v21;
	v21 =	vmul.f32 v51, v61  }
0x9e6: {  	v61 =	vld [tilespmem:$0x1F0C0]  }
0x9e7: {  	v10 =	vadd.f32 v10, v8;
	v8 =	vmul.f32 v37, v37;
	v18 =	vadd.f32 v21, v18;
	v21 =	vld [tilespmem:$0x1F0B0];
	_ =	sdelay $0x1  }
0x9e8: {  	v27 =	vld.idx.msk [tilespmem:v23+s9+$0x0], $0xffff;
	v8 =	vadd.f32 v8, v10;
	v10 =	vmul.f32 v28, v28  }
0x9e9: {  	v38 =	vld.idx.msk [tilespmem:v38+s9+$0x0], $0xffff  }
0x9ea: {  	v10 =	vadd.f32 v10, v22;
	v22 =	vld [tilespmem:$0x1F0D0]  }
0x9eb: {  	v21 =	vmul.f32 v21, v61;
	v61 =	vld [tilespmem:$0x1F0E0];
	_ =	sdelay $0x1  }
0x9ec: {  	v63 =	vld [tilespmem:$0x1F470]  }
0x9ed: {  	v1 =	vmul.f32 v38, v38  }
0x9ee: {  	v51 =	vld [tilespmem:$0x1F460]  }
0x9ef: {  	v1 =	vadd.f32 v1, v8;
	v22 =	vmul.f32 v22, v61;
	v61 =	vmul.f32 v27, v27;
	_ =	sdelay $0x1  }
0x9f0: {  	v25 =	vadd.f32 v61, v1;
	v1 =	vld [tilespmem:$0x1F0F0]  }
0x9f1: {  	v61 =	vld [tilespmem:$0x1F100];
	_ =	sdelay $0x1  }
0x9f2: {  	v63 =	vld.idx.msk [tilespmem:v63+s12+$0x0], $0xffff;
	_ =	sdelay $0x1  }
0x9f3: {  	v51 =	vld.idx.msk [tilespmem:v51+s12+$0x0], $0xffff  }
0x9f4: {  	v18 =	vadd.f32 v21, v18;
	v21 =	vmul.f32 v1, v61;
	v1 =	vld [tilespmem:$0x1F110]  }
0x9f5: {  	v61 =	vld [tilespmem:$0x1F120]  }
0x9f6: {  	v8 =	vmul.f32 v63, v63  }
0x9f7: {  	v18 =	vadd.f32 v22, v18  }
0x9f8: {  	v8 =	vadd.f32 v8, v10;
	v10 =	vmul.f32 v51, v51  }
0x9f9: {  	v24 =	vadd.f32 v21, v18;
	v18 =	vshrl.u32 v25, $0x1;
	v21 =	vmul.f32 $5.000000000e-01, v25  }
0x9fa: {  	v18 =	vsub.s32 $0x5F3759DF, v18;
	v1 =	vmul.f32 v1, v61  }
0x9fb: {  	v26 =	vadd.f32 v10, v8;
	v8 =	vmul.f32 v18, v21;
	v61 =	vld [tilespmem:$0x1F140]  }
0x9fc: {  	v1 =	vadd.f32 v1, v24;
	v24 =	vld [tilespmem:$0x1F130]  }
0x9fd: {  	v8 =	vmul.f32 v18, v8;
	_ =	sdelay $0x1  }
0x9fe: {  	v8 =	vsub.f32 $1.500000000e+00, v8;
	_ =	sdelay $0x1  }
0x9ff: {  	v8 =	vmul.f32 v18, v8;
	v18 =	vld [tilespmem:$0x1F170];
	v24 =	vmul.f32 v24, v61  }
0xa00: {  	v61 =	vld [tilespmem:$0x1F160]  }
0xa01: {  	v22 =	vshrl.u32 v26, $0x1;
	v23 =	vmul.f32 $5.000000000e-01, v26;
	v1 =	vadd.f32 v24, v1;
	v24 =	vld [tilespmem:$0x1F150]  }
0xa02: {  	v22 =	vsub.s32 $0x5F3759DF, v22  }
0xa03: {  	v10 =	vmul.f32 v22, v23;
	_ =	sdelay $0x1  }
0xa04: {  	v10 =	vmul.f32 v22, v10;
	v18 =	vmul.f32 v18, v62;
	v62 =	vld [tilespmem:$0x1F180]  }
0xa05: {  	v24 =	vmul.f32 v24, v61  }
0xa06: {  	v10 =	vsub.f32 $1.500000000e+00, v10  }
0xa07: {  	v1 =	vadd.f32 v24, v1  }
0xa08: {  	v4 =	vmul.f32 v4, v16;
	v10 =	vmul.f32 v22, v10  }
0xa09: {  	v22 =	vmul.f32 v62, v60;
	v1 =	vadd.f32 v18, v1;
	v18 =	vmul.f32 v8, v21  }
0xa0a: {  	v5 =	vmul.f32 v5, v15;
	v24 =	vmul.f32 v10, v23  }
0xa0b: {  	v60 =	vmul.f32 v59, v54;
	v1 =	vadd.f32 v22, v1;
	v18 =	vmul.f32 v18, v8  }
0xa0c: {  	v7 =	vmul.f32 v7, v17;
	v16 =	vmul.f32 v24, v10  }
0xa0d: {  	v61 =	vmul.f32 v58, v50;
	v1 =	vadd.f32 v60, v1;
	v18 =	vsub.f32 $1.500000000e+00, v18  }
0xa0e: {  	v3 =	vmul.f32 v3, v14;
	v2 =	vmul.f32 v2, v11;
	v16 =	vsub.f32 $1.500000000e+00, v16  }
0xa0f: {  	v8 =	vmul.f32 v18, v8;
	v1 =	vadd.f32 v61, v1;
	v18 =	vmul.f32 v55, v52  }
0xa10: {  	v15 =	vmul.f32 v49, v47;
	v10 =	vmul.f32 v16, v10  }
0xa11: {  	v49 =	vmul.f32 v53, v43;
	v1 =	vadd.f32 v18, v1;
	v16 =	vmul.f32 v8, v21  }
0xa12: {  	v62 =	vmul.f32 v36, v33;
	v33 =	vadd.f32 v34, v31;
	v34 =	vmul.f32 v10, v23  }
0xa13: {  	v1 =	vadd.f32 v15, v1;
	v15 =	vmul.f32 v46, v56;
	v16 =	vmul.f32 v16, v8  }
0xa14: {  	v4 =	vadd.f32 v4, v33;
	v24 =	vmul.f32 v35, v32;
	v36 =	vmul.f32 v34, v10  }
0xa15: {  	v35 =	vmul.f32 v62, v30;
	v1 =	vadd.f32 v15, v1;
	v15 =	vsub.f32 $1.500000000e+00, v16  }
0xa16: {  	v4 =	vadd.f32 v5, v4;
	v18 =	vmul.f32 v24, v29;
	v5 =	vsub.f32 $1.500000000e+00, v36  }
0xa17: {  	v16 =	vmul.f32 v45, v41;
	v45 =	vmul.f32 v15, v8  }
0xa18: {  	v4 =	vadd.f32 v7, v4;
	v17 =	vmax.f32 v18, $9.999999960e-13;
	v5 =	vmul.f32 v5, v10  }
0xa19: {  	v46 =	vmul.f32 v48, v57;
	v1 =	vadd.f32 v16, v1;
	v7 =	vmul.f32 v45, v25  }
0xa1a: {  	v47 =	vmax.f32 v35, $9.999999960e-13;
	(erf) = vrcp.f32 v17;
	v48 =	vmul.f32 v5, v26  }
0xa1b: {  	(erf) = vrcp.f32 v47;
	v1 =	vadd.f32 v46, v1;
	v7 =	vmax.f32 v7, $9.999999960e-13  }
0xa1c: {  	v3 =	vadd.f32 v3, v4;
	v4 =	vmax.f32 v48, $9.999999960e-13;
	(erf) = vrcp.f32 v7  }
0xa1d: {  	v50 =	vmul.f32 v44, v42;
	v1 =	vadd.f32 v49, v1;
	(erf) = vrcp.f32 v4  }
0xa1e: {  	v53 =	vmul.f32 v40, v39  }
0xa1f: {  	v52 =	vmul.f32 v6, v13;
	v2 =	vadd.f32 v2, v3;
	v1 =	vadd.f32 v50, v1  }
0xa20: {  	v54 =	vmul.f32 v12, v20  }
0xa21: {  	v55 =	vmul.f32 v37, v28;
	v2 =	vadd.f32 v52, v2;
	v1 =	vadd.f32 v53, v1  }
0xa22: {  	v56 =	vmul.f32 v9, v19  }
0xa23: {  	v57 =	vmul.f32 v38, v63;
	v2 =	vadd.f32 v54, v2;
	v58 =	vpop (erf);
	v1 =	vadd.f32 v55, v1  }
0xa24: {  	v60 =	vmul.f32 v27, v51;
	v59 =	vpop (erf)  }
0xa25: {  	v2 =	vadd.f32 v56, v2;
	v3 =	vmul.f32 v58, v59;
	v1 =	vadd.f32 v57, v1;
	v61 =	vpop (erf)  }
0xa26: {  	v62 =	vpop (erf)  }
0xa27: {  	v2 =	vmul.f32 v3, v2;
	v1 =	vadd.f32 v60, v1;
	v63 =	vmul.f32 v61, v62;
	_ =	sdelay $0x1  }
0xa28: {  	v0 =	vadd.f32 v2, v0;
	v1 =	vmul.f32 v63, v1;
	_ =	sdelay $0x1  }
0xa29: {  	v0 =	vadd.f32 v1, v0;
	_ =	sdelay $0x1  }
0xa2a: {  	[tilespmem:$0x8200] =	vst v0  }
0xa2b: {  	[hbm4b:s6+s2] =	stream.linear.scatter [tilespmem:s23], [sflag:$0x6], $0x10, $0x38;
	[tilespmem:$0x8210] =	vst v63  }
0xa2c: {  	_ =	swait.ge [sflag:s10], $0x10  }
0xa2d: {  	v48 =	vld [tilespmem:$0x1FFC0]  }
0xa2e: {  	v49 =	vld [tilespmem:$0x1FFD0]  }
0xa2f: {  	v50 =	vld [tilespmem:$0x1FFE0]  }
0xa30: {  	v51 =	vld [tilespmem:$0x1FFF0]  }
0xa31: {  	v47 =	vld [tilespmem:$0x1FF70]  }
0xa32: {  	s24 =	sadd.s32 $0x1, s24;
	v16 =	vld [tilespmem:$0x1FF40]  }
0xa33: {  	p0 =	sne.s32 s24, s7;
	v56 =	vld [tilespmem:$0x1FFA0]  }
.Ltmp4:
0xa34: {  	v54 =	vld [tilespmem:$0x1FF80];
	(pc) =	sbr.rel @p0 .LBB2_1-.Ltmp4, $4  }
0xa35: {  	v55 =	vld [tilespmem:$0x1FF90]  }
0xa36: {  	v57 =	vld [tilespmem:$0x1FFB0]  }
0xa37: {  	[sflag:s10] =	ssyncset.done $0x0;
	v18 =	vld [tilespmem:$0x1FF50]  }
0xa38: {  	v17 =	vlaneseq.u32;
	v24 =	vld [tilespmem:$0x1FF60];
	[sflag:s10] =	ssyncadd.s32 $0xFFFFFFF0  }
0xa39: {  	_ =	sfence.sel $0x180000  }
0xa3a: {  	[bflag:$0x0] =	sbarrier.arrive $0xFFFF  }
0xa3b: {  	p0 =	sne.s32 s1, $0x0;
	_ =	strace $0x90000047  }
0xa3c: {  	s0 =	sadd.s32 @!p0 $0x100000, s0;
	[bflag:$0x2] =	sbarrier.arrive $0xFFFF  }
0xa3d: {  	[sflag:s0] =	ssyncadd.tile.s32 @!p0 $0x1;
	_ =	shalt  }
.Lfunc_end2:
_tile_overlayer_lowered:
.L_overlay_start_2:
0xa3e: {  	(tag) =	ssettag $0x2  }
0xa3f: {  	s0 =	rddreg [dreg:$0x0];
	s2 =	stileid.u32  }
0xa40: {  	s1 =	rddreg [dreg:$0x1];
	p0 =	sne.s32 s2, $0x0  }
0xa41: {  	s3 =	rddreg [dreg:$0x2];
	[bflag:$0x3] =	sbarrier.arrive $0xFFFF;
	s2 =	simm.s32 @!p0 $0x1C06  }
0xa42: {  	[timem:s3], [sflag:s2] =	dma.local @!p0 [hbm:s0], s1  }
0xa43: {  	s0 =	simm.s32 @!p0 $0x6  }
0xa44: {  	_ =	swait.ge @!p0 [sflag:s0], s1  }
0xa45: {  	s1 =	ssub.s32 @!p0 $0x0, s1;
	[sflag:s0] =	ssyncset.done @!p0 $0x0  }
0xa46: {  	[sflag:s0] =	ssyncadd.s32 @!p0 s1  }
0xa47: {  	[bflag:$0x3] =	sbarrier.arrive $0xFFFF  }
0xa48: {  	_ =	shalt  }

</sc_bundles>
